<compile_context>
chip_gen: v7x
topology: tpu7x:2x2x1
jax: 0.10.2.dev20260603
libtpu: 0.0.44.dev20260713+nightly
codegen_flags: <defaults>
</compile_context>

<pallas_src>
import functools

import jax
import jax.numpy as jnp
from jax import lax
from jax.experimental import pallas as pl
from jax.experimental.pallas import tpu as pltpu
from jax.experimental.pallas import tpu_sc as plsc

L = 16
NC, NS = 2, 16
NW = NC * NS

N_ROWS = 8192
D = 2048
N_CLS_PAD = 1024
N_TGT_PAD = 112
N_TGT = 100

ROWS_PER_W = N_ROWS // NW
CHUNK = 8
N_CHUNKS = ROWS_PER_W // CHUNK
KV = D // L


LIVE_PAD = ROWS_PER_W + L


def _body(feat_hbm, lab_hbm, tgt_hbm, pts_hbm, out_hbm,
          lab_v, tgt_v, counts_v, live_idx_v, live_lab_v, live_m_v,
          feat_v, pts_v, out_v, sem):
    c = lax.axis_index("c")
    s = lax.axis_index("s")
    wid = c * NS + s
    base = wid * ROWS_PER_W

    pltpu.sync_copy(lab_hbm.at[pl.ds(base, ROWS_PER_W)], lab_v)
    pltpu.sync_copy(tgt_hbm, tgt_v)

    zeros_i = jnp.zeros((L,), jnp.int32)
    zeros_f = jnp.zeros((L,), jnp.float32)
    for i in range(N_CLS_PAD // L):
        counts_v[pl.ds(i * L, L)] = zeros_i
    for i in range(LIVE_PAD // L):
        live_idx_v[pl.ds(i * L, L)] = zeros_i
        live_lab_v[pl.ds(i * L, L)] = zeros_i
        live_m_v[pl.ds(i * L, L)] = zeros_f
    ones_i = jnp.ones((L,), jnp.int32)
    lane = lax.iota(jnp.int32, L)
    for i in range(N_TGT_PAD // L):
        t = tgt_v[pl.ds(i * L, L)]
        msk = (lane + (i * L)) < N_TGT
        plsc.addupdate_scatter(counts_v, [t], ones_i, mask=msk)

    def comp_body(i, n_live):
        lab = lab_v[pl.ds(i * L, L)]
        cnt = plsc.load_gather(counts_v, [lab])
        msk = cnt != 0
        pos = n_live + plsc.cumsum(msk.astype(jnp.int32)) - 1
        glob = (base + i * L) + lane
        plsc.store_scatter(live_idx_v, [pos], glob, mask=msk)
        plsc.store_scatter(live_lab_v, [pos], lab, mask=msk)
        plsc.store_scatter(live_m_v, [pos], cnt.astype(jnp.float32), mask=msk)
        return n_live + plsc.all_reduce_population_count(msk)[0]

    n_live = lax.fori_loop(0, ROWS_PER_W // L, comp_body, jnp.int32(0))
    n_chunks = (n_live + (CHUNK - 1)) // CHUNK

    def chunk_body(ci, total):
        fidx = live_idx_v.at[pl.ds(ci * CHUNK, CHUNK)]
        pidx = live_lab_v.at[pl.ds(ci * CHUNK, CHUNK)]
        cp_f = pltpu.async_copy(feat_hbm.at[fidx], feat_v, sem)
        cp_p = pltpu.async_copy(pts_hbm.at[pidx], pts_v, sem)
        cp_f.wait()
        cp_p.wait()

        def row_body(r, tot):
            accs = [jnp.zeros((L,), jnp.float32) for _ in range(4)]
            for k in range(KV):
                f = feat_v[r, pl.ds(k * L, L)]
                p = pts_v[r, pl.ds(k * L, L)]
                accs[k % 4] = accs[k % 4] + f * p
            acc = (accs[0] + accs[1]) + (accs[2] + accs[3])
            d = jnp.sum(acc)
            rw = ci * CHUNK + r
            m = plsc.load_gather(live_m_v, [jnp.full((L,), rw, jnp.int32)])[0]
            e = m * d - 1.0
            return tot + jnp.where(rw < n_live, 0.5 * e * e, 0.0)

        return lax.fori_loop(0, CHUNK, row_body, total)

    total = lax.fori_loop(0, n_chunks, chunk_body, jnp.float32(0.0))
    total = total + 0.5 * (ROWS_PER_W - n_live).astype(jnp.float32)

    out_v[...] = jnp.full((L,), total, jnp.float32)
    pltpu.sync_copy(out_v, out_hbm.at[wid])


@jax.jit
def _sc_loss(feat2, rep_labels, tgt_pad, points):
    mesh = plsc.VectorSubcoreMesh(core_axis_name="c", subcore_axis_name="s")
    run = functools.partial(
        pl.kernel,
        out_type=jax.ShapeDtypeStruct((NW, L), jnp.float32),
        mesh=mesh,
        scratch_types=[
            pltpu.VMEM((ROWS_PER_W,), jnp.int32),
            pltpu.VMEM((N_TGT_PAD,), jnp.int32),
            pltpu.VMEM((N_CLS_PAD,), jnp.int32),
            pltpu.VMEM((LIVE_PAD,), jnp.int32),
            pltpu.VMEM((LIVE_PAD,), jnp.int32),
            pltpu.VMEM((LIVE_PAD,), jnp.float32),
            pltpu.VMEM((CHUNK, D), jnp.float32),
            pltpu.VMEM((CHUNK, D), jnp.float32),
            pltpu.VMEM((L,), jnp.float32),
            pltpu.SemaphoreType.DMA,
        ],
        compiler_params=pltpu.CompilerParams(needs_layout_passes=False),
    )(_body)
    partials = run(feat2, rep_labels, tgt_pad, points)
    return jnp.sum(partials[:, 0]) / jnp.float32(N_ROWS)


def kernel(features, labels, target_labels, points):
    bsz, n_views, d = features.shape
    feat2 = features.reshape(bsz * n_views, d)
    rep_labels = jnp.repeat(labels, n_views)
    tgt_pad = jnp.concatenate(
        [target_labels, jnp.zeros((N_TGT_PAD - N_TGT,), jnp.int32)])
    return _sc_loss(feat2, rep_labels, tgt_pad, points)

# --- scband reference (transcript-rebuilt; emitter-appended) ---
"""Pipeline reference for scband-dot-regression-41910290874510 (READ-ONLY COPY).

The authoritative reference and input builder live on the scoring server;
editing this copy changes nothing except your own understanding.
"""

import jax, jax.numpy as jnp
import numpy as np


def setup_inputs(seed: int = 0) -> dict:
    key = jax.random.key(seed)
    k1, k2, k3, k4 = jax.random.split(key, 4)
    bsz, n_views, d = 4096, 2, 2048
    n_cls = 1000
    features = jax.random.normal(k1, (bsz, n_views, d), dtype=jnp.float32)
    labels = jax.random.randint(k2, (bsz,), 0, n_cls, dtype=jnp.int64 if jax.config.jax_enable_x64 else jnp.int32).astype(jnp.int32)
    target_labels = jax.random.randint(k3, (100,), 0, n_cls, dtype=jnp.int32)
    # learned/fixed prototype bank (set via set_set_prototypes in the torch module)
    points = jax.random.normal(k4, (n_cls, d), dtype=jnp.float32)
    return {"features": features, "labels": labels, "target_labels": target_labels, "points": points}


def reference(features, labels, target_labels, points):
    # features: [bsz, n_views, d]; labels: [bsz]; target_labels: [n_task_cls]; points: [n_cls, d]
    if features.ndim < 3:
        raise ValueError('`features` needs to be [bsz, n_views, d-dimensions]')
    if features.ndim > 3:
        features = features.reshape(features.shape[0], features.shape[1], -1)
    bsz, anchor_count, d = features.shape
    # torch.cat(torch.unbind(features, dim=1), dim=0) -> views stacked along batch
    anchor_feature = jnp.concatenate([features[:, i, :] for i in range(anchor_count)], axis=0)  # [bsz*n_views, d]
    repeated_labels = jnp.tile(labels, anchor_count)  # [bsz*n_views]
    corresponding_prototypes = jnp.take(points, repeated_labels, axis=0)  # gather [bsz*n_views, d]
    dot_product = jnp.sum(anchor_feature * corresponding_prototypes, axis=1)  # [bsz*n_views]
    # curr class mask: 1 (or count) where repeated label is in target_labels
    curr_class_mask = jnp.sum(
        (repeated_labels[:, None] == target_labels[None, :]).astype(jnp.int32), axis=1
    ).astype(features.dtype)
    dot_product = curr_class_mask * dot_product
    return jnp.mean(0.5 * (dot_product - 1.0) ** 2)

if __name__ == "__main__":
    import jax
    _d = setup_inputs()
    print(jax.jit(kernel)(*tuple(_d.values())))

</pallas_src>

<mosaic_0001>
#map = affine_map<(d0, d1) -> (0, 0)>
#map1 = affine_map<(d0, d1) -> (0)>
module attributes {stable_mosaic.version = 14 : i64} {
  func.func @_body(%arg0: i32, %arg1: i32, %arg2: memref<8192x2048xf32, #tpu.memory_space<hbm>>, %arg3: memref<8192xi32, #tpu.memory_space<hbm>>, %arg4: memref<112xi32, #tpu.memory_space<hbm>>, %arg5: memref<1000x2048xf32, #tpu.memory_space<hbm>>, %arg6: memref<32x16xf32, #tpu.memory_space<hbm>>, %arg7: memref<256xi32, #tpu.memory_space<vmem>>, %arg8: memref<112xi32, #tpu.memory_space<vmem>>, %arg9: memref<1024xi32, #tpu.memory_space<vmem>>, %arg10: memref<272xi32, #tpu.memory_space<vmem>>, %arg11: memref<272xi32, #tpu.memory_space<vmem>>, %arg12: memref<272xf32, #tpu.memory_space<vmem>>, %arg13: memref<8x2048xf32, #tpu.memory_space<vmem>>, %arg14: memref<8x2048xf32, #tpu.memory_space<vmem>>, %arg15: memref<16xf32, #tpu.memory_space<vmem>>, %arg16: memref<!tpu.dma_semaphore, #tpu.memory_space<semaphore_mem>>) attributes {dimension_semantics = [#tpu.dimension_semantics<core_parallel>, #tpu.dimension_semantics<subcore_parallel>], iteration_bounds = array<i64: 2, 16>, scalar_prefetch = 0 : i64, scratch_operands = 10 : i64, tpu.core_type = #tpu.core_type<sc_vector_subcore>, window_params = [{transform_indices = #map}, {transform_indices = #map1}, {transform_indices = #map1}, {transform_indices = #map}, {transform_indices = #map}]} {
    %mul3A = arith.constant 16 : i32
    %mul3A_0 = arith.muli %arg0, %mul3A : i32
    %add3A = arith.addi %mul3A_0, %arg1 : i32
    %mul3A_1 = arith.constant 256 : i32
    %mul3A_2 = arith.muli %add3A, %mul3A_1 : i32
    "tpu.region"() ({
      %run_scoped3A = tpu.sem_alloc : memref<!tpu.dma_semaphore, #tpu.memory_space<semaphore_mem>>
      %dma_start3A = tpu.memref_slice %arg3[%mul3A_2] : memref<8192xi32, #tpu.memory_space<hbm>> -> memref<256xi32, #tpu.memory_space<hbm>>
      %dma_start3A_334 = tpu.memref_slice %arg3[%mul3A_2] : memref<8192xi32, #tpu.memory_space<hbm>> -> memref<256xi32, #tpu.memory_space<hbm>>
      tpu.enqueue_dma source(%dma_start3A_334 : memref<256xi32, #tpu.memory_space<hbm>>) target(%arg7 : memref<256xi32, #tpu.memory_space<vmem>>) target_semaphore(%run_scoped3A : memref<!tpu.dma_semaphore, #tpu.memory_space<semaphore_mem>>)
      %dma_wait3A = tpu.memref_slice %arg3[%mul3A_2] : memref<8192xi32, #tpu.memory_space<hbm>> -> memref<256xi32, #tpu.memory_space<hbm>>
      %dma_wait3A_335 = tpu.memref_slice %arg3[%mul3A_2] : memref<8192xi32, #tpu.memory_space<hbm>> -> memref<256xi32, #tpu.memory_space<hbm>>
      tpu.wait_dma2 semaphore(%run_scoped3A : memref<!tpu.dma_semaphore, #tpu.memory_space<semaphore_mem>>) src(%dma_wait3A_335 : memref<256xi32, #tpu.memory_space<hbm>>) dst(%arg7 : memref<256xi32, #tpu.memory_space<vmem>>)
      tpu.yield
    }) : () -> ()
    "tpu.region"() ({
      %run_scoped3A = tpu.sem_alloc : memref<!tpu.dma_semaphore, #tpu.memory_space<semaphore_mem>>
      tpu.enqueue_dma source(%arg4 : memref<112xi32, #tpu.memory_space<hbm>>) target(%arg8 : memref<112xi32, #tpu.memory_space<vmem>>) target_semaphore(%run_scoped3A : memref<!tpu.dma_semaphore, #tpu.memory_space<semaphore_mem>>)
      tpu.wait_dma2 semaphore(%run_scoped3A : memref<!tpu.dma_semaphore, #tpu.memory_space<semaphore_mem>>) src(%arg4 : memref<112xi32, #tpu.memory_space<hbm>>) dst(%arg8 : memref<112xi32, #tpu.memory_space<vmem>>)
      tpu.yield
    }) : () -> ()
    %broadcast_in_dim3A = arith.constant 0 : i32
    %broadcast_in_dim3A_3 = vector.broadcast %broadcast_in_dim3A : i32 to vector<16xi32>
    %broadcast_in_dim3A_4 = arith.constant 0.000000e+00 : f32
    %broadcast_in_dim3A_5 = vector.broadcast %broadcast_in_dim3A_4 : f32 to vector<16xf32>
    %swap3A = arith.constant 0 : index
    %swap3A_6 = tpu.vector_load %arg9[%swap3A] {strides = array<i32>} : memref<1024xi32, #tpu.memory_space<vmem>>, vector<16xi32>,
    tpu.vector_store %arg9[%swap3A], %broadcast_in_dim3A_3 {strides = array<i32>} : memref<1024xi32, #tpu.memory_space<vmem>>, vector<16xi32>,
    %swap3A_7 = arith.constant 16 : index
    %swap3A_8 = tpu.vector_load %arg9[%swap3A_7] {strides = array<i32>} : memref<1024xi32, #tpu.memory_space<vmem>>, vector<16xi32>,
    tpu.vector_store %arg9[%swap3A_7], %broadcast_in_dim3A_3 {strides = array<i32>} : memref<1024xi32, #tpu.memory_space<vmem>>, vector<16xi32>,
    %swap3A_9 = arith.constant 32 : index
    %swap3A_10 = tpu.vector_load %arg9[%swap3A_9] {strides = array<i32>} : memref<1024xi32, #tpu.memory_space<vmem>>, vector<16xi32>,
    tpu.vector_store %arg9[%swap3A_9], %broadcast_in_dim3A_3 {strides = array<i32>} : memref<1024xi32, #tpu.memory_space<vmem>>, vector<16xi32>,
    %swap3A_11 = arith.constant 48 : index
    %swap3A_12 = tpu.vector_load %arg9[%swap3A_11] {strides = array<i32>} : memref<1024xi32, #tpu.memory_space<vmem>>, vector<16xi32>,
    tpu.vector_store %arg9[%swap3A_11], %broadcast_in_dim3A_3 {strides = array<i32>} : memref<1024xi32, #tpu.memory_space<vmem>>, vector<16xi32>,
    %swap3A_13 = arith.constant 64 : index
    %swap3A_14 = tpu.vector_load %arg9[%swap3A_13] {strides = array<i32>} : memref<1024xi32, #tpu.memory_space<vmem>>, vector<16xi32>,
    tpu.vector_store %arg9[%swap3A_13], %broadcast_in_dim3A_3 {strides = array<i32>} : memref<1024xi32, #tpu.memory_space<vmem>>, vector<16xi32>,
    %swap3A_15 = arith.constant 80 : index
    %swap3A_16 = tpu.vector_load %arg9[%swap3A_15] {strides = array<i32>} : memref<1024xi32, #tpu.memory_space<vmem>>, vector<16xi32>,
    tpu.vector_store %arg9[%swap3A_15], %broadcast_in_dim3A_3 {strides = array<i32>} : memref<1024xi32, #tpu.memory_space<vmem>>, vector<16xi32>,
    %swap3A_17 = arith.constant 96 : index
    %swap3A_18 = tpu.vector_load %arg9[%swap3A_17] {strides = array<i32>} : memref<1024xi32, #tpu.memory_space<vmem>>, vector<16xi32>,
    tpu.vector_store %arg9[%swap3A_17], %broadcast_in_dim3A_3 {strides = array<i32>} : memref<1024xi32, #tpu.memory_space<vmem>>, vector<16xi32>,
    %swap3A_19 = arith.constant 112 : index
    %swap3A_20 = tpu.vector_load %arg9[%swap3A_19] {strides = array<i32>} : memref<1024xi32, #tpu.memory_space<vmem>>, vector<16xi32>,
    tpu.vector_store %arg9[%swap3A_19], %broadcast_in_dim3A_3 {strides = array<i32>} : memref<1024xi32, #tpu.memory_space<vmem>>, vector<16xi32>,
    %swap3A_21 = arith.constant 128 : index
    %swap3A_22 = tpu.vector_load %arg9[%swap3A_21] {strides = array<i32>} : memref<1024xi32, #tpu.memory_space<vmem>>, vector<16xi32>,
    tpu.vector_store %arg9[%swap3A_21], %broadcast_in_dim3A_3 {strides = array<i32>} : memref<1024xi32, #tpu.memory_space<vmem>>, vector<16xi32>,
    %swap3A_23 = arith.constant 144 : index
    %swap3A_24 = tpu.vector_load %arg9[%swap3A_23] {strides = array<i32>} : memref<1024xi32, #tpu.memory_space<vmem>>, vector<16xi32>,
    tpu.vector_store %arg9[%swap3A_23], %broadcast_in_dim3A_3 {strides = array<i32>} : memref<1024xi32, #tpu.memory_space<vmem>>, vector<16xi32>,
    %swap3A_25 = arith.constant 160 : index
    %swap3A_26 = tpu.vector_load %arg9[%swap3A_25] {strides = array<i32>} : memref<1024xi32, #tpu.memory_space<vmem>>, vector<16xi32>,
    tpu.vector_store %arg9[%swap3A_25], %broadcast_in_dim3A_3 {strides = array<i32>} : memref<1024xi32, #tpu.memory_space<vmem>>, vector<16xi32>,
    %swap3A_27 = arith.constant 176 : index
    %swap3A_28 = tpu.vector_load %arg9[%swap3A_27] {strides = array<i32>} : memref<1024xi32, #tpu.memory_space<vmem>>, vector<16xi32>,
    tpu.vector_store %arg9[%swap3A_27], %broadcast_in_dim3A_3 {strides = array<i32>} : memref<1024xi32, #tpu.memory_space<vmem>>, vector<16xi32>,
    %swap3A_29 = arith.constant 192 : index
    %swap3A_30 = tpu.vector_load %arg9[%swap3A_29] {strides = array<i32>} : memref<1024xi32, #tpu.memory_space<vmem>>, vector<16xi32>,
    tpu.vector_store %arg9[%swap3A_29], %broadcast_in_dim3A_3 {strides = array<i32>} : memref<1024xi32, #tpu.memory_space<vmem>>, vector<16xi32>,
    %swap3A_31 = arith.constant 208 : index
    %swap3A_32 = tpu.vector_load %arg9[%swap3A_31] {strides = array<i32>} : memref<1024xi32, #tpu.memory_space<vmem>>, vector<16xi32>,
    tpu.vector_store %arg9[%swap3A_31], %broadcast_in_dim3A_3 {strides = array<i32>} : memref<1024xi32, #tpu.memory_space<vmem>>, vector<16xi32>,
    %swap3A_33 = arith.constant 224 : index
    %swap3A_34 = tpu.vector_load %arg9[%swap3A_33] {strides = array<i32>} : memref<1024xi32, #tpu.memory_space<vmem>>, vector<16xi32>,
    tpu.vector_store %arg9[%swap3A_33], %broadcast_in_dim3A_3 {strides = array<i32>} : memref<1024xi32, #tpu.memory_space<vmem>>, vector<16xi32>,
    %swap3A_35 = arith.constant 240 : index
    %swap3A_36 = tpu.vector_load %arg9[%swap3A_35] {strides = array<i32>} : memref<1024xi32, #tpu.memory_space<vmem>>, vector<16xi32>,
    tpu.vector_store %arg9[%swap3A_35], %broadcast_in_dim3A_3 {strides = array<i32>} : memref<1024xi32, #tpu.memory_space<vmem>>, vector<16xi32>,
    %swap3A_37 = arith.constant 256 : index
    %swap3A_38 = tpu.vector_load %arg9[%swap3A_37] {strides = array<i32>} : memref<1024xi32, #tpu.memory_space<vmem>>, vector<16xi32>,
    tpu.vector_store %arg9[%swap3A_37], %broadcast_in_dim3A_3 {strides = array<i32>} : memref<1024xi32, #tpu.memory_space<vmem>>, vector<16xi32>,
    %swap3A_39 = arith.constant 272 : index
    %swap3A_40 = tpu.vector_load %arg9[%swap3A_39] {strides = array<i32>} : memref<1024xi32, #tpu.memory_space<vmem>>, vector<16xi32>,
    tpu.vector_store %arg9[%swap3A_39], %broadcast_in_dim3A_3 {strides = array<i32>} : memref<1024xi32, #tpu.memory_space<vmem>>, vector<16xi32>,
    %swap3A_41 = arith.constant 288 : index
    %swap3A_42 = tpu.vector_load %arg9[%swap3A_41] {strides = array<i32>} : memref<1024xi32, #tpu.memory_space<vmem>>, vector<16xi32>,
    tpu.vector_store %arg9[%swap3A_41], %broadcast_in_dim3A_3 {strides = array<i32>} : memref<1024xi32, #tpu.memory_space<vmem>>, vector<16xi32>,
    %swap3A_43 = arith.constant 304 : index
    %swap3A_44 = tpu.vector_load %arg9[%swap3A_43] {strides = array<i32>} : memref<1024xi32, #tpu.memory_space<vmem>>, vector<16xi32>,
    tpu.vector_store %arg9[%swap3A_43], %broadcast_in_dim3A_3 {strides = array<i32>} : memref<1024xi32, #tpu.memory_space<vmem>>, vector<16xi32>,
    %swap3A_45 = arith.constant 320 : index
    %swap3A_46 = tpu.vector_load %arg9[%swap3A_45] {strides = array<i32>} : memref<1024xi32, #tpu.memory_space<vmem>>, vector<16xi32>,
    tpu.vector_store %arg9[%swap3A_45], %broadcast_in_dim3A_3 {strides = array<i32>} : memref<1024xi32, #tpu.memory_space<vmem>>, vector<16xi32>,
    %swap3A_47 = arith.constant 336 : index
    %swap3A_48 = tpu.vector_load %arg9[%swap3A_47] {strides = array<i32>} : memref<1024xi32, #tpu.memory_space<vmem>>, vector<16xi32>,
    tpu.vector_store %arg9[%swap3A_47], %broadcast_in_dim3A_3 {strides = array<i32>} : memref<1024xi32, #tpu.memory_space<vmem>>, vector<16xi32>,
    %swap3A_49 = arith.constant 352 : index
    %swap3A_50 = tpu.vector_load %arg9[%swap3A_49] {strides = array<i32>} : memref<1024xi32, #tpu.memory_space<vmem>>, vector<16xi32>,
    tpu.vector_store %arg9[%swap3A_49], %broadcast_in_dim3A_3 {strides = array<i32>} : memref<1024xi32, #tpu.memory_space<vmem>>, vector<16xi32>,
    %swap3A_51 = arith.constant 368 : index
    %swap3A_52 = tpu.vector_load %arg9[%swap3A_51] {strides = array<i32>} : memref<1024xi32, #tpu.memory_space<vmem>>, vector<16xi32>,
    tpu.vector_store %arg9[%swap3A_51], %broadcast_in_dim3A_3 {strides = array<i32>} : memref<1024xi32, #tpu.memory_space<vmem>>, vector<16xi32>,
    %swap3A_53 = arith.constant 384 : index
    %swap3A_54 = tpu.vector_load %arg9[%swap3A_53] {strides = array<i32>} : memref<1024xi32, #tpu.memory_space<vmem>>, vector<16xi32>,
    tpu.vector_store %arg9[%swap3A_53], %broadcast_in_dim3A_3 {strides = array<i32>} : memref<1024xi32, #tpu.memory_space<vmem>>, vector<16xi32>,
    %swap3A_55 = arith.constant 400 : index
    %swap3A_56 = tpu.vector_load %arg9[%swap3A_55] {strides = array<i32>} : memref<1024xi32, #tpu.memory_space<vmem>>, vector<16xi32>,
    tpu.vector_store %arg9[%swap3A_55], %broadcast_in_dim3A_3 {strides = array<i32>} : memref<1024xi32, #tpu.memory_space<vmem>>, vector<16xi32>,
    %swap3A_57 = arith.constant 416 : index
    %swap3A_58 = tpu.vector_load %arg9[%swap3A_57] {strides = array<i32>} : memref<1024xi32, #tpu.memory_space<vmem>>, vector<16xi32>,
    tpu.vector_store %arg9[%swap3A_57], %broadcast_in_dim3A_3 {strides = array<i32>} : memref<1024xi32, #tpu.memory_space<vmem>>, vector<16xi32>,
    %swap3A_59 = arith.constant 432 : index
    %swap3A_60 = tpu.vector_load %arg9[%swap3A_59] {strides = array<i32>} : memref<1024xi32, #tpu.memory_space<vmem>>, vector<16xi32>,
    tpu.vector_store %arg9[%swap3A_59], %broadcast_in_dim3A_3 {strides = array<i32>} : memref<1024xi32, #tpu.memory_space<vmem>>, vector<16xi32>,
    %swap3A_61 = arith.constant 448 : index
    %swap3A_62 = tpu.vector_load %arg9[%swap3A_61] {strides = array<i32>} : memref<1024xi32, #tpu.memory_space<vmem>>, vector<16xi32>,
    tpu.vector_store %arg9[%swap3A_61], %broadcast_in_dim3A_3 {strides = array<i32>} : memref<1024xi32, #tpu.memory_space<vmem>>, vector<16xi32>,
    %swap3A_63 = arith.constant 464 : index
    %swap3A_64 = tpu.vector_load %arg9[%swap3A_63] {strides = array<i32>} : memref<1024xi32, #tpu.memory_space<vmem>>, vector<16xi32>,
    tpu.vector_store %arg9[%swap3A_63], %broadcast_in_dim3A_3 {strides = array<i32>} : memref<1024xi32, #tpu.memory_space<vmem>>, vector<16xi32>,
    %swap3A_65 = arith.constant 480 : index
    %swap3A_66 = tpu.vector_load %arg9[%swap3A_65] {strides = array<i32>} : memref<1024xi32, #tpu.memory_space<vmem>>, vector<16xi32>,
    tpu.vector_store %arg9[%swap3A_65], %broadcast_in_dim3A_3 {strides = array<i32>} : memref<1024xi32, #tpu.memory_space<vmem>>, vector<16xi32>,
    %swap3A_67 = arith.constant 496 : index
    %swap3A_68 = tpu.vector_load %arg9[%swap3A_67] {strides = array<i32>} : memref<1024xi32, #tpu.memory_space<vmem>>, vector<16xi32>,
    tpu.vector_store %arg9[%swap3A_67], %broadcast_in_dim3A_3 {strides = array<i32>} : memref<1024xi32, #tpu.memory_space<vmem>>, vector<16xi32>,
    %swap3A_69 = arith.constant 512 : index
    %swap3A_70 = tpu.vector_load %arg9[%swap3A_69] {strides = array<i32>} : memref<1024xi32, #tpu.memory_space<vmem>>, vector<16xi32>,
    tpu.vector_store %arg9[%swap3A_69], %broadcast_in_dim3A_3 {strides = array<i32>} : memref<1024xi32, #tpu.memory_space<vmem>>, vector<16xi32>,
    %swap3A_71 = arith.constant 528 : index
    %swap3A_72 = tpu.vector_load %arg9[%swap3A_71] {strides = array<i32>} : memref<1024xi32, #tpu.memory_space<vmem>>, vector<16xi32>,
    tpu.vector_store %arg9[%swap3A_71], %broadcast_in_dim3A_3 {strides = array<i32>} : memref<1024xi32, #tpu.memory_space<vmem>>, vector<16xi32>,
    %swap3A_73 = arith.constant 544 : index
    %swap3A_74 = tpu.vector_load %arg9[%swap3A_73] {strides = array<i32>} : memref<1024xi32, #tpu.memory_space<vmem>>, vector<16xi32>,
    tpu.vector_store %arg9[%swap3A_73], %broadcast_in_dim3A_3 {strides = array<i32>} : memref<1024xi32, #tpu.memory_space<vmem>>, vector<16xi32>,
    %swap3A_75 = arith.constant 560 : index
    %swap3A_76 = tpu.vector_load %arg9[%swap3A_75] {strides = array<i32>} : memref<1024xi32, #tpu.memory_space<vmem>>, vector<16xi32>,
    tpu.vector_store %arg9[%swap3A_75], %broadcast_in_dim3A_3 {strides = array<i32>} : memref<1024xi32, #tpu.memory_space<vmem>>, vector<16xi32>,
    %swap3A_77 = arith.constant 576 : index
    %swap3A_78 = tpu.vector_load %arg9[%swap3A_77] {strides = array<i32>} : memref<1024xi32, #tpu.memory_space<vmem>>, vector<16xi32>,
    tpu.vector_store %arg9[%swap3A_77], %broadcast_in_dim3A_3 {strides = array<i32>} : memref<1024xi32, #tpu.memory_space<vmem>>, vector<16xi32>,
    %swap3A_79 = arith.constant 592 : index
    %swap3A_80 = tpu.vector_load %arg9[%swap3A_79] {strides = array<i32>} : memref<1024xi32, #tpu.memory_space<vmem>>, vector<16xi32>,
    tpu.vector_store %arg9[%swap3A_79], %broadcast_in_dim3A_3 {strides = array<i32>} : memref<1024xi32, #tpu.memory_space<vmem>>, vector<16xi32>,
    %swap3A_81 = arith.constant 608 : index
    %swap3A_82 = tpu.vector_load %arg9[%swap3A_81] {strides = array<i32>} : memref<1024xi32, #tpu.memory_space<vmem>>, vector<16xi32>,
    tpu.vector_store %arg9[%swap3A_81], %broadcast_in_dim3A_3 {strides = array<i32>} : memref<1024xi32, #tpu.memory_space<vmem>>, vector<16xi32>,
    %swap3A_83 = arith.constant 624 : index
    %swap3A_84 = tpu.vector_load %arg9[%swap3A_83] {strides = array<i32>} : memref<1024xi32, #tpu.memory_space<vmem>>, vector<16xi32>,
    tpu.vector_store %arg9[%swap3A_83], %broadcast_in_dim3A_3 {strides = array<i32>} : memref<1024xi32, #tpu.memory_space<vmem>>, vector<16xi32>,
    %swap3A_85 = arith.constant 640 : index
    %swap3A_86 = tpu.vector_load %arg9[%swap3A_85] {strides = array<i32>} : memref<1024xi32, #tpu.memory_space<vmem>>, vector<16xi32>,
    tpu.vector_store %arg9[%swap3A_85], %broadcast_in_dim3A_3 {strides = array<i32>} : memref<1024xi32, #tpu.memory_space<vmem>>, vector<16xi32>,
    %swap3A_87 = arith.constant 656 : index
    %swap3A_88 = tpu.vector_load %arg9[%swap3A_87] {strides = array<i32>} : memref<1024xi32, #tpu.memory_space<vmem>>, vector<16xi32>,
    tpu.vector_store %arg9[%swap3A_87], %broadcast_in_dim3A_3 {strides = array<i32>} : memref<1024xi32, #tpu.memory_space<vmem>>, vector<16xi32>,
    %swap3A_89 = arith.constant 672 : index
    %swap3A_90 = tpu.vector_load %arg9[%swap3A_89] {strides = array<i32>} : memref<1024xi32, #tpu.memory_space<vmem>>, vector<16xi32>,
    tpu.vector_store %arg9[%swap3A_89], %broadcast_in_dim3A_3 {strides = array<i32>} : memref<1024xi32, #tpu.memory_space<vmem>>, vector<16xi32>,
    %swap3A_91 = arith.constant 688 : index
    %swap3A_92 = tpu.vector_load %arg9[%swap3A_91] {strides = array<i32>} : memref<1024xi32, #tpu.memory_space<vmem>>, vector<16xi32>,
    tpu.vector_store %arg9[%swap3A_91], %broadcast_in_dim3A_3 {strides = array<i32>} : memref<1024xi32, #tpu.memory_space<vmem>>, vector<16xi32>,
    %swap3A_93 = arith.constant 704 : index
    %swap3A_94 = tpu.vector_load %arg9[%swap3A_93] {strides = array<i32>} : memref<1024xi32, #tpu.memory_space<vmem>>, vector<16xi32>,
    tpu.vector_store %arg9[%swap3A_93], %broadcast_in_dim3A_3 {strides = array<i32>} : memref<1024xi32, #tpu.memory_space<vmem>>, vector<16xi32>,
    %swap3A_95 = arith.constant 720 : index
    %swap3A_96 = tpu.vector_load %arg9[%swap3A_95] {strides = array<i32>} : memref<1024xi32, #tpu.memory_space<vmem>>, vector<16xi32>,
    tpu.vector_store %arg9[%swap3A_95], %broadcast_in_dim3A_3 {strides = array<i32>} : memref<1024xi32, #tpu.memory_space<vmem>>, vector<16xi32>,
    %swap3A_97 = arith.constant 736 : index
    %swap3A_98 = tpu.vector_load %arg9[%swap3A_97] {strides = array<i32>} : memref<1024xi32, #tpu.memory_space<vmem>>, vector<16xi32>,
    tpu.vector_store %arg9[%swap3A_97], %broadcast_in_dim3A_3 {strides = array<i32>} : memref<1024xi32, #tpu.memory_space<vmem>>, vector<16xi32>,
    %swap3A_99 = arith.constant 752 : index
    %swap3A_100 = tpu.vector_load %arg9[%swap3A_99] {strides = array<i32>} : memref<1024xi32, #tpu.memory_space<vmem>>, vector<16xi32>,
    tpu.vector_store %arg9[%swap3A_99], %broadcast_in_dim3A_3 {strides = array<i32>} : memref<1024xi32, #tpu.memory_space<vmem>>, vector<16xi32>,
    %swap3A_101 = arith.constant 768 : index
    %swap3A_102 = tpu.vector_load %arg9[%swap3A_101] {strides = array<i32>} : memref<1024xi32, #tpu.memory_space<vmem>>, vector<16xi32>,
    tpu.vector_store %arg9[%swap3A_101], %broadcast_in_dim3A_3 {strides = array<i32>} : memref<1024xi32, #tpu.memory_space<vmem>>, vector<16xi32>,
    %swap3A_103 = arith.constant 784 : index
    %swap3A_104 = tpu.vector_load %arg9[%swap3A_103] {strides = array<i32>} : memref<1024xi32, #tpu.memory_space<vmem>>, vector<16xi32>,
    tpu.vector_store %arg9[%swap3A_103], %broadcast_in_dim3A_3 {strides = array<i32>} : memref<1024xi32, #tpu.memory_space<vmem>>, vector<16xi32>,
    %swap3A_105 = arith.constant 800 : index
    %swap3A_106 = tpu.vector_load %arg9[%swap3A_105] {strides = array<i32>} : memref<1024xi32, #tpu.memory_space<vmem>>, vector<16xi32>,
    tpu.vector_store %arg9[%swap3A_105], %broadcast_in_dim3A_3 {strides = array<i32>} : memref<1024xi32, #tpu.memory_space<vmem>>, vector<16xi32>,
    %swap3A_107 = arith.constant 816 : index
    %swap3A_108 = tpu.vector_load %arg9[%swap3A_107] {strides = array<i32>} : memref<1024xi32, #tpu.memory_space<vmem>>, vector<16xi32>,
    tpu.vector_store %arg9[%swap3A_107], %broadcast_in_dim3A_3 {strides = array<i32>} : memref<1024xi32, #tpu.memory_space<vmem>>, vector<16xi32>,
    %swap3A_109 = arith.constant 832 : index
    %swap3A_110 = tpu.vector_load %arg9[%swap3A_109] {strides = array<i32>} : memref<1024xi32, #tpu.memory_space<vmem>>, vector<16xi32>,
    tpu.vector_store %arg9[%swap3A_109], %broadcast_in_dim3A_3 {strides = array<i32>} : memref<1024xi32, #tpu.memory_space<vmem>>, vector<16xi32>,
    %swap3A_111 = arith.constant 848 : index
    %swap3A_112 = tpu.vector_load %arg9[%swap3A_111] {strides = array<i32>} : memref<1024xi32, #tpu.memory_space<vmem>>, vector<16xi32>,
    tpu.vector_store %arg9[%swap3A_111], %broadcast_in_dim3A_3 {strides = array<i32>} : memref<1024xi32, #tpu.memory_space<vmem>>, vector<16xi32>,
    %swap3A_113 = arith.constant 864 : index
    %swap3A_114 = tpu.vector_load %arg9[%swap3A_113] {strides = array<i32>} : memref<1024xi32, #tpu.memory_space<vmem>>, vector<16xi32>,
    tpu.vector_store %arg9[%swap3A_113], %broadcast_in_dim3A_3 {strides = array<i32>} : memref<1024xi32, #tpu.memory_space<vmem>>, vector<16xi32>,
    %swap3A_115 = arith.constant 880 : index
    %swap3A_116 = tpu.vector_load %arg9[%swap3A_115] {strides = array<i32>} : memref<1024xi32, #tpu.memory_space<vmem>>, vector<16xi32>,
    tpu.vector_store %arg9[%swap3A_115], %broadcast_in_dim3A_3 {strides = array<i32>} : memref<1024xi32, #tpu.memory_space<vmem>>, vector<16xi32>,
    %swap3A_117 = arith.constant 896 : index
    %swap3A_118 = tpu.vector_load %arg9[%swap3A_117] {strides = array<i32>} : memref<1024xi32, #tpu.memory_space<vmem>>, vector<16xi32>,
    tpu.vector_store %arg9[%swap3A_117], %broadcast_in_dim3A_3 {strides = array<i32>} : memref<1024xi32, #tpu.memory_space<vmem>>, vector<16xi32>,
    %swap3A_119 = arith.constant 912 : index
    %swap3A_120 = tpu.vector_load %arg9[%swap3A_119] {strides = array<i32>} : memref<1024xi32, #tpu.memory_space<vmem>>, vector<16xi32>,
    tpu.vector_store %arg9[%swap3A_119], %broadcast_in_dim3A_3 {strides = array<i32>} : memref<1024xi32, #tpu.memory_space<vmem>>, vector<16xi32>,
    %swap3A_121 = arith.constant 928 : index
    %swap3A_122 = tpu.vector_load %arg9[%swap3A_121] {strides = array<i32>} : memref<1024xi32, #tpu.memory_space<vmem>>, vector<16xi32>,
    tpu.vector_store %arg9[%swap3A_121], %broadcast_in_dim3A_3 {strides = array<i32>} : memref<1024xi32, #tpu.memory_space<vmem>>, vector<16xi32>,
    %swap3A_123 = arith.constant 944 : index
    %swap3A_124 = tpu.vector_load %arg9[%swap3A_123] {strides = array<i32>} : memref<1024xi32, #tpu.memory_space<vmem>>, vector<16xi32>,
    tpu.vector_store %arg9[%swap3A_123], %broadcast_in_dim3A_3 {strides = array<i32>} : memref<1024xi32, #tpu.memory_space<vmem>>, vector<16xi32>,
    %swap3A_125 = arith.constant 960 : index
    %swap3A_126 = tpu.vector_load %arg9[%swap3A_125] {strides = array<i32>} : memref<1024xi32, #tpu.memory_space<vmem>>, vector<16xi32>,
    tpu.vector_store %arg9[%swap3A_125], %broadcast_in_dim3A_3 {strides = array<i32>} : memref<1024xi32, #tpu.memory_space<vmem>>, vector<16xi32>,
    %swap3A_127 = arith.constant 976 : index
    %swap3A_128 = tpu.vector_load %arg9[%swap3A_127] {strides = array<i32>} : memref<1024xi32, #tpu.memory_space<vmem>>, vector<16xi32>,
    tpu.vector_store %arg9[%swap3A_127], %broadcast_in_dim3A_3 {strides = array<i32>} : memref<1024xi32, #tpu.memory_space<vmem>>, vector<16xi32>,
    %swap3A_129 = arith.constant 992 : index
    %swap3A_130 = tpu.vector_load %arg9[%swap3A_129] {strides = array<i32>} : memref<1024xi32, #tpu.memory_space<vmem>>, vector<16xi32>,
    tpu.vector_store %arg9[%swap3A_129], %broadcast_in_dim3A_3 {strides = array<i32>} : memref<1024xi32, #tpu.memory_space<vmem>>, vector<16xi32>,
    %swap3A_131 = arith.constant 1008 : index
    %swap3A_132 = tpu.vector_load %arg9[%swap3A_131] {strides = array<i32>} : memref<1024xi32, #tpu.memory_space<vmem>>, vector<16xi32>,
    tpu.vector_store %arg9[%swap3A_131], %broadcast_in_dim3A_3 {strides = array<i32>} : memref<1024xi32, #tpu.memory_space<vmem>>, vector<16xi32>,
    %swap3A_133 = arith.constant 0 : index
    %swap3A_134 = tpu.vector_load %arg10[%swap3A_133] {strides = array<i32>} : memref<272xi32, #tpu.memory_space<vmem>>, vector<16xi32>,
    tpu.vector_store %arg10[%swap3A_133], %broadcast_in_dim3A_3 {strides = array<i32>} : memref<272xi32, #tpu.memory_space<vmem>>, vector<16xi32>,
    %swap3A_135 = arith.constant 0 : index
    %swap3A_136 = tpu.vector_load %arg11[%swap3A_135] {strides = array<i32>} : memref<272xi32, #tpu.memory_space<vmem>>, vector<16xi32>,
    tpu.vector_store %arg11[%swap3A_135], %broadcast_in_dim3A_3 {strides = array<i32>} : memref<272xi32, #tpu.memory_space<vmem>>, vector<16xi32>,
    %swap3A_137 = arith.constant 0 : index
    %swap3A_138 = tpu.vector_load %arg12[%swap3A_137] {strides = array<i32>} : memref<272xf32, #tpu.memory_space<vmem>>, vector<16xf32>,
    tpu.vector_store %arg12[%swap3A_137], %broadcast_in_dim3A_5 {strides = array<i32>} : memref<272xf32, #tpu.memory_space<vmem>>, vector<16xf32>,
    %swap3A_139 = arith.constant 16 : index
    %swap3A_140 = tpu.vector_load %arg10[%swap3A_139] {strides = array<i32>} : memref<272xi32, #tpu.memory_space<vmem>>, vector<16xi32>,
    tpu.vector_store %arg10[%swap3A_139], %broadcast_in_dim3A_3 {strides = array<i32>} : memref<272xi32, #tpu.memory_space<vmem>>, vector<16xi32>,
    %swap3A_141 = arith.constant 16 : index
    %swap3A_142 = tpu.vector_load %arg11[%swap3A_141] {strides = array<i32>} : memref<272xi32, #tpu.memory_space<vmem>>, vector<16xi32>,
    tpu.vector_store %arg11[%swap3A_141], %broadcast_in_dim3A_3 {strides = array<i32>} : memref<272xi32, #tpu.memory_space<vmem>>, vector<16xi32>,
    %swap3A_143 = arith.constant 16 : index
    %swap3A_144 = tpu.vector_load %arg12[%swap3A_143] {strides = array<i32>} : memref<272xf32, #tpu.memory_space<vmem>>, vector<16xf32>,
    tpu.vector_store %arg12[%swap3A_143], %broadcast_in_dim3A_5 {strides = array<i32>} : memref<272xf32, #tpu.memory_space<vmem>>, vector<16xf32>,
    %swap3A_145 = arith.constant 32 : index
    %swap3A_146 = tpu.vector_load %arg10[%swap3A_145] {strides = array<i32>} : memref<272xi32, #tpu.memory_space<vmem>>, vector<16xi32>,
    tpu.vector_store %arg10[%swap3A_145], %broadcast_in_dim3A_3 {strides = array<i32>} : memref<272xi32, #tpu.memory_space<vmem>>, vector<16xi32>,
    %swap3A_147 = arith.constant 32 : index
    %swap3A_148 = tpu.vector_load %arg11[%swap3A_147] {strides = array<i32>} : memref<272xi32, #tpu.memory_space<vmem>>, vector<16xi32>,
    tpu.vector_store %arg11[%swap3A_147], %broadcast_in_dim3A_3 {strides = array<i32>} : memref<272xi32, #tpu.memory_space<vmem>>, vector<16xi32>,
    %swap3A_149 = arith.constant 32 : index
    %swap3A_150 = tpu.vector_load %arg12[%swap3A_149] {strides = array<i32>} : memref<272xf32, #tpu.memory_space<vmem>>, vector<16xf32>,
    tpu.vector_store %arg12[%swap3A_149], %broadcast_in_dim3A_5 {strides = array<i32>} : memref<272xf32, #tpu.memory_space<vmem>>, vector<16xf32>,
    %swap3A_151 = arith.constant 48 : index
    %swap3A_152 = tpu.vector_load %arg10[%swap3A_151] {strides = array<i32>} : memref<272xi32, #tpu.memory_space<vmem>>, vector<16xi32>,
    tpu.vector_store %arg10[%swap3A_151], %broadcast_in_dim3A_3 {strides = array<i32>} : memref<272xi32, #tpu.memory_space<vmem>>, vector<16xi32>,
    %swap3A_153 = arith.constant 48 : index
    %swap3A_154 = tpu.vector_load %arg11[%swap3A_153] {strides = array<i32>} : memref<272xi32, #tpu.memory_space<vmem>>, vector<16xi32>,
    tpu.vector_store %arg11[%swap3A_153], %broadcast_in_dim3A_3 {strides = array<i32>} : memref<272xi32, #tpu.memory_space<vmem>>, vector<16xi32>,
    %swap3A_155 = arith.constant 48 : index
    %swap3A_156 = tpu.vector_load %arg12[%swap3A_155] {strides = array<i32>} : memref<272xf32, #tpu.memory_space<vmem>>, vector<16xf32>,
    tpu.vector_store %arg12[%swap3A_155], %broadcast_in_dim3A_5 {strides = array<i32>} : memref<272xf32, #tpu.memory_space<vmem>>, vector<16xf32>,
    %swap3A_157 = arith.constant 64 : index
    %swap3A_158 = tpu.vector_load %arg10[%swap3A_157] {strides = array<i32>} : memref<272xi32, #tpu.memory_space<vmem>>, vector<16xi32>,
    tpu.vector_store %arg10[%swap3A_157], %broadcast_in_dim3A_3 {strides = array<i32>} : memref<272xi32, #tpu.memory_space<vmem>>, vector<16xi32>,
    %swap3A_159 = arith.constant 64 : index
    %swap3A_160 = tpu.vector_load %arg11[%swap3A_159] {strides = array<i32>} : memref<272xi32, #tpu.memory_space<vmem>>, vector<16xi32>,
    tpu.vector_store %arg11[%swap3A_159], %broadcast_in_dim3A_3 {strides = array<i32>} : memref<272xi32, #tpu.memory_space<vmem>>, vector<16xi32>,
    %swap3A_161 = arith.constant 64 : index
    %swap3A_162 = tpu.vector_load %arg12[%swap3A_161] {strides = array<i32>} : memref<272xf32, #tpu.memory_space<vmem>>, vector<16xf32>,
    tpu.vector_store %arg12[%swap3A_161], %broadcast_in_dim3A_5 {strides = array<i32>} : memref<272xf32, #tpu.memory_space<vmem>>, vector<16xf32>,
    %swap3A_163 = arith.constant 80 : index
    %swap3A_164 = tpu.vector_load %arg10[%swap3A_163] {strides = array<i32>} : memref<272xi32, #tpu.memory_space<vmem>>, vector<16xi32>,
    tpu.vector_store %arg10[%swap3A_163], %broadcast_in_dim3A_3 {strides = array<i32>} : memref<272xi32, #tpu.memory_space<vmem>>, vector<16xi32>,
    %swap3A_165 = arith.constant 80 : index
    %swap3A_166 = tpu.vector_load %arg11[%swap3A_165] {strides = array<i32>} : memref<272xi32, #tpu.memory_space<vmem>>, vector<16xi32>,
    tpu.vector_store %arg11[%swap3A_165], %broadcast_in_dim3A_3 {strides = array<i32>} : memref<272xi32, #tpu.memory_space<vmem>>, vector<16xi32>,
    %swap3A_167 = arith.constant 80 : index
    %swap3A_168 = tpu.vector_load %arg12[%swap3A_167] {strides = array<i32>} : memref<272xf32, #tpu.memory_space<vmem>>, vector<16xf32>,
    tpu.vector_store %arg12[%swap3A_167], %broadcast_in_dim3A_5 {strides = array<i32>} : memref<272xf32, #tpu.memory_space<vmem>>, vector<16xf32>,
    %swap3A_169 = arith.constant 96 : index
    %swap3A_170 = tpu.vector_load %arg10[%swap3A_169] {strides = array<i32>} : memref<272xi32, #tpu.memory_space<vmem>>, vector<16xi32>,
    tpu.vector_store %arg10[%swap3A_169], %broadcast_in_dim3A_3 {strides = array<i32>} : memref<272xi32, #tpu.memory_space<vmem>>, vector<16xi32>,
    %swap3A_171 = arith.constant 96 : index
    %swap3A_172 = tpu.vector_load %arg11[%swap3A_171] {strides = array<i32>} : memref<272xi32, #tpu.memory_space<vmem>>, vector<16xi32>,
    tpu.vector_store %arg11[%swap3A_171], %broadcast_in_dim3A_3 {strides = array<i32>} : memref<272xi32, #tpu.memory_space<vmem>>, vector<16xi32>,
    %swap3A_173 = arith.constant 96 : index
    %swap3A_174 = tpu.vector_load %arg12[%swap3A_173] {strides = array<i32>} : memref<272xf32, #tpu.memory_space<vmem>>, vector<16xf32>,
    tpu.vector_store %arg12[%swap3A_173], %broadcast_in_dim3A_5 {strides = array<i32>} : memref<272xf32, #tpu.memory_space<vmem>>, vector<16xf32>,
    %swap3A_175 = arith.constant 112 : index
    %swap3A_176 = tpu.vector_load %arg10[%swap3A_175] {strides = array<i32>} : memref<272xi32, #tpu.memory_space<vmem>>, vector<16xi32>,
    tpu.vector_store %arg10[%swap3A_175], %broadcast_in_dim3A_3 {strides = array<i32>} : memref<272xi32, #tpu.memory_space<vmem>>, vector<16xi32>,
    %swap3A_177 = arith.constant 112 : index
    %swap3A_178 = tpu.vector_load %arg11[%swap3A_177] {strides = array<i32>} : memref<272xi32, #tpu.memory_space<vmem>>, vector<16xi32>,
    tpu.vector_store %arg11[%swap3A_177], %broadcast_in_dim3A_3 {strides = array<i32>} : memref<272xi32, #tpu.memory_space<vmem>>, vector<16xi32>,
    %swap3A_179 = arith.constant 112 : index
    %swap3A_180 = tpu.vector_load %arg12[%swap3A_179] {strides = array<i32>} : memref<272xf32, #tpu.memory_space<vmem>>, vector<16xf32>,
    tpu.vector_store %arg12[%swap3A_179], %broadcast_in_dim3A_5 {strides = array<i32>} : memref<272xf32, #tpu.memory_space<vmem>>, vector<16xf32>,
    %swap3A_181 = arith.constant 128 : index
    %swap3A_182 = tpu.vector_load %arg10[%swap3A_181] {strides = array<i32>} : memref<272xi32, #tpu.memory_space<vmem>>, vector<16xi32>,
    tpu.vector_store %arg10[%swap3A_181], %broadcast_in_dim3A_3 {strides = array<i32>} : memref<272xi32, #tpu.memory_space<vmem>>, vector<16xi32>,
    %swap3A_183 = arith.constant 128 : index
    %swap3A_184 = tpu.vector_load %arg11[%swap3A_183] {strides = array<i32>} : memref<272xi32, #tpu.memory_space<vmem>>, vector<16xi32>,
    tpu.vector_store %arg11[%swap3A_183], %broadcast_in_dim3A_3 {strides = array<i32>} : memref<272xi32, #tpu.memory_space<vmem>>, vector<16xi32>,
    %swap3A_185 = arith.constant 128 : index
    %swap3A_186 = tpu.vector_load %arg12[%swap3A_185] {strides = array<i32>} : memref<272xf32, #tpu.memory_space<vmem>>, vector<16xf32>,
    tpu.vector_store %arg12[%swap3A_185], %broadcast_in_dim3A_5 {strides = array<i32>} : memref<272xf32, #tpu.memory_space<vmem>>, vector<16xf32>,
    %swap3A_187 = arith.constant 144 : index
    %swap3A_188 = tpu.vector_load %arg10[%swap3A_187] {strides = array<i32>} : memref<272xi32, #tpu.memory_space<vmem>>, vector<16xi32>,
    tpu.vector_store %arg10[%swap3A_187], %broadcast_in_dim3A_3 {strides = array<i32>} : memref<272xi32, #tpu.memory_space<vmem>>, vector<16xi32>,
    %swap3A_189 = arith.constant 144 : index
    %swap3A_190 = tpu.vector_load %arg11[%swap3A_189] {strides = array<i32>} : memref<272xi32, #tpu.memory_space<vmem>>, vector<16xi32>,
    tpu.vector_store %arg11[%swap3A_189], %broadcast_in_dim3A_3 {strides = array<i32>} : memref<272xi32, #tpu.memory_space<vmem>>, vector<16xi32>,
    %swap3A_191 = arith.constant 144 : index
    %swap3A_192 = tpu.vector_load %arg12[%swap3A_191] {strides = array<i32>} : memref<272xf32, #tpu.memory_space<vmem>>, vector<16xf32>,
    tpu.vector_store %arg12[%swap3A_191], %broadcast_in_dim3A_5 {strides = array<i32>} : memref<272xf32, #tpu.memory_space<vmem>>, vector<16xf32>,
    %swap3A_193 = arith.constant 160 : index
    %swap3A_194 = tpu.vector_load %arg10[%swap3A_193] {strides = array<i32>} : memref<272xi32, #tpu.memory_space<vmem>>, vector<16xi32>,
    tpu.vector_store %arg10[%swap3A_193], %broadcast_in_dim3A_3 {strides = array<i32>} : memref<272xi32, #tpu.memory_space<vmem>>, vector<16xi32>,
    %swap3A_195 = arith.constant 160 : index
    %swap3A_196 = tpu.vector_load %arg11[%swap3A_195] {strides = array<i32>} : memref<272xi32, #tpu.memory_space<vmem>>, vector<16xi32>,
    tpu.vector_store %arg11[%swap3A_195], %broadcast_in_dim3A_3 {strides = array<i32>} : memref<272xi32, #tpu.memory_space<vmem>>, vector<16xi32>,
    %swap3A_197 = arith.constant 160 : index
    %swap3A_198 = tpu.vector_load %arg12[%swap3A_197] {strides = array<i32>} : memref<272xf32, #tpu.memory_space<vmem>>, vector<16xf32>,
    tpu.vector_store %arg12[%swap3A_197], %broadcast_in_dim3A_5 {strides = array<i32>} : memref<272xf32, #tpu.memory_space<vmem>>, vector<16xf32>,
    %swap3A_199 = arith.constant 176 : index
    %swap3A_200 = tpu.vector_load %arg10[%swap3A_199] {strides = array<i32>} : memref<272xi32, #tpu.memory_space<vmem>>, vector<16xi32>,
    tpu.vector_store %arg10[%swap3A_199], %broadcast_in_dim3A_3 {strides = array<i32>} : memref<272xi32, #tpu.memory_space<vmem>>, vector<16xi32>,
    %swap3A_201 = arith.constant 176 : index
    %swap3A_202 = tpu.vector_load %arg11[%swap3A_201] {strides = array<i32>} : memref<272xi32, #tpu.memory_space<vmem>>, vector<16xi32>,
    tpu.vector_store %arg11[%swap3A_201], %broadcast_in_dim3A_3 {strides = array<i32>} : memref<272xi32, #tpu.memory_space<vmem>>, vector<16xi32>,
    %swap3A_203 = arith.constant 176 : index
    %swap3A_204 = tpu.vector_load %arg12[%swap3A_203] {strides = array<i32>} : memref<272xf32, #tpu.memory_space<vmem>>, vector<16xf32>,
    tpu.vector_store %arg12[%swap3A_203], %broadcast_in_dim3A_5 {strides = array<i32>} : memref<272xf32, #tpu.memory_space<vmem>>, vector<16xf32>,
    %swap3A_205 = arith.constant 192 : index
    %swap3A_206 = tpu.vector_load %arg10[%swap3A_205] {strides = array<i32>} : memref<272xi32, #tpu.memory_space<vmem>>, vector<16xi32>,
    tpu.vector_store %arg10[%swap3A_205], %broadcast_in_dim3A_3 {strides = array<i32>} : memref<272xi32, #tpu.memory_space<vmem>>, vector<16xi32>,
    %swap3A_207 = arith.constant 192 : index
    %swap3A_208 = tpu.vector_load %arg11[%swap3A_207] {strides = array<i32>} : memref<272xi32, #tpu.memory_space<vmem>>, vector<16xi32>,
    tpu.vector_store %arg11[%swap3A_207], %broadcast_in_dim3A_3 {strides = array<i32>} : memref<272xi32, #tpu.memory_space<vmem>>, vector<16xi32>,
    %swap3A_209 = arith.constant 192 : index
    %swap3A_210 = tpu.vector_load %arg12[%swap3A_209] {strides = array<i32>} : memref<272xf32, #tpu.memory_space<vmem>>, vector<16xf32>,
    tpu.vector_store %arg12[%swap3A_209], %broadcast_in_dim3A_5 {strides = array<i32>} : memref<272xf32, #tpu.memory_space<vmem>>, vector<16xf32>,
    %swap3A_211 = arith.constant 208 : index
    %swap3A_212 = tpu.vector_load %arg10[%swap3A_211] {strides = array<i32>} : memref<272xi32, #tpu.memory_space<vmem>>, vector<16xi32>,
    tpu.vector_store %arg10[%swap3A_211], %broadcast_in_dim3A_3 {strides = array<i32>} : memref<272xi32, #tpu.memory_space<vmem>>, vector<16xi32>,
    %swap3A_213 = arith.constant 208 : index
    %swap3A_214 = tpu.vector_load %arg11[%swap3A_213] {strides = array<i32>} : memref<272xi32, #tpu.memory_space<vmem>>, vector<16xi32>,
    tpu.vector_store %arg11[%swap3A_213], %broadcast_in_dim3A_3 {strides = array<i32>} : memref<272xi32, #tpu.memory_space<vmem>>, vector<16xi32>,
    %swap3A_215 = arith.constant 208 : index
    %swap3A_216 = tpu.vector_load %arg12[%swap3A_215] {strides = array<i32>} : memref<272xf32, #tpu.memory_space<vmem>>, vector<16xf32>,
    tpu.vector_store %arg12[%swap3A_215], %broadcast_in_dim3A_5 {strides = array<i32>} : memref<272xf32, #tpu.memory_space<vmem>>, vector<16xf32>,
    %swap3A_217 = arith.constant 224 : index
    %swap3A_218 = tpu.vector_load %arg10[%swap3A_217] {strides = array<i32>} : memref<272xi32, #tpu.memory_space<vmem>>, vector<16xi32>,
    tpu.vector_store %arg10[%swap3A_217], %broadcast_in_dim3A_3 {strides = array<i32>} : memref<272xi32, #tpu.memory_space<vmem>>, vector<16xi32>,
    %swap3A_219 = arith.constant 224 : index
    %swap3A_220 = tpu.vector_load %arg11[%swap3A_219] {strides = array<i32>} : memref<272xi32, #tpu.memory_space<vmem>>, vector<16xi32>,
    tpu.vector_store %arg11[%swap3A_219], %broadcast_in_dim3A_3 {strides = array<i32>} : memref<272xi32, #tpu.memory_space<vmem>>, vector<16xi32>,
    %swap3A_221 = arith.constant 224 : index
    %swap3A_222 = tpu.vector_load %arg12[%swap3A_221] {strides = array<i32>} : memref<272xf32, #tpu.memory_space<vmem>>, vector<16xf32>,
    tpu.vector_store %arg12[%swap3A_221], %broadcast_in_dim3A_5 {strides = array<i32>} : memref<272xf32, #tpu.memory_space<vmem>>, vector<16xf32>,
    %swap3A_223 = arith.constant 240 : index
    %swap3A_224 = tpu.vector_load %arg10[%swap3A_223] {strides = array<i32>} : memref<272xi32, #tpu.memory_space<vmem>>, vector<16xi32>,
    tpu.vector_store %arg10[%swap3A_223], %broadcast_in_dim3A_3 {strides = array<i32>} : memref<272xi32, #tpu.memory_space<vmem>>, vector<16xi32>,
    %swap3A_225 = arith.constant 240 : index
    %swap3A_226 = tpu.vector_load %arg11[%swap3A_225] {strides = array<i32>} : memref<272xi32, #tpu.memory_space<vmem>>, vector<16xi32>,
    tpu.vector_store %arg11[%swap3A_225], %broadcast_in_dim3A_3 {strides = array<i32>} : memref<272xi32, #tpu.memory_space<vmem>>, vector<16xi32>,
    %swap3A_227 = arith.constant 240 : index
    %swap3A_228 = tpu.vector_load %arg12[%swap3A_227] {strides = array<i32>} : memref<272xf32, #tpu.memory_space<vmem>>, vector<16xf32>,
    tpu.vector_store %arg12[%swap3A_227], %broadcast_in_dim3A_5 {strides = array<i32>} : memref<272xf32, #tpu.memory_space<vmem>>, vector<16xf32>,
    %swap3A_229 = arith.constant 256 : index
    %swap3A_230 = tpu.vector_load %arg10[%swap3A_229] {strides = array<i32>} : memref<272xi32, #tpu.memory_space<vmem>>, vector<16xi32>,
    tpu.vector_store %arg10[%swap3A_229], %broadcast_in_dim3A_3 {strides = array<i32>} : memref<272xi32, #tpu.memory_space<vmem>>, vector<16xi32>,
    %swap3A_231 = arith.constant 256 : index
    %swap3A_232 = tpu.vector_load %arg11[%swap3A_231] {strides = array<i32>} : memref<272xi32, #tpu.memory_space<vmem>>, vector<16xi32>,
    tpu.vector_store %arg11[%swap3A_231], %broadcast_in_dim3A_3 {strides = array<i32>} : memref<272xi32, #tpu.memory_space<vmem>>, vector<16xi32>,
    %swap3A_233 = arith.constant 256 : index
    %swap3A_234 = tpu.vector_load %arg12[%swap3A_233] {strides = array<i32>} : memref<272xf32, #tpu.memory_space<vmem>>, vector<16xf32>,
    tpu.vector_store %arg12[%swap3A_233], %broadcast_in_dim3A_5 {strides = array<i32>} : memref<272xf32, #tpu.memory_space<vmem>>, vector<16xf32>,
    %broadcast_in_dim3A_235 = arith.constant 1 : i32
    %broadcast_in_dim3A_236 = vector.broadcast %broadcast_in_dim3A_235 : i32 to vector<16xi32>
    %iota3A = tpu.iota {dimensions = array<i32: 0>} : vector<16xi32>
    %get3A = arith.constant 0 : index
    %get3A_237 = tpu.vector_load %arg8[%get3A] {strides = array<i32>} : memref<112xi32, #tpu.memory_space<vmem>>, vector<16xi32>,
    %add3A_238 = arith.constant 0 : i32
    %add3A_239 = vector.broadcast %add3A_238 : i32 to vector<16xi32>
    %add3A_240 = arith.addi %iota3A, %add3A_239 : vector<16xi32>
    %lt3A = arith.constant 100 : i32
    %lt3A_241 = vector.broadcast %lt3A : i32 to vector<16xi32>
    %lt3A_242 = arith.cmpi slt, %add3A_240, %lt3A_241 : vector<16xi32>
    tpu.vector_store_idx %arg9[%get3A_237], %broadcast_in_dim3A_236 masked %lt3A_242 {add = true} : memref<1024xi32, #tpu.memory_space<vmem>>[vector<16xi32>], vector<16xi32>, vector<16xi1>
    %get3A_243 = arith.constant 16 : index
    %get3A_244 = tpu.vector_load %arg8[%get3A_243] {strides = array<i32>} : memref<112xi32, #tpu.memory_space<vmem>>, vector<16xi32>,
    %add3A_245 = arith.constant 16 : i32
    %add3A_246 = vector.broadcast %add3A_245 : i32 to vector<16xi32>
    %add3A_247 = arith.addi %iota3A, %add3A_246 : vector<16xi32>
    %lt3A_248 = arith.constant 100 : i32
    %lt3A_249 = vector.broadcast %lt3A_248 : i32 to vector<16xi32>
    %lt3A_250 = arith.cmpi slt, %add3A_247, %lt3A_249 : vector<16xi32>
    tpu.vector_store_idx %arg9[%get3A_244], %broadcast_in_dim3A_236 masked %lt3A_250 {add = true} : memref<1024xi32, #tpu.memory_space<vmem>>[vector<16xi32>], vector<16xi32>, vector<16xi1>
    %get3A_251 = arith.constant 32 : index
    %get3A_252 = tpu.vector_load %arg8[%get3A_251] {strides = array<i32>} : memref<112xi32, #tpu.memory_space<vmem>>, vector<16xi32>,
    %add3A_253 = arith.constant 32 : i32
    %add3A_254 = vector.broadcast %add3A_253 : i32 to vector<16xi32>
    %add3A_255 = arith.addi %iota3A, %add3A_254 : vector<16xi32>
    %lt3A_256 = arith.constant 100 : i32
    %lt3A_257 = vector.broadcast %lt3A_256 : i32 to vector<16xi32>
    %lt3A_258 = arith.cmpi slt, %add3A_255, %lt3A_257 : vector<16xi32>
    tpu.vector_store_idx %arg9[%get3A_252], %broadcast_in_dim3A_236 masked %lt3A_258 {add = true} : memref<1024xi32, #tpu.memory_space<vmem>>[vector<16xi32>], vector<16xi32>, vector<16xi1>
    %get3A_259 = arith.constant 48 : index
    %get3A_260 = tpu.vector_load %arg8[%get3A_259] {strides = array<i32>} : memref<112xi32, #tpu.memory_space<vmem>>, vector<16xi32>,
    %add3A_261 = arith.constant 48 : i32
    %add3A_262 = vector.broadcast %add3A_261 : i32 to vector<16xi32>
    %add3A_263 = arith.addi %iota3A, %add3A_262 : vector<16xi32>
    %lt3A_264 = arith.constant 100 : i32
    %lt3A_265 = vector.broadcast %lt3A_264 : i32 to vector<16xi32>
    %lt3A_266 = arith.cmpi slt, %add3A_263, %lt3A_265 : vector<16xi32>
    tpu.vector_store_idx %arg9[%get3A_260], %broadcast_in_dim3A_236 masked %lt3A_266 {add = true} : memref<1024xi32, #tpu.memory_space<vmem>>[vector<16xi32>], vector<16xi32>, vector<16xi1>
    %get3A_267 = arith.constant 64 : index
    %get3A_268 = tpu.vector_load %arg8[%get3A_267] {strides = array<i32>} : memref<112xi32, #tpu.memory_space<vmem>>, vector<16xi32>,
    %add3A_269 = arith.constant 64 : i32
    %add3A_270 = vector.broadcast %add3A_269 : i32 to vector<16xi32>
    %add3A_271 = arith.addi %iota3A, %add3A_270 : vector<16xi32>
    %lt3A_272 = arith.constant 100 : i32
    %lt3A_273 = vector.broadcast %lt3A_272 : i32 to vector<16xi32>
    %lt3A_274 = arith.cmpi slt, %add3A_271, %lt3A_273 : vector<16xi32>
    tpu.vector_store_idx %arg9[%get3A_268], %broadcast_in_dim3A_236 masked %lt3A_274 {add = true} : memref<1024xi32, #tpu.memory_space<vmem>>[vector<16xi32>], vector<16xi32>, vector<16xi1>
    %get3A_275 = arith.constant 80 : index
    %get3A_276 = tpu.vector_load %arg8[%get3A_275] {strides = array<i32>} : memref<112xi32, #tpu.memory_space<vmem>>, vector<16xi32>,
    %add3A_277 = arith.constant 80 : i32
    %add3A_278 = vector.broadcast %add3A_277 : i32 to vector<16xi32>
    %add3A_279 = arith.addi %iota3A, %add3A_278 : vector<16xi32>
    %lt3A_280 = arith.constant 100 : i32
    %lt3A_281 = vector.broadcast %lt3A_280 : i32 to vector<16xi32>
    %lt3A_282 = arith.cmpi slt, %add3A_279, %lt3A_281 : vector<16xi32>
    tpu.vector_store_idx %arg9[%get3A_276], %broadcast_in_dim3A_236 masked %lt3A_282 {add = true} : memref<1024xi32, #tpu.memory_space<vmem>>[vector<16xi32>], vector<16xi32>, vector<16xi1>
    %get3A_283 = arith.constant 96 : index
    %get3A_284 = tpu.vector_load %arg8[%get3A_283] {strides = array<i32>} : memref<112xi32, #tpu.memory_space<vmem>>, vector<16xi32>,
    %add3A_285 = arith.constant 96 : i32
    %add3A_286 = vector.broadcast %add3A_285 : i32 to vector<16xi32>
    %add3A_287 = arith.addi %iota3A, %add3A_286 : vector<16xi32>
    %lt3A_288 = arith.constant 100 : i32
    %lt3A_289 = vector.broadcast %lt3A_288 : i32 to vector<16xi32>
    %lt3A_290 = arith.cmpi slt, %add3A_287, %lt3A_289 : vector<16xi32>
    tpu.vector_store_idx %arg9[%get3A_284], %broadcast_in_dim3A_236 masked %lt3A_290 {add = true} : memref<1024xi32, #tpu.memory_space<vmem>>[vector<16xi32>], vector<16xi32>, vector<16xi1>
    %scan3A = arith.constant 0 : i32
    %scan3A_291 = arith.constant 0 : i32
    %scan3A_292 = arith.constant 16 : i32
    %scan3A_293 = arith.addi %scan3A_291, %scan3A_292 : i32
    %scan3A_294 = arith.constant 1 : i32
    %scan3A_295 = scf.for %scan3A_334 = %scan3A_291 to %scan3A_293 step %scan3A_294 iter_args(%scan3A_335 = %scan3A) -> (i32)  : i32 {
      %mul3A_336 = arith.constant 16 : i32
      %mul3A_337 = arith.muli %scan3A_334, %mul3A_336 : i32
      %get3A_338 = arith.index_cast %mul3A_337 : i32 to index
      %get3A_339 = tpu.vector_load %arg7[%get3A_338] {strides = array<i32>} : memref<256xi32, #tpu.memory_space<vmem>>, vector<16xi32>,
      %gather3A = tpu.vector_load_idx %arg9[%get3A_339] : memref<1024xi32, #tpu.memory_space<vmem>>[vector<16xi32>], vector<16xi32>,
      %ne3A_340 = arith.constant 0 : i32
      %ne3A_341 = vector.broadcast %ne3A_340 : i32 to vector<16xi32>
      %ne3A_342 = arith.cmpi ne, %gather3A, %ne3A_341 : vector<16xi32>
      %convert_element_type3A_343 = arith.extui %ne3A_342 : vector<16xi1> to vector<16xi32>
      %broadcast_in_dim3A_344 = arith.constant true
      %broadcast_in_dim3A_345 = vector.broadcast %broadcast_in_dim3A_344 : i1 to vector<16xi1>
      %masked_cumsum3A = tpu.scan <sum>, %convert_element_type3A_343 masked %broadcast_in_dim3A_345 : vector<16xi32>, vector<16xi1> -> vector<16xi32>
      %add3A_346 = vector.broadcast %scan3A_335 : i32 to vector<16xi32>
      %add3A_347 = arith.addi %add3A_346, %masked_cumsum3A : vector<16xi32>
      %sub3A_348 = arith.constant 1 : i32
      %sub3A_349 = vector.broadcast %sub3A_348 : i32 to vector<16xi32>
      %sub3A_350 = arith.subi %add3A_347, %sub3A_349 : vector<16xi32>
      %mul3A_351 = arith.constant 16 : i32
      %mul3A_352 = arith.muli %scan3A_334, %mul3A_351 : i32
      %add3A_353 = arith.addi %mul3A_2, %mul3A_352 : i32
      %add3A_354 = vector.broadcast %add3A_353 : i32 to vector<16xi32>
      %add3A_355 = arith.addi %add3A_354, %iota3A : vector<16xi32>
      tpu.vector_store_idx %arg10[%sub3A_350], %add3A_355 masked %ne3A_342 : memref<272xi32, #tpu.memory_space<vmem>>[vector<16xi32>], vector<16xi32>, vector<16xi1>
      tpu.vector_store_idx %arg11[%sub3A_350], %get3A_339 masked %ne3A_342 : memref<272xi32, #tpu.memory_space<vmem>>[vector<16xi32>], vector<16xi32>, vector<16xi1>
      %convert_element_type3A_356 = arith.sitofp %gather3A : vector<16xi32> to vector<16xf32>
      tpu.vector_store_idx %arg12[%sub3A_350], %convert_element_type3A_356 masked %ne3A_342 : memref<272xf32, #tpu.memory_space<vmem>>[vector<16xi32>], vector<16xf32>, vector<16xi1>
      %all_reduce_population_count3A = tpu.all_reduce %ne3A_342 {dim = 0 : i64, kind = #tpu.reduction_kind<sum>} : vector<16xi1> -> vector<16xi32>
      %slice3A = vector.extract_strided_slice %all_reduce_population_count3A {offsets = [0], sizes = [1], strides = [1]} : vector<16xi32> to vector<1xi32>
      %squeeze3A = vector.extract %slice3A[0] : i32 from vector<1xi32>
      %add3A_357 = arith.addi %scan3A_335, %squeeze3A : i32
      scf.yield %add3A_357 : i32
    }
    %scan3A_296 = arith.constant 16 : i32
    %add3A_297 = arith.constant 7 : i32
    %add3A_298 = arith.addi %scan3A_295, %add3A_297 : i32
    %jit3A = arith.constant 8 : i32
    %div3A = arith.divsi %add3A_298, %jit3A : i32
    %sign3A = arith.constant 0 : i32
    %sign3A_299 = arith.cmpi sgt, %add3A_298, %sign3A : i32
    %sign3A_300 = arith.extui %sign3A_299 : i1 to i32
    %sign3A_301 = arith.constant 0 : i32
    %sign3A_302 = arith.cmpi slt, %add3A_298, %sign3A_301 : i32
    %sign3A_303 = arith.extui %sign3A_302 : i1 to i32
    %sign3A_304 = arith.subi %sign3A_300, %sign3A_303 : i32
    %sign3A_305 = arith.constant 0 : i32
    %sign3A_306 = arith.cmpi sgt, %jit3A, %sign3A_305 : i32
    %sign3A_307 = arith.extui %sign3A_306 : i1 to i32
    %sign3A_308 = arith.constant 0 : i32
    %sign3A_309 = arith.cmpi slt, %jit3A, %sign3A_308 : i32
    %sign3A_310 = arith.extui %sign3A_309 : i1 to i32
    %sign3A_311 = arith.subi %sign3A_307, %sign3A_310 : i32
    %ne3A = arith.cmpi ne, %sign3A_304, %sign3A_311 : i32
    %rem3A = arith.remsi %add3A_298, %jit3A : i32
    %ne3A_312 = arith.constant 0 : i32
    %ne3A_313 = arith.cmpi ne, %rem3A, %ne3A_312 : i32
    %and3A = arith.andi %ne3A, %ne3A_313 : i1
    %sub3A = arith.constant 1 : i32
    %sub3A_314 = arith.subi %div3A, %sub3A : i32
    %select_n3A = arith.select %and3A, %sub3A_314, %div3A : i32
    %while3A = arith.constant 0 : i32
    %while3A_315 = arith.constant 0.000000e+00 : f32
    %while3A_316 = arith.subi %select_n3A, %while3A : i32
    %while3A_317 = arith.addi %while3A, %while3A_316 : i32
    %while3A_318 = arith.constant 1 : i32
    %while3A_319 = arith.divsi %while3A_316, %while3A_318 : i32
    %while3A_320 = arith.muli %while3A_319, %while3A_318 : i32
    %while3A_321 = arith.addi %while3A, %while3A_320 : i32
    %while3A_322 = arith.constant 1 : i32
    %while3A_323 = scf.for %while3A_334 = %while3A to %while3A_321 step %while3A_322 iter_args(%while3A_335 = %while3A_315) -> (f32)  : i32 {
      %mul3A_336 = arith.constant 8 : i32
      %mul3A_337 = arith.muli %while3A_334, %mul3A_336 : i32
      %mul3A_338 = arith.constant 8 : i32
      %mul3A_339 = arith.muli %while3A_334, %mul3A_338 : i32
      %dma_start3A = tpu.memref_slice %arg10[%mul3A_337] : memref<272xi32, #tpu.memory_space<vmem>> -> memref<8xi32, #tpu.memory_space<vmem>>
      %dma_start3A_340 = arith.constant 0 : i32
      %dma_start3A_341 = arith.constant 0 : i32
      %dma_start3A_342 = tpu.memref_slice %arg2[%dma_start3A_340, %dma_start3A_341] : memref<8192x2048xf32, #tpu.memory_space<hbm>> -> memref<8192x2048xf32, #tpu.memory_space<hbm>>
      tpu.enqueue_indirect_dma source(%dma_start3A_342 : memref<8192x2048xf32, #tpu.memory_space<hbm>>) target(%arg13 : memref<8x2048xf32, #tpu.memory_space<vmem>>) offsets(%dma_start3A : memref<8xi32, #tpu.memory_space<vmem>>) semaphore(%arg16 : memref<!tpu.dma_semaphore, #tpu.memory_space<semaphore_mem>>)
      %dma_start3A_343 = tpu.memref_slice %arg11[%mul3A_339] : memref<272xi32, #tpu.memory_space<vmem>> -> memref<8xi32, #tpu.memory_space<vmem>>
      %dma_start3A_344 = arith.constant 0 : i32
      %dma_start3A_345 = arith.constant 0 : i32
      %dma_start3A_346 = tpu.memref_slice %arg5[%dma_start3A_344, %dma_start3A_345] : memref<1000x2048xf32, #tpu.memory_space<hbm>> -> memref<1000x2048xf32, #tpu.memory_space<hbm>>
      tpu.enqueue_indirect_dma source(%dma_start3A_346 : memref<1000x2048xf32, #tpu.memory_space<hbm>>) target(%arg14 : memref<8x2048xf32, #tpu.memory_space<vmem>>) offsets(%dma_start3A_343 : memref<8xi32, #tpu.memory_space<vmem>>) semaphore(%arg16 : memref<!tpu.dma_semaphore, #tpu.memory_space<semaphore_mem>>)
      %dma_wait3A = tpu.memref_slice %arg10[%mul3A_337] : memref<272xi32, #tpu.memory_space<vmem>> -> memref<8xi32, #tpu.memory_space<vmem>>
      %dma_wait3A_347 = arith.constant 0 : i32
      %dma_wait3A_348 = arith.constant 0 : i32
      %dma_wait3A_349 = tpu.memref_slice %arg2[%dma_wait3A_347, %dma_wait3A_348] : memref<8192x2048xf32, #tpu.memory_space<hbm>> -> memref<8192x2048xf32, #tpu.memory_space<hbm>>
      tpu.wait_indirect_dma semaphore(%arg16 : memref<!tpu.dma_semaphore, #tpu.memory_space<semaphore_mem>>) src(%dma_wait3A_349 : memref<8192x2048xf32, #tpu.memory_space<hbm>>) dst(%arg13 : memref<8x2048xf32, #tpu.memory_space<vmem>>)
      %dma_wait3A_350 = tpu.memref_slice %arg11[%mul3A_339] : memref<272xi32, #tpu.memory_space<vmem>> -> memref<8xi32, #tpu.memory_space<vmem>>
      %dma_wait3A_351 = arith.constant 0 : i32
      %dma_wait3A_352 = arith.constant 0 : i32
      %dma_wait3A_353 = tpu.memref_slice %arg5[%dma_wait3A_351, %dma_wait3A_352] : memref<1000x2048xf32, #tpu.memory_space<hbm>> -> memref<1000x2048xf32, #tpu.memory_space<hbm>>
      tpu.wait_indirect_dma semaphore(%arg16 : memref<!tpu.dma_semaphore, #tpu.memory_space<semaphore_mem>>) src(%dma_wait3A_353 : memref<1000x2048xf32, #tpu.memory_space<hbm>>) dst(%arg14 : memref<8x2048xf32, #tpu.memory_space<vmem>>)
      %scan3A_354 = arith.constant 0 : i32
      %scan3A_355 = arith.constant 8 : i32
      %scan3A_356 = arith.addi %scan3A_354, %scan3A_355 : i32
      %scan3A_357 = arith.constant 1 : i32
      %scan3A_358 = scf.for %scan3A_360 = %scan3A_354 to %scan3A_356 step %scan3A_357 iter_args(%scan3A_361 = %while3A_335) -> (f32)  : i32 {
        %broadcast_in_dim3A_362 = arith.constant 0.000000e+00 : f32
        %broadcast_in_dim3A_363 = vector.broadcast %broadcast_in_dim3A_362 : f32 to vector<16xf32>
        %broadcast_in_dim3A_364 = arith.constant 0.000000e+00 : f32
        %broadcast_in_dim3A_365 = vector.broadcast %broadcast_in_dim3A_364 : f32 to vector<16xf32>
        %broadcast_in_dim3A_366 = arith.constant 0.000000e+00 : f32
        %broadcast_in_dim3A_367 = vector.broadcast %broadcast_in_dim3A_366 : f32 to vector<16xf32>
        %broadcast_in_dim3A_368 = arith.constant 0.000000e+00 : f32
        %broadcast_in_dim3A_369 = vector.broadcast %broadcast_in_dim3A_368 : f32 to vector<16xf32>
        %get3A_370 = arith.index_cast %scan3A_360 : i32 to index
        %get3A_371 = arith.constant 0 : index
        %get3A_372 = tpu.vector_load %arg13[%get3A_370, %get3A_371] {strides = array<i32>} : memref<8x2048xf32, #tpu.memory_space<vmem>>, vector<16xf32>,
        %get3A_373 = arith.index_cast %scan3A_360 : i32 to index
        %get3A_374 = arith.constant 0 : index
        %get3A_375 = tpu.vector_load %arg14[%get3A_373, %get3A_374] {strides = array<i32>} : memref<8x2048xf32, #tpu.memory_space<vmem>>, vector<16xf32>,
        %mul3A_376 = arith.mulf %get3A_372, %get3A_375 : vector<16xf32>
        %add3A_377 = arith.addf %broadcast_in_dim3A_363, %mul3A_376 : vector<16xf32>
        %get3A_378 = arith.index_cast %scan3A_360 : i32 to index
        %get3A_379 = arith.constant 16 : index
        %get3A_380 = tpu.vector_load %arg13[%get3A_378, %get3A_379] {strides = array<i32>} : memref<8x2048xf32, #tpu.memory_space<vmem>>, vector<16xf32>,
        %get3A_381 = arith.index_cast %scan3A_360 : i32 to index
        %get3A_382 = arith.constant 16 : index
        %get3A_383 = tpu.vector_load %arg14[%get3A_381, %get3A_382] {strides = array<i32>} : memref<8x2048xf32, #tpu.memory_space<vmem>>, vector<16xf32>,
        %mul3A_384 = arith.mulf %get3A_380, %get3A_383 : vector<16xf32>
        %add3A_385 = arith.addf %broadcast_in_dim3A_365, %mul3A_384 : vector<16xf32>
        %get3A_386 = arith.index_cast %scan3A_360 : i32 to index
        %get3A_387 = arith.constant 32 : index
        %get3A_388 = tpu.vector_load %arg13[%get3A_386, %get3A_387] {strides = array<i32>} : memref<8x2048xf32, #tpu.memory_space<vmem>>, vector<16xf32>,
        %get3A_389 = arith.index_cast %scan3A_360 : i32 to index
        %get3A_390 = arith.constant 32 : index
        %get3A_391 = tpu.vector_load %arg14[%get3A_389, %get3A_390] {strides = array<i32>} : memref<8x2048xf32, #tpu.memory_space<vmem>>, vector<16xf32>,
        %mul3A_392 = arith.mulf %get3A_388, %get3A_391 : vector<16xf32>
        %add3A_393 = arith.addf %broadcast_in_dim3A_367, %mul3A_392 : vector<16xf32>
        %get3A_394 = arith.index_cast %scan3A_360 : i32 to index
        %get3A_395 = arith.constant 48 : index
        %get3A_396 = tpu.vector_load %arg13[%get3A_394, %get3A_395] {strides = array<i32>} : memref<8x2048xf32, #tpu.memory_space<vmem>>, vector<16xf32>,
        %get3A_397 = arith.index_cast %scan3A_360 : i32 to index
        %get3A_398 = arith.constant 48 : index
        %get3A_399 = tpu.vector_load %arg14[%get3A_397, %get3A_398] {strides = array<i32>} : memref<8x2048xf32, #tpu.memory_space<vmem>>, vector<16xf32>,
        %mul3A_400 = arith.mulf %get3A_396, %get3A_399 : vector<16xf32>
        %add3A_401 = arith.addf %broadcast_in_dim3A_369, %mul3A_400 : vector<16xf32>
        %get3A_402 = arith.index_cast %scan3A_360 : i32 to index
        %get3A_403 = arith.constant 64 : index
        %get3A_404 = tpu.vector_load %arg13[%get3A_402, %get3A_403] {strides = array<i32>} : memref<8x2048xf32, #tpu.memory_space<vmem>>, vector<16xf32>,
        %get3A_405 = arith.index_cast %scan3A_360 : i32 to index
        %get3A_406 = arith.constant 64 : index
        %get3A_407 = tpu.vector_load %arg14[%get3A_405, %get3A_406] {strides = array<i32>} : memref<8x2048xf32, #tpu.memory_space<vmem>>, vector<16xf32>,
        %mul3A_408 = arith.mulf %get3A_404, %get3A_407 : vector<16xf32>
        %add3A_409 = arith.addf %add3A_377, %mul3A_408 : vector<16xf32>
        %get3A_410 = arith.index_cast %scan3A_360 : i32 to index
        %get3A_411 = arith.constant 80 : index
        %get3A_412 = tpu.vector_load %arg13[%get3A_410, %get3A_411] {strides = array<i32>} : memref<8x2048xf32, #tpu.memory_space<vmem>>, vector<16xf32>,
        %get3A_413 = arith.index_cast %scan3A_360 : i32 to index
        %get3A_414 = arith.constant 80 : index
        %get3A_415 = tpu.vector_load %arg14[%get3A_413, %get3A_414] {strides = array<i32>} : memref<8x2048xf32, #tpu.memory_space<vmem>>, vector<16xf32>,
        %mul3A_416 = arith.mulf %get3A_412, %get3A_415 : vector<16xf32>
        %add3A_417 = arith.addf %add3A_385, %mul3A_416 : vector<16xf32>
        %get3A_418 = arith.index_cast %scan3A_360 : i32 to index
        %get3A_419 = arith.constant 96 : index
        %get3A_420 = tpu.vector_load %arg13[%get3A_418, %get3A_419] {strides = array<i32>} : memref<8x2048xf32, #tpu.memory_space<vmem>>, vector<16xf32>,
        %get3A_421 = arith.index_cast %scan3A_360 : i32 to index
        %get3A_422 = arith.constant 96 : index
        %get3A_423 = tpu.vector_load %arg14[%get3A_421, %get3A_422] {strides = array<i32>} : memref<8x2048xf32, #tpu.memory_space<vmem>>, vector<16xf32>,
        %mul3A_424 = arith.mulf %get3A_420, %get3A_423 : vector<16xf32>
        %add3A_425 = arith.addf %add3A_393, %mul3A_424 : vector<16xf32>
        %get3A_426 = arith.index_cast %scan3A_360 : i32 to index
        %get3A_427 = arith.constant 112 : index
        %get3A_428 = tpu.vector_load %arg13[%get3A_426, %get3A_427] {strides = array<i32>} : memref<8x2048xf32, #tpu.memory_space<vmem>>, vector<16xf32>,
        %get3A_429 = arith.index_cast %scan3A_360 : i32 to index
        %get3A_430 = arith.constant 112 : index
        %get3A_431 = tpu.vector_load %arg14[%get3A_429, %get3A_430] {strides = array<i32>} : memref<8x2048xf32, #tpu.memory_space<vmem>>, vector<16xf32>,
        %mul3A_432 = arith.mulf %get3A_428, %get3A_431 : vector<16xf32>
        %add3A_433 = arith.addf %add3A_401, %mul3A_432 : vector<16xf32>
        %get3A_434 = arith.index_cast %scan3A_360 : i32 to index
        %get3A_435 = arith.constant 128 : index
        %get3A_436 = tpu.vector_load %arg13[%get3A_434, %get3A_435] {strides = array<i32>} : memref<8x2048xf32, #tpu.memory_space<vmem>>, vector<16xf32>,
        %get3A_437 = arith.index_cast %scan3A_360 : i32 to index
        %get3A_438 = arith.constant 128 : index
        %get3A_439 = tpu.vector_load %arg14[%get3A_437, %get3A_438] {strides = array<i32>} : memref<8x2048xf32, #tpu.memory_space<vmem>>, vector<16xf32>,
        %mul3A_440 = arith.mulf %get3A_436, %get3A_439 : vector<16xf32>
        %add3A_441 = arith.addf %add3A_409, %mul3A_440 : vector<16xf32>
        %get3A_442 = arith.index_cast %scan3A_360 : i32 to index
        %get3A_443 = arith.constant 144 : index
        %get3A_444 = tpu.vector_load %arg13[%get3A_442, %get3A_443] {strides = array<i32>} : memref<8x2048xf32, #tpu.memory_space<vmem>>, vector<16xf32>,
        %get3A_445 = arith.index_cast %scan3A_360 : i32 to index
        %get3A_446 = arith.constant 144 : index
        %get3A_447 = tpu.vector_load %arg14[%get3A_445, %get3A_446] {strides = array<i32>} : memref<8x2048xf32, #tpu.memory_space<vmem>>, vector<16xf32>,
        %mul3A_448 = arith.mulf %get3A_444, %get3A_447 : vector<16xf32>
        %add3A_449 = arith.addf %add3A_417, %mul3A_448 : vector<16xf32>
        %get3A_450 = arith.index_cast %scan3A_360 : i32 to index
        %get3A_451 = arith.constant 160 : index
        %get3A_452 = tpu.vector_load %arg13[%get3A_450, %get3A_451] {strides = array<i32>} : memref<8x2048xf32, #tpu.memory_space<vmem>>, vector<16xf32>,
        %get3A_453 = arith.index_cast %scan3A_360 : i32 to index
        %get3A_454 = arith.constant 160 : index
        %get3A_455 = tpu.vector_load %arg14[%get3A_453, %get3A_454] {strides = array<i32>} : memref<8x2048xf32, #tpu.memory_space<vmem>>, vector<16xf32>,
        %mul3A_456 = arith.mulf %get3A_452, %get3A_455 : vector<16xf32>
        %add3A_457 = arith.addf %add3A_425, %mul3A_456 : vector<16xf32>
        %get3A_458 = arith.index_cast %scan3A_360 : i32 to index
        %get3A_459 = arith.constant 176 : index
        %get3A_460 = tpu.vector_load %arg13[%get3A_458, %get3A_459] {strides = array<i32>} : memref<8x2048xf32, #tpu.memory_space<vmem>>, vector<16xf32>,
        %get3A_461 = arith.index_cast %scan3A_360 : i32 to index
        %get3A_462 = arith.constant 176 : index
        %get3A_463 = tpu.vector_load %arg14[%get3A_461, %get3A_462] {strides = array<i32>} : memref<8x2048xf32, #tpu.memory_space<vmem>>, vector<16xf32>,
        %mul3A_464 = arith.mulf %get3A_460, %get3A_463 : vector<16xf32>
        %add3A_465 = arith.addf %add3A_433, %mul3A_464 : vector<16xf32>
        %get3A_466 = arith.index_cast %scan3A_360 : i32 to index
        %get3A_467 = arith.constant 192 : index
        %get3A_468 = tpu.vector_load %arg13[%get3A_466, %get3A_467] {strides = array<i32>} : memref<8x2048xf32, #tpu.memory_space<vmem>>, vector<16xf32>,
        %get3A_469 = arith.index_cast %scan3A_360 : i32 to index
        %get3A_470 = arith.constant 192 : index
        %get3A_471 = tpu.vector_load %arg14[%get3A_469, %get3A_470] {strides = array<i32>} : memref<8x2048xf32, #tpu.memory_space<vmem>>, vector<16xf32>,
        %mul3A_472 = arith.mulf %get3A_468, %get3A_471 : vector<16xf32>
        %add3A_473 = arith.addf %add3A_441, %mul3A_472 : vector<16xf32>
        %get3A_474 = arith.index_cast %scan3A_360 : i32 to index
        %get3A_475 = arith.constant 208 : index
        %get3A_476 = tpu.vector_load %arg13[%get3A_474, %get3A_475] {strides = array<i32>} : memref<8x2048xf32, #tpu.memory_space<vmem>>, vector<16xf32>,
        %get3A_477 = arith.index_cast %scan3A_360 : i32 to index
        %get3A_478 = arith.constant 208 : index
        %get3A_479 = tpu.vector_load %arg14[%get3A_477, %get3A_478] {strides = array<i32>} : memref<8x2048xf32, #tpu.memory_space<vmem>>, vector<16xf32>,
        %mul3A_480 = arith.mulf %get3A_476, %get3A_479 : vector<16xf32>
        %add3A_481 = arith.addf %add3A_449, %mul3A_480 : vector<16xf32>
        %get3A_482 = arith.index_cast %scan3A_360 : i32 to index
        %get3A_483 = arith.constant 224 : index
        %get3A_484 = tpu.vector_load %arg13[%get3A_482, %get3A_483] {strides = array<i32>} : memref<8x2048xf32, #tpu.memory_space<vmem>>, vector<16xf32>,
        %get3A_485 = arith.index_cast %scan3A_360 : i32 to index
        %get3A_486 = arith.constant 224 : index
        %get3A_487 = tpu.vector_load %arg14[%get3A_485, %get3A_486] {strides = array<i32>} : memref<8x2048xf32, #tpu.memory_space<vmem>>, vector<16xf32>,
        %mul3A_488 = arith.mulf %get3A_484, %get3A_487 : vector<16xf32>
        %add3A_489 = arith.addf %add3A_457, %mul3A_488 : vector<16xf32>
        %get3A_490 = arith.index_cast %scan3A_360 : i32 to index
        %get3A_491 = arith.constant 240 : index
        %get3A_492 = tpu.vector_load %arg13[%get3A_490, %get3A_491] {strides = array<i32>} : memref<8x2048xf32, #tpu.memory_space<vmem>>, vector<16xf32>,
        %get3A_493 = arith.index_cast %scan3A_360 : i32 to index
        %get3A_494 = arith.constant 240 : index
        %get3A_495 = tpu.vector_load %arg14[%get3A_493, %get3A_494] {strides = array<i32>} : memref<8x2048xf32, #tpu.memory_space<vmem>>, vector<16xf32>,
        %mul3A_496 = arith.mulf %get3A_492, %get3A_495 : vector<16xf32>
        %add3A_497 = arith.addf %add3A_465, %mul3A_496 : vector<16xf32>
        %get3A_498 = arith.index_cast %scan3A_360 : i32 to index
        %get3A_499 = arith.constant 256 : index
        %get3A_500 = tpu.vector_load %arg13[%get3A_498, %get3A_499] {strides = array<i32>} : memref<8x2048xf32, #tpu.memory_space<vmem>>, vector<16xf32>,
        %get3A_501 = arith.index_cast %scan3A_360 : i32 to index
        %get3A_502 = arith.constant 256 : index
        %get3A_503 = tpu.vector_load %arg14[%get3A_501, %get3A_502] {strides = array<i32>} : memref<8x2048xf32, #tpu.memory_space<vmem>>, vector<16xf32>,
        %mul3A_504 = arith.mulf %get3A_500, %get3A_503 : vector<16xf32>
        %add3A_505 = arith.addf %add3A_473, %mul3A_504 : vector<16xf32>
        %get3A_506 = arith.index_cast %scan3A_360 : i32 to index
        %get3A_507 = arith.constant 272 : index
        %get3A_508 = tpu.vector_load %arg13[%get3A_506, %get3A_507] {strides = array<i32>} : memref<8x2048xf32, #tpu.memory_space<vmem>>, vector<16xf32>,
        %get3A_509 = arith.index_cast %scan3A_360 : i32 to index
        %get3A_510 = arith.constant 272 : index
        %get3A_511 = tpu.vector_load %arg14[%get3A_509, %get3A_510] {strides = array<i32>} : memref<8x2048xf32, #tpu.memory_space<vmem>>, vector<16xf32>,
        %mul3A_512 = arith.mulf %get3A_508, %get3A_511 : vector<16xf32>
        %add3A_513 = arith.addf %add3A_481, %mul3A_512 : vector<16xf32>
        %get3A_514 = arith.index_cast %scan3A_360 : i32 to index
        %get3A_515 = arith.constant 288 : index
        %get3A_516 = tpu.vector_load %arg13[%get3A_514, %get3A_515] {strides = array<i32>} : memref<8x2048xf32, #tpu.memory_space<vmem>>, vector<16xf32>,
        %get3A_517 = arith.index_cast %scan3A_360 : i32 to index
        %get3A_518 = arith.constant 288 : index
        %get3A_519 = tpu.vector_load %arg14[%get3A_517, %get3A_518] {strides = array<i32>} : memref<8x2048xf32, #tpu.memory_space<vmem>>, vector<16xf32>,
        %mul3A_520 = arith.mulf %get3A_516, %get3A_519 : vector<16xf32>
        %add3A_521 = arith.addf %add3A_489, %mul3A_520 : vector<16xf32>
        %get3A_522 = arith.index_cast %scan3A_360 : i32 to index
        %get3A_523 = arith.constant 304 : index
        %get3A_524 = tpu.vector_load %arg13[%get3A_522, %get3A_523] {strides = array<i32>} : memref<8x2048xf32, #tpu.memory_space<vmem>>, vector<16xf32>,
        %get3A_525 = arith.index_cast %scan3A_360 : i32 to index
        %get3A_526 = arith.constant 304 : index
        %get3A_527 = tpu.vector_load %arg14[%get3A_525, %get3A_526] {strides = array<i32>} : memref<8x2048xf32, #tpu.memory_space<vmem>>, vector<16xf32>,
        %mul3A_528 = arith.mulf %get3A_524, %get3A_527 : vector<16xf32>
        %add3A_529 = arith.addf %add3A_497, %mul3A_528 : vector<16xf32>
        %get3A_530 = arith.index_cast %scan3A_360 : i32 to index
        %get3A_531 = arith.constant 320 : index
        %get3A_532 = tpu.vector_load %arg13[%get3A_530, %get3A_531] {strides = array<i32>} : memref<8x2048xf32, #tpu.memory_space<vmem>>, vector<16xf32>,
        %get3A_533 = arith.index_cast %scan3A_360 : i32 to index
        %get3A_534 = arith.constant 320 : index
        %get3A_535 = tpu.vector_load %arg14[%get3A_533, %get3A_534] {strides = array<i32>} : memref<8x2048xf32, #tpu.memory_space<vmem>>, vector<16xf32>,
        %mul3A_536 = arith.mulf %get3A_532, %get3A_535 : vector<16xf32>
        %add3A_537 = arith.addf %add3A_505, %mul3A_536 : vector<16xf32>
        %get3A_538 = arith.index_cast %scan3A_360 : i32 to index
        %get3A_539 = arith.constant 336 : index
        %get3A_540 = tpu.vector_load %arg13[%get3A_538, %get3A_539] {strides = array<i32>} : memref<8x2048xf32, #tpu.memory_space<vmem>>, vector<16xf32>,
        %get3A_541 = arith.index_cast %scan3A_360 : i32 to index
        %get3A_542 = arith.constant 336 : index
        %get3A_543 = tpu.vector_load %arg14[%get3A_541, %get3A_542] {strides = array<i32>} : memref<8x2048xf32, #tpu.memory_space<vmem>>, vector<16xf32>,
        %mul3A_544 = arith.mulf %get3A_540, %get3A_543 : vector<16xf32>
        %add3A_545 = arith.addf %add3A_513, %mul3A_544 : vector<16xf32>
        %get3A_546 = arith.index_cast %scan3A_360 : i32 to index
        %get3A_547 = arith.constant 352 : index
        %get3A_548 = tpu.vector_load %arg13[%get3A_546, %get3A_547] {strides = array<i32>} : memref<8x2048xf32, #tpu.memory_space<vmem>>, vector<16xf32>,
        %get3A_549 = arith.index_cast %scan3A_360 : i32 to index
        %get3A_550 = arith.constant 352 : index
        %get3A_551 = tpu.vector_load %arg14[%get3A_549, %get3A_550] {strides = array<i32>} : memref<8x2048xf32, #tpu.memory_space<vmem>>, vector<16xf32>,
        %mul3A_552 = arith.mulf %get3A_548, %get3A_551 : vector<16xf32>
        %add3A_553 = arith.addf %add3A_521, %mul3A_552 : vector<16xf32>
        %get3A_554 = arith.index_cast %scan3A_360 : i32 to index
        %get3A_555 = arith.constant 368 : index
        %get3A_556 = tpu.vector_load %arg13[%get3A_554, %get3A_555] {strides = array<i32>} : memref<8x2048xf32, #tpu.memory_space<vmem>>, vector<16xf32>,
        %get3A_557 = arith.index_cast %scan3A_360 : i32 to index
        %get3A_558 = arith.constant 368 : index
        %get3A_559 = tpu.vector_load %arg14[%get3A_557, %get3A_558] {strides = array<i32>} : memref<8x2048xf32, #tpu.memory_space<vmem>>, vector<16xf32>,
        %mul3A_560 = arith.mulf %get3A_556, %get3A_559 : vector<16xf32>
        %add3A_561 = arith.addf %add3A_529, %mul3A_560 : vector<16xf32>
        %get3A_562 = arith.index_cast %scan3A_360 : i32 to index
        %get3A_563 = arith.constant 384 : index
        %get3A_564 = tpu.vector_load %arg13[%get3A_562, %get3A_563] {strides = array<i32>} : memref<8x2048xf32, #tpu.memory_space<vmem>>, vector<16xf32>,
        %get3A_565 = arith.index_cast %scan3A_360 : i32 to index
        %get3A_566 = arith.constant 384 : index
        %get3A_567 = tpu.vector_load %arg14[%get3A_565, %get3A_566] {strides = array<i32>} : memref<8x2048xf32, #tpu.memory_space<vmem>>, vector<16xf32>,
        %mul3A_568 = arith.mulf %get3A_564, %get3A_567 : vector<16xf32>
        %add3A_569 = arith.addf %add3A_537, %mul3A_568 : vector<16xf32>
        %get3A_570 = arith.index_cast %scan3A_360 : i32 to index
        %get3A_571 = arith.constant 400 : index
        %get3A_572 = tpu.vector_load %arg13[%get3A_570, %get3A_571] {strides = array<i32>} : memref<8x2048xf32, #tpu.memory_space<vmem>>, vector<16xf32>,
        %get3A_573 = arith.index_cast %scan3A_360 : i32 to index
        %get3A_574 = arith.constant 400 : index
        %get3A_575 = tpu.vector_load %arg14[%get3A_573, %get3A_574] {strides = array<i32>} : memref<8x2048xf32, #tpu.memory_space<vmem>>, vector<16xf32>,
        %mul3A_576 = arith.mulf %get3A_572, %get3A_575 : vector<16xf32>
        %add3A_577 = arith.addf %add3A_545, %mul3A_576 : vector<16xf32>
        %get3A_578 = arith.index_cast %scan3A_360 : i32 to index
        %get3A_579 = arith.constant 416 : index
        %get3A_580 = tpu.vector_load %arg13[%get3A_578, %get3A_579] {strides = array<i32>} : memref<8x2048xf32, #tpu.memory_space<vmem>>, vector<16xf32>,
        %get3A_581 = arith.index_cast %scan3A_360 : i32 to index
        %get3A_582 = arith.constant 416 : index
        %get3A_583 = tpu.vector_load %arg14[%get3A_581, %get3A_582] {strides = array<i32>} : memref<8x2048xf32, #tpu.memory_space<vmem>>, vector<16xf32>,
        %mul3A_584 = arith.mulf %get3A_580, %get3A_583 : vector<16xf32>
        %add3A_585 = arith.addf %add3A_553, %mul3A_584 : vector<16xf32>
        %get3A_586 = arith.index_cast %scan3A_360 : i32 to index
        %get3A_587 = arith.constant 432 : index
        %get3A_588 = tpu.vector_load %arg13[%get3A_586, %get3A_587] {strides = array<i32>} : memref<8x2048xf32, #tpu.memory_space<vmem>>, vector<16xf32>,
        %get3A_589 = arith.index_cast %scan3A_360 : i32 to index
        %get3A_590 = arith.constant 432 : index
        %get3A_591 = tpu.vector_load %arg14[%get3A_589, %get3A_590] {strides = array<i32>} : memref<8x2048xf32, #tpu.memory_space<vmem>>, vector<16xf32>,
        %mul3A_592 = arith.mulf %get3A_588, %get3A_591 : vector<16xf32>
        %add3A_593 = arith.addf %add3A_561, %mul3A_592 : vector<16xf32>
        %get3A_594 = arith.index_cast %scan3A_360 : i32 to index
        %get3A_595 = arith.constant 448 : index
        %get3A_596 = tpu.vector_load %arg13[%get3A_594, %get3A_595] {strides = array<i32>} : memref<8x2048xf32, #tpu.memory_space<vmem>>, vector<16xf32>,
        %get3A_597 = arith.index_cast %scan3A_360 : i32 to index
        %get3A_598 = arith.constant 448 : index
        %get3A_599 = tpu.vector_load %arg14[%get3A_597, %get3A_598] {strides = array<i32>} : memref<8x2048xf32, #tpu.memory_space<vmem>>, vector<16xf32>,
        %mul3A_600 = arith.mulf %get3A_596, %get3A_599 : vector<16xf32>
        %add3A_601 = arith.addf %add3A_569, %mul3A_600 : vector<16xf32>
        %get3A_602 = arith.index_cast %scan3A_360 : i32 to index
        %get3A_603 = arith.constant 464 : index
        %get3A_604 = tpu.vector_load %arg13[%get3A_602, %get3A_603] {strides = array<i32>} : memref<8x2048xf32, #tpu.memory_space<vmem>>, vector<16xf32>,
        %get3A_605 = arith.index_cast %scan3A_360 : i32 to index
        %get3A_606 = arith.constant 464 : index
        %get3A_607 = tpu.vector_load %arg14[%get3A_605, %get3A_606] {strides = array<i32>} : memref<8x2048xf32, #tpu.memory_space<vmem>>, vector<16xf32>,
        %mul3A_608 = arith.mulf %get3A_604, %get3A_607 : vector<16xf32>
        %add3A_609 = arith.addf %add3A_577, %mul3A_608 : vector<16xf32>
        %get3A_610 = arith.index_cast %scan3A_360 : i32 to index
        %get3A_611 = arith.constant 480 : index
        %get3A_612 = tpu.vector_load %arg13[%get3A_610, %get3A_611] {strides = array<i32>} : memref<8x2048xf32, #tpu.memory_space<vmem>>, vector<16xf32>,
        %get3A_613 = arith.index_cast %scan3A_360 : i32 to index
        %get3A_614 = arith.constant 480 : index
        %get3A_615 = tpu.vector_load %arg14[%get3A_613, %get3A_614] {strides = array<i32>} : memref<8x2048xf32, #tpu.memory_space<vmem>>, vector<16xf32>,
        %mul3A_616 = arith.mulf %get3A_612, %get3A_615 : vector<16xf32>
        %add3A_617 = arith.addf %add3A_585, %mul3A_616 : vector<16xf32>
        %get3A_618 = arith.index_cast %scan3A_360 : i32 to index
        %get3A_619 = arith.constant 496 : index
        %get3A_620 = tpu.vector_load %arg13[%get3A_618, %get3A_619] {strides = array<i32>} : memref<8x2048xf32, #tpu.memory_space<vmem>>, vector<16xf32>,
        %get3A_621 = arith.index_cast %scan3A_360 : i32 to index
        %get3A_622 = arith.constant 496 : index
        %get3A_623 = tpu.vector_load %arg14[%get3A_621, %get3A_622] {strides = array<i32>} : memref<8x2048xf32, #tpu.memory_space<vmem>>, vector<16xf32>,
        %mul3A_624 = arith.mulf %get3A_620, %get3A_623 : vector<16xf32>
        %add3A_625 = arith.addf %add3A_593, %mul3A_624 : vector<16xf32>
        %get3A_626 = arith.index_cast %scan3A_360 : i32 to index
        %get3A_627 = arith.constant 512 : index
        %get3A_628 = tpu.vector_load %arg13[%get3A_626, %get3A_627] {strides = array<i32>} : memref<8x2048xf32, #tpu.memory_space<vmem>>, vector<16xf32>,
        %get3A_629 = arith.index_cast %scan3A_360 : i32 to index
        %get3A_630 = arith.constant 512 : index
        %get3A_631 = tpu.vector_load %arg14[%get3A_629, %get3A_630] {strides = array<i32>} : memref<8x2048xf32, #tpu.memory_space<vmem>>, vector<16xf32>,
        %mul3A_632 = arith.mulf %get3A_628, %get3A_631 : vector<16xf32>
        %add3A_633 = arith.addf %add3A_601, %mul3A_632 : vector<16xf32>
        %get3A_634 = arith.index_cast %scan3A_360 : i32 to index
        %get3A_635 = arith.constant 528 : index
        %get3A_636 = tpu.vector_load %arg13[%get3A_634, %get3A_635] {strides = array<i32>} : memref<8x2048xf32, #tpu.memory_space<vmem>>, vector<16xf32>,
        %get3A_637 = arith.index_cast %scan3A_360 : i32 to index
        %get3A_638 = arith.constant 528 : index
        %get3A_639 = tpu.vector_load %arg14[%get3A_637, %get3A_638] {strides = array<i32>} : memref<8x2048xf32, #tpu.memory_space<vmem>>, vector<16xf32>,
        %mul3A_640 = arith.mulf %get3A_636, %get3A_639 : vector<16xf32>
        %add3A_641 = arith.addf %add3A_609, %mul3A_640 : vector<16xf32>
        %get3A_642 = arith.index_cast %scan3A_360 : i32 to index
        %get3A_643 = arith.constant 544 : index
        %get3A_644 = tpu.vector_load %arg13[%get3A_642, %get3A_643] {strides = array<i32>} : memref<8x2048xf32, #tpu.memory_space<vmem>>, vector<16xf32>,
        %get3A_645 = arith.index_cast %scan3A_360 : i32 to index
        %get3A_646 = arith.constant 544 : index
        %get3A_647 = tpu.vector_load %arg14[%get3A_645, %get3A_646] {strides = array<i32>} : memref<8x2048xf32, #tpu.memory_space<vmem>>, vector<16xf32>,
        %mul3A_648 = arith.mulf %get3A_644, %get3A_647 : vector<16xf32>
        %add3A_649 = arith.addf %add3A_617, %mul3A_648 : vector<16xf32>
        %get3A_650 = arith.index_cast %scan3A_360 : i32 to index
        %get3A_651 = arith.constant 560 : index
        %get3A_652 = tpu.vector_load %arg13[%get3A_650, %get3A_651] {strides = array<i32>} : memref<8x2048xf32, #tpu.memory_space<vmem>>, vector<16xf32>,
        %get3A_653 = arith.index_cast %scan3A_360 : i32 to index
        %get3A_654 = arith.constant 560 : index
        %get3A_655 = tpu.vector_load %arg14[%get3A_653, %get3A_654] {strides = array<i32>} : memref<8x2048xf32, #tpu.memory_space<vmem>>, vector<16xf32>,
        %mul3A_656 = arith.mulf %get3A_652, %get3A_655 : vector<16xf32>
        %add3A_657 = arith.addf %add3A_625, %mul3A_656 : vector<16xf32>
        %get3A_658 = arith.index_cast %scan3A_360 : i32 to index
        %get3A_659 = arith.constant 576 : index
        %get3A_660 = tpu.vector_load %arg13[%get3A_658, %get3A_659] {strides = array<i32>} : memref<8x2048xf32, #tpu.memory_space<vmem>>, vector<16xf32>,
        %get3A_661 = arith.index_cast %scan3A_360 : i32 to index
        %get3A_662 = arith.constant 576 : index
        %get3A_663 = tpu.vector_load %arg14[%get3A_661, %get3A_662] {strides = array<i32>} : memref<8x2048xf32, #tpu.memory_space<vmem>>, vector<16xf32>,
        %mul3A_664 = arith.mulf %get3A_660, %get3A_663 : vector<16xf32>
        %add3A_665 = arith.addf %add3A_633, %mul3A_664 : vector<16xf32>
        %get3A_666 = arith.index_cast %scan3A_360 : i32 to index
        %get3A_667 = arith.constant 592 : index
        %get3A_668 = tpu.vector_load %arg13[%get3A_666, %get3A_667] {strides = array<i32>} : memref<8x2048xf32, #tpu.memory_space<vmem>>, vector<16xf32>,
        %get3A_669 = arith.index_cast %scan3A_360 : i32 to index
        %get3A_670 = arith.constant 592 : index
        %get3A_671 = tpu.vector_load %arg14[%get3A_669, %get3A_670] {strides = array<i32>} : memref<8x2048xf32, #tpu.memory_space<vmem>>, vector<16xf32>,
        %mul3A_672 = arith.mulf %get3A_668, %get3A_671 : vector<16xf32>
        %add3A_673 = arith.addf %add3A_641, %mul3A_672 : vector<16xf32>
        %get3A_674 = arith.index_cast %scan3A_360 : i32 to index
        %get3A_675 = arith.constant 608 : index
        %get3A_676 = tpu.vector_load %arg13[%get3A_674, %get3A_675] {strides = array<i32>} : memref<8x2048xf32, #tpu.memory_space<vmem>>, vector<16xf32>,
        %get3A_677 = arith.index_cast %scan3A_360 : i32 to index
        %get3A_678 = arith.constant 608 : index
        %get3A_679 = tpu.vector_load %arg14[%get3A_677, %get3A_678] {strides = array<i32>} : memref<8x2048xf32, #tpu.memory_space<vmem>>, vector<16xf32>,
        %mul3A_680 = arith.mulf %get3A_676, %get3A_679 : vector<16xf32>
        %add3A_681 = arith.addf %add3A_649, %mul3A_680 : vector<16xf32>
        %get3A_682 = arith.index_cast %scan3A_360 : i32 to index
        %get3A_683 = arith.constant 624 : index
        %get3A_684 = tpu.vector_load %arg13[%get3A_682, %get3A_683] {strides = array<i32>} : memref<8x2048xf32, #tpu.memory_space<vmem>>, vector<16xf32>,
        %get3A_685 = arith.index_cast %scan3A_360 : i32 to index
        %get3A_686 = arith.constant 624 : index
        %get3A_687 = tpu.vector_load %arg14[%get3A_685, %get3A_686] {strides = array<i32>} : memref<8x2048xf32, #tpu.memory_space<vmem>>, vector<16xf32>,
        %mul3A_688 = arith.mulf %get3A_684, %get3A_687 : vector<16xf32>
        %add3A_689 = arith.addf %add3A_657, %mul3A_688 : vector<16xf32>
        %get3A_690 = arith.index_cast %scan3A_360 : i32 to index
        %get3A_691 = arith.constant 640 : index
        %get3A_692 = tpu.vector_load %arg13[%get3A_690, %get3A_691] {strides = array<i32>} : memref<8x2048xf32, #tpu.memory_space<vmem>>, vector<16xf32>,
        %get3A_693 = arith.index_cast %scan3A_360 : i32 to index
        %get3A_694 = arith.constant 640 : index
        %get3A_695 = tpu.vector_load %arg14[%get3A_693, %get3A_694] {strides = array<i32>} : memref<8x2048xf32, #tpu.memory_space<vmem>>, vector<16xf32>,
        %mul3A_696 = arith.mulf %get3A_692, %get3A_695 : vector<16xf32>
        %add3A_697 = arith.addf %add3A_665, %mul3A_696 : vector<16xf32>
        %get3A_698 = arith.index_cast %scan3A_360 : i32 to index
        %get3A_699 = arith.constant 656 : index
        %get3A_700 = tpu.vector_load %arg13[%get3A_698, %get3A_699] {strides = array<i32>} : memref<8x2048xf32, #tpu.memory_space<vmem>>, vector<16xf32>,
        %get3A_701 = arith.index_cast %scan3A_360 : i32 to index
        %get3A_702 = arith.constant 656 : index
        %get3A_703 = tpu.vector_load %arg14[%get3A_701, %get3A_702] {strides = array<i32>} : memref<8x2048xf32, #tpu.memory_space<vmem>>, vector<16xf32>,
        %mul3A_704 = arith.mulf %get3A_700, %get3A_703 : vector<16xf32>
        %add3A_705 = arith.addf %add3A_673, %mul3A_704 : vector<16xf32>
        %get3A_706 = arith.index_cast %scan3A_360 : i32 to index
        %get3A_707 = arith.constant 672 : index
        %get3A_708 = tpu.vector_load %arg13[%get3A_706, %get3A_707] {strides = array<i32>} : memref<8x2048xf32, #tpu.memory_space<vmem>>, vector<16xf32>,
        %get3A_709 = arith.index_cast %scan3A_360 : i32 to index
        %get3A_710 = arith.constant 672 : index
        %get3A_711 = tpu.vector_load %arg14[%get3A_709, %get3A_710] {strides = array<i32>} : memref<8x2048xf32, #tpu.memory_space<vmem>>, vector<16xf32>,
        %mul3A_712 = arith.mulf %get3A_708, %get3A_711 : vector<16xf32>
        %add3A_713 = arith.addf %add3A_681, %mul3A_712 : vector<16xf32>
        %get3A_714 = arith.index_cast %scan3A_360 : i32 to index
        %get3A_715 = arith.constant 688 : index
        %get3A_716 = tpu.vector_load %arg13[%get3A_714, %get3A_715] {strides = array<i32>} : memref<8x2048xf32, #tpu.memory_space<vmem>>, vector<16xf32>,
        %get3A_717 = arith.index_cast %scan3A_360 : i32 to index
        %get3A_718 = arith.constant 688 : index
        %get3A_719 = tpu.vector_load %arg14[%get3A_717, %get3A_718] {strides = array<i32>} : memref<8x2048xf32, #tpu.memory_space<vmem>>, vector<16xf32>,
        %mul3A_720 = arith.mulf %get3A_716, %get3A_719 : vector<16xf32>
        %add3A_721 = arith.addf %add3A_689, %mul3A_720 : vector<16xf32>
        %get3A_722 = arith.index_cast %scan3A_360 : i32 to index
        %get3A_723 = arith.constant 704 : index
        %get3A_724 = tpu.vector_load %arg13[%get3A_722, %get3A_723] {strides = array<i32>} : memref<8x2048xf32, #tpu.memory_space<vmem>>, vector<16xf32>,
        %get3A_725 = arith.index_cast %scan3A_360 : i32 to index
        %get3A_726 = arith.constant 704 : index
        %get3A_727 = tpu.vector_load %arg14[%get3A_725, %get3A_726] {strides = array<i32>} : memref<8x2048xf32, #tpu.memory_space<vmem>>, vector<16xf32>,
        %mul3A_728 = arith.mulf %get3A_724, %get3A_727 : vector<16xf32>
        %add3A_729 = arith.addf %add3A_697, %mul3A_728 : vector<16xf32>
        %get3A_730 = arith.index_cast %scan3A_360 : i32 to index
        %get3A_731 = arith.constant 720 : index
        %get3A_732 = tpu.vector_load %arg13[%get3A_730, %get3A_731] {strides = array<i32>} : memref<8x2048xf32, #tpu.memory_space<vmem>>, vector<16xf32>,
        %get3A_733 = arith.index_cast %scan3A_360 : i32 to index
        %get3A_734 = arith.constant 720 : index
        %get3A_735 = tpu.vector_load %arg14[%get3A_733, %get3A_734] {strides = array<i32>} : memref<8x2048xf32, #tpu.memory_space<vmem>>, vector<16xf32>,
        %mul3A_736 = arith.mulf %get3A_732, %get3A_735 : vector<16xf32>
        %add3A_737 = arith.addf %add3A_705, %mul3A_736 : vector<16xf32>
        %get3A_738 = arith.index_cast %scan3A_360 : i32 to index
        %get3A_739 = arith.constant 736 : index
        %get3A_740 = tpu.vector_load %arg13[%get3A_738, %get3A_739] {strides = array<i32>} : memref<8x2048xf32, #tpu.memory_space<vmem>>, vector<16xf32>,
        %get3A_741 = arith.index_cast %scan3A_360 : i32 to index
        %get3A_742 = arith.constant 736 : index
        %get3A_743 = tpu.vector_load %arg14[%get3A_741, %get3A_742] {strides = array<i32>} : memref<8x2048xf32, #tpu.memory_space<vmem>>, vector<16xf32>,
        %mul3A_744 = arith.mulf %get3A_740, %get3A_743 : vector<16xf32>
        %add3A_745 = arith.addf %add3A_713, %mul3A_744 : vector<16xf32>
        %get3A_746 = arith.index_cast %scan3A_360 : i32 to index
        %get3A_747 = arith.constant 752 : index
        %get3A_748 = tpu.vector_load %arg13[%get3A_746, %get3A_747] {strides = array<i32>} : memref<8x2048xf32, #tpu.memory_space<vmem>>, vector<16xf32>,
        %get3A_749 = arith.index_cast %scan3A_360 : i32 to index
        %get3A_750 = arith.constant 752 : index
        %get3A_751 = tpu.vector_load %arg14[%get3A_749, %get3A_750] {strides = array<i32>} : memref<8x2048xf32, #tpu.memory_space<vmem>>, vector<16xf32>,
        %mul3A_752 = arith.mulf %get3A_748, %get3A_751 : vector<16xf32>
        %add3A_753 = arith.addf %add3A_721, %mul3A_752 : vector<16xf32>
        %get3A_754 = arith.index_cast %scan3A_360 : i32 to index
        %get3A_755 = arith.constant 768 : index
        %get3A_756 = tpu.vector_load %arg13[%get3A_754, %get3A_755] {strides = array<i32>} : memref<8x2048xf32, #tpu.memory_space<vmem>>, vector<16xf32>,
        %get3A_757 = arith.index_cast %scan3A_360 : i32 to index
        %get3A_758 = arith.constant 768 : index
        %get3A_759 = tpu.vector_load %arg14[%get3A_757, %get3A_758] {strides = array<i32>} : memref<8x2048xf32, #tpu.memory_space<vmem>>, vector<16xf32>,
        %mul3A_760 = arith.mulf %get3A_756, %get3A_759 : vector<16xf32>
        %add3A_761 = arith.addf %add3A_729, %mul3A_760 : vector<16xf32>
        %get3A_762 = arith.index_cast %scan3A_360 : i32 to index
        %get3A_763 = arith.constant 784 : index
        %get3A_764 = tpu.vector_load %arg13[%get3A_762, %get3A_763] {strides = array<i32>} : memref<8x2048xf32, #tpu.memory_space<vmem>>, vector<16xf32>,
        %get3A_765 = arith.index_cast %scan3A_360 : i32 to index
        %get3A_766 = arith.constant 784 : index
        %get3A_767 = tpu.vector_load %arg14[%get3A_765, %get3A_766] {strides = array<i32>} : memref<8x2048xf32, #tpu.memory_space<vmem>>, vector<16xf32>,
        %mul3A_768 = arith.mulf %get3A_764, %get3A_767 : vector<16xf32>
        %add3A_769 = arith.addf %add3A_737, %mul3A_768 : vector<16xf32>
        %get3A_770 = arith.index_cast %scan3A_360 : i32 to index
        %get3A_771 = arith.constant 800 : index
        %get3A_772 = tpu.vector_load %arg13[%get3A_770, %get3A_771] {strides = array<i32>} : memref<8x2048xf32, #tpu.memory_space<vmem>>, vector<16xf32>,
        %get3A_773 = arith.index_cast %scan3A_360 : i32 to index
        %get3A_774 = arith.constant 800 : index
        %get3A_775 = tpu.vector_load %arg14[%get3A_773, %get3A_774] {strides = array<i32>} : memref<8x2048xf32, #tpu.memory_space<vmem>>, vector<16xf32>,
        %mul3A_776 = arith.mulf %get3A_772, %get3A_775 : vector<16xf32>
        %add3A_777 = arith.addf %add3A_745, %mul3A_776 : vector<16xf32>
        %get3A_778 = arith.index_cast %scan3A_360 : i32 to index
        %get3A_779 = arith.constant 816 : index
        %get3A_780 = tpu.vector_load %arg13[%get3A_778, %get3A_779] {strides = array<i32>} : memref<8x2048xf32, #tpu.memory_space<vmem>>, vector<16xf32>,
        %get3A_781 = arith.index_cast %scan3A_360 : i32 to index
        %get3A_782 = arith.constant 816 : index
        %get3A_783 = tpu.vector_load %arg14[%get3A_781, %get3A_782] {strides = array<i32>} : memref<8x2048xf32, #tpu.memory_space<vmem>>, vector<16xf32>,
        %mul3A_784 = arith.mulf %get3A_780, %get3A_783 : vector<16xf32>
        %add3A_785 = arith.addf %add3A_753, %mul3A_784 : vector<16xf32>
        %get3A_786 = arith.index_cast %scan3A_360 : i32 to index
        %get3A_787 = arith.constant 832 : index
        %get3A_788 = tpu.vector_load %arg13[%get3A_786, %get3A_787] {strides = array<i32>} : memref<8x2048xf32, #tpu.memory_space<vmem>>, vector<16xf32>,
        %get3A_789 = arith.index_cast %scan3A_360 : i32 to index
        %get3A_790 = arith.constant 832 : index
        %get3A_791 = tpu.vector_load %arg14[%get3A_789, %get3A_790] {strides = array<i32>} : memref<8x2048xf32, #tpu.memory_space<vmem>>, vector<16xf32>,
        %mul3A_792 = arith.mulf %get3A_788, %get3A_791 : vector<16xf32>
        %add3A_793 = arith.addf %add3A_761, %mul3A_792 : vector<16xf32>
        %get3A_794 = arith.index_cast %scan3A_360 : i32 to index
        %get3A_795 = arith.constant 848 : index
        %get3A_796 = tpu.vector_load %arg13[%get3A_794, %get3A_795] {strides = array<i32>} : memref<8x2048xf32, #tpu.memory_space<vmem>>, vector<16xf32>,
        %get3A_797 = arith.index_cast %scan3A_360 : i32 to index
        %get3A_798 = arith.constant 848 : index
        %get3A_799 = tpu.vector_load %arg14[%get3A_797, %get3A_798] {strides = array<i32>} : memref<8x2048xf32, #tpu.memory_space<vmem>>, vector<16xf32>,
        %mul3A_800 = arith.mulf %get3A_796, %get3A_799 : vector<16xf32>
        %add3A_801 = arith.addf %add3A_769, %mul3A_800 : vector<16xf32>
        %get3A_802 = arith.index_cast %scan3A_360 : i32 to index
        %get3A_803 = arith.constant 864 : index
        %get3A_804 = tpu.vector_load %arg13[%get3A_802, %get3A_803] {strides = array<i32>} : memref<8x2048xf32, #tpu.memory_space<vmem>>, vector<16xf32>,
        %get3A_805 = arith.index_cast %scan3A_360 : i32 to index
        %get3A_806 = arith.constant 864 : index
        %get3A_807 = tpu.vector_load %arg14[%get3A_805, %get3A_806] {strides = array<i32>} : memref<8x2048xf32, #tpu.memory_space<vmem>>, vector<16xf32>,
        %mul3A_808 = arith.mulf %get3A_804, %get3A_807 : vector<16xf32>
        %add3A_809 = arith.addf %add3A_777, %mul3A_808 : vector<16xf32>
        %get3A_810 = arith.index_cast %scan3A_360 : i32 to index
        %get3A_811 = arith.constant 880 : index
        %get3A_812 = tpu.vector_load %arg13[%get3A_810, %get3A_811] {strides = array<i32>} : memref<8x2048xf32, #tpu.memory_space<vmem>>, vector<16xf32>,
        %get3A_813 = arith.index_cast %scan3A_360 : i32 to index
        %get3A_814 = arith.constant 880 : index
        %get3A_815 = tpu.vector_load %arg14[%get3A_813, %get3A_814] {strides = array<i32>} : memref<8x2048xf32, #tpu.memory_space<vmem>>, vector<16xf32>,
        %mul3A_816 = arith.mulf %get3A_812, %get3A_815 : vector<16xf32>
        %add3A_817 = arith.addf %add3A_785, %mul3A_816 : vector<16xf32>
        %get3A_818 = arith.index_cast %scan3A_360 : i32 to index
        %get3A_819 = arith.constant 896 : index
        %get3A_820 = tpu.vector_load %arg13[%get3A_818, %get3A_819] {strides = array<i32>} : memref<8x2048xf32, #tpu.memory_space<vmem>>, vector<16xf32>,
        %get3A_821 = arith.index_cast %scan3A_360 : i32 to index
        %get3A_822 = arith.constant 896 : index
        %get3A_823 = tpu.vector_load %arg14[%get3A_821, %get3A_822] {strides = array<i32>} : memref<8x2048xf32, #tpu.memory_space<vmem>>, vector<16xf32>,
        %mul3A_824 = arith.mulf %get3A_820, %get3A_823 : vector<16xf32>
        %add3A_825 = arith.addf %add3A_793, %mul3A_824 : vector<16xf32>
        %get3A_826 = arith.index_cast %scan3A_360 : i32 to index
        %get3A_827 = arith.constant 912 : index
        %get3A_828 = tpu.vector_load %arg13[%get3A_826, %get3A_827] {strides = array<i32>} : memref<8x2048xf32, #tpu.memory_space<vmem>>, vector<16xf32>,
        %get3A_829 = arith.index_cast %scan3A_360 : i32 to index
        %get3A_830 = arith.constant 912 : index
        %get3A_831 = tpu.vector_load %arg14[%get3A_829, %get3A_830] {strides = array<i32>} : memref<8x2048xf32, #tpu.memory_space<vmem>>, vector<16xf32>,
        %mul3A_832 = arith.mulf %get3A_828, %get3A_831 : vector<16xf32>
        %add3A_833 = arith.addf %add3A_801, %mul3A_832 : vector<16xf32>
        %get3A_834 = arith.index_cast %scan3A_360 : i32 to index
        %get3A_835 = arith.constant 928 : index
        %get3A_836 = tpu.vector_load %arg13[%get3A_834, %get3A_835] {strides = array<i32>} : memref<8x2048xf32, #tpu.memory_space<vmem>>, vector<16xf32>,
        %get3A_837 = arith.index_cast %scan3A_360 : i32 to index
        %get3A_838 = arith.constant 928 : index
        %get3A_839 = tpu.vector_load %arg14[%get3A_837, %get3A_838] {strides = array<i32>} : memref<8x2048xf32, #tpu.memory_space<vmem>>, vector<16xf32>,
        %mul3A_840 = arith.mulf %get3A_836, %get3A_839 : vector<16xf32>
        %add3A_841 = arith.addf %add3A_809, %mul3A_840 : vector<16xf32>
        %get3A_842 = arith.index_cast %scan3A_360 : i32 to index
        %get3A_843 = arith.constant 944 : index
        %get3A_844 = tpu.vector_load %arg13[%get3A_842, %get3A_843] {strides = array<i32>} : memref<8x2048xf32, #tpu.memory_space<vmem>>, vector<16xf32>,
        %get3A_845 = arith.index_cast %scan3A_360 : i32 to index
        %get3A_846 = arith.constant 944 : index
        %get3A_847 = tpu.vector_load %arg14[%get3A_845, %get3A_846] {strides = array<i32>} : memref<8x2048xf32, #tpu.memory_space<vmem>>, vector<16xf32>,
        %mul3A_848 = arith.mulf %get3A_844, %get3A_847 : vector<16xf32>
        %add3A_849 = arith.addf %add3A_817, %mul3A_848 : vector<16xf32>
        %get3A_850 = arith.index_cast %scan3A_360 : i32 to index
        %get3A_851 = arith.constant 960 : index
        %get3A_852 = tpu.vector_load %arg13[%get3A_850, %get3A_851] {strides = array<i32>} : memref<8x2048xf32, #tpu.memory_space<vmem>>, vector<16xf32>,
        %get3A_853 = arith.index_cast %scan3A_360 : i32 to index
        %get3A_854 = arith.constant 960 : index
        %get3A_855 = tpu.vector_load %arg14[%get3A_853, %get3A_854] {strides = array<i32>} : memref<8x2048xf32, #tpu.memory_space<vmem>>, vector<16xf32>,
        %mul3A_856 = arith.mulf %get3A_852, %get3A_855 : vector<16xf32>
        %add3A_857 = arith.addf %add3A_825, %mul3A_856 : vector<16xf32>
        %get3A_858 = arith.index_cast %scan3A_360 : i32 to index
        %get3A_859 = arith.constant 976 : index
        %get3A_860 = tpu.vector_load %arg13[%get3A_858, %get3A_859] {strides = array<i32>} : memref<8x2048xf32, #tpu.memory_space<vmem>>, vector<16xf32>,
        %get3A_861 = arith.index_cast %scan3A_360 : i32 to index
        %get3A_862 = arith.constant 976 : index
        %get3A_863 = tpu.vector_load %arg14[%get3A_861, %get3A_862] {strides = array<i32>} : memref<8x2048xf32, #tpu.memory_space<vmem>>, vector<16xf32>,
        %mul3A_864 = arith.mulf %get3A_860, %get3A_863 : vector<16xf32>
        %add3A_865 = arith.addf %add3A_833, %mul3A_864 : vector<16xf32>
        %get3A_866 = arith.index_cast %scan3A_360 : i32 to index
        %get3A_867 = arith.constant 992 : index
        %get3A_868 = tpu.vector_load %arg13[%get3A_866, %get3A_867] {strides = array<i32>} : memref<8x2048xf32, #tpu.memory_space<vmem>>, vector<16xf32>,
        %get3A_869 = arith.index_cast %scan3A_360 : i32 to index
        %get3A_870 = arith.constant 992 : index
        %get3A_871 = tpu.vector_load %arg14[%get3A_869, %get3A_870] {strides = array<i32>} : memref<8x2048xf32, #tpu.memory_space<vmem>>, vector<16xf32>,
        %mul3A_872 = arith.mulf %get3A_868, %get3A_871 : vector<16xf32>
        %add3A_873 = arith.addf %add3A_841, %mul3A_872 : vector<16xf32>
        %get3A_874 = arith.index_cast %scan3A_360 : i32 to index
        %get3A_875 = arith.constant 1008 : index
        %get3A_876 = tpu.vector_load %arg13[%get3A_874, %get3A_875] {strides = array<i32>} : memref<8x2048xf32, #tpu.memory_space<vmem>>, vector<16xf32>,
        %get3A_877 = arith.index_cast %scan3A_360 : i32 to index
        %get3A_878 = arith.constant 1008 : index
        %get3A_879 = tpu.vector_load %arg14[%get3A_877, %get3A_878] {strides = array<i32>} : memref<8x2048xf32, #tpu.memory_space<vmem>>, vector<16xf32>,
        %mul3A_880 = arith.mulf %get3A_876, %get3A_879 : vector<16xf32>
        %add3A_881 = arith.addf %add3A_849, %mul3A_880 : vector<16xf32>
        %get3A_882 = arith.index_cast %scan3A_360 : i32 to index
        %get3A_883 = arith.constant 1024 : index
        %get3A_884 = tpu.vector_load %arg13[%get3A_882, %get3A_883] {strides = array<i32>} : memref<8x2048xf32, #tpu.memory_space<vmem>>, vector<16xf32>,
        %get3A_885 = arith.index_cast %scan3A_360 : i32 to index
        %get3A_886 = arith.constant 1024 : index
        %get3A_887 = tpu.vector_load %arg14[%get3A_885, %get3A_886] {strides = array<i32>} : memref<8x2048xf32, #tpu.memory_space<vmem>>, vector<16xf32>,
        %mul3A_888 = arith.mulf %get3A_884, %get3A_887 : vector<16xf32>
        %add3A_889 = arith.addf %add3A_857, %mul3A_888 : vector<16xf32>
        %get3A_890 = arith.index_cast %scan3A_360 : i32 to index
        %get3A_891 = arith.constant 1040 : index
        %get3A_892 = tpu.vector_load %arg13[%get3A_890, %get3A_891] {strides = array<i32>} : memref<8x2048xf32, #tpu.memory_space<vmem>>, vector<16xf32>,
        %get3A_893 = arith.index_cast %scan3A_360 : i32 to index
        %get3A_894 = arith.constant 1040 : index
        %get3A_895 = tpu.vector_load %arg14[%get3A_893, %get3A_894] {strides = array<i32>} : memref<8x2048xf32, #tpu.memory_space<vmem>>, vector<16xf32>,
        %mul3A_896 = arith.mulf %get3A_892, %get3A_895 : vector<16xf32>
        %add3A_897 = arith.addf %add3A_865, %mul3A_896 : vector<16xf32>
        %get3A_898 = arith.index_cast %scan3A_360 : i32 to index
        %get3A_899 = arith.constant 1056 : index
        %get3A_900 = tpu.vector_load %arg13[%get3A_898, %get3A_899] {strides = array<i32>} : memref<8x2048xf32, #tpu.memory_space<vmem>>, vector<16xf32>,
        %get3A_901 = arith.index_cast %scan3A_360 : i32 to index
        %get3A_902 = arith.constant 1056 : index
        %get3A_903 = tpu.vector_load %arg14[%get3A_901, %get3A_902] {strides = array<i32>} : memref<8x2048xf32, #tpu.memory_space<vmem>>, vector<16xf32>,
        %mul3A_904 = arith.mulf %get3A_900, %get3A_903 : vector<16xf32>
        %add3A_905 = arith.addf %add3A_873, %mul3A_904 : vector<16xf32>
        %get3A_906 = arith.index_cast %scan3A_360 : i32 to index
        %get3A_907 = arith.constant 1072 : index
        %get3A_908 = tpu.vector_load %arg13[%get3A_906, %get3A_907] {strides = array<i32>} : memref<8x2048xf32, #tpu.memory_space<vmem>>, vector<16xf32>,
        %get3A_909 = arith.index_cast %scan3A_360 : i32 to index
        %get3A_910 = arith.constant 1072 : index
        %get3A_911 = tpu.vector_load %arg14[%get3A_909, %get3A_910] {strides = array<i32>} : memref<8x2048xf32, #tpu.memory_space<vmem>>, vector<16xf32>,
        %mul3A_912 = arith.mulf %get3A_908, %get3A_911 : vector<16xf32>
        %add3A_913 = arith.addf %add3A_881, %mul3A_912 : vector<16xf32>
        %get3A_914 = arith.index_cast %scan3A_360 : i32 to index
        %get3A_915 = arith.constant 1088 : index
        %get3A_916 = tpu.vector_load %arg13[%get3A_914, %get3A_915] {strides = array<i32>} : memref<8x2048xf32, #tpu.memory_space<vmem>>, vector<16xf32>,
        %get3A_917 = arith.index_cast %scan3A_360 : i32 to index
        %get3A_918 = arith.constant 1088 : index
        %get3A_919 = tpu.vector_load %arg14[%get3A_917, %get3A_918] {strides = array<i32>} : memref<8x2048xf32, #tpu.memory_space<vmem>>, vector<16xf32>,
        %mul3A_920 = arith.mulf %get3A_916, %get3A_919 : vector<16xf32>
        %add3A_921 = arith.addf %add3A_889, %mul3A_920 : vector<16xf32>
        %get3A_922 = arith.index_cast %scan3A_360 : i32 to index
        %get3A_923 = arith.constant 1104 : index
        %get3A_924 = tpu.vector_load %arg13[%get3A_922, %get3A_923] {strides = array<i32>} : memref<8x2048xf32, #tpu.memory_space<vmem>>, vector<16xf32>,
        %get3A_925 = arith.index_cast %scan3A_360 : i32 to index
        %get3A_926 = arith.constant 1104 : index
        %get3A_927 = tpu.vector_load %arg14[%get3A_925, %get3A_926] {strides = array<i32>} : memref<8x2048xf32, #tpu.memory_space<vmem>>, vector<16xf32>,
        %mul3A_928 = arith.mulf %get3A_924, %get3A_927 : vector<16xf32>
        %add3A_929 = arith.addf %add3A_897, %mul3A_928 : vector<16xf32>
        %get3A_930 = arith.index_cast %scan3A_360 : i32 to index
        %get3A_931 = arith.constant 1120 : index
        %get3A_932 = tpu.vector_load %arg13[%get3A_930, %get3A_931] {strides = array<i32>} : memref<8x2048xf32, #tpu.memory_space<vmem>>, vector<16xf32>,
        %get3A_933 = arith.index_cast %scan3A_360 : i32 to index
        %get3A_934 = arith.constant 1120 : index
        %get3A_935 = tpu.vector_load %arg14[%get3A_933, %get3A_934] {strides = array<i32>} : memref<8x2048xf32, #tpu.memory_space<vmem>>, vector<16xf32>,
        %mul3A_936 = arith.mulf %get3A_932, %get3A_935 : vector<16xf32>
        %add3A_937 = arith.addf %add3A_905, %mul3A_936 : vector<16xf32>
        %get3A_938 = arith.index_cast %scan3A_360 : i32 to index
        %get3A_939 = arith.constant 1136 : index
        %get3A_940 = tpu.vector_load %arg13[%get3A_938, %get3A_939] {strides = array<i32>} : memref<8x2048xf32, #tpu.memory_space<vmem>>, vector<16xf32>,
        %get3A_941 = arith.index_cast %scan3A_360 : i32 to index
        %get3A_942 = arith.constant 1136 : index
        %get3A_943 = tpu.vector_load %arg14[%get3A_941, %get3A_942] {strides = array<i32>} : memref<8x2048xf32, #tpu.memory_space<vmem>>, vector<16xf32>,
        %mul3A_944 = arith.mulf %get3A_940, %get3A_943 : vector<16xf32>
        %add3A_945 = arith.addf %add3A_913, %mul3A_944 : vector<16xf32>
        %get3A_946 = arith.index_cast %scan3A_360 : i32 to index
        %get3A_947 = arith.constant 1152 : index
        %get3A_948 = tpu.vector_load %arg13[%get3A_946, %get3A_947] {strides = array<i32>} : memref<8x2048xf32, #tpu.memory_space<vmem>>, vector<16xf32>,
        %get3A_949 = arith.index_cast %scan3A_360 : i32 to index
        %get3A_950 = arith.constant 1152 : index
        %get3A_951 = tpu.vector_load %arg14[%get3A_949, %get3A_950] {strides = array<i32>} : memref<8x2048xf32, #tpu.memory_space<vmem>>, vector<16xf32>,
        %mul3A_952 = arith.mulf %get3A_948, %get3A_951 : vector<16xf32>
        %add3A_953 = arith.addf %add3A_921, %mul3A_952 : vector<16xf32>
        %get3A_954 = arith.index_cast %scan3A_360 : i32 to index
        %get3A_955 = arith.constant 1168 : index
        %get3A_956 = tpu.vector_load %arg13[%get3A_954, %get3A_955] {strides = array<i32>} : memref<8x2048xf32, #tpu.memory_space<vmem>>, vector<16xf32>,
        %get3A_957 = arith.index_cast %scan3A_360 : i32 to index
        %get3A_958 = arith.constant 1168 : index
        %get3A_959 = tpu.vector_load %arg14[%get3A_957, %get3A_958] {strides = array<i32>} : memref<8x2048xf32, #tpu.memory_space<vmem>>, vector<16xf32>,
        %mul3A_960 = arith.mulf %get3A_956, %get3A_959 : vector<16xf32>
        %add3A_961 = arith.addf %add3A_929, %mul3A_960 : vector<16xf32>
        %get3A_962 = arith.index_cast %scan3A_360 : i32 to index
        %get3A_963 = arith.constant 1184 : index
        %get3A_964 = tpu.vector_load %arg13[%get3A_962, %get3A_963] {strides = array<i32>} : memref<8x2048xf32, #tpu.memory_space<vmem>>, vector<16xf32>,
        %get3A_965 = arith.index_cast %scan3A_360 : i32 to index
        %get3A_966 = arith.constant 1184 : index
        %get3A_967 = tpu.vector_load %arg14[%get3A_965, %get3A_966] {strides = array<i32>} : memref<8x2048xf32, #tpu.memory_space<vmem>>, vector<16xf32>,
        %mul3A_968 = arith.mulf %get3A_964, %get3A_967 : vector<16xf32>
        %add3A_969 = arith.addf %add3A_937, %mul3A_968 : vector<16xf32>
        %get3A_970 = arith.index_cast %scan3A_360 : i32 to index
        %get3A_971 = arith.constant 1200 : index
        %get3A_972 = tpu.vector_load %arg13[%get3A_970, %get3A_971] {strides = array<i32>} : memref<8x2048xf32, #tpu.memory_space<vmem>>, vector<16xf32>,
        %get3A_973 = arith.index_cast %scan3A_360 : i32 to index
        %get3A_974 = arith.constant 1200 : index
        %get3A_975 = tpu.vector_load %arg14[%get3A_973, %get3A_974] {strides = array<i32>} : memref<8x2048xf32, #tpu.memory_space<vmem>>, vector<16xf32>,
        %mul3A_976 = arith.mulf %get3A_972, %get3A_975 : vector<16xf32>
        %add3A_977 = arith.addf %add3A_945, %mul3A_976 : vector<16xf32>
        %get3A_978 = arith.index_cast %scan3A_360 : i32 to index
        %get3A_979 = arith.constant 1216 : index
        %get3A_980 = tpu.vector_load %arg13[%get3A_978, %get3A_979] {strides = array<i32>} : memref<8x2048xf32, #tpu.memory_space<vmem>>, vector<16xf32>,
        %get3A_981 = arith.index_cast %scan3A_360 : i32 to index
        %get3A_982 = arith.constant 1216 : index
        %get3A_983 = tpu.vector_load %arg14[%get3A_981, %get3A_982] {strides = array<i32>} : memref<8x2048xf32, #tpu.memory_space<vmem>>, vector<16xf32>,
        %mul3A_984 = arith.mulf %get3A_980, %get3A_983 : vector<16xf32>
        %add3A_985 = arith.addf %add3A_953, %mul3A_984 : vector<16xf32>
        %get3A_986 = arith.index_cast %scan3A_360 : i32 to index
        %get3A_987 = arith.constant 1232 : index
        %get3A_988 = tpu.vector_load %arg13[%get3A_986, %get3A_987] {strides = array<i32>} : memref<8x2048xf32, #tpu.memory_space<vmem>>, vector<16xf32>,
        %get3A_989 = arith.index_cast %scan3A_360 : i32 to index
        %get3A_990 = arith.constant 1232 : index
        %get3A_991 = tpu.vector_load %arg14[%get3A_989, %get3A_990] {strides = array<i32>} : memref<8x2048xf32, #tpu.memory_space<vmem>>, vector<16xf32>,
        %mul3A_992 = arith.mulf %get3A_988, %get3A_991 : vector<16xf32>
        %add3A_993 = arith.addf %add3A_961, %mul3A_992 : vector<16xf32>
        %get3A_994 = arith.index_cast %scan3A_360 : i32 to index
        %get3A_995 = arith.constant 1248 : index
        %get3A_996 = tpu.vector_load %arg13[%get3A_994, %get3A_995] {strides = array<i32>} : memref<8x2048xf32, #tpu.memory_space<vmem>>, vector<16xf32>,
        %get3A_997 = arith.index_cast %scan3A_360 : i32 to index
        %get3A_998 = arith.constant 1248 : index
        %get3A_999 = tpu.vector_load %arg14[%get3A_997, %get3A_998] {strides = array<i32>} : memref<8x2048xf32, #tpu.memory_space<vmem>>, vector<16xf32>,
        %mul3A_1000 = arith.mulf %get3A_996, %get3A_999 : vector<16xf32>
        %add3A_1001 = arith.addf %add3A_969, %mul3A_1000 : vector<16xf32>
        %get3A_1002 = arith.index_cast %scan3A_360 : i32 to index
        %get3A_1003 = arith.constant 1264 : index
        %get3A_1004 = tpu.vector_load %arg13[%get3A_1002, %get3A_1003] {strides = array<i32>} : memref<8x2048xf32, #tpu.memory_space<vmem>>, vector<16xf32>,
        %get3A_1005 = arith.index_cast %scan3A_360 : i32 to index
        %get3A_1006 = arith.constant 1264 : index
        %get3A_1007 = tpu.vector_load %arg14[%get3A_1005, %get3A_1006] {strides = array<i32>} : memref<8x2048xf32, #tpu.memory_space<vmem>>, vector<16xf32>,
        %mul3A_1008 = arith.mulf %get3A_1004, %get3A_1007 : vector<16xf32>
        %add3A_1009 = arith.addf %add3A_977, %mul3A_1008 : vector<16xf32>
        %get3A_1010 = arith.index_cast %scan3A_360 : i32 to index
        %get3A_1011 = arith.constant 1280 : index
        %get3A_1012 = tpu.vector_load %arg13[%get3A_1010, %get3A_1011] {strides = array<i32>} : memref<8x2048xf32, #tpu.memory_space<vmem>>, vector<16xf32>,
        %get3A_1013 = arith.index_cast %scan3A_360 : i32 to index
        %get3A_1014 = arith.constant 1280 : index
        %get3A_1015 = tpu.vector_load %arg14[%get3A_1013, %get3A_1014] {strides = array<i32>} : memref<8x2048xf32, #tpu.memory_space<vmem>>, vector<16xf32>,
        %mul3A_1016 = arith.mulf %get3A_1012, %get3A_1015 : vector<16xf32>
        %add3A_1017 = arith.addf %add3A_985, %mul3A_1016 : vector<16xf32>
        %get3A_1018 = arith.index_cast %scan3A_360 : i32 to index
        %get3A_1019 = arith.constant 1296 : index
        %get3A_1020 = tpu.vector_load %arg13[%get3A_1018, %get3A_1019] {strides = array<i32>} : memref<8x2048xf32, #tpu.memory_space<vmem>>, vector<16xf32>,
        %get3A_1021 = arith.index_cast %scan3A_360 : i32 to index
        %get3A_1022 = arith.constant 1296 : index
        %get3A_1023 = tpu.vector_load %arg14[%get3A_1021, %get3A_1022] {strides = array<i32>} : memref<8x2048xf32, #tpu.memory_space<vmem>>, vector<16xf32>,
        %mul3A_1024 = arith.mulf %get3A_1020, %get3A_1023 : vector<16xf32>
        %add3A_1025 = arith.addf %add3A_993, %mul3A_1024 : vector<16xf32>
        %get3A_1026 = arith.index_cast %scan3A_360 : i32 to index
        %get3A_1027 = arith.constant 1312 : index
        %get3A_1028 = tpu.vector_load %arg13[%get3A_1026, %get3A_1027] {strides = array<i32>} : memref<8x2048xf32, #tpu.memory_space<vmem>>, vector<16xf32>,
        %get3A_1029 = arith.index_cast %scan3A_360 : i32 to index
        %get3A_1030 = arith.constant 1312 : index
        %get3A_1031 = tpu.vector_load %arg14[%get3A_1029, %get3A_1030] {strides = array<i32>} : memref<8x2048xf32, #tpu.memory_space<vmem>>, vector<16xf32>,
        %mul3A_1032 = arith.mulf %get3A_1028, %get3A_1031 : vector<16xf32>
        %add3A_1033 = arith.addf %add3A_1001, %mul3A_1032 : vector<16xf32>
        %get3A_1034 = arith.index_cast %scan3A_360 : i32 to index
        %get3A_1035 = arith.constant 1328 : index
        %get3A_1036 = tpu.vector_load %arg13[%get3A_1034, %get3A_1035] {strides = array<i32>} : memref<8x2048xf32, #tpu.memory_space<vmem>>, vector<16xf32>,
        %get3A_1037 = arith.index_cast %scan3A_360 : i32 to index
        %get3A_1038 = arith.constant 1328 : index
        %get3A_1039 = tpu.vector_load %arg14[%get3A_1037, %get3A_1038] {strides = array<i32>} : memref<8x2048xf32, #tpu.memory_space<vmem>>, vector<16xf32>,
        %mul3A_1040 = arith.mulf %get3A_1036, %get3A_1039 : vector<16xf32>
        %add3A_1041 = arith.addf %add3A_1009, %mul3A_1040 : vector<16xf32>
        %get3A_1042 = arith.index_cast %scan3A_360 : i32 to index
        %get3A_1043 = arith.constant 1344 : index
        %get3A_1044 = tpu.vector_load %arg13[%get3A_1042, %get3A_1043] {strides = array<i32>} : memref<8x2048xf32, #tpu.memory_space<vmem>>, vector<16xf32>,
        %get3A_1045 = arith.index_cast %scan3A_360 : i32 to index
        %get3A_1046 = arith.constant 1344 : index
        %get3A_1047 = tpu.vector_load %arg14[%get3A_1045, %get3A_1046] {strides = array<i32>} : memref<8x2048xf32, #tpu.memory_space<vmem>>, vector<16xf32>,
        %mul3A_1048 = arith.mulf %get3A_1044, %get3A_1047 : vector<16xf32>
        %add3A_1049 = arith.addf %add3A_1017, %mul3A_1048 : vector<16xf32>
        %get3A_1050 = arith.index_cast %scan3A_360 : i32 to index
        %get3A_1051 = arith.constant 1360 : index
        %get3A_1052 = tpu.vector_load %arg13[%get3A_1050, %get3A_1051] {strides = array<i32>} : memref<8x2048xf32, #tpu.memory_space<vmem>>, vector<16xf32>,
        %get3A_1053 = arith.index_cast %scan3A_360 : i32 to index
        %get3A_1054 = arith.constant 1360 : index
        %get3A_1055 = tpu.vector_load %arg14[%get3A_1053, %get3A_1054] {strides = array<i32>} : memref<8x2048xf32, #tpu.memory_space<vmem>>, vector<16xf32>,
        %mul3A_1056 = arith.mulf %get3A_1052, %get3A_1055 : vector<16xf32>
        %add3A_1057 = arith.addf %add3A_1025, %mul3A_1056 : vector<16xf32>
        %get3A_1058 = arith.index_cast %scan3A_360 : i32 to index
        %get3A_1059 = arith.constant 1376 : index
        %get3A_1060 = tpu.vector_load %arg13[%get3A_1058, %get3A_1059] {strides = array<i32>} : memref<8x2048xf32, #tpu.memory_space<vmem>>, vector<16xf32>,
        %get3A_1061 = arith.index_cast %scan3A_360 : i32 to index
        %get3A_1062 = arith.constant 1376 : index
        %get3A_1063 = tpu.vector_load %arg14[%get3A_1061, %get3A_1062] {strides = array<i32>} : memref<8x2048xf32, #tpu.memory_space<vmem>>, vector<16xf32>,
        %mul3A_1064 = arith.mulf %get3A_1060, %get3A_1063 : vector<16xf32>
        %add3A_1065 = arith.addf %add3A_1033, %mul3A_1064 : vector<16xf32>
        %get3A_1066 = arith.index_cast %scan3A_360 : i32 to index
        %get3A_1067 = arith.constant 1392 : index
        %get3A_1068 = tpu.vector_load %arg13[%get3A_1066, %get3A_1067] {strides = array<i32>} : memref<8x2048xf32, #tpu.memory_space<vmem>>, vector<16xf32>,
        %get3A_1069 = arith.index_cast %scan3A_360 : i32 to index
        %get3A_1070 = arith.constant 1392 : index
        %get3A_1071 = tpu.vector_load %arg14[%get3A_1069, %get3A_1070] {strides = array<i32>} : memref<8x2048xf32, #tpu.memory_space<vmem>>, vector<16xf32>,
        %mul3A_1072 = arith.mulf %get3A_1068, %get3A_1071 : vector<16xf32>
        %add3A_1073 = arith.addf %add3A_1041, %mul3A_1072 : vector<16xf32>
        %get3A_1074 = arith.index_cast %scan3A_360 : i32 to index
        %get3A_1075 = arith.constant 1408 : index
        %get3A_1076 = tpu.vector_load %arg13[%get3A_1074, %get3A_1075] {strides = array<i32>} : memref<8x2048xf32, #tpu.memory_space<vmem>>, vector<16xf32>,
        %get3A_1077 = arith.index_cast %scan3A_360 : i32 to index
        %get3A_1078 = arith.constant 1408 : index
        %get3A_1079 = tpu.vector_load %arg14[%get3A_1077, %get3A_1078] {strides = array<i32>} : memref<8x2048xf32, #tpu.memory_space<vmem>>, vector<16xf32>,
        %mul3A_1080 = arith.mulf %get3A_1076, %get3A_1079 : vector<16xf32>
        %add3A_1081 = arith.addf %add3A_1049, %mul3A_1080 : vector<16xf32>
        %get3A_1082 = arith.index_cast %scan3A_360 : i32 to index
        %get3A_1083 = arith.constant 1424 : index
        %get3A_1084 = tpu.vector_load %arg13[%get3A_1082, %get3A_1083] {strides = array<i32>} : memref<8x2048xf32, #tpu.memory_space<vmem>>, vector<16xf32>,
        %get3A_1085 = arith.index_cast %scan3A_360 : i32 to index
        %get3A_1086 = arith.constant 1424 : index
        %get3A_1087 = tpu.vector_load %arg14[%get3A_1085, %get3A_1086] {strides = array<i32>} : memref<8x2048xf32, #tpu.memory_space<vmem>>, vector<16xf32>,
        %mul3A_1088 = arith.mulf %get3A_1084, %get3A_1087 : vector<16xf32>
        %add3A_1089 = arith.addf %add3A_1057, %mul3A_1088 : vector<16xf32>
        %get3A_1090 = arith.index_cast %scan3A_360 : i32 to index
        %get3A_1091 = arith.constant 1440 : index
        %get3A_1092 = tpu.vector_load %arg13[%get3A_1090, %get3A_1091] {strides = array<i32>} : memref<8x2048xf32, #tpu.memory_space<vmem>>, vector<16xf32>,
        %get3A_1093 = arith.index_cast %scan3A_360 : i32 to index
        %get3A_1094 = arith.constant 1440 : index
        %get3A_1095 = tpu.vector_load %arg14[%get3A_1093, %get3A_1094] {strides = array<i32>} : memref<8x2048xf32, #tpu.memory_space<vmem>>, vector<16xf32>,
        %mul3A_1096 = arith.mulf %get3A_1092, %get3A_1095 : vector<16xf32>
        %add3A_1097 = arith.addf %add3A_1065, %mul3A_1096 : vector<16xf32>
        %get3A_1098 = arith.index_cast %scan3A_360 : i32 to index
        %get3A_1099 = arith.constant 1456 : index
        %get3A_1100 = tpu.vector_load %arg13[%get3A_1098, %get3A_1099] {strides = array<i32>} : memref<8x2048xf32, #tpu.memory_space<vmem>>, vector<16xf32>,
        %get3A_1101 = arith.index_cast %scan3A_360 : i32 to index
        %get3A_1102 = arith.constant 1456 : index
        %get3A_1103 = tpu.vector_load %arg14[%get3A_1101, %get3A_1102] {strides = array<i32>} : memref<8x2048xf32, #tpu.memory_space<vmem>>, vector<16xf32>,
        %mul3A_1104 = arith.mulf %get3A_1100, %get3A_1103 : vector<16xf32>
        %add3A_1105 = arith.addf %add3A_1073, %mul3A_1104 : vector<16xf32>
        %get3A_1106 = arith.index_cast %scan3A_360 : i32 to index
        %get3A_1107 = arith.constant 1472 : index
        %get3A_1108 = tpu.vector_load %arg13[%get3A_1106, %get3A_1107] {strides = array<i32>} : memref<8x2048xf32, #tpu.memory_space<vmem>>, vector<16xf32>,
        %get3A_1109 = arith.index_cast %scan3A_360 : i32 to index
        %get3A_1110 = arith.constant 1472 : index
        %get3A_1111 = tpu.vector_load %arg14[%get3A_1109, %get3A_1110] {strides = array<i32>} : memref<8x2048xf32, #tpu.memory_space<vmem>>, vector<16xf32>,
        %mul3A_1112 = arith.mulf %get3A_1108, %get3A_1111 : vector<16xf32>
        %add3A_1113 = arith.addf %add3A_1081, %mul3A_1112 : vector<16xf32>
        %get3A_1114 = arith.index_cast %scan3A_360 : i32 to index
        %get3A_1115 = arith.constant 1488 : index
        %get3A_1116 = tpu.vector_load %arg13[%get3A_1114, %get3A_1115] {strides = array<i32>} : memref<8x2048xf32, #tpu.memory_space<vmem>>, vector<16xf32>,
        %get3A_1117 = arith.index_cast %scan3A_360 : i32 to index
        %get3A_1118 = arith.constant 1488 : index
        %get3A_1119 = tpu.vector_load %arg14[%get3A_1117, %get3A_1118] {strides = array<i32>} : memref<8x2048xf32, #tpu.memory_space<vmem>>, vector<16xf32>,
        %mul3A_1120 = arith.mulf %get3A_1116, %get3A_1119 : vector<16xf32>
        %add3A_1121 = arith.addf %add3A_1089, %mul3A_1120 : vector<16xf32>
        %get3A_1122 = arith.index_cast %scan3A_360 : i32 to index
        %get3A_1123 = arith.constant 1504 : index
        %get3A_1124 = tpu.vector_load %arg13[%get3A_1122, %get3A_1123] {strides = array<i32>} : memref<8x2048xf32, #tpu.memory_space<vmem>>, vector<16xf32>,
        %get3A_1125 = arith.index_cast %scan3A_360 : i32 to index
        %get3A_1126 = arith.constant 1504 : index
        %get3A_1127 = tpu.vector_load %arg14[%get3A_1125, %get3A_1126] {strides = array<i32>} : memref<8x2048xf32, #tpu.memory_space<vmem>>, vector<16xf32>,
        %mul3A_1128 = arith.mulf %get3A_1124, %get3A_1127 : vector<16xf32>
        %add3A_1129 = arith.addf %add3A_1097, %mul3A_1128 : vector<16xf32>
        %get3A_1130 = arith.index_cast %scan3A_360 : i32 to index
        %get3A_1131 = arith.constant 1520 : index
        %get3A_1132 = tpu.vector_load %arg13[%get3A_1130, %get3A_1131] {strides = array<i32>} : memref<8x2048xf32, #tpu.memory_space<vmem>>, vector<16xf32>,
        %get3A_1133 = arith.index_cast %scan3A_360 : i32 to index
        %get3A_1134 = arith.constant 1520 : index
        %get3A_1135 = tpu.vector_load %arg14[%get3A_1133, %get3A_1134] {strides = array<i32>} : memref<8x2048xf32, #tpu.memory_space<vmem>>, vector<16xf32>,
        %mul3A_1136 = arith.mulf %get3A_1132, %get3A_1135 : vector<16xf32>
        %add3A_1137 = arith.addf %add3A_1105, %mul3A_1136 : vector<16xf32>
        %get3A_1138 = arith.index_cast %scan3A_360 : i32 to index
        %get3A_1139 = arith.constant 1536 : index
        %get3A_1140 = tpu.vector_load %arg13[%get3A_1138, %get3A_1139] {strides = array<i32>} : memref<8x2048xf32, #tpu.memory_space<vmem>>, vector<16xf32>,
        %get3A_1141 = arith.index_cast %scan3A_360 : i32 to index
        %get3A_1142 = arith.constant 1536 : index
        %get3A_1143 = tpu.vector_load %arg14[%get3A_1141, %get3A_1142] {strides = array<i32>} : memref<8x2048xf32, #tpu.memory_space<vmem>>, vector<16xf32>,
        %mul3A_1144 = arith.mulf %get3A_1140, %get3A_1143 : vector<16xf32>
        %add3A_1145 = arith.addf %add3A_1113, %mul3A_1144 : vector<16xf32>
        %get3A_1146 = arith.index_cast %scan3A_360 : i32 to index
        %get3A_1147 = arith.constant 1552 : index
        %get3A_1148 = tpu.vector_load %arg13[%get3A_1146, %get3A_1147] {strides = array<i32>} : memref<8x2048xf32, #tpu.memory_space<vmem>>, vector<16xf32>,
        %get3A_1149 = arith.index_cast %scan3A_360 : i32 to index
        %get3A_1150 = arith.constant 1552 : index
        %get3A_1151 = tpu.vector_load %arg14[%get3A_1149, %get3A_1150] {strides = array<i32>} : memref<8x2048xf32, #tpu.memory_space<vmem>>, vector<16xf32>,
        %mul3A_1152 = arith.mulf %get3A_1148, %get3A_1151 : vector<16xf32>
        %add3A_1153 = arith.addf %add3A_1121, %mul3A_1152 : vector<16xf32>
        %get3A_1154 = arith.index_cast %scan3A_360 : i32 to index
        %get3A_1155 = arith.constant 1568 : index
        %get3A_1156 = tpu.vector_load %arg13[%get3A_1154, %get3A_1155] {strides = array<i32>} : memref<8x2048xf32, #tpu.memory_space<vmem>>, vector<16xf32>,
        %get3A_1157 = arith.index_cast %scan3A_360 : i32 to index
        %get3A_1158 = arith.constant 1568 : index
        %get3A_1159 = tpu.vector_load %arg14[%get3A_1157, %get3A_1158] {strides = array<i32>} : memref<8x2048xf32, #tpu.memory_space<vmem>>, vector<16xf32>,
        %mul3A_1160 = arith.mulf %get3A_1156, %get3A_1159 : vector<16xf32>
        %add3A_1161 = arith.addf %add3A_1129, %mul3A_1160 : vector<16xf32>
        %get3A_1162 = arith.index_cast %scan3A_360 : i32 to index
        %get3A_1163 = arith.constant 1584 : index
        %get3A_1164 = tpu.vector_load %arg13[%get3A_1162, %get3A_1163] {strides = array<i32>} : memref<8x2048xf32, #tpu.memory_space<vmem>>, vector<16xf32>,
        %get3A_1165 = arith.index_cast %scan3A_360 : i32 to index
        %get3A_1166 = arith.constant 1584 : index
        %get3A_1167 = tpu.vector_load %arg14[%get3A_1165, %get3A_1166] {strides = array<i32>} : memref<8x2048xf32, #tpu.memory_space<vmem>>, vector<16xf32>,
        %mul3A_1168 = arith.mulf %get3A_1164, %get3A_1167 : vector<16xf32>
        %add3A_1169 = arith.addf %add3A_1137, %mul3A_1168 : vector<16xf32>
        %get3A_1170 = arith.index_cast %scan3A_360 : i32 to index
        %get3A_1171 = arith.constant 1600 : index
        %get3A_1172 = tpu.vector_load %arg13[%get3A_1170, %get3A_1171] {strides = array<i32>} : memref<8x2048xf32, #tpu.memory_space<vmem>>, vector<16xf32>,
        %get3A_1173 = arith.index_cast %scan3A_360 : i32 to index
        %get3A_1174 = arith.constant 1600 : index
        %get3A_1175 = tpu.vector_load %arg14[%get3A_1173, %get3A_1174] {strides = array<i32>} : memref<8x2048xf32, #tpu.memory_space<vmem>>, vector<16xf32>,
        %mul3A_1176 = arith.mulf %get3A_1172, %get3A_1175 : vector<16xf32>
        %add3A_1177 = arith.addf %add3A_1145, %mul3A_1176 : vector<16xf32>
        %get3A_1178 = arith.index_cast %scan3A_360 : i32 to index
        %get3A_1179 = arith.constant 1616 : index
        %get3A_1180 = tpu.vector_load %arg13[%get3A_1178, %get3A_1179] {strides = array<i32>} : memref<8x2048xf32, #tpu.memory_space<vmem>>, vector<16xf32>,
        %get3A_1181 = arith.index_cast %scan3A_360 : i32 to index
        %get3A_1182 = arith.constant 1616 : index
        %get3A_1183 = tpu.vector_load %arg14[%get3A_1181, %get3A_1182] {strides = array<i32>} : memref<8x2048xf32, #tpu.memory_space<vmem>>, vector<16xf32>,
        %mul3A_1184 = arith.mulf %get3A_1180, %get3A_1183 : vector<16xf32>
        %add3A_1185 = arith.addf %add3A_1153, %mul3A_1184 : vector<16xf32>
        %get3A_1186 = arith.index_cast %scan3A_360 : i32 to index
        %get3A_1187 = arith.constant 1632 : index
        %get3A_1188 = tpu.vector_load %arg13[%get3A_1186, %get3A_1187] {strides = array<i32>} : memref<8x2048xf32, #tpu.memory_space<vmem>>, vector<16xf32>,
        %get3A_1189 = arith.index_cast %scan3A_360 : i32 to index
        %get3A_1190 = arith.constant 1632 : index
        %get3A_1191 = tpu.vector_load %arg14[%get3A_1189, %get3A_1190] {strides = array<i32>} : memref<8x2048xf32, #tpu.memory_space<vmem>>, vector<16xf32>,
        %mul3A_1192 = arith.mulf %get3A_1188, %get3A_1191 : vector<16xf32>
        %add3A_1193 = arith.addf %add3A_1161, %mul3A_1192 : vector<16xf32>
        %get3A_1194 = arith.index_cast %scan3A_360 : i32 to index
        %get3A_1195 = arith.constant 1648 : index
        %get3A_1196 = tpu.vector_load %arg13[%get3A_1194, %get3A_1195] {strides = array<i32>} : memref<8x2048xf32, #tpu.memory_space<vmem>>, vector<16xf32>,
        %get3A_1197 = arith.index_cast %scan3A_360 : i32 to index
        %get3A_1198 = arith.constant 1648 : index
        %get3A_1199 = tpu.vector_load %arg14[%get3A_1197, %get3A_1198] {strides = array<i32>} : memref<8x2048xf32, #tpu.memory_space<vmem>>, vector<16xf32>,
        %mul3A_1200 = arith.mulf %get3A_1196, %get3A_1199 : vector<16xf32>
        %add3A_1201 = arith.addf %add3A_1169, %mul3A_1200 : vector<16xf32>
        %get3A_1202 = arith.index_cast %scan3A_360 : i32 to index
        %get3A_1203 = arith.constant 1664 : index
        %get3A_1204 = tpu.vector_load %arg13[%get3A_1202, %get3A_1203] {strides = array<i32>} : memref<8x2048xf32, #tpu.memory_space<vmem>>, vector<16xf32>,
        %get3A_1205 = arith.index_cast %scan3A_360 : i32 to index
        %get3A_1206 = arith.constant 1664 : index
        %get3A_1207 = tpu.vector_load %arg14[%get3A_1205, %get3A_1206] {strides = array<i32>} : memref<8x2048xf32, #tpu.memory_space<vmem>>, vector<16xf32>,
        %mul3A_1208 = arith.mulf %get3A_1204, %get3A_1207 : vector<16xf32>
        %add3A_1209 = arith.addf %add3A_1177, %mul3A_1208 : vector<16xf32>
        %get3A_1210 = arith.index_cast %scan3A_360 : i32 to index
        %get3A_1211 = arith.constant 1680 : index
        %get3A_1212 = tpu.vector_load %arg13[%get3A_1210, %get3A_1211] {strides = array<i32>} : memref<8x2048xf32, #tpu.memory_space<vmem>>, vector<16xf32>,
        %get3A_1213 = arith.index_cast %scan3A_360 : i32 to index
        %get3A_1214 = arith.constant 1680 : index
        %get3A_1215 = tpu.vector_load %arg14[%get3A_1213, %get3A_1214] {strides = array<i32>} : memref<8x2048xf32, #tpu.memory_space<vmem>>, vector<16xf32>,
        %mul3A_1216 = arith.mulf %get3A_1212, %get3A_1215 : vector<16xf32>
        %add3A_1217 = arith.addf %add3A_1185, %mul3A_1216 : vector<16xf32>
        %get3A_1218 = arith.index_cast %scan3A_360 : i32 to index
        %get3A_1219 = arith.constant 1696 : index
        %get3A_1220 = tpu.vector_load %arg13[%get3A_1218, %get3A_1219] {strides = array<i32>} : memref<8x2048xf32, #tpu.memory_space<vmem>>, vector<16xf32>,
        %get3A_1221 = arith.index_cast %scan3A_360 : i32 to index
        %get3A_1222 = arith.constant 1696 : index
        %get3A_1223 = tpu.vector_load %arg14[%get3A_1221, %get3A_1222] {strides = array<i32>} : memref<8x2048xf32, #tpu.memory_space<vmem>>, vector<16xf32>,
        %mul3A_1224 = arith.mulf %get3A_1220, %get3A_1223 : vector<16xf32>
        %add3A_1225 = arith.addf %add3A_1193, %mul3A_1224 : vector<16xf32>
        %get3A_1226 = arith.index_cast %scan3A_360 : i32 to index
        %get3A_1227 = arith.constant 1712 : index
        %get3A_1228 = tpu.vector_load %arg13[%get3A_1226, %get3A_1227] {strides = array<i32>} : memref<8x2048xf32, #tpu.memory_space<vmem>>, vector<16xf32>,
        %get3A_1229 = arith.index_cast %scan3A_360 : i32 to index
        %get3A_1230 = arith.constant 1712 : index
        %get3A_1231 = tpu.vector_load %arg14[%get3A_1229, %get3A_1230] {strides = array<i32>} : memref<8x2048xf32, #tpu.memory_space<vmem>>, vector<16xf32>,
        %mul3A_1232 = arith.mulf %get3A_1228, %get3A_1231 : vector<16xf32>
        %add3A_1233 = arith.addf %add3A_1201, %mul3A_1232 : vector<16xf32>
        %get3A_1234 = arith.index_cast %scan3A_360 : i32 to index
        %get3A_1235 = arith.constant 1728 : index
        %get3A_1236 = tpu.vector_load %arg13[%get3A_1234, %get3A_1235] {strides = array<i32>} : memref<8x2048xf32, #tpu.memory_space<vmem>>, vector<16xf32>,
        %get3A_1237 = arith.index_cast %scan3A_360 : i32 to index
        %get3A_1238 = arith.constant 1728 : index
        %get3A_1239 = tpu.vector_load %arg14[%get3A_1237, %get3A_1238] {strides = array<i32>} : memref<8x2048xf32, #tpu.memory_space<vmem>>, vector<16xf32>,
        %mul3A_1240 = arith.mulf %get3A_1236, %get3A_1239 : vector<16xf32>
        %add3A_1241 = arith.addf %add3A_1209, %mul3A_1240 : vector<16xf32>
        %get3A_1242 = arith.index_cast %scan3A_360 : i32 to index
        %get3A_1243 = arith.constant 1744 : index
        %get3A_1244 = tpu.vector_load %arg13[%get3A_1242, %get3A_1243] {strides = array<i32>} : memref<8x2048xf32, #tpu.memory_space<vmem>>, vector<16xf32>,
        %get3A_1245 = arith.index_cast %scan3A_360 : i32 to index
        %get3A_1246 = arith.constant 1744 : index
        %get3A_1247 = tpu.vector_load %arg14[%get3A_1245, %get3A_1246] {strides = array<i32>} : memref<8x2048xf32, #tpu.memory_space<vmem>>, vector<16xf32>,
        %mul3A_1248 = arith.mulf %get3A_1244, %get3A_1247 : vector<16xf32>
        %add3A_1249 = arith.addf %add3A_1217, %mul3A_1248 : vector<16xf32>
        %get3A_1250 = arith.index_cast %scan3A_360 : i32 to index
        %get3A_1251 = arith.constant 1760 : index
        %get3A_1252 = tpu.vector_load %arg13[%get3A_1250, %get3A_1251] {strides = array<i32>} : memref<8x2048xf32, #tpu.memory_space<vmem>>, vector<16xf32>,
        %get3A_1253 = arith.index_cast %scan3A_360 : i32 to index
        %get3A_1254 = arith.constant 1760 : index
        %get3A_1255 = tpu.vector_load %arg14[%get3A_1253, %get3A_1254] {strides = array<i32>} : memref<8x2048xf32, #tpu.memory_space<vmem>>, vector<16xf32>,
        %mul3A_1256 = arith.mulf %get3A_1252, %get3A_1255 : vector<16xf32>
        %add3A_1257 = arith.addf %add3A_1225, %mul3A_1256 : vector<16xf32>
        %get3A_1258 = arith.index_cast %scan3A_360 : i32 to index
        %get3A_1259 = arith.constant 1776 : index
        %get3A_1260 = tpu.vector_load %arg13[%get3A_1258, %get3A_1259] {strides = array<i32>} : memref<8x2048xf32, #tpu.memory_space<vmem>>, vector<16xf32>,
        %get3A_1261 = arith.index_cast %scan3A_360 : i32 to index
        %get3A_1262 = arith.constant 1776 : index
        %get3A_1263 = tpu.vector_load %arg14[%get3A_1261, %get3A_1262] {strides = array<i32>} : memref<8x2048xf32, #tpu.memory_space<vmem>>, vector<16xf32>,
        %mul3A_1264 = arith.mulf %get3A_1260, %get3A_1263 : vector<16xf32>
        %add3A_1265 = arith.addf %add3A_1233, %mul3A_1264 : vector<16xf32>
        %get3A_1266 = arith.index_cast %scan3A_360 : i32 to index
        %get3A_1267 = arith.constant 1792 : index
        %get3A_1268 = tpu.vector_load %arg13[%get3A_1266, %get3A_1267] {strides = array<i32>} : memref<8x2048xf32, #tpu.memory_space<vmem>>, vector<16xf32>,
        %get3A_1269 = arith.index_cast %scan3A_360 : i32 to index
        %get3A_1270 = arith.constant 1792 : index
        %get3A_1271 = tpu.vector_load %arg14[%get3A_1269, %get3A_1270] {strides = array<i32>} : memref<8x2048xf32, #tpu.memory_space<vmem>>, vector<16xf32>,
        %mul3A_1272 = arith.mulf %get3A_1268, %get3A_1271 : vector<16xf32>
        %add3A_1273 = arith.addf %add3A_1241, %mul3A_1272 : vector<16xf32>
        %get3A_1274 = arith.index_cast %scan3A_360 : i32 to index
        %get3A_1275 = arith.constant 1808 : index
        %get3A_1276 = tpu.vector_load %arg13[%get3A_1274, %get3A_1275] {strides = array<i32>} : memref<8x2048xf32, #tpu.memory_space<vmem>>, vector<16xf32>,
        %get3A_1277 = arith.index_cast %scan3A_360 : i32 to index
        %get3A_1278 = arith.constant 1808 : index
        %get3A_1279 = tpu.vector_load %arg14[%get3A_1277, %get3A_1278] {strides = array<i32>} : memref<8x2048xf32, #tpu.memory_space<vmem>>, vector<16xf32>,
        %mul3A_1280 = arith.mulf %get3A_1276, %get3A_1279 : vector<16xf32>
        %add3A_1281 = arith.addf %add3A_1249, %mul3A_1280 : vector<16xf32>
        %get3A_1282 = arith.index_cast %scan3A_360 : i32 to index
        %get3A_1283 = arith.constant 1824 : index
        %get3A_1284 = tpu.vector_load %arg13[%get3A_1282, %get3A_1283] {strides = array<i32>} : memref<8x2048xf32, #tpu.memory_space<vmem>>, vector<16xf32>,
        %get3A_1285 = arith.index_cast %scan3A_360 : i32 to index
        %get3A_1286 = arith.constant 1824 : index
        %get3A_1287 = tpu.vector_load %arg14[%get3A_1285, %get3A_1286] {strides = array<i32>} : memref<8x2048xf32, #tpu.memory_space<vmem>>, vector<16xf32>,
        %mul3A_1288 = arith.mulf %get3A_1284, %get3A_1287 : vector<16xf32>
        %add3A_1289 = arith.addf %add3A_1257, %mul3A_1288 : vector<16xf32>
        %get3A_1290 = arith.index_cast %scan3A_360 : i32 to index
        %get3A_1291 = arith.constant 1840 : index
        %get3A_1292 = tpu.vector_load %arg13[%get3A_1290, %get3A_1291] {strides = array<i32>} : memref<8x2048xf32, #tpu.memory_space<vmem>>, vector<16xf32>,
        %get3A_1293 = arith.index_cast %scan3A_360 : i32 to index
        %get3A_1294 = arith.constant 1840 : index
        %get3A_1295 = tpu.vector_load %arg14[%get3A_1293, %get3A_1294] {strides = array<i32>} : memref<8x2048xf32, #tpu.memory_space<vmem>>, vector<16xf32>,
        %mul3A_1296 = arith.mulf %get3A_1292, %get3A_1295 : vector<16xf32>
        %add3A_1297 = arith.addf %add3A_1265, %mul3A_1296 : vector<16xf32>
        %get3A_1298 = arith.index_cast %scan3A_360 : i32 to index
        %get3A_1299 = arith.constant 1856 : index
        %get3A_1300 = tpu.vector_load %arg13[%get3A_1298, %get3A_1299] {strides = array<i32>} : memref<8x2048xf32, #tpu.memory_space<vmem>>, vector<16xf32>,
        %get3A_1301 = arith.index_cast %scan3A_360 : i32 to index
        %get3A_1302 = arith.constant 1856 : index
        %get3A_1303 = tpu.vector_load %arg14[%get3A_1301, %get3A_1302] {strides = array<i32>} : memref<8x2048xf32, #tpu.memory_space<vmem>>, vector<16xf32>,
        %mul3A_1304 = arith.mulf %get3A_1300, %get3A_1303 : vector<16xf32>
        %add3A_1305 = arith.addf %add3A_1273, %mul3A_1304 : vector<16xf32>
        %get3A_1306 = arith.index_cast %scan3A_360 : i32 to index
        %get3A_1307 = arith.constant 1872 : index
        %get3A_1308 = tpu.vector_load %arg13[%get3A_1306, %get3A_1307] {strides = array<i32>} : memref<8x2048xf32, #tpu.memory_space<vmem>>, vector<16xf32>,
        %get3A_1309 = arith.index_cast %scan3A_360 : i32 to index
        %get3A_1310 = arith.constant 1872 : index
        %get3A_1311 = tpu.vector_load %arg14[%get3A_1309, %get3A_1310] {strides = array<i32>} : memref<8x2048xf32, #tpu.memory_space<vmem>>, vector<16xf32>,
        %mul3A_1312 = arith.mulf %get3A_1308, %get3A_1311 : vector<16xf32>
        %add3A_1313 = arith.addf %add3A_1281, %mul3A_1312 : vector<16xf32>
        %get3A_1314 = arith.index_cast %scan3A_360 : i32 to index
        %get3A_1315 = arith.constant 1888 : index
        %get3A_1316 = tpu.vector_load %arg13[%get3A_1314, %get3A_1315] {strides = array<i32>} : memref<8x2048xf32, #tpu.memory_space<vmem>>, vector<16xf32>,
        %get3A_1317 = arith.index_cast %scan3A_360 : i32 to index
        %get3A_1318 = arith.constant 1888 : index
        %get3A_1319 = tpu.vector_load %arg14[%get3A_1317, %get3A_1318] {strides = array<i32>} : memref<8x2048xf32, #tpu.memory_space<vmem>>, vector<16xf32>,
        %mul3A_1320 = arith.mulf %get3A_1316, %get3A_1319 : vector<16xf32>
        %add3A_1321 = arith.addf %add3A_1289, %mul3A_1320 : vector<16xf32>
        %get3A_1322 = arith.index_cast %scan3A_360 : i32 to index
        %get3A_1323 = arith.constant 1904 : index
        %get3A_1324 = tpu.vector_load %arg13[%get3A_1322, %get3A_1323] {strides = array<i32>} : memref<8x2048xf32, #tpu.memory_space<vmem>>, vector<16xf32>,
        %get3A_1325 = arith.index_cast %scan3A_360 : i32 to index
        %get3A_1326 = arith.constant 1904 : index
        %get3A_1327 = tpu.vector_load %arg14[%get3A_1325, %get3A_1326] {strides = array<i32>} : memref<8x2048xf32, #tpu.memory_space<vmem>>, vector<16xf32>,
        %mul3A_1328 = arith.mulf %get3A_1324, %get3A_1327 : vector<16xf32>
        %add3A_1329 = arith.addf %add3A_1297, %mul3A_1328 : vector<16xf32>
        %get3A_1330 = arith.index_cast %scan3A_360 : i32 to index
        %get3A_1331 = arith.constant 1920 : index
        %get3A_1332 = tpu.vector_load %arg13[%get3A_1330, %get3A_1331] {strides = array<i32>} : memref<8x2048xf32, #tpu.memory_space<vmem>>, vector<16xf32>,
        %get3A_1333 = arith.index_cast %scan3A_360 : i32 to index
        %get3A_1334 = arith.constant 1920 : index
        %get3A_1335 = tpu.vector_load %arg14[%get3A_1333, %get3A_1334] {strides = array<i32>} : memref<8x2048xf32, #tpu.memory_space<vmem>>, vector<16xf32>,
        %mul3A_1336 = arith.mulf %get3A_1332, %get3A_1335 : vector<16xf32>
        %add3A_1337 = arith.addf %add3A_1305, %mul3A_1336 : vector<16xf32>
        %get3A_1338 = arith.index_cast %scan3A_360 : i32 to index
        %get3A_1339 = arith.constant 1936 : index
        %get3A_1340 = tpu.vector_load %arg13[%get3A_1338, %get3A_1339] {strides = array<i32>} : memref<8x2048xf32, #tpu.memory_space<vmem>>, vector<16xf32>,
        %get3A_1341 = arith.index_cast %scan3A_360 : i32 to index
        %get3A_1342 = arith.constant 1936 : index
        %get3A_1343 = tpu.vector_load %arg14[%get3A_1341, %get3A_1342] {strides = array<i32>} : memref<8x2048xf32, #tpu.memory_space<vmem>>, vector<16xf32>,
        %mul3A_1344 = arith.mulf %get3A_1340, %get3A_1343 : vector<16xf32>
        %add3A_1345 = arith.addf %add3A_1313, %mul3A_1344 : vector<16xf32>
        %get3A_1346 = arith.index_cast %scan3A_360 : i32 to index
        %get3A_1347 = arith.constant 1952 : index
        %get3A_1348 = tpu.vector_load %arg13[%get3A_1346, %get3A_1347] {strides = array<i32>} : memref<8x2048xf32, #tpu.memory_space<vmem>>, vector<16xf32>,
        %get3A_1349 = arith.index_cast %scan3A_360 : i32 to index
        %get3A_1350 = arith.constant 1952 : index
        %get3A_1351 = tpu.vector_load %arg14[%get3A_1349, %get3A_1350] {strides = array<i32>} : memref<8x2048xf32, #tpu.memory_space<vmem>>, vector<16xf32>,
        %mul3A_1352 = arith.mulf %get3A_1348, %get3A_1351 : vector<16xf32>
        %add3A_1353 = arith.addf %add3A_1321, %mul3A_1352 : vector<16xf32>
        %get3A_1354 = arith.index_cast %scan3A_360 : i32 to index
        %get3A_1355 = arith.constant 1968 : index
        %get3A_1356 = tpu.vector_load %arg13[%get3A_1354, %get3A_1355] {strides = array<i32>} : memref<8x2048xf32, #tpu.memory_space<vmem>>, vector<16xf32>,
        %get3A_1357 = arith.index_cast %scan3A_360 : i32 to index
        %get3A_1358 = arith.constant 1968 : index
        %get3A_1359 = tpu.vector_load %arg14[%get3A_1357, %get3A_1358] {strides = array<i32>} : memref<8x2048xf32, #tpu.memory_space<vmem>>, vector<16xf32>,
        %mul3A_1360 = arith.mulf %get3A_1356, %get3A_1359 : vector<16xf32>
        %add3A_1361 = arith.addf %add3A_1329, %mul3A_1360 : vector<16xf32>
        %get3A_1362 = arith.index_cast %scan3A_360 : i32 to index
        %get3A_1363 = arith.constant 1984 : index
        %get3A_1364 = tpu.vector_load %arg13[%get3A_1362, %get3A_1363] {strides = array<i32>} : memref<8x2048xf32, #tpu.memory_space<vmem>>, vector<16xf32>,
        %get3A_1365 = arith.index_cast %scan3A_360 : i32 to index
        %get3A_1366 = arith.constant 1984 : index
        %get3A_1367 = tpu.vector_load %arg14[%get3A_1365, %get3A_1366] {strides = array<i32>} : memref<8x2048xf32, #tpu.memory_space<vmem>>, vector<16xf32>,
        %mul3A_1368 = arith.mulf %get3A_1364, %get3A_1367 : vector<16xf32>
        %add3A_1369 = arith.addf %add3A_1337, %mul3A_1368 : vector<16xf32>
        %get3A_1370 = arith.index_cast %scan3A_360 : i32 to index
        %get3A_1371 = arith.constant 2000 : index
        %get3A_1372 = tpu.vector_load %arg13[%get3A_1370, %get3A_1371] {strides = array<i32>} : memref<8x2048xf32, #tpu.memory_space<vmem>>, vector<16xf32>,
        %get3A_1373 = arith.index_cast %scan3A_360 : i32 to index
        %get3A_1374 = arith.constant 2000 : index
        %get3A_1375 = tpu.vector_load %arg14[%get3A_1373, %get3A_1374] {strides = array<i32>} : memref<8x2048xf32, #tpu.memory_space<vmem>>, vector<16xf32>,
        %mul3A_1376 = arith.mulf %get3A_1372, %get3A_1375 : vector<16xf32>
        %add3A_1377 = arith.addf %add3A_1345, %mul3A_1376 : vector<16xf32>
        %get3A_1378 = arith.index_cast %scan3A_360 : i32 to index
        %get3A_1379 = arith.constant 2016 : index
        %get3A_1380 = tpu.vector_load %arg13[%get3A_1378, %get3A_1379] {strides = array<i32>} : memref<8x2048xf32, #tpu.memory_space<vmem>>, vector<16xf32>,
        %get3A_1381 = arith.index_cast %scan3A_360 : i32 to index
        %get3A_1382 = arith.constant 2016 : index
        %get3A_1383 = tpu.vector_load %arg14[%get3A_1381, %get3A_1382] {strides = array<i32>} : memref<8x2048xf32, #tpu.memory_space<vmem>>, vector<16xf32>,
        %mul3A_1384 = arith.mulf %get3A_1380, %get3A_1383 : vector<16xf32>
        %add3A_1385 = arith.addf %add3A_1353, %mul3A_1384 : vector<16xf32>
        %get3A_1386 = arith.index_cast %scan3A_360 : i32 to index
        %get3A_1387 = arith.constant 2032 : index
        %get3A_1388 = tpu.vector_load %arg13[%get3A_1386, %get3A_1387] {strides = array<i32>} : memref<8x2048xf32, #tpu.memory_space<vmem>>, vector<16xf32>,
        %get3A_1389 = arith.index_cast %scan3A_360 : i32 to index
        %get3A_1390 = arith.constant 2032 : index
        %get3A_1391 = tpu.vector_load %arg14[%get3A_1389, %get3A_1390] {strides = array<i32>} : memref<8x2048xf32, #tpu.memory_space<vmem>>, vector<16xf32>,
        %mul3A_1392 = arith.mulf %get3A_1388, %get3A_1391 : vector<16xf32>
        %add3A_1393 = arith.addf %add3A_1361, %mul3A_1392 : vector<16xf32>
        %add3A_1394 = arith.addf %add3A_1369, %add3A_1377 : vector<16xf32>
        %add3A_1395 = arith.addf %add3A_1385, %add3A_1393 : vector<16xf32>
        %add3A_1396 = arith.addf %add3A_1394, %add3A_1395 : vector<16xf32>
        %reduce_sum3A = arith.constant true
        %reduce_sum3A_1397 = vector.broadcast %reduce_sum3A : i1 to vector<16xi1>
        %reduce_sum3A_1398 = tpu.scan <sum>, %add3A_1396 masked %reduce_sum3A_1397 : vector<16xf32>, vector<16xi1> -> vector<16xf32>
        %reduce_sum3A_1399 = vector.extract %reduce_sum3A_1398[15] : f32 from vector<16xf32>
        %mul3A_1400 = arith.constant 8 : i32
        %mul3A_1401 = arith.muli %while3A_334, %mul3A_1400 : i32
        %add3A_1402 = arith.addi %mul3A_1401, %scan3A_360 : i32
        %broadcast_in_dim3A_1403 = vector.broadcast %add3A_1402 : i32 to vector<16xi32>
        %gather3A = tpu.vector_load_idx %arg12[%broadcast_in_dim3A_1403] : memref<272xf32, #tpu.memory_space<vmem>>[vector<16xi32>], vector<16xf32>,
        %slice3A = vector.extract_strided_slice %gather3A {offsets = [0], sizes = [1], strides = [1]} : vector<16xf32> to vector<1xf32>
        %squeeze3A = vector.extract %slice3A[0] : f32 from vector<1xf32>
        %mul3A_1404 = arith.mulf %squeeze3A, %reduce_sum3A_1399 : f32
        %sub3A_1405 = arith.constant 1.000000e+00 : f32
        %sub3A_1406 = arith.subf %mul3A_1404, %sub3A_1405 : f32
        %lt3A_1407 = arith.cmpi slt, %add3A_1402, %scan3A_295 : i32
        %mul3A_1408 = arith.constant 5.000000e-01 : f32
        %mul3A_1409 = arith.mulf %mul3A_1408, %sub3A_1406 : f32
        %mul3A_1410 = arith.mulf %mul3A_1409, %sub3A_1406 : f32
        %jit3A_1411 = arith.constant 0.000000e+00 : f32
        %select_n3A_1412 = arith.select %lt3A_1407, %mul3A_1410, %jit3A_1411 : f32
        %add3A_1413 = arith.addf %scan3A_361, %select_n3A_1412 : f32
        scf.yield %add3A_1413 : f32
      }
      %scan3A_359 = arith.constant 8 : i32
      scf.yield %scan3A_358 : f32
    }
    %while3A_324 = arith.constant 1 : i32
    %while3A_325 = scf.for %while3A_334 = %while3A_321 to %while3A_317 step %while3A_324 iter_args(%while3A_335 = %while3A_323) -> (f32)  : i32 {
      %mul3A_336 = arith.constant 8 : i32
      %mul3A_337 = arith.muli %while3A_334, %mul3A_336 : i32
      %mul3A_338 = arith.constant 8 : i32
      %mul3A_339 = arith.muli %while3A_334, %mul3A_338 : i32
      %dma_start3A = tpu.memref_slice %arg10[%mul3A_337] : memref<272xi32, #tpu.memory_space<vmem>> -> memref<8xi32, #tpu.memory_space<vmem>>
      %dma_start3A_340 = arith.constant 0 : i32
      %dma_start3A_341 = arith.constant 0 : i32
      %dma_start3A_342 = tpu.memref_slice %arg2[%dma_start3A_340, %dma_start3A_341] : memref<8192x2048xf32, #tpu.memory_space<hbm>> -> memref<8192x2048xf32, #tpu.memory_space<hbm>>
      tpu.enqueue_indirect_dma source(%dma_start3A_342 : memref<8192x2048xf32, #tpu.memory_space<hbm>>) target(%arg13 : memref<8x2048xf32, #tpu.memory_space<vmem>>) offsets(%dma_start3A : memref<8xi32, #tpu.memory_space<vmem>>) semaphore(%arg16 : memref<!tpu.dma_semaphore, #tpu.memory_space<semaphore_mem>>)
      %dma_start3A_343 = tpu.memref_slice %arg11[%mul3A_339] : memref<272xi32, #tpu.memory_space<vmem>> -> memref<8xi32, #tpu.memory_space<vmem>>
      %dma_start3A_344 = arith.constant 0 : i32
      %dma_start3A_345 = arith.constant 0 : i32
      %dma_start3A_346 = tpu.memref_slice %arg5[%dma_start3A_344, %dma_start3A_345] : memref<1000x2048xf32, #tpu.memory_space<hbm>> -> memref<1000x2048xf32, #tpu.memory_space<hbm>>
      tpu.enqueue_indirect_dma source(%dma_start3A_346 : memref<1000x2048xf32, #tpu.memory_space<hbm>>) target(%arg14 : memref<8x2048xf32, #tpu.memory_space<vmem>>) offsets(%dma_start3A_343 : memref<8xi32, #tpu.memory_space<vmem>>) semaphore(%arg16 : memref<!tpu.dma_semaphore, #tpu.memory_space<semaphore_mem>>)
      %dma_wait3A = tpu.memref_slice %arg10[%mul3A_337] : memref<272xi32, #tpu.memory_space<vmem>> -> memref<8xi32, #tpu.memory_space<vmem>>
      %dma_wait3A_347 = arith.constant 0 : i32
      %dma_wait3A_348 = arith.constant 0 : i32
      %dma_wait3A_349 = tpu.memref_slice %arg2[%dma_wait3A_347, %dma_wait3A_348] : memref<8192x2048xf32, #tpu.memory_space<hbm>> -> memref<8192x2048xf32, #tpu.memory_space<hbm>>
      tpu.wait_indirect_dma semaphore(%arg16 : memref<!tpu.dma_semaphore, #tpu.memory_space<semaphore_mem>>) src(%dma_wait3A_349 : memref<8192x2048xf32, #tpu.memory_space<hbm>>) dst(%arg13 : memref<8x2048xf32, #tpu.memory_space<vmem>>)
      %dma_wait3A_350 = tpu.memref_slice %arg11[%mul3A_339] : memref<272xi32, #tpu.memory_space<vmem>> -> memref<8xi32, #tpu.memory_space<vmem>>
      %dma_wait3A_351 = arith.constant 0 : i32
      %dma_wait3A_352 = arith.constant 0 : i32
      %dma_wait3A_353 = tpu.memref_slice %arg5[%dma_wait3A_351, %dma_wait3A_352] : memref<1000x2048xf32, #tpu.memory_space<hbm>> -> memref<1000x2048xf32, #tpu.memory_space<hbm>>
      tpu.wait_indirect_dma semaphore(%arg16 : memref<!tpu.dma_semaphore, #tpu.memory_space<semaphore_mem>>) src(%dma_wait3A_353 : memref<1000x2048xf32, #tpu.memory_space<hbm>>) dst(%arg14 : memref<8x2048xf32, #tpu.memory_space<vmem>>)
      %scan3A_354 = arith.constant 0 : i32
      %scan3A_355 = arith.constant 8 : i32
      %scan3A_356 = arith.addi %scan3A_354, %scan3A_355 : i32
      %scan3A_357 = arith.constant 1 : i32
      %scan3A_358 = scf.for %scan3A_360 = %scan3A_354 to %scan3A_356 step %scan3A_357 iter_args(%scan3A_361 = %while3A_335) -> (f32)  : i32 {
        %broadcast_in_dim3A_362 = arith.constant 0.000000e+00 : f32
        %broadcast_in_dim3A_363 = vector.broadcast %broadcast_in_dim3A_362 : f32 to vector<16xf32>
        %broadcast_in_dim3A_364 = arith.constant 0.000000e+00 : f32
        %broadcast_in_dim3A_365 = vector.broadcast %broadcast_in_dim3A_364 : f32 to vector<16xf32>
        %broadcast_in_dim3A_366 = arith.constant 0.000000e+00 : f32
        %broadcast_in_dim3A_367 = vector.broadcast %broadcast_in_dim3A_366 : f32 to vector<16xf32>
        %broadcast_in_dim3A_368 = arith.constant 0.000000e+00 : f32
        %broadcast_in_dim3A_369 = vector.broadcast %broadcast_in_dim3A_368 : f32 to vector<16xf32>
        %get3A_370 = arith.index_cast %scan3A_360 : i32 to index
        %get3A_371 = arith.constant 0 : index
        %get3A_372 = tpu.vector_load %arg13[%get3A_370, %get3A_371] {strides = array<i32>} : memref<8x2048xf32, #tpu.memory_space<vmem>>, vector<16xf32>,
        %get3A_373 = arith.index_cast %scan3A_360 : i32 to index
        %get3A_374 = arith.constant 0 : index
        %get3A_375 = tpu.vector_load %arg14[%get3A_373, %get3A_374] {strides = array<i32>} : memref<8x2048xf32, #tpu.memory_space<vmem>>, vector<16xf32>,
        %mul3A_376 = arith.mulf %get3A_372, %get3A_375 : vector<16xf32>
        %add3A_377 = arith.addf %broadcast_in_dim3A_363, %mul3A_376 : vector<16xf32>
        %get3A_378 = arith.index_cast %scan3A_360 : i32 to index
        %get3A_379 = arith.constant 16 : index
        %get3A_380 = tpu.vector_load %arg13[%get3A_378, %get3A_379] {strides = array<i32>} : memref<8x2048xf32, #tpu.memory_space<vmem>>, vector<16xf32>,
        %get3A_381 = arith.index_cast %scan3A_360 : i32 to index
        %get3A_382 = arith.constant 16 : index
        %get3A_383 = tpu.vector_load %arg14[%get3A_381, %get3A_382] {strides = array<i32>} : memref<8x2048xf32, #tpu.memory_space<vmem>>, vector<16xf32>,
        %mul3A_384 = arith.mulf %get3A_380, %get3A_383 : vector<16xf32>
        %add3A_385 = arith.addf %broadcast_in_dim3A_365, %mul3A_384 : vector<16xf32>
        %get3A_386 = arith.index_cast %scan3A_360 : i32 to index
        %get3A_387 = arith.constant 32 : index
        %get3A_388 = tpu.vector_load %arg13[%get3A_386, %get3A_387] {strides = array<i32>} : memref<8x2048xf32, #tpu.memory_space<vmem>>, vector<16xf32>,
        %get3A_389 = arith.index_cast %scan3A_360 : i32 to index
        %get3A_390 = arith.constant 32 : index
        %get3A_391 = tpu.vector_load %arg14[%get3A_389, %get3A_390] {strides = array<i32>} : memref<8x2048xf32, #tpu.memory_space<vmem>>, vector<16xf32>,
        %mul3A_392 = arith.mulf %get3A_388, %get3A_391 : vector<16xf32>
        %add3A_393 = arith.addf %broadcast_in_dim3A_367, %mul3A_392 : vector<16xf32>
        %get3A_394 = arith.index_cast %scan3A_360 : i32 to index
        %get3A_395 = arith.constant 48 : index
        %get3A_396 = tpu.vector_load %arg13[%get3A_394, %get3A_395] {strides = array<i32>} : memref<8x2048xf32, #tpu.memory_space<vmem>>, vector<16xf32>,
        %get3A_397 = arith.index_cast %scan3A_360 : i32 to index
        %get3A_398 = arith.constant 48 : index
        %get3A_399 = tpu.vector_load %arg14[%get3A_397, %get3A_398] {strides = array<i32>} : memref<8x2048xf32, #tpu.memory_space<vmem>>, vector<16xf32>,
        %mul3A_400 = arith.mulf %get3A_396, %get3A_399 : vector<16xf32>
        %add3A_401 = arith.addf %broadcast_in_dim3A_369, %mul3A_400 : vector<16xf32>
        %get3A_402 = arith.index_cast %scan3A_360 : i32 to index
        %get3A_403 = arith.constant 64 : index
        %get3A_404 = tpu.vector_load %arg13[%get3A_402, %get3A_403] {strides = array<i32>} : memref<8x2048xf32, #tpu.memory_space<vmem>>, vector<16xf32>,
        %get3A_405 = arith.index_cast %scan3A_360 : i32 to index
        %get3A_406 = arith.constant 64 : index
        %get3A_407 = tpu.vector_load %arg14[%get3A_405, %get3A_406] {strides = array<i32>} : memref<8x2048xf32, #tpu.memory_space<vmem>>, vector<16xf32>,
        %mul3A_408 = arith.mulf %get3A_404, %get3A_407 : vector<16xf32>
        %add3A_409 = arith.addf %add3A_377, %mul3A_408 : vector<16xf32>
        %get3A_410 = arith.index_cast %scan3A_360 : i32 to index
        %get3A_411 = arith.constant 80 : index
        %get3A_412 = tpu.vector_load %arg13[%get3A_410, %get3A_411] {strides = array<i32>} : memref<8x2048xf32, #tpu.memory_space<vmem>>, vector<16xf32>,
        %get3A_413 = arith.index_cast %scan3A_360 : i32 to index
        %get3A_414 = arith.constant 80 : index
        %get3A_415 = tpu.vector_load %arg14[%get3A_413, %get3A_414] {strides = array<i32>} : memref<8x2048xf32, #tpu.memory_space<vmem>>, vector<16xf32>,
        %mul3A_416 = arith.mulf %get3A_412, %get3A_415 : vector<16xf32>
        %add3A_417 = arith.addf %add3A_385, %mul3A_416 : vector<16xf32>
        %get3A_418 = arith.index_cast %scan3A_360 : i32 to index
        %get3A_419 = arith.constant 96 : index
        %get3A_420 = tpu.vector_load %arg13[%get3A_418, %get3A_419] {strides = array<i32>} : memref<8x2048xf32, #tpu.memory_space<vmem>>, vector<16xf32>,
        %get3A_421 = arith.index_cast %scan3A_360 : i32 to index
        %get3A_422 = arith.constant 96 : index
        %get3A_423 = tpu.vector_load %arg14[%get3A_421, %get3A_422] {strides = array<i32>} : memref<8x2048xf32, #tpu.memory_space<vmem>>, vector<16xf32>,
        %mul3A_424 = arith.mulf %get3A_420, %get3A_423 : vector<16xf32>
        %add3A_425 = arith.addf %add3A_393, %mul3A_424 : vector<16xf32>
        %get3A_426 = arith.index_cast %scan3A_360 : i32 to index
        %get3A_427 = arith.constant 112 : index
        %get3A_428 = tpu.vector_load %arg13[%get3A_426, %get3A_427] {strides = array<i32>} : memref<8x2048xf32, #tpu.memory_space<vmem>>, vector<16xf32>,
        %get3A_429 = arith.index_cast %scan3A_360 : i32 to index
        %get3A_430 = arith.constant 112 : index
        %get3A_431 = tpu.vector_load %arg14[%get3A_429, %get3A_430] {strides = array<i32>} : memref<8x2048xf32, #tpu.memory_space<vmem>>, vector<16xf32>,
        %mul3A_432 = arith.mulf %get3A_428, %get3A_431 : vector<16xf32>
        %add3A_433 = arith.addf %add3A_401, %mul3A_432 : vector<16xf32>
        %get3A_434 = arith.index_cast %scan3A_360 : i32 to index
        %get3A_435 = arith.constant 128 : index
        %get3A_436 = tpu.vector_load %arg13[%get3A_434, %get3A_435] {strides = array<i32>} : memref<8x2048xf32, #tpu.memory_space<vmem>>, vector<16xf32>,
        %get3A_437 = arith.index_cast %scan3A_360 : i32 to index
        %get3A_438 = arith.constant 128 : index
        %get3A_439 = tpu.vector_load %arg14[%get3A_437, %get3A_438] {strides = array<i32>} : memref<8x2048xf32, #tpu.memory_space<vmem>>, vector<16xf32>,
        %mul3A_440 = arith.mulf %get3A_436, %get3A_439 : vector<16xf32>
        %add3A_441 = arith.addf %add3A_409, %mul3A_440 : vector<16xf32>
        %get3A_442 = arith.index_cast %scan3A_360 : i32 to index
        %get3A_443 = arith.constant 144 : index
        %get3A_444 = tpu.vector_load %arg13[%get3A_442, %get3A_443] {strides = array<i32>} : memref<8x2048xf32, #tpu.memory_space<vmem>>, vector<16xf32>,
        %get3A_445 = arith.index_cast %scan3A_360 : i32 to index
        %get3A_446 = arith.constant 144 : index
        %get3A_447 = tpu.vector_load %arg14[%get3A_445, %get3A_446] {strides = array<i32>} : memref<8x2048xf32, #tpu.memory_space<vmem>>, vector<16xf32>,
        %mul3A_448 = arith.mulf %get3A_444, %get3A_447 : vector<16xf32>
        %add3A_449 = arith.addf %add3A_417, %mul3A_448 : vector<16xf32>
        %get3A_450 = arith.index_cast %scan3A_360 : i32 to index
        %get3A_451 = arith.constant 160 : index
        %get3A_452 = tpu.vector_load %arg13[%get3A_450, %get3A_451] {strides = array<i32>} : memref<8x2048xf32, #tpu.memory_space<vmem>>, vector<16xf32>,
        %get3A_453 = arith.index_cast %scan3A_360 : i32 to index
        %get3A_454 = arith.constant 160 : index
        %get3A_455 = tpu.vector_load %arg14[%get3A_453, %get3A_454] {strides = array<i32>} : memref<8x2048xf32, #tpu.memory_space<vmem>>, vector<16xf32>,
        %mul3A_456 = arith.mulf %get3A_452, %get3A_455 : vector<16xf32>
        %add3A_457 = arith.addf %add3A_425, %mul3A_456 : vector<16xf32>
        %get3A_458 = arith.index_cast %scan3A_360 : i32 to index
        %get3A_459 = arith.constant 176 : index
        %get3A_460 = tpu.vector_load %arg13[%get3A_458, %get3A_459] {strides = array<i32>} : memref<8x2048xf32, #tpu.memory_space<vmem>>, vector<16xf32>,
        %get3A_461 = arith.index_cast %scan3A_360 : i32 to index
        %get3A_462 = arith.constant 176 : index
        %get3A_463 = tpu.vector_load %arg14[%get3A_461, %get3A_462] {strides = array<i32>} : memref<8x2048xf32, #tpu.memory_space<vmem>>, vector<16xf32>,
        %mul3A_464 = arith.mulf %get3A_460, %get3A_463 : vector<16xf32>
        %add3A_465 = arith.addf %add3A_433, %mul3A_464 : vector<16xf32>
        %get3A_466 = arith.index_cast %scan3A_360 : i32 to index
        %get3A_467 = arith.constant 192 : index
        %get3A_468 = tpu.vector_load %arg13[%get3A_466, %get3A_467] {strides = array<i32>} : memref<8x2048xf32, #tpu.memory_space<vmem>>, vector<16xf32>,
        %get3A_469 = arith.index_cast %scan3A_360 : i32 to index
        %get3A_470 = arith.constant 192 : index
        %get3A_471 = tpu.vector_load %arg14[%get3A_469, %get3A_470] {strides = array<i32>} : memref<8x2048xf32, #tpu.memory_space<vmem>>, vector<16xf32>,
        %mul3A_472 = arith.mulf %get3A_468, %get3A_471 : vector<16xf32>
        %add3A_473 = arith.addf %add3A_441, %mul3A_472 : vector<16xf32>
        %get3A_474 = arith.index_cast %scan3A_360 : i32 to index
        %get3A_475 = arith.constant 208 : index
        %get3A_476 = tpu.vector_load %arg13[%get3A_474, %get3A_475] {strides = array<i32>} : memref<8x2048xf32, #tpu.memory_space<vmem>>, vector<16xf32>,
        %get3A_477 = arith.index_cast %scan3A_360 : i32 to index
        %get3A_478 = arith.constant 208 : index
        %get3A_479 = tpu.vector_load %arg14[%get3A_477, %get3A_478] {strides = array<i32>} : memref<8x2048xf32, #tpu.memory_space<vmem>>, vector<16xf32>,
        %mul3A_480 = arith.mulf %get3A_476, %get3A_479 : vector<16xf32>
        %add3A_481 = arith.addf %add3A_449, %mul3A_480 : vector<16xf32>
        %get3A_482 = arith.index_cast %scan3A_360 : i32 to index
        %get3A_483 = arith.constant 224 : index
        %get3A_484 = tpu.vector_load %arg13[%get3A_482, %get3A_483] {strides = array<i32>} : memref<8x2048xf32, #tpu.memory_space<vmem>>, vector<16xf32>,
        %get3A_485 = arith.index_cast %scan3A_360 : i32 to index
        %get3A_486 = arith.constant 224 : index
        %get3A_487 = tpu.vector_load %arg14[%get3A_485, %get3A_486] {strides = array<i32>} : memref<8x2048xf32, #tpu.memory_space<vmem>>, vector<16xf32>,
        %mul3A_488 = arith.mulf %get3A_484, %get3A_487 : vector<16xf32>
        %add3A_489 = arith.addf %add3A_457, %mul3A_488 : vector<16xf32>
        %get3A_490 = arith.index_cast %scan3A_360 : i32 to index
        %get3A_491 = arith.constant 240 : index
        %get3A_492 = tpu.vector_load %arg13[%get3A_490, %get3A_491] {strides = array<i32>} : memref<8x2048xf32, #tpu.memory_space<vmem>>, vector<16xf32>,
        %get3A_493 = arith.index_cast %scan3A_360 : i32 to index
        %get3A_494 = arith.constant 240 : index
        %get3A_495 = tpu.vector_load %arg14[%get3A_493, %get3A_494] {strides = array<i32>} : memref<8x2048xf32, #tpu.memory_space<vmem>>, vector<16xf32>,
        %mul3A_496 = arith.mulf %get3A_492, %get3A_495 : vector<16xf32>
        %add3A_497 = arith.addf %add3A_465, %mul3A_496 : vector<16xf32>
        %get3A_498 = arith.index_cast %scan3A_360 : i32 to index
        %get3A_499 = arith.constant 256 : index
        %get3A_500 = tpu.vector_load %arg13[%get3A_498, %get3A_499] {strides = array<i32>} : memref<8x2048xf32, #tpu.memory_space<vmem>>, vector<16xf32>,
        %get3A_501 = arith.index_cast %scan3A_360 : i32 to index
        %get3A_502 = arith.constant 256 : index
        %get3A_503 = tpu.vector_load %arg14[%get3A_501, %get3A_502] {strides = array<i32>} : memref<8x2048xf32, #tpu.memory_space<vmem>>, vector<16xf32>,
        %mul3A_504 = arith.mulf %get3A_500, %get3A_503 : vector<16xf32>
        %add3A_505 = arith.addf %add3A_473, %mul3A_504 : vector<16xf32>
        %get3A_506 = arith.index_cast %scan3A_360 : i32 to index
        %get3A_507 = arith.constant 272 : index
        %get3A_508 = tpu.vector_load %arg13[%get3A_506, %get3A_507] {strides = array<i32>} : memref<8x2048xf32, #tpu.memory_space<vmem>>, vector<16xf32>,
        %get3A_509 = arith.index_cast %scan3A_360 : i32 to index
        %get3A_510 = arith.constant 272 : index
        %get3A_511 = tpu.vector_load %arg14[%get3A_509, %get3A_510] {strides = array<i32>} : memref<8x2048xf32, #tpu.memory_space<vmem>>, vector<16xf32>,
        %mul3A_512 = arith.mulf %get3A_508, %get3A_511 : vector<16xf32>
        %add3A_513 = arith.addf %add3A_481, %mul3A_512 : vector<16xf32>
        %get3A_514 = arith.index_cast %scan3A_360 : i32 to index
        %get3A_515 = arith.constant 288 : index
        %get3A_516 = tpu.vector_load %arg13[%get3A_514, %get3A_515] {strides = array<i32>} : memref<8x2048xf32, #tpu.memory_space<vmem>>, vector<16xf32>,
        %get3A_517 = arith.index_cast %scan3A_360 : i32 to index
        %get3A_518 = arith.constant 288 : index
        %get3A_519 = tpu.vector_load %arg14[%get3A_517, %get3A_518] {strides = array<i32>} : memref<8x2048xf32, #tpu.memory_space<vmem>>, vector<16xf32>,
        %mul3A_520 = arith.mulf %get3A_516, %get3A_519 : vector<16xf32>
        %add3A_521 = arith.addf %add3A_489, %mul3A_520 : vector<16xf32>
        %get3A_522 = arith.index_cast %scan3A_360 : i32 to index
        %get3A_523 = arith.constant 304 : index
        %get3A_524 = tpu.vector_load %arg13[%get3A_522, %get3A_523] {strides = array<i32>} : memref<8x2048xf32, #tpu.memory_space<vmem>>, vector<16xf32>,
        %get3A_525 = arith.index_cast %scan3A_360 : i32 to index
        %get3A_526 = arith.constant 304 : index
        %get3A_527 = tpu.vector_load %arg14[%get3A_525, %get3A_526] {strides = array<i32>} : memref<8x2048xf32, #tpu.memory_space<vmem>>, vector<16xf32>,
        %mul3A_528 = arith.mulf %get3A_524, %get3A_527 : vector<16xf32>
        %add3A_529 = arith.addf %add3A_497, %mul3A_528 : vector<16xf32>
        %get3A_530 = arith.index_cast %scan3A_360 : i32 to index
        %get3A_531 = arith.constant 320 : index
        %get3A_532 = tpu.vector_load %arg13[%get3A_530, %get3A_531] {strides = array<i32>} : memref<8x2048xf32, #tpu.memory_space<vmem>>, vector<16xf32>,
        %get3A_533 = arith.index_cast %scan3A_360 : i32 to index
        %get3A_534 = arith.constant 320 : index
        %get3A_535 = tpu.vector_load %arg14[%get3A_533, %get3A_534] {strides = array<i32>} : memref<8x2048xf32, #tpu.memory_space<vmem>>, vector<16xf32>,
        %mul3A_536 = arith.mulf %get3A_532, %get3A_535 : vector<16xf32>
        %add3A_537 = arith.addf %add3A_505, %mul3A_536 : vector<16xf32>
        %get3A_538 = arith.index_cast %scan3A_360 : i32 to index
        %get3A_539 = arith.constant 336 : index
        %get3A_540 = tpu.vector_load %arg13[%get3A_538, %get3A_539] {strides = array<i32>} : memref<8x2048xf32, #tpu.memory_space<vmem>>, vector<16xf32>,
        %get3A_541 = arith.index_cast %scan3A_360 : i32 to index
        %get3A_542 = arith.constant 336 : index
        %get3A_543 = tpu.vector_load %arg14[%get3A_541, %get3A_542] {strides = array<i32>} : memref<8x2048xf32, #tpu.memory_space<vmem>>, vector<16xf32>,
        %mul3A_544 = arith.mulf %get3A_540, %get3A_543 : vector<16xf32>
        %add3A_545 = arith.addf %add3A_513, %mul3A_544 : vector<16xf32>
        %get3A_546 = arith.index_cast %scan3A_360 : i32 to index
        %get3A_547 = arith.constant 352 : index
        %get3A_548 = tpu.vector_load %arg13[%get3A_546, %get3A_547] {strides = array<i32>} : memref<8x2048xf32, #tpu.memory_space<vmem>>, vector<16xf32>,
        %get3A_549 = arith.index_cast %scan3A_360 : i32 to index
        %get3A_550 = arith.constant 352 : index
        %get3A_551 = tpu.vector_load %arg14[%get3A_549, %get3A_550] {strides = array<i32>} : memref<8x2048xf32, #tpu.memory_space<vmem>>, vector<16xf32>,
        %mul3A_552 = arith.mulf %get3A_548, %get3A_551 : vector<16xf32>
        %add3A_553 = arith.addf %add3A_521, %mul3A_552 : vector<16xf32>
        %get3A_554 = arith.index_cast %scan3A_360 : i32 to index
        %get3A_555 = arith.constant 368 : index
        %get3A_556 = tpu.vector_load %arg13[%get3A_554, %get3A_555] {strides = array<i32>} : memref<8x2048xf32, #tpu.memory_space<vmem>>, vector<16xf32>,
        %get3A_557 = arith.index_cast %scan3A_360 : i32 to index
        %get3A_558 = arith.constant 368 : index
        %get3A_559 = tpu.vector_load %arg14[%get3A_557, %get3A_558] {strides = array<i32>} : memref<8x2048xf32, #tpu.memory_space<vmem>>, vector<16xf32>,
        %mul3A_560 = arith.mulf %get3A_556, %get3A_559 : vector<16xf32>
        %add3A_561 = arith.addf %add3A_529, %mul3A_560 : vector<16xf32>
        %get3A_562 = arith.index_cast %scan3A_360 : i32 to index
        %get3A_563 = arith.constant 384 : index
        %get3A_564 = tpu.vector_load %arg13[%get3A_562, %get3A_563] {strides = array<i32>} : memref<8x2048xf32, #tpu.memory_space<vmem>>, vector<16xf32>,
        %get3A_565 = arith.index_cast %scan3A_360 : i32 to index
        %get3A_566 = arith.constant 384 : index
        %get3A_567 = tpu.vector_load %arg14[%get3A_565, %get3A_566] {strides = array<i32>} : memref<8x2048xf32, #tpu.memory_space<vmem>>, vector<16xf32>,
        %mul3A_568 = arith.mulf %get3A_564, %get3A_567 : vector<16xf32>
        %add3A_569 = arith.addf %add3A_537, %mul3A_568 : vector<16xf32>
        %get3A_570 = arith.index_cast %scan3A_360 : i32 to index
        %get3A_571 = arith.constant 400 : index
        %get3A_572 = tpu.vector_load %arg13[%get3A_570, %get3A_571] {strides = array<i32>} : memref<8x2048xf32, #tpu.memory_space<vmem>>, vector<16xf32>,
        %get3A_573 = arith.index_cast %scan3A_360 : i32 to index
        %get3A_574 = arith.constant 400 : index
        %get3A_575 = tpu.vector_load %arg14[%get3A_573, %get3A_574] {strides = array<i32>} : memref<8x2048xf32, #tpu.memory_space<vmem>>, vector<16xf32>,
        %mul3A_576 = arith.mulf %get3A_572, %get3A_575 : vector<16xf32>
        %add3A_577 = arith.addf %add3A_545, %mul3A_576 : vector<16xf32>
        %get3A_578 = arith.index_cast %scan3A_360 : i32 to index
        %get3A_579 = arith.constant 416 : index
        %get3A_580 = tpu.vector_load %arg13[%get3A_578, %get3A_579] {strides = array<i32>} : memref<8x2048xf32, #tpu.memory_space<vmem>>, vector<16xf32>,
        %get3A_581 = arith.index_cast %scan3A_360 : i32 to index
        %get3A_582 = arith.constant 416 : index
        %get3A_583 = tpu.vector_load %arg14[%get3A_581, %get3A_582] {strides = array<i32>} : memref<8x2048xf32, #tpu.memory_space<vmem>>, vector<16xf32>,
        %mul3A_584 = arith.mulf %get3A_580, %get3A_583 : vector<16xf32>
        %add3A_585 = arith.addf %add3A_553, %mul3A_584 : vector<16xf32>
        %get3A_586 = arith.index_cast %scan3A_360 : i32 to index
        %get3A_587 = arith.constant 432 : index
        %get3A_588 = tpu.vector_load %arg13[%get3A_586, %get3A_587] {strides = array<i32>} : memref<8x2048xf32, #tpu.memory_space<vmem>>, vector<16xf32>,
        %get3A_589 = arith.index_cast %scan3A_360 : i32 to index
        %get3A_590 = arith.constant 432 : index
        %get3A_591 = tpu.vector_load %arg14[%get3A_589, %get3A_590] {strides = array<i32>} : memref<8x2048xf32, #tpu.memory_space<vmem>>, vector<16xf32>,
        %mul3A_592 = arith.mulf %get3A_588, %get3A_591 : vector<16xf32>
        %add3A_593 = arith.addf %add3A_561, %mul3A_592 : vector<16xf32>
        %get3A_594 = arith.index_cast %scan3A_360 : i32 to index
        %get3A_595 = arith.constant 448 : index
        %get3A_596 = tpu.vector_load %arg13[%get3A_594, %get3A_595] {strides = array<i32>} : memref<8x2048xf32, #tpu.memory_space<vmem>>, vector<16xf32>,
        %get3A_597 = arith.index_cast %scan3A_360 : i32 to index
        %get3A_598 = arith.constant 448 : index
        %get3A_599 = tpu.vector_load %arg14[%get3A_597, %get3A_598] {strides = array<i32>} : memref<8x2048xf32, #tpu.memory_space<vmem>>, vector<16xf32>,
        %mul3A_600 = arith.mulf %get3A_596, %get3A_599 : vector<16xf32>
        %add3A_601 = arith.addf %add3A_569, %mul3A_600 : vector<16xf32>
        %get3A_602 = arith.index_cast %scan3A_360 : i32 to index
        %get3A_603 = arith.constant 464 : index
        %get3A_604 = tpu.vector_load %arg13[%get3A_602, %get3A_603] {strides = array<i32>} : memref<8x2048xf32, #tpu.memory_space<vmem>>, vector<16xf32>,
        %get3A_605 = arith.index_cast %scan3A_360 : i32 to index
        %get3A_606 = arith.constant 464 : index
        %get3A_607 = tpu.vector_load %arg14[%get3A_605, %get3A_606] {strides = array<i32>} : memref<8x2048xf32, #tpu.memory_space<vmem>>, vector<16xf32>,
        %mul3A_608 = arith.mulf %get3A_604, %get3A_607 : vector<16xf32>
        %add3A_609 = arith.addf %add3A_577, %mul3A_608 : vector<16xf32>
        %get3A_610 = arith.index_cast %scan3A_360 : i32 to index
        %get3A_611 = arith.constant 480 : index
        %get3A_612 = tpu.vector_load %arg13[%get3A_610, %get3A_611] {strides = array<i32>} : memref<8x2048xf32, #tpu.memory_space<vmem>>, vector<16xf32>,
        %get3A_613 = arith.index_cast %scan3A_360 : i32 to index
        %get3A_614 = arith.constant 480 : index
        %get3A_615 = tpu.vector_load %arg14[%get3A_613, %get3A_614] {strides = array<i32>} : memref<8x2048xf32, #tpu.memory_space<vmem>>, vector<16xf32>,
        %mul3A_616 = arith.mulf %get3A_612, %get3A_615 : vector<16xf32>
        %add3A_617 = arith.addf %add3A_585, %mul3A_616 : vector<16xf32>
        %get3A_618 = arith.index_cast %scan3A_360 : i32 to index
        %get3A_619 = arith.constant 496 : index
        %get3A_620 = tpu.vector_load %arg13[%get3A_618, %get3A_619] {strides = array<i32>} : memref<8x2048xf32, #tpu.memory_space<vmem>>, vector<16xf32>,
        %get3A_621 = arith.index_cast %scan3A_360 : i32 to index
        %get3A_622 = arith.constant 496 : index
        %get3A_623 = tpu.vector_load %arg14[%get3A_621, %get3A_622] {strides = array<i32>} : memref<8x2048xf32, #tpu.memory_space<vmem>>, vector<16xf32>,
        %mul3A_624 = arith.mulf %get3A_620, %get3A_623 : vector<16xf32>
        %add3A_625 = arith.addf %add3A_593, %mul3A_624 : vector<16xf32>
        %get3A_626 = arith.index_cast %scan3A_360 : i32 to index
        %get3A_627 = arith.constant 512 : index
        %get3A_628 = tpu.vector_load %arg13[%get3A_626, %get3A_627] {strides = array<i32>} : memref<8x2048xf32, #tpu.memory_space<vmem>>, vector<16xf32>,
        %get3A_629 = arith.index_cast %scan3A_360 : i32 to index
        %get3A_630 = arith.constant 512 : index
        %get3A_631 = tpu.vector_load %arg14[%get3A_629, %get3A_630] {strides = array<i32>} : memref<8x2048xf32, #tpu.memory_space<vmem>>, vector<16xf32>,
        %mul3A_632 = arith.mulf %get3A_628, %get3A_631 : vector<16xf32>
        %add3A_633 = arith.addf %add3A_601, %mul3A_632 : vector<16xf32>
        %get3A_634 = arith.index_cast %scan3A_360 : i32 to index
        %get3A_635 = arith.constant 528 : index
        %get3A_636 = tpu.vector_load %arg13[%get3A_634, %get3A_635] {strides = array<i32>} : memref<8x2048xf32, #tpu.memory_space<vmem>>, vector<16xf32>,
        %get3A_637 = arith.index_cast %scan3A_360 : i32 to index
        %get3A_638 = arith.constant 528 : index
        %get3A_639 = tpu.vector_load %arg14[%get3A_637, %get3A_638] {strides = array<i32>} : memref<8x2048xf32, #tpu.memory_space<vmem>>, vector<16xf32>,
        %mul3A_640 = arith.mulf %get3A_636, %get3A_639 : vector<16xf32>
        %add3A_641 = arith.addf %add3A_609, %mul3A_640 : vector<16xf32>
        %get3A_642 = arith.index_cast %scan3A_360 : i32 to index
        %get3A_643 = arith.constant 544 : index
        %get3A_644 = tpu.vector_load %arg13[%get3A_642, %get3A_643] {strides = array<i32>} : memref<8x2048xf32, #tpu.memory_space<vmem>>, vector<16xf32>,
        %get3A_645 = arith.index_cast %scan3A_360 : i32 to index
        %get3A_646 = arith.constant 544 : index
        %get3A_647 = tpu.vector_load %arg14[%get3A_645, %get3A_646] {strides = array<i32>} : memref<8x2048xf32, #tpu.memory_space<vmem>>, vector<16xf32>,
        %mul3A_648 = arith.mulf %get3A_644, %get3A_647 : vector<16xf32>
        %add3A_649 = arith.addf %add3A_617, %mul3A_648 : vector<16xf32>
        %get3A_650 = arith.index_cast %scan3A_360 : i32 to index
        %get3A_651 = arith.constant 560 : index
        %get3A_652 = tpu.vector_load %arg13[%get3A_650, %get3A_651] {strides = array<i32>} : memref<8x2048xf32, #tpu.memory_space<vmem>>, vector<16xf32>,
        %get3A_653 = arith.index_cast %scan3A_360 : i32 to index
        %get3A_654 = arith.constant 560 : index
        %get3A_655 = tpu.vector_load %arg14[%get3A_653, %get3A_654] {strides = array<i32>} : memref<8x2048xf32, #tpu.memory_space<vmem>>, vector<16xf32>,
        %mul3A_656 = arith.mulf %get3A_652, %get3A_655 : vector<16xf32>
        %add3A_657 = arith.addf %add3A_625, %mul3A_656 : vector<16xf32>
        %get3A_658 = arith.index_cast %scan3A_360 : i32 to index
        %get3A_659 = arith.constant 576 : index
        %get3A_660 = tpu.vector_load %arg13[%get3A_658, %get3A_659] {strides = array<i32>} : memref<8x2048xf32, #tpu.memory_space<vmem>>, vector<16xf32>,
        %get3A_661 = arith.index_cast %scan3A_360 : i32 to index
        %get3A_662 = arith.constant 576 : index
        %get3A_663 = tpu.vector_load %arg14[%get3A_661, %get3A_662] {strides = array<i32>} : memref<8x2048xf32, #tpu.memory_space<vmem>>, vector<16xf32>,
        %mul3A_664 = arith.mulf %get3A_660, %get3A_663 : vector<16xf32>
        %add3A_665 = arith.addf %add3A_633, %mul3A_664 : vector<16xf32>
        %get3A_666 = arith.index_cast %scan3A_360 : i32 to index
        %get3A_667 = arith.constant 592 : index
        %get3A_668 = tpu.vector_load %arg13[%get3A_666, %get3A_667] {strides = array<i32>} : memref<8x2048xf32, #tpu.memory_space<vmem>>, vector<16xf32>,
        %get3A_669 = arith.index_cast %scan3A_360 : i32 to index
        %get3A_670 = arith.constant 592 : index
        %get3A_671 = tpu.vector_load %arg14[%get3A_669, %get3A_670] {strides = array<i32>} : memref<8x2048xf32, #tpu.memory_space<vmem>>, vector<16xf32>,
        %mul3A_672 = arith.mulf %get3A_668, %get3A_671 : vector<16xf32>
        %add3A_673 = arith.addf %add3A_641, %mul3A_672 : vector<16xf32>
        %get3A_674 = arith.index_cast %scan3A_360 : i32 to index
        %get3A_675 = arith.constant 608 : index
        %get3A_676 = tpu.vector_load %arg13[%get3A_674, %get3A_675] {strides = array<i32>} : memref<8x2048xf32, #tpu.memory_space<vmem>>, vector<16xf32>,
        %get3A_677 = arith.index_cast %scan3A_360 : i32 to index
        %get3A_678 = arith.constant 608 : index
        %get3A_679 = tpu.vector_load %arg14[%get3A_677, %get3A_678] {strides = array<i32>} : memref<8x2048xf32, #tpu.memory_space<vmem>>, vector<16xf32>,
        %mul3A_680 = arith.mulf %get3A_676, %get3A_679 : vector<16xf32>
        %add3A_681 = arith.addf %add3A_649, %mul3A_680 : vector<16xf32>
        %get3A_682 = arith.index_cast %scan3A_360 : i32 to index
        %get3A_683 = arith.constant 624 : index
        %get3A_684 = tpu.vector_load %arg13[%get3A_682, %get3A_683] {strides = array<i32>} : memref<8x2048xf32, #tpu.memory_space<vmem>>, vector<16xf32>,
        %get3A_685 = arith.index_cast %scan3A_360 : i32 to index
        %get3A_686 = arith.constant 624 : index
        %get3A_687 = tpu.vector_load %arg14[%get3A_685, %get3A_686] {strides = array<i32>} : memref<8x2048xf32, #tpu.memory_space<vmem>>, vector<16xf32>,
        %mul3A_688 = arith.mulf %get3A_684, %get3A_687 : vector<16xf32>
        %add3A_689 = arith.addf %add3A_657, %mul3A_688 : vector<16xf32>
        %get3A_690 = arith.index_cast %scan3A_360 : i32 to index
        %get3A_691 = arith.constant 640 : index
        %get3A_692 = tpu.vector_load %arg13[%get3A_690, %get3A_691] {strides = array<i32>} : memref<8x2048xf32, #tpu.memory_space<vmem>>, vector<16xf32>,
        %get3A_693 = arith.index_cast %scan3A_360 : i32 to index
        %get3A_694 = arith.constant 640 : index
        %get3A_695 = tpu.vector_load %arg14[%get3A_693, %get3A_694] {strides = array<i32>} : memref<8x2048xf32, #tpu.memory_space<vmem>>, vector<16xf32>,
        %mul3A_696 = arith.mulf %get3A_692, %get3A_695 : vector<16xf32>
        %add3A_697 = arith.addf %add3A_665, %mul3A_696 : vector<16xf32>
        %get3A_698 = arith.index_cast %scan3A_360 : i32 to index
        %get3A_699 = arith.constant 656 : index
        %get3A_700 = tpu.vector_load %arg13[%get3A_698, %get3A_699] {strides = array<i32>} : memref<8x2048xf32, #tpu.memory_space<vmem>>, vector<16xf32>,
        %get3A_701 = arith.index_cast %scan3A_360 : i32 to index
        %get3A_702 = arith.constant 656 : index
        %get3A_703 = tpu.vector_load %arg14[%get3A_701, %get3A_702] {strides = array<i32>} : memref<8x2048xf32, #tpu.memory_space<vmem>>, vector<16xf32>,
        %mul3A_704 = arith.mulf %get3A_700, %get3A_703 : vector<16xf32>
        %add3A_705 = arith.addf %add3A_673, %mul3A_704 : vector<16xf32>
        %get3A_706 = arith.index_cast %scan3A_360 : i32 to index
        %get3A_707 = arith.constant 672 : index
        %get3A_708 = tpu.vector_load %arg13[%get3A_706, %get3A_707] {strides = array<i32>} : memref<8x2048xf32, #tpu.memory_space<vmem>>, vector<16xf32>,
        %get3A_709 = arith.index_cast %scan3A_360 : i32 to index
        %get3A_710 = arith.constant 672 : index
        %get3A_711 = tpu.vector_load %arg14[%get3A_709, %get3A_710] {strides = array<i32>} : memref<8x2048xf32, #tpu.memory_space<vmem>>, vector<16xf32>,
        %mul3A_712 = arith.mulf %get3A_708, %get3A_711 : vector<16xf32>
        %add3A_713 = arith.addf %add3A_681, %mul3A_712 : vector<16xf32>
        %get3A_714 = arith.index_cast %scan3A_360 : i32 to index
        %get3A_715 = arith.constant 688 : index
        %get3A_716 = tpu.vector_load %arg13[%get3A_714, %get3A_715] {strides = array<i32>} : memref<8x2048xf32, #tpu.memory_space<vmem>>, vector<16xf32>,
        %get3A_717 = arith.index_cast %scan3A_360 : i32 to index
        %get3A_718 = arith.constant 688 : index
        %get3A_719 = tpu.vector_load %arg14[%get3A_717, %get3A_718] {strides = array<i32>} : memref<8x2048xf32, #tpu.memory_space<vmem>>, vector<16xf32>,
        %mul3A_720 = arith.mulf %get3A_716, %get3A_719 : vector<16xf32>
        %add3A_721 = arith.addf %add3A_689, %mul3A_720 : vector<16xf32>
        %get3A_722 = arith.index_cast %scan3A_360 : i32 to index
        %get3A_723 = arith.constant 704 : index
        %get3A_724 = tpu.vector_load %arg13[%get3A_722, %get3A_723] {strides = array<i32>} : memref<8x2048xf32, #tpu.memory_space<vmem>>, vector<16xf32>,
        %get3A_725 = arith.index_cast %scan3A_360 : i32 to index
        %get3A_726 = arith.constant 704 : index
        %get3A_727 = tpu.vector_load %arg14[%get3A_725, %get3A_726] {strides = array<i32>} : memref<8x2048xf32, #tpu.memory_space<vmem>>, vector<16xf32>,
        %mul3A_728 = arith.mulf %get3A_724, %get3A_727 : vector<16xf32>
        %add3A_729 = arith.addf %add3A_697, %mul3A_728 : vector<16xf32>
        %get3A_730 = arith.index_cast %scan3A_360 : i32 to index
        %get3A_731 = arith.constant 720 : index
        %get3A_732 = tpu.vector_load %arg13[%get3A_730, %get3A_731] {strides = array<i32>} : memref<8x2048xf32, #tpu.memory_space<vmem>>, vector<16xf32>,
        %get3A_733 = arith.index_cast %scan3A_360 : i32 to index
        %get3A_734 = arith.constant 720 : index
        %get3A_735 = tpu.vector_load %arg14[%get3A_733, %get3A_734] {strides = array<i32>} : memref<8x2048xf32, #tpu.memory_space<vmem>>, vector<16xf32>,
        %mul3A_736 = arith.mulf %get3A_732, %get3A_735 : vector<16xf32>
        %add3A_737 = arith.addf %add3A_705, %mul3A_736 : vector<16xf32>
        %get3A_738 = arith.index_cast %scan3A_360 : i32 to index
        %get3A_739 = arith.constant 736 : index
        %get3A_740 = tpu.vector_load %arg13[%get3A_738, %get3A_739] {strides = array<i32>} : memref<8x2048xf32, #tpu.memory_space<vmem>>, vector<16xf32>,
        %get3A_741 = arith.index_cast %scan3A_360 : i32 to index
        %get3A_742 = arith.constant 736 : index
        %get3A_743 = tpu.vector_load %arg14[%get3A_741, %get3A_742] {strides = array<i32>} : memref<8x2048xf32, #tpu.memory_space<vmem>>, vector<16xf32>,
        %mul3A_744 = arith.mulf %get3A_740, %get3A_743 : vector<16xf32>
        %add3A_745 = arith.addf %add3A_713, %mul3A_744 : vector<16xf32>
        %get3A_746 = arith.index_cast %scan3A_360 : i32 to index
        %get3A_747 = arith.constant 752 : index
        %get3A_748 = tpu.vector_load %arg13[%get3A_746, %get3A_747] {strides = array<i32>} : memref<8x2048xf32, #tpu.memory_space<vmem>>, vector<16xf32>,
        %get3A_749 = arith.index_cast %scan3A_360 : i32 to index
        %get3A_750 = arith.constant 752 : index
        %get3A_751 = tpu.vector_load %arg14[%get3A_749, %get3A_750] {strides = array<i32>} : memref<8x2048xf32, #tpu.memory_space<vmem>>, vector<16xf32>,
        %mul3A_752 = arith.mulf %get3A_748, %get3A_751 : vector<16xf32>
        %add3A_753 = arith.addf %add3A_721, %mul3A_752 : vector<16xf32>
        %get3A_754 = arith.index_cast %scan3A_360 : i32 to index
        %get3A_755 = arith.constant 768 : index
        %get3A_756 = tpu.vector_load %arg13[%get3A_754, %get3A_755] {strides = array<i32>} : memref<8x2048xf32, #tpu.memory_space<vmem>>, vector<16xf32>,
        %get3A_757 = arith.index_cast %scan3A_360 : i32 to index
        %get3A_758 = arith.constant 768 : index
        %get3A_759 = tpu.vector_load %arg14[%get3A_757, %get3A_758] {strides = array<i32>} : memref<8x2048xf32, #tpu.memory_space<vmem>>, vector<16xf32>,
        %mul3A_760 = arith.mulf %get3A_756, %get3A_759 : vector<16xf32>
        %add3A_761 = arith.addf %add3A_729, %mul3A_760 : vector<16xf32>
        %get3A_762 = arith.index_cast %scan3A_360 : i32 to index
        %get3A_763 = arith.constant 784 : index
        %get3A_764 = tpu.vector_load %arg13[%get3A_762, %get3A_763] {strides = array<i32>} : memref<8x2048xf32, #tpu.memory_space<vmem>>, vector<16xf32>,
        %get3A_765 = arith.index_cast %scan3A_360 : i32 to index
        %get3A_766 = arith.constant 784 : index
        %get3A_767 = tpu.vector_load %arg14[%get3A_765, %get3A_766] {strides = array<i32>} : memref<8x2048xf32, #tpu.memory_space<vmem>>, vector<16xf32>,
        %mul3A_768 = arith.mulf %get3A_764, %get3A_767 : vector<16xf32>
        %add3A_769 = arith.addf %add3A_737, %mul3A_768 : vector<16xf32>
        %get3A_770 = arith.index_cast %scan3A_360 : i32 to index
        %get3A_771 = arith.constant 800 : index
        %get3A_772 = tpu.vector_load %arg13[%get3A_770, %get3A_771] {strides = array<i32>} : memref<8x2048xf32, #tpu.memory_space<vmem>>, vector<16xf32>,
        %get3A_773 = arith.index_cast %scan3A_360 : i32 to index
        %get3A_774 = arith.constant 800 : index
        %get3A_775 = tpu.vector_load %arg14[%get3A_773, %get3A_774] {strides = array<i32>} : memref<8x2048xf32, #tpu.memory_space<vmem>>, vector<16xf32>,
        %mul3A_776 = arith.mulf %get3A_772, %get3A_775 : vector<16xf32>
        %add3A_777 = arith.addf %add3A_745, %mul3A_776 : vector<16xf32>
        %get3A_778 = arith.index_cast %scan3A_360 : i32 to index
        %get3A_779 = arith.constant 816 : index
        %get3A_780 = tpu.vector_load %arg13[%get3A_778, %get3A_779] {strides = array<i32>} : memref<8x2048xf32, #tpu.memory_space<vmem>>, vector<16xf32>,
        %get3A_781 = arith.index_cast %scan3A_360 : i32 to index
        %get3A_782 = arith.constant 816 : index
        %get3A_783 = tpu.vector_load %arg14[%get3A_781, %get3A_782] {strides = array<i32>} : memref<8x2048xf32, #tpu.memory_space<vmem>>, vector<16xf32>,
        %mul3A_784 = arith.mulf %get3A_780, %get3A_783 : vector<16xf32>
        %add3A_785 = arith.addf %add3A_753, %mul3A_784 : vector<16xf32>
        %get3A_786 = arith.index_cast %scan3A_360 : i32 to index
        %get3A_787 = arith.constant 832 : index
        %get3A_788 = tpu.vector_load %arg13[%get3A_786, %get3A_787] {strides = array<i32>} : memref<8x2048xf32, #tpu.memory_space<vmem>>, vector<16xf32>,
        %get3A_789 = arith.index_cast %scan3A_360 : i32 to index
        %get3A_790 = arith.constant 832 : index
        %get3A_791 = tpu.vector_load %arg14[%get3A_789, %get3A_790] {strides = array<i32>} : memref<8x2048xf32, #tpu.memory_space<vmem>>, vector<16xf32>,
        %mul3A_792 = arith.mulf %get3A_788, %get3A_791 : vector<16xf32>
        %add3A_793 = arith.addf %add3A_761, %mul3A_792 : vector<16xf32>
        %get3A_794 = arith.index_cast %scan3A_360 : i32 to index
        %get3A_795 = arith.constant 848 : index
        %get3A_796 = tpu.vector_load %arg13[%get3A_794, %get3A_795] {strides = array<i32>} : memref<8x2048xf32, #tpu.memory_space<vmem>>, vector<16xf32>,
        %get3A_797 = arith.index_cast %scan3A_360 : i32 to index
        %get3A_798 = arith.constant 848 : index
        %get3A_799 = tpu.vector_load %arg14[%get3A_797, %get3A_798] {strides = array<i32>} : memref<8x2048xf32, #tpu.memory_space<vmem>>, vector<16xf32>,
        %mul3A_800 = arith.mulf %get3A_796, %get3A_799 : vector<16xf32>
        %add3A_801 = arith.addf %add3A_769, %mul3A_800 : vector<16xf32>
        %get3A_802 = arith.index_cast %scan3A_360 : i32 to index
        %get3A_803 = arith.constant 864 : index
        %get3A_804 = tpu.vector_load %arg13[%get3A_802, %get3A_803] {strides = array<i32>} : memref<8x2048xf32, #tpu.memory_space<vmem>>, vector<16xf32>,
        %get3A_805 = arith.index_cast %scan3A_360 : i32 to index
        %get3A_806 = arith.constant 864 : index
        %get3A_807 = tpu.vector_load %arg14[%get3A_805, %get3A_806] {strides = array<i32>} : memref<8x2048xf32, #tpu.memory_space<vmem>>, vector<16xf32>,
        %mul3A_808 = arith.mulf %get3A_804, %get3A_807 : vector<16xf32>
        %add3A_809 = arith.addf %add3A_777, %mul3A_808 : vector<16xf32>
        %get3A_810 = arith.index_cast %scan3A_360 : i32 to index
        %get3A_811 = arith.constant 880 : index
        %get3A_812 = tpu.vector_load %arg13[%get3A_810, %get3A_811] {strides = array<i32>} : memref<8x2048xf32, #tpu.memory_space<vmem>>, vector<16xf32>,
        %get3A_813 = arith.index_cast %scan3A_360 : i32 to index
        %get3A_814 = arith.constant 880 : index
        %get3A_815 = tpu.vector_load %arg14[%get3A_813, %get3A_814] {strides = array<i32>} : memref<8x2048xf32, #tpu.memory_space<vmem>>, vector<16xf32>,
        %mul3A_816 = arith.mulf %get3A_812, %get3A_815 : vector<16xf32>
        %add3A_817 = arith.addf %add3A_785, %mul3A_816 : vector<16xf32>
        %get3A_818 = arith.index_cast %scan3A_360 : i32 to index
        %get3A_819 = arith.constant 896 : index
        %get3A_820 = tpu.vector_load %arg13[%get3A_818, %get3A_819] {strides = array<i32>} : memref<8x2048xf32, #tpu.memory_space<vmem>>, vector<16xf32>,
        %get3A_821 = arith.index_cast %scan3A_360 : i32 to index
        %get3A_822 = arith.constant 896 : index
        %get3A_823 = tpu.vector_load %arg14[%get3A_821, %get3A_822] {strides = array<i32>} : memref<8x2048xf32, #tpu.memory_space<vmem>>, vector<16xf32>,
        %mul3A_824 = arith.mulf %get3A_820, %get3A_823 : vector<16xf32>
        %add3A_825 = arith.addf %add3A_793, %mul3A_824 : vector<16xf32>
        %get3A_826 = arith.index_cast %scan3A_360 : i32 to index
        %get3A_827 = arith.constant 912 : index
        %get3A_828 = tpu.vector_load %arg13[%get3A_826, %get3A_827] {strides = array<i32>} : memref<8x2048xf32, #tpu.memory_space<vmem>>, vector<16xf32>,
        %get3A_829 = arith.index_cast %scan3A_360 : i32 to index
        %get3A_830 = arith.constant 912 : index
        %get3A_831 = tpu.vector_load %arg14[%get3A_829, %get3A_830] {strides = array<i32>} : memref<8x2048xf32, #tpu.memory_space<vmem>>, vector<16xf32>,
        %mul3A_832 = arith.mulf %get3A_828, %get3A_831 : vector<16xf32>
        %add3A_833 = arith.addf %add3A_801, %mul3A_832 : vector<16xf32>
        %get3A_834 = arith.index_cast %scan3A_360 : i32 to index
        %get3A_835 = arith.constant 928 : index
        %get3A_836 = tpu.vector_load %arg13[%get3A_834, %get3A_835] {strides = array<i32>} : memref<8x2048xf32, #tpu.memory_space<vmem>>, vector<16xf32>,
        %get3A_837 = arith.index_cast %scan3A_360 : i32 to index
        %get3A_838 = arith.constant 928 : index
        %get3A_839 = tpu.vector_load %arg14[%get3A_837, %get3A_838] {strides = array<i32>} : memref<8x2048xf32, #tpu.memory_space<vmem>>, vector<16xf32>,
        %mul3A_840 = arith.mulf %get3A_836, %get3A_839 : vector<16xf32>
        %add3A_841 = arith.addf %add3A_809, %mul3A_840 : vector<16xf32>
        %get3A_842 = arith.index_cast %scan3A_360 : i32 to index
        %get3A_843 = arith.constant 944 : index
        %get3A_844 = tpu.vector_load %arg13[%get3A_842, %get3A_843] {strides = array<i32>} : memref<8x2048xf32, #tpu.memory_space<vmem>>, vector<16xf32>,
        %get3A_845 = arith.index_cast %scan3A_360 : i32 to index
        %get3A_846 = arith.constant 944 : index
        %get3A_847 = tpu.vector_load %arg14[%get3A_845, %get3A_846] {strides = array<i32>} : memref<8x2048xf32, #tpu.memory_space<vmem>>, vector<16xf32>,
        %mul3A_848 = arith.mulf %get3A_844, %get3A_847 : vector<16xf32>
        %add3A_849 = arith.addf %add3A_817, %mul3A_848 : vector<16xf32>
        %get3A_850 = arith.index_cast %scan3A_360 : i32 to index
        %get3A_851 = arith.constant 960 : index
        %get3A_852 = tpu.vector_load %arg13[%get3A_850, %get3A_851] {strides = array<i32>} : memref<8x2048xf32, #tpu.memory_space<vmem>>, vector<16xf32>,
        %get3A_853 = arith.index_cast %scan3A_360 : i32 to index
        %get3A_854 = arith.constant 960 : index
        %get3A_855 = tpu.vector_load %arg14[%get3A_853, %get3A_854] {strides = array<i32>} : memref<8x2048xf32, #tpu.memory_space<vmem>>, vector<16xf32>,
        %mul3A_856 = arith.mulf %get3A_852, %get3A_855 : vector<16xf32>
        %add3A_857 = arith.addf %add3A_825, %mul3A_856 : vector<16xf32>
        %get3A_858 = arith.index_cast %scan3A_360 : i32 to index
        %get3A_859 = arith.constant 976 : index
        %get3A_860 = tpu.vector_load %arg13[%get3A_858, %get3A_859] {strides = array<i32>} : memref<8x2048xf32, #tpu.memory_space<vmem>>, vector<16xf32>,
        %get3A_861 = arith.index_cast %scan3A_360 : i32 to index
        %get3A_862 = arith.constant 976 : index
        %get3A_863 = tpu.vector_load %arg14[%get3A_861, %get3A_862] {strides = array<i32>} : memref<8x2048xf32, #tpu.memory_space<vmem>>, vector<16xf32>,
        %mul3A_864 = arith.mulf %get3A_860, %get3A_863 : vector<16xf32>
        %add3A_865 = arith.addf %add3A_833, %mul3A_864 : vector<16xf32>
        %get3A_866 = arith.index_cast %scan3A_360 : i32 to index
        %get3A_867 = arith.constant 992 : index
        %get3A_868 = tpu.vector_load %arg13[%get3A_866, %get3A_867] {strides = array<i32>} : memref<8x2048xf32, #tpu.memory_space<vmem>>, vector<16xf32>,
        %get3A_869 = arith.index_cast %scan3A_360 : i32 to index
        %get3A_870 = arith.constant 992 : index
        %get3A_871 = tpu.vector_load %arg14[%get3A_869, %get3A_870] {strides = array<i32>} : memref<8x2048xf32, #tpu.memory_space<vmem>>, vector<16xf32>,
        %mul3A_872 = arith.mulf %get3A_868, %get3A_871 : vector<16xf32>
        %add3A_873 = arith.addf %add3A_841, %mul3A_872 : vector<16xf32>
        %get3A_874 = arith.index_cast %scan3A_360 : i32 to index
        %get3A_875 = arith.constant 1008 : index
        %get3A_876 = tpu.vector_load %arg13[%get3A_874, %get3A_875] {strides = array<i32>} : memref<8x2048xf32, #tpu.memory_space<vmem>>, vector<16xf32>,
        %get3A_877 = arith.index_cast %scan3A_360 : i32 to index
        %get3A_878 = arith.constant 1008 : index
        %get3A_879 = tpu.vector_load %arg14[%get3A_877, %get3A_878] {strides = array<i32>} : memref<8x2048xf32, #tpu.memory_space<vmem>>, vector<16xf32>,
        %mul3A_880 = arith.mulf %get3A_876, %get3A_879 : vector<16xf32>
        %add3A_881 = arith.addf %add3A_849, %mul3A_880 : vector<16xf32>
        %get3A_882 = arith.index_cast %scan3A_360 : i32 to index
        %get3A_883 = arith.constant 1024 : index
        %get3A_884 = tpu.vector_load %arg13[%get3A_882, %get3A_883] {strides = array<i32>} : memref<8x2048xf32, #tpu.memory_space<vmem>>, vector<16xf32>,
        %get3A_885 = arith.index_cast %scan3A_360 : i32 to index
        %get3A_886 = arith.constant 1024 : index
        %get3A_887 = tpu.vector_load %arg14[%get3A_885, %get3A_886] {strides = array<i32>} : memref<8x2048xf32, #tpu.memory_space<vmem>>, vector<16xf32>,
        %mul3A_888 = arith.mulf %get3A_884, %get3A_887 : vector<16xf32>
        %add3A_889 = arith.addf %add3A_857, %mul3A_888 : vector<16xf32>
        %get3A_890 = arith.index_cast %scan3A_360 : i32 to index
        %get3A_891 = arith.constant 1040 : index
        %get3A_892 = tpu.vector_load %arg13[%get3A_890, %get3A_891] {strides = array<i32>} : memref<8x2048xf32, #tpu.memory_space<vmem>>, vector<16xf32>,
        %get3A_893 = arith.index_cast %scan3A_360 : i32 to index
        %get3A_894 = arith.constant 1040 : index
        %get3A_895 = tpu.vector_load %arg14[%get3A_893, %get3A_894] {strides = array<i32>} : memref<8x2048xf32, #tpu.memory_space<vmem>>, vector<16xf32>,
        %mul3A_896 = arith.mulf %get3A_892, %get3A_895 : vector<16xf32>
        %add3A_897 = arith.addf %add3A_865, %mul3A_896 : vector<16xf32>
        %get3A_898 = arith.index_cast %scan3A_360 : i32 to index
        %get3A_899 = arith.constant 1056 : index
        %get3A_900 = tpu.vector_load %arg13[%get3A_898, %get3A_899] {strides = array<i32>} : memref<8x2048xf32, #tpu.memory_space<vmem>>, vector<16xf32>,
        %get3A_901 = arith.index_cast %scan3A_360 : i32 to index
        %get3A_902 = arith.constant 1056 : index
        %get3A_903 = tpu.vector_load %arg14[%get3A_901, %get3A_902] {strides = array<i32>} : memref<8x2048xf32, #tpu.memory_space<vmem>>, vector<16xf32>,
        %mul3A_904 = arith.mulf %get3A_900, %get3A_903 : vector<16xf32>
        %add3A_905 = arith.addf %add3A_873, %mul3A_904 : vector<16xf32>
        %get3A_906 = arith.index_cast %scan3A_360 : i32 to index
        %get3A_907 = arith.constant 1072 : index
        %get3A_908 = tpu.vector_load %arg13[%get3A_906, %get3A_907] {strides = array<i32>} : memref<8x2048xf32, #tpu.memory_space<vmem>>, vector<16xf32>,
        %get3A_909 = arith.index_cast %scan3A_360 : i32 to index
        %get3A_910 = arith.constant 1072 : index
        %get3A_911 = tpu.vector_load %arg14[%get3A_909, %get3A_910] {strides = array<i32>} : memref<8x2048xf32, #tpu.memory_space<vmem>>, vector<16xf32>,
        %mul3A_912 = arith.mulf %get3A_908, %get3A_911 : vector<16xf32>
        %add3A_913 = arith.addf %add3A_881, %mul3A_912 : vector<16xf32>
        %get3A_914 = arith.index_cast %scan3A_360 : i32 to index
        %get3A_915 = arith.constant 1088 : index
        %get3A_916 = tpu.vector_load %arg13[%get3A_914, %get3A_915] {strides = array<i32>} : memref<8x2048xf32, #tpu.memory_space<vmem>>, vector<16xf32>,
        %get3A_917 = arith.index_cast %scan3A_360 : i32 to index
        %get3A_918 = arith.constant 1088 : index
        %get3A_919 = tpu.vector_load %arg14[%get3A_917, %get3A_918] {strides = array<i32>} : memref<8x2048xf32, #tpu.memory_space<vmem>>, vector<16xf32>,
        %mul3A_920 = arith.mulf %get3A_916, %get3A_919 : vector<16xf32>
        %add3A_921 = arith.addf %add3A_889, %mul3A_920 : vector<16xf32>
        %get3A_922 = arith.index_cast %scan3A_360 : i32 to index
        %get3A_923 = arith.constant 1104 : index
        %get3A_924 = tpu.vector_load %arg13[%get3A_922, %get3A_923] {strides = array<i32>} : memref<8x2048xf32, #tpu.memory_space<vmem>>, vector<16xf32>,
        %get3A_925 = arith.index_cast %scan3A_360 : i32 to index
        %get3A_926 = arith.constant 1104 : index
        %get3A_927 = tpu.vector_load %arg14[%get3A_925, %get3A_926] {strides = array<i32>} : memref<8x2048xf32, #tpu.memory_space<vmem>>, vector<16xf32>,
        %mul3A_928 = arith.mulf %get3A_924, %get3A_927 : vector<16xf32>
        %add3A_929 = arith.addf %add3A_897, %mul3A_928 : vector<16xf32>
        %get3A_930 = arith.index_cast %scan3A_360 : i32 to index
        %get3A_931 = arith.constant 1120 : index
        %get3A_932 = tpu.vector_load %arg13[%get3A_930, %get3A_931] {strides = array<i32>} : memref<8x2048xf32, #tpu.memory_space<vmem>>, vector<16xf32>,
        %get3A_933 = arith.index_cast %scan3A_360 : i32 to index
        %get3A_934 = arith.constant 1120 : index
        %get3A_935 = tpu.vector_load %arg14[%get3A_933, %get3A_934] {strides = array<i32>} : memref<8x2048xf32, #tpu.memory_space<vmem>>, vector<16xf32>,
        %mul3A_936 = arith.mulf %get3A_932, %get3A_935 : vector<16xf32>
        %add3A_937 = arith.addf %add3A_905, %mul3A_936 : vector<16xf32>
        %get3A_938 = arith.index_cast %scan3A_360 : i32 to index
        %get3A_939 = arith.constant 1136 : index
        %get3A_940 = tpu.vector_load %arg13[%get3A_938, %get3A_939] {strides = array<i32>} : memref<8x2048xf32, #tpu.memory_space<vmem>>, vector<16xf32>,
        %get3A_941 = arith.index_cast %scan3A_360 : i32 to index
        %get3A_942 = arith.constant 1136 : index
        %get3A_943 = tpu.vector_load %arg14[%get3A_941, %get3A_942] {strides = array<i32>} : memref<8x2048xf32, #tpu.memory_space<vmem>>, vector<16xf32>,
        %mul3A_944 = arith.mulf %get3A_940, %get3A_943 : vector<16xf32>
        %add3A_945 = arith.addf %add3A_913, %mul3A_944 : vector<16xf32>
        %get3A_946 = arith.index_cast %scan3A_360 : i32 to index
        %get3A_947 = arith.constant 1152 : index
        %get3A_948 = tpu.vector_load %arg13[%get3A_946, %get3A_947] {strides = array<i32>} : memref<8x2048xf32, #tpu.memory_space<vmem>>, vector<16xf32>,
        %get3A_949 = arith.index_cast %scan3A_360 : i32 to index
        %get3A_950 = arith.constant 1152 : index
        %get3A_951 = tpu.vector_load %arg14[%get3A_949, %get3A_950] {strides = array<i32>} : memref<8x2048xf32, #tpu.memory_space<vmem>>, vector<16xf32>,
        %mul3A_952 = arith.mulf %get3A_948, %get3A_951 : vector<16xf32>
        %add3A_953 = arith.addf %add3A_921, %mul3A_952 : vector<16xf32>
        %get3A_954 = arith.index_cast %scan3A_360 : i32 to index
        %get3A_955 = arith.constant 1168 : index
        %get3A_956 = tpu.vector_load %arg13[%get3A_954, %get3A_955] {strides = array<i32>} : memref<8x2048xf32, #tpu.memory_space<vmem>>, vector<16xf32>,
        %get3A_957 = arith.index_cast %scan3A_360 : i32 to index
        %get3A_958 = arith.constant 1168 : index
        %get3A_959 = tpu.vector_load %arg14[%get3A_957, %get3A_958] {strides = array<i32>} : memref<8x2048xf32, #tpu.memory_space<vmem>>, vector<16xf32>,
        %mul3A_960 = arith.mulf %get3A_956, %get3A_959 : vector<16xf32>
        %add3A_961 = arith.addf %add3A_929, %mul3A_960 : vector<16xf32>
        %get3A_962 = arith.index_cast %scan3A_360 : i32 to index
        %get3A_963 = arith.constant 1184 : index
        %get3A_964 = tpu.vector_load %arg13[%get3A_962, %get3A_963] {strides = array<i32>} : memref<8x2048xf32, #tpu.memory_space<vmem>>, vector<16xf32>,
        %get3A_965 = arith.index_cast %scan3A_360 : i32 to index
        %get3A_966 = arith.constant 1184 : index
        %get3A_967 = tpu.vector_load %arg14[%get3A_965, %get3A_966] {strides = array<i32>} : memref<8x2048xf32, #tpu.memory_space<vmem>>, vector<16xf32>,
        %mul3A_968 = arith.mulf %get3A_964, %get3A_967 : vector<16xf32>
        %add3A_969 = arith.addf %add3A_937, %mul3A_968 : vector<16xf32>
        %get3A_970 = arith.index_cast %scan3A_360 : i32 to index
        %get3A_971 = arith.constant 1200 : index
        %get3A_972 = tpu.vector_load %arg13[%get3A_970, %get3A_971] {strides = array<i32>} : memref<8x2048xf32, #tpu.memory_space<vmem>>, vector<16xf32>,
        %get3A_973 = arith.index_cast %scan3A_360 : i32 to index
        %get3A_974 = arith.constant 1200 : index
        %get3A_975 = tpu.vector_load %arg14[%get3A_973, %get3A_974] {strides = array<i32>} : memref<8x2048xf32, #tpu.memory_space<vmem>>, vector<16xf32>,
        %mul3A_976 = arith.mulf %get3A_972, %get3A_975 : vector<16xf32>
        %add3A_977 = arith.addf %add3A_945, %mul3A_976 : vector<16xf32>
        %get3A_978 = arith.index_cast %scan3A_360 : i32 to index
        %get3A_979 = arith.constant 1216 : index
        %get3A_980 = tpu.vector_load %arg13[%get3A_978, %get3A_979] {strides = array<i32>} : memref<8x2048xf32, #tpu.memory_space<vmem>>, vector<16xf32>,
        %get3A_981 = arith.index_cast %scan3A_360 : i32 to index
        %get3A_982 = arith.constant 1216 : index
        %get3A_983 = tpu.vector_load %arg14[%get3A_981, %get3A_982] {strides = array<i32>} : memref<8x2048xf32, #tpu.memory_space<vmem>>, vector<16xf32>,
        %mul3A_984 = arith.mulf %get3A_980, %get3A_983 : vector<16xf32>
        %add3A_985 = arith.addf %add3A_953, %mul3A_984 : vector<16xf32>
        %get3A_986 = arith.index_cast %scan3A_360 : i32 to index
        %get3A_987 = arith.constant 1232 : index
        %get3A_988 = tpu.vector_load %arg13[%get3A_986, %get3A_987] {strides = array<i32>} : memref<8x2048xf32, #tpu.memory_space<vmem>>, vector<16xf32>,
        %get3A_989 = arith.index_cast %scan3A_360 : i32 to index
        %get3A_990 = arith.constant 1232 : index
        %get3A_991 = tpu.vector_load %arg14[%get3A_989, %get3A_990] {strides = array<i32>} : memref<8x2048xf32, #tpu.memory_space<vmem>>, vector<16xf32>,
        %mul3A_992 = arith.mulf %get3A_988, %get3A_991 : vector<16xf32>
        %add3A_993 = arith.addf %add3A_961, %mul3A_992 : vector<16xf32>
        %get3A_994 = arith.index_cast %scan3A_360 : i32 to index
        %get3A_995 = arith.constant 1248 : index
        %get3A_996 = tpu.vector_load %arg13[%get3A_994, %get3A_995] {strides = array<i32>} : memref<8x2048xf32, #tpu.memory_space<vmem>>, vector<16xf32>,
        %get3A_997 = arith.index_cast %scan3A_360 : i32 to index
        %get3A_998 = arith.constant 1248 : index
        %get3A_999 = tpu.vector_load %arg14[%get3A_997, %get3A_998] {strides = array<i32>} : memref<8x2048xf32, #tpu.memory_space<vmem>>, vector<16xf32>,
        %mul3A_1000 = arith.mulf %get3A_996, %get3A_999 : vector<16xf32>
        %add3A_1001 = arith.addf %add3A_969, %mul3A_1000 : vector<16xf32>
        %get3A_1002 = arith.index_cast %scan3A_360 : i32 to index
        %get3A_1003 = arith.constant 1264 : index
        %get3A_1004 = tpu.vector_load %arg13[%get3A_1002, %get3A_1003] {strides = array<i32>} : memref<8x2048xf32, #tpu.memory_space<vmem>>, vector<16xf32>,
        %get3A_1005 = arith.index_cast %scan3A_360 : i32 to index
        %get3A_1006 = arith.constant 1264 : index
        %get3A_1007 = tpu.vector_load %arg14[%get3A_1005, %get3A_1006] {strides = array<i32>} : memref<8x2048xf32, #tpu.memory_space<vmem>>, vector<16xf32>,
        %mul3A_1008 = arith.mulf %get3A_1004, %get3A_1007 : vector<16xf32>
        %add3A_1009 = arith.addf %add3A_977, %mul3A_1008 : vector<16xf32>
        %get3A_1010 = arith.index_cast %scan3A_360 : i32 to index
        %get3A_1011 = arith.constant 1280 : index
        %get3A_1012 = tpu.vector_load %arg13[%get3A_1010, %get3A_1011] {strides = array<i32>} : memref<8x2048xf32, #tpu.memory_space<vmem>>, vector<16xf32>,
        %get3A_1013 = arith.index_cast %scan3A_360 : i32 to index
        %get3A_1014 = arith.constant 1280 : index
        %get3A_1015 = tpu.vector_load %arg14[%get3A_1013, %get3A_1014] {strides = array<i32>} : memref<8x2048xf32, #tpu.memory_space<vmem>>, vector<16xf32>,
        %mul3A_1016 = arith.mulf %get3A_1012, %get3A_1015 : vector<16xf32>
        %add3A_1017 = arith.addf %add3A_985, %mul3A_1016 : vector<16xf32>
        %get3A_1018 = arith.index_cast %scan3A_360 : i32 to index
        %get3A_1019 = arith.constant 1296 : index
        %get3A_1020 = tpu.vector_load %arg13[%get3A_1018, %get3A_1019] {strides = array<i32>} : memref<8x2048xf32, #tpu.memory_space<vmem>>, vector<16xf32>,
        %get3A_1021 = arith.index_cast %scan3A_360 : i32 to index
        %get3A_1022 = arith.constant 1296 : index
        %get3A_1023 = tpu.vector_load %arg14[%get3A_1021, %get3A_1022] {strides = array<i32>} : memref<8x2048xf32, #tpu.memory_space<vmem>>, vector<16xf32>,
        %mul3A_1024 = arith.mulf %get3A_1020, %get3A_1023 : vector<16xf32>
        %add3A_1025 = arith.addf %add3A_993, %mul3A_1024 : vector<16xf32>
        %get3A_1026 = arith.index_cast %scan3A_360 : i32 to index
        %get3A_1027 = arith.constant 1312 : index
        %get3A_1028 = tpu.vector_load %arg13[%get3A_1026, %get3A_1027] {strides = array<i32>} : memref<8x2048xf32, #tpu.memory_space<vmem>>, vector<16xf32>,
        %get3A_1029 = arith.index_cast %scan3A_360 : i32 to index
        %get3A_1030 = arith.constant 1312 : index
        %get3A_1031 = tpu.vector_load %arg14[%get3A_1029, %get3A_1030] {strides = array<i32>} : memref<8x2048xf32, #tpu.memory_space<vmem>>, vector<16xf32>,
        %mul3A_1032 = arith.mulf %get3A_1028, %get3A_1031 : vector<16xf32>
        %add3A_1033 = arith.addf %add3A_1001, %mul3A_1032 : vector<16xf32>
        %get3A_1034 = arith.index_cast %scan3A_360 : i32 to index
        %get3A_1035 = arith.constant 1328 : index
        %get3A_1036 = tpu.vector_load %arg13[%get3A_1034, %get3A_1035] {strides = array<i32>} : memref<8x2048xf32, #tpu.memory_space<vmem>>, vector<16xf32>,
        %get3A_1037 = arith.index_cast %scan3A_360 : i32 to index
        %get3A_1038 = arith.constant 1328 : index
        %get3A_1039 = tpu.vector_load %arg14[%get3A_1037, %get3A_1038] {strides = array<i32>} : memref<8x2048xf32, #tpu.memory_space<vmem>>, vector<16xf32>,
        %mul3A_1040 = arith.mulf %get3A_1036, %get3A_1039 : vector<16xf32>
        %add3A_1041 = arith.addf %add3A_1009, %mul3A_1040 : vector<16xf32>
        %get3A_1042 = arith.index_cast %scan3A_360 : i32 to index
        %get3A_1043 = arith.constant 1344 : index
        %get3A_1044 = tpu.vector_load %arg13[%get3A_1042, %get3A_1043] {strides = array<i32>} : memref<8x2048xf32, #tpu.memory_space<vmem>>, vector<16xf32>,
        %get3A_1045 = arith.index_cast %scan3A_360 : i32 to index
        %get3A_1046 = arith.constant 1344 : index
        %get3A_1047 = tpu.vector_load %arg14[%get3A_1045, %get3A_1046] {strides = array<i32>} : memref<8x2048xf32, #tpu.memory_space<vmem>>, vector<16xf32>,
        %mul3A_1048 = arith.mulf %get3A_1044, %get3A_1047 : vector<16xf32>
        %add3A_1049 = arith.addf %add3A_1017, %mul3A_1048 : vector<16xf32>
        %get3A_1050 = arith.index_cast %scan3A_360 : i32 to index
        %get3A_1051 = arith.constant 1360 : index
        %get3A_1052 = tpu.vector_load %arg13[%get3A_1050, %get3A_1051] {strides = array<i32>} : memref<8x2048xf32, #tpu.memory_space<vmem>>, vector<16xf32>,
        %get3A_1053 = arith.index_cast %scan3A_360 : i32 to index
        %get3A_1054 = arith.constant 1360 : index
        %get3A_1055 = tpu.vector_load %arg14[%get3A_1053, %get3A_1054] {strides = array<i32>} : memref<8x2048xf32, #tpu.memory_space<vmem>>, vector<16xf32>,
        %mul3A_1056 = arith.mulf %get3A_1052, %get3A_1055 : vector<16xf32>
        %add3A_1057 = arith.addf %add3A_1025, %mul3A_1056 : vector<16xf32>
        %get3A_1058 = arith.index_cast %scan3A_360 : i32 to index
        %get3A_1059 = arith.constant 1376 : index
        %get3A_1060 = tpu.vector_load %arg13[%get3A_1058, %get3A_1059] {strides = array<i32>} : memref<8x2048xf32, #tpu.memory_space<vmem>>, vector<16xf32>,
        %get3A_1061 = arith.index_cast %scan3A_360 : i32 to index
        %get3A_1062 = arith.constant 1376 : index
        %get3A_1063 = tpu.vector_load %arg14[%get3A_1061, %get3A_1062] {strides = array<i32>} : memref<8x2048xf32, #tpu.memory_space<vmem>>, vector<16xf32>,
        %mul3A_1064 = arith.mulf %get3A_1060, %get3A_1063 : vector<16xf32>
        %add3A_1065 = arith.addf %add3A_1033, %mul3A_1064 : vector<16xf32>
        %get3A_1066 = arith.index_cast %scan3A_360 : i32 to index
        %get3A_1067 = arith.constant 1392 : index
        %get3A_1068 = tpu.vector_load %arg13[%get3A_1066, %get3A_1067] {strides = array<i32>} : memref<8x2048xf32, #tpu.memory_space<vmem>>, vector<16xf32>,
        %get3A_1069 = arith.index_cast %scan3A_360 : i32 to index
        %get3A_1070 = arith.constant 1392 : index
        %get3A_1071 = tpu.vector_load %arg14[%get3A_1069, %get3A_1070] {strides = array<i32>} : memref<8x2048xf32, #tpu.memory_space<vmem>>, vector<16xf32>,
        %mul3A_1072 = arith.mulf %get3A_1068, %get3A_1071 : vector<16xf32>
        %add3A_1073 = arith.addf %add3A_1041, %mul3A_1072 : vector<16xf32>
        %get3A_1074 = arith.index_cast %scan3A_360 : i32 to index
        %get3A_1075 = arith.constant 1408 : index
        %get3A_1076 = tpu.vector_load %arg13[%get3A_1074, %get3A_1075] {strides = array<i32>} : memref<8x2048xf32, #tpu.memory_space<vmem>>, vector<16xf32>,
        %get3A_1077 = arith.index_cast %scan3A_360 : i32 to index
        %get3A_1078 = arith.constant 1408 : index
        %get3A_1079 = tpu.vector_load %arg14[%get3A_1077, %get3A_1078] {strides = array<i32>} : memref<8x2048xf32, #tpu.memory_space<vmem>>, vector<16xf32>,
        %mul3A_1080 = arith.mulf %get3A_1076, %get3A_1079 : vector<16xf32>
        %add3A_1081 = arith.addf %add3A_1049, %mul3A_1080 : vector<16xf32>
        %get3A_1082 = arith.index_cast %scan3A_360 : i32 to index
        %get3A_1083 = arith.constant 1424 : index
        %get3A_1084 = tpu.vector_load %arg13[%get3A_1082, %get3A_1083] {strides = array<i32>} : memref<8x2048xf32, #tpu.memory_space<vmem>>, vector<16xf32>,
        %get3A_1085 = arith.index_cast %scan3A_360 : i32 to index
        %get3A_1086 = arith.constant 1424 : index
        %get3A_1087 = tpu.vector_load %arg14[%get3A_1085, %get3A_1086] {strides = array<i32>} : memref<8x2048xf32, #tpu.memory_space<vmem>>, vector<16xf32>,
        %mul3A_1088 = arith.mulf %get3A_1084, %get3A_1087 : vector<16xf32>
        %add3A_1089 = arith.addf %add3A_1057, %mul3A_1088 : vector<16xf32>
        %get3A_1090 = arith.index_cast %scan3A_360 : i32 to index
        %get3A_1091 = arith.constant 1440 : index
        %get3A_1092 = tpu.vector_load %arg13[%get3A_1090, %get3A_1091] {strides = array<i32>} : memref<8x2048xf32, #tpu.memory_space<vmem>>, vector<16xf32>,
        %get3A_1093 = arith.index_cast %scan3A_360 : i32 to index
        %get3A_1094 = arith.constant 1440 : index
        %get3A_1095 = tpu.vector_load %arg14[%get3A_1093, %get3A_1094] {strides = array<i32>} : memref<8x2048xf32, #tpu.memory_space<vmem>>, vector<16xf32>,
        %mul3A_1096 = arith.mulf %get3A_1092, %get3A_1095 : vector<16xf32>
        %add3A_1097 = arith.addf %add3A_1065, %mul3A_1096 : vector<16xf32>
        %get3A_1098 = arith.index_cast %scan3A_360 : i32 to index
        %get3A_1099 = arith.constant 1456 : index
        %get3A_1100 = tpu.vector_load %arg13[%get3A_1098, %get3A_1099] {strides = array<i32>} : memref<8x2048xf32, #tpu.memory_space<vmem>>, vector<16xf32>,
        %get3A_1101 = arith.index_cast %scan3A_360 : i32 to index
        %get3A_1102 = arith.constant 1456 : index
        %get3A_1103 = tpu.vector_load %arg14[%get3A_1101, %get3A_1102] {strides = array<i32>} : memref<8x2048xf32, #tpu.memory_space<vmem>>, vector<16xf32>,
        %mul3A_1104 = arith.mulf %get3A_1100, %get3A_1103 : vector<16xf32>
        %add3A_1105 = arith.addf %add3A_1073, %mul3A_1104 : vector<16xf32>
        %get3A_1106 = arith.index_cast %scan3A_360 : i32 to index
        %get3A_1107 = arith.constant 1472 : index
        %get3A_1108 = tpu.vector_load %arg13[%get3A_1106, %get3A_1107] {strides = array<i32>} : memref<8x2048xf32, #tpu.memory_space<vmem>>, vector<16xf32>,
        %get3A_1109 = arith.index_cast %scan3A_360 : i32 to index
        %get3A_1110 = arith.constant 1472 : index
        %get3A_1111 = tpu.vector_load %arg14[%get3A_1109, %get3A_1110] {strides = array<i32>} : memref<8x2048xf32, #tpu.memory_space<vmem>>, vector<16xf32>,
        %mul3A_1112 = arith.mulf %get3A_1108, %get3A_1111 : vector<16xf32>
        %add3A_1113 = arith.addf %add3A_1081, %mul3A_1112 : vector<16xf32>
        %get3A_1114 = arith.index_cast %scan3A_360 : i32 to index
        %get3A_1115 = arith.constant 1488 : index
        %get3A_1116 = tpu.vector_load %arg13[%get3A_1114, %get3A_1115] {strides = array<i32>} : memref<8x2048xf32, #tpu.memory_space<vmem>>, vector<16xf32>,
        %get3A_1117 = arith.index_cast %scan3A_360 : i32 to index
        %get3A_1118 = arith.constant 1488 : index
        %get3A_1119 = tpu.vector_load %arg14[%get3A_1117, %get3A_1118] {strides = array<i32>} : memref<8x2048xf32, #tpu.memory_space<vmem>>, vector<16xf32>,
        %mul3A_1120 = arith.mulf %get3A_1116, %get3A_1119 : vector<16xf32>
        %add3A_1121 = arith.addf %add3A_1089, %mul3A_1120 : vector<16xf32>
        %get3A_1122 = arith.index_cast %scan3A_360 : i32 to index
        %get3A_1123 = arith.constant 1504 : index
        %get3A_1124 = tpu.vector_load %arg13[%get3A_1122, %get3A_1123] {strides = array<i32>} : memref<8x2048xf32, #tpu.memory_space<vmem>>, vector<16xf32>,
        %get3A_1125 = arith.index_cast %scan3A_360 : i32 to index
        %get3A_1126 = arith.constant 1504 : index
        %get3A_1127 = tpu.vector_load %arg14[%get3A_1125, %get3A_1126] {strides = array<i32>} : memref<8x2048xf32, #tpu.memory_space<vmem>>, vector<16xf32>,
        %mul3A_1128 = arith.mulf %get3A_1124, %get3A_1127 : vector<16xf32>
        %add3A_1129 = arith.addf %add3A_1097, %mul3A_1128 : vector<16xf32>
        %get3A_1130 = arith.index_cast %scan3A_360 : i32 to index
        %get3A_1131 = arith.constant 1520 : index
        %get3A_1132 = tpu.vector_load %arg13[%get3A_1130, %get3A_1131] {strides = array<i32>} : memref<8x2048xf32, #tpu.memory_space<vmem>>, vector<16xf32>,
        %get3A_1133 = arith.index_cast %scan3A_360 : i32 to index
        %get3A_1134 = arith.constant 1520 : index
        %get3A_1135 = tpu.vector_load %arg14[%get3A_1133, %get3A_1134] {strides = array<i32>} : memref<8x2048xf32, #tpu.memory_space<vmem>>, vector<16xf32>,
        %mul3A_1136 = arith.mulf %get3A_1132, %get3A_1135 : vector<16xf32>
        %add3A_1137 = arith.addf %add3A_1105, %mul3A_1136 : vector<16xf32>
        %get3A_1138 = arith.index_cast %scan3A_360 : i32 to index
        %get3A_1139 = arith.constant 1536 : index
        %get3A_1140 = tpu.vector_load %arg13[%get3A_1138, %get3A_1139] {strides = array<i32>} : memref<8x2048xf32, #tpu.memory_space<vmem>>, vector<16xf32>,
        %get3A_1141 = arith.index_cast %scan3A_360 : i32 to index
        %get3A_1142 = arith.constant 1536 : index
        %get3A_1143 = tpu.vector_load %arg14[%get3A_1141, %get3A_1142] {strides = array<i32>} : memref<8x2048xf32, #tpu.memory_space<vmem>>, vector<16xf32>,
        %mul3A_1144 = arith.mulf %get3A_1140, %get3A_1143 : vector<16xf32>
        %add3A_1145 = arith.addf %add3A_1113, %mul3A_1144 : vector<16xf32>
        %get3A_1146 = arith.index_cast %scan3A_360 : i32 to index
        %get3A_1147 = arith.constant 1552 : index
        %get3A_1148 = tpu.vector_load %arg13[%get3A_1146, %get3A_1147] {strides = array<i32>} : memref<8x2048xf32, #tpu.memory_space<vmem>>, vector<16xf32>,
        %get3A_1149 = arith.index_cast %scan3A_360 : i32 to index
        %get3A_1150 = arith.constant 1552 : index
        %get3A_1151 = tpu.vector_load %arg14[%get3A_1149, %get3A_1150] {strides = array<i32>} : memref<8x2048xf32, #tpu.memory_space<vmem>>, vector<16xf32>,
        %mul3A_1152 = arith.mulf %get3A_1148, %get3A_1151 : vector<16xf32>
        %add3A_1153 = arith.addf %add3A_1121, %mul3A_1152 : vector<16xf32>
        %get3A_1154 = arith.index_cast %scan3A_360 : i32 to index
        %get3A_1155 = arith.constant 1568 : index
        %get3A_1156 = tpu.vector_load %arg13[%get3A_1154, %get3A_1155] {strides = array<i32>} : memref<8x2048xf32, #tpu.memory_space<vmem>>, vector<16xf32>,
        %get3A_1157 = arith.index_cast %scan3A_360 : i32 to index
        %get3A_1158 = arith.constant 1568 : index
        %get3A_1159 = tpu.vector_load %arg14[%get3A_1157, %get3A_1158] {strides = array<i32>} : memref<8x2048xf32, #tpu.memory_space<vmem>>, vector<16xf32>,
        %mul3A_1160 = arith.mulf %get3A_1156, %get3A_1159 : vector<16xf32>
        %add3A_1161 = arith.addf %add3A_1129, %mul3A_1160 : vector<16xf32>
        %get3A_1162 = arith.index_cast %scan3A_360 : i32 to index
        %get3A_1163 = arith.constant 1584 : index
        %get3A_1164 = tpu.vector_load %arg13[%get3A_1162, %get3A_1163] {strides = array<i32>} : memref<8x2048xf32, #tpu.memory_space<vmem>>, vector<16xf32>,
        %get3A_1165 = arith.index_cast %scan3A_360 : i32 to index
        %get3A_1166 = arith.constant 1584 : index
        %get3A_1167 = tpu.vector_load %arg14[%get3A_1165, %get3A_1166] {strides = array<i32>} : memref<8x2048xf32, #tpu.memory_space<vmem>>, vector<16xf32>,
        %mul3A_1168 = arith.mulf %get3A_1164, %get3A_1167 : vector<16xf32>
        %add3A_1169 = arith.addf %add3A_1137, %mul3A_1168 : vector<16xf32>
        %get3A_1170 = arith.index_cast %scan3A_360 : i32 to index
        %get3A_1171 = arith.constant 1600 : index
        %get3A_1172 = tpu.vector_load %arg13[%get3A_1170, %get3A_1171] {strides = array<i32>} : memref<8x2048xf32, #tpu.memory_space<vmem>>, vector<16xf32>,
        %get3A_1173 = arith.index_cast %scan3A_360 : i32 to index
        %get3A_1174 = arith.constant 1600 : index
        %get3A_1175 = tpu.vector_load %arg14[%get3A_1173, %get3A_1174] {strides = array<i32>} : memref<8x2048xf32, #tpu.memory_space<vmem>>, vector<16xf32>,
        %mul3A_1176 = arith.mulf %get3A_1172, %get3A_1175 : vector<16xf32>
        %add3A_1177 = arith.addf %add3A_1145, %mul3A_1176 : vector<16xf32>
        %get3A_1178 = arith.index_cast %scan3A_360 : i32 to index
        %get3A_1179 = arith.constant 1616 : index
        %get3A_1180 = tpu.vector_load %arg13[%get3A_1178, %get3A_1179] {strides = array<i32>} : memref<8x2048xf32, #tpu.memory_space<vmem>>, vector<16xf32>,
        %get3A_1181 = arith.index_cast %scan3A_360 : i32 to index
        %get3A_1182 = arith.constant 1616 : index
        %get3A_1183 = tpu.vector_load %arg14[%get3A_1181, %get3A_1182] {strides = array<i32>} : memref<8x2048xf32, #tpu.memory_space<vmem>>, vector<16xf32>,
        %mul3A_1184 = arith.mulf %get3A_1180, %get3A_1183 : vector<16xf32>
        %add3A_1185 = arith.addf %add3A_1153, %mul3A_1184 : vector<16xf32>
        %get3A_1186 = arith.index_cast %scan3A_360 : i32 to index
        %get3A_1187 = arith.constant 1632 : index
        %get3A_1188 = tpu.vector_load %arg13[%get3A_1186, %get3A_1187] {strides = array<i32>} : memref<8x2048xf32, #tpu.memory_space<vmem>>, vector<16xf32>,
        %get3A_1189 = arith.index_cast %scan3A_360 : i32 to index
        %get3A_1190 = arith.constant 1632 : index
        %get3A_1191 = tpu.vector_load %arg14[%get3A_1189, %get3A_1190] {strides = array<i32>} : memref<8x2048xf32, #tpu.memory_space<vmem>>, vector<16xf32>,
        %mul3A_1192 = arith.mulf %get3A_1188, %get3A_1191 : vector<16xf32>
        %add3A_1193 = arith.addf %add3A_1161, %mul3A_1192 : vector<16xf32>
        %get3A_1194 = arith.index_cast %scan3A_360 : i32 to index
        %get3A_1195 = arith.constant 1648 : index
        %get3A_1196 = tpu.vector_load %arg13[%get3A_1194, %get3A_1195] {strides = array<i32>} : memref<8x2048xf32, #tpu.memory_space<vmem>>, vector<16xf32>,
        %get3A_1197 = arith.index_cast %scan3A_360 : i32 to index
        %get3A_1198 = arith.constant 1648 : index
        %get3A_1199 = tpu.vector_load %arg14[%get3A_1197, %get3A_1198] {strides = array<i32>} : memref<8x2048xf32, #tpu.memory_space<vmem>>, vector<16xf32>,
        %mul3A_1200 = arith.mulf %get3A_1196, %get3A_1199 : vector<16xf32>
        %add3A_1201 = arith.addf %add3A_1169, %mul3A_1200 : vector<16xf32>
        %get3A_1202 = arith.index_cast %scan3A_360 : i32 to index
        %get3A_1203 = arith.constant 1664 : index
        %get3A_1204 = tpu.vector_load %arg13[%get3A_1202, %get3A_1203] {strides = array<i32>} : memref<8x2048xf32, #tpu.memory_space<vmem>>, vector<16xf32>,
        %get3A_1205 = arith.index_cast %scan3A_360 : i32 to index
        %get3A_1206 = arith.constant 1664 : index
        %get3A_1207 = tpu.vector_load %arg14[%get3A_1205, %get3A_1206] {strides = array<i32>} : memref<8x2048xf32, #tpu.memory_space<vmem>>, vector<16xf32>,
        %mul3A_1208 = arith.mulf %get3A_1204, %get3A_1207 : vector<16xf32>
        %add3A_1209 = arith.addf %add3A_1177, %mul3A_1208 : vector<16xf32>
        %get3A_1210 = arith.index_cast %scan3A_360 : i32 to index
        %get3A_1211 = arith.constant 1680 : index
        %get3A_1212 = tpu.vector_load %arg13[%get3A_1210, %get3A_1211] {strides = array<i32>} : memref<8x2048xf32, #tpu.memory_space<vmem>>, vector<16xf32>,
        %get3A_1213 = arith.index_cast %scan3A_360 : i32 to index
        %get3A_1214 = arith.constant 1680 : index
        %get3A_1215 = tpu.vector_load %arg14[%get3A_1213, %get3A_1214] {strides = array<i32>} : memref<8x2048xf32, #tpu.memory_space<vmem>>, vector<16xf32>,
        %mul3A_1216 = arith.mulf %get3A_1212, %get3A_1215 : vector<16xf32>
        %add3A_1217 = arith.addf %add3A_1185, %mul3A_1216 : vector<16xf32>
        %get3A_1218 = arith.index_cast %scan3A_360 : i32 to index
        %get3A_1219 = arith.constant 1696 : index
        %get3A_1220 = tpu.vector_load %arg13[%get3A_1218, %get3A_1219] {strides = array<i32>} : memref<8x2048xf32, #tpu.memory_space<vmem>>, vector<16xf32>,
        %get3A_1221 = arith.index_cast %scan3A_360 : i32 to index
        %get3A_1222 = arith.constant 1696 : index
        %get3A_1223 = tpu.vector_load %arg14[%get3A_1221, %get3A_1222] {strides = array<i32>} : memref<8x2048xf32, #tpu.memory_space<vmem>>, vector<16xf32>,
        %mul3A_1224 = arith.mulf %get3A_1220, %get3A_1223 : vector<16xf32>
        %add3A_1225 = arith.addf %add3A_1193, %mul3A_1224 : vector<16xf32>
        %get3A_1226 = arith.index_cast %scan3A_360 : i32 to index
        %get3A_1227 = arith.constant 1712 : index
        %get3A_1228 = tpu.vector_load %arg13[%get3A_1226, %get3A_1227] {strides = array<i32>} : memref<8x2048xf32, #tpu.memory_space<vmem>>, vector<16xf32>,
        %get3A_1229 = arith.index_cast %scan3A_360 : i32 to index
        %get3A_1230 = arith.constant 1712 : index
        %get3A_1231 = tpu.vector_load %arg14[%get3A_1229, %get3A_1230] {strides = array<i32>} : memref<8x2048xf32, #tpu.memory_space<vmem>>, vector<16xf32>,
        %mul3A_1232 = arith.mulf %get3A_1228, %get3A_1231 : vector<16xf32>
        %add3A_1233 = arith.addf %add3A_1201, %mul3A_1232 : vector<16xf32>
        %get3A_1234 = arith.index_cast %scan3A_360 : i32 to index
        %get3A_1235 = arith.constant 1728 : index
        %get3A_1236 = tpu.vector_load %arg13[%get3A_1234, %get3A_1235] {strides = array<i32>} : memref<8x2048xf32, #tpu.memory_space<vmem>>, vector<16xf32>,
        %get3A_1237 = arith.index_cast %scan3A_360 : i32 to index
        %get3A_1238 = arith.constant 1728 : index
        %get3A_1239 = tpu.vector_load %arg14[%get3A_1237, %get3A_1238] {strides = array<i32>} : memref<8x2048xf32, #tpu.memory_space<vmem>>, vector<16xf32>,
        %mul3A_1240 = arith.mulf %get3A_1236, %get3A_1239 : vector<16xf32>
        %add3A_1241 = arith.addf %add3A_1209, %mul3A_1240 : vector<16xf32>
        %get3A_1242 = arith.index_cast %scan3A_360 : i32 to index
        %get3A_1243 = arith.constant 1744 : index
        %get3A_1244 = tpu.vector_load %arg13[%get3A_1242, %get3A_1243] {strides = array<i32>} : memref<8x2048xf32, #tpu.memory_space<vmem>>, vector<16xf32>,
        %get3A_1245 = arith.index_cast %scan3A_360 : i32 to index
        %get3A_1246 = arith.constant 1744 : index
        %get3A_1247 = tpu.vector_load %arg14[%get3A_1245, %get3A_1246] {strides = array<i32>} : memref<8x2048xf32, #tpu.memory_space<vmem>>, vector<16xf32>,
        %mul3A_1248 = arith.mulf %get3A_1244, %get3A_1247 : vector<16xf32>
        %add3A_1249 = arith.addf %add3A_1217, %mul3A_1248 : vector<16xf32>
        %get3A_1250 = arith.index_cast %scan3A_360 : i32 to index
        %get3A_1251 = arith.constant 1760 : index
        %get3A_1252 = tpu.vector_load %arg13[%get3A_1250, %get3A_1251] {strides = array<i32>} : memref<8x2048xf32, #tpu.memory_space<vmem>>, vector<16xf32>,
        %get3A_1253 = arith.index_cast %scan3A_360 : i32 to index
        %get3A_1254 = arith.constant 1760 : index
        %get3A_1255 = tpu.vector_load %arg14[%get3A_1253, %get3A_1254] {strides = array<i32>} : memref<8x2048xf32, #tpu.memory_space<vmem>>, vector<16xf32>,
        %mul3A_1256 = arith.mulf %get3A_1252, %get3A_1255 : vector<16xf32>
        %add3A_1257 = arith.addf %add3A_1225, %mul3A_1256 : vector<16xf32>
        %get3A_1258 = arith.index_cast %scan3A_360 : i32 to index
        %get3A_1259 = arith.constant 1776 : index
        %get3A_1260 = tpu.vector_load %arg13[%get3A_1258, %get3A_1259] {strides = array<i32>} : memref<8x2048xf32, #tpu.memory_space<vmem>>, vector<16xf32>,
        %get3A_1261 = arith.index_cast %scan3A_360 : i32 to index
        %get3A_1262 = arith.constant 1776 : index
        %get3A_1263 = tpu.vector_load %arg14[%get3A_1261, %get3A_1262] {strides = array<i32>} : memref<8x2048xf32, #tpu.memory_space<vmem>>, vector<16xf32>,
        %mul3A_1264 = arith.mulf %get3A_1260, %get3A_1263 : vector<16xf32>
        %add3A_1265 = arith.addf %add3A_1233, %mul3A_1264 : vector<16xf32>
        %get3A_1266 = arith.index_cast %scan3A_360 : i32 to index
        %get3A_1267 = arith.constant 1792 : index
        %get3A_1268 = tpu.vector_load %arg13[%get3A_1266, %get3A_1267] {strides = array<i32>} : memref<8x2048xf32, #tpu.memory_space<vmem>>, vector<16xf32>,
        %get3A_1269 = arith.index_cast %scan3A_360 : i32 to index
        %get3A_1270 = arith.constant 1792 : index
        %get3A_1271 = tpu.vector_load %arg14[%get3A_1269, %get3A_1270] {strides = array<i32>} : memref<8x2048xf32, #tpu.memory_space<vmem>>, vector<16xf32>,
        %mul3A_1272 = arith.mulf %get3A_1268, %get3A_1271 : vector<16xf32>
        %add3A_1273 = arith.addf %add3A_1241, %mul3A_1272 : vector<16xf32>
        %get3A_1274 = arith.index_cast %scan3A_360 : i32 to index
        %get3A_1275 = arith.constant 1808 : index
        %get3A_1276 = tpu.vector_load %arg13[%get3A_1274, %get3A_1275] {strides = array<i32>} : memref<8x2048xf32, #tpu.memory_space<vmem>>, vector<16xf32>,
        %get3A_1277 = arith.index_cast %scan3A_360 : i32 to index
        %get3A_1278 = arith.constant 1808 : index
        %get3A_1279 = tpu.vector_load %arg14[%get3A_1277, %get3A_1278] {strides = array<i32>} : memref<8x2048xf32, #tpu.memory_space<vmem>>, vector<16xf32>,
        %mul3A_1280 = arith.mulf %get3A_1276, %get3A_1279 : vector<16xf32>
        %add3A_1281 = arith.addf %add3A_1249, %mul3A_1280 : vector<16xf32>
        %get3A_1282 = arith.index_cast %scan3A_360 : i32 to index
        %get3A_1283 = arith.constant 1824 : index
        %get3A_1284 = tpu.vector_load %arg13[%get3A_1282, %get3A_1283] {strides = array<i32>} : memref<8x2048xf32, #tpu.memory_space<vmem>>, vector<16xf32>,
        %get3A_1285 = arith.index_cast %scan3A_360 : i32 to index
        %get3A_1286 = arith.constant 1824 : index
        %get3A_1287 = tpu.vector_load %arg14[%get3A_1285, %get3A_1286] {strides = array<i32>} : memref<8x2048xf32, #tpu.memory_space<vmem>>, vector<16xf32>,
        %mul3A_1288 = arith.mulf %get3A_1284, %get3A_1287 : vector<16xf32>
        %add3A_1289 = arith.addf %add3A_1257, %mul3A_1288 : vector<16xf32>
        %get3A_1290 = arith.index_cast %scan3A_360 : i32 to index
        %get3A_1291 = arith.constant 1840 : index
        %get3A_1292 = tpu.vector_load %arg13[%get3A_1290, %get3A_1291] {strides = array<i32>} : memref<8x2048xf32, #tpu.memory_space<vmem>>, vector<16xf32>,
        %get3A_1293 = arith.index_cast %scan3A_360 : i32 to index
        %get3A_1294 = arith.constant 1840 : index
        %get3A_1295 = tpu.vector_load %arg14[%get3A_1293, %get3A_1294] {strides = array<i32>} : memref<8x2048xf32, #tpu.memory_space<vmem>>, vector<16xf32>,
        %mul3A_1296 = arith.mulf %get3A_1292, %get3A_1295 : vector<16xf32>
        %add3A_1297 = arith.addf %add3A_1265, %mul3A_1296 : vector<16xf32>
        %get3A_1298 = arith.index_cast %scan3A_360 : i32 to index
        %get3A_1299 = arith.constant 1856 : index
        %get3A_1300 = tpu.vector_load %arg13[%get3A_1298, %get3A_1299] {strides = array<i32>} : memref<8x2048xf32, #tpu.memory_space<vmem>>, vector<16xf32>,
        %get3A_1301 = arith.index_cast %scan3A_360 : i32 to index
        %get3A_1302 = arith.constant 1856 : index
        %get3A_1303 = tpu.vector_load %arg14[%get3A_1301, %get3A_1302] {strides = array<i32>} : memref<8x2048xf32, #tpu.memory_space<vmem>>, vector<16xf32>,
        %mul3A_1304 = arith.mulf %get3A_1300, %get3A_1303 : vector<16xf32>
        %add3A_1305 = arith.addf %add3A_1273, %mul3A_1304 : vector<16xf32>
        %get3A_1306 = arith.index_cast %scan3A_360 : i32 to index
        %get3A_1307 = arith.constant 1872 : index
        %get3A_1308 = tpu.vector_load %arg13[%get3A_1306, %get3A_1307] {strides = array<i32>} : memref<8x2048xf32, #tpu.memory_space<vmem>>, vector<16xf32>,
        %get3A_1309 = arith.index_cast %scan3A_360 : i32 to index
        %get3A_1310 = arith.constant 1872 : index
        %get3A_1311 = tpu.vector_load %arg14[%get3A_1309, %get3A_1310] {strides = array<i32>} : memref<8x2048xf32, #tpu.memory_space<vmem>>, vector<16xf32>,
        %mul3A_1312 = arith.mulf %get3A_1308, %get3A_1311 : vector<16xf32>
        %add3A_1313 = arith.addf %add3A_1281, %mul3A_1312 : vector<16xf32>
        %get3A_1314 = arith.index_cast %scan3A_360 : i32 to index
        %get3A_1315 = arith.constant 1888 : index
        %get3A_1316 = tpu.vector_load %arg13[%get3A_1314, %get3A_1315] {strides = array<i32>} : memref<8x2048xf32, #tpu.memory_space<vmem>>, vector<16xf32>,
        %get3A_1317 = arith.index_cast %scan3A_360 : i32 to index
        %get3A_1318 = arith.constant 1888 : index
        %get3A_1319 = tpu.vector_load %arg14[%get3A_1317, %get3A_1318] {strides = array<i32>} : memref<8x2048xf32, #tpu.memory_space<vmem>>, vector<16xf32>,
        %mul3A_1320 = arith.mulf %get3A_1316, %get3A_1319 : vector<16xf32>
        %add3A_1321 = arith.addf %add3A_1289, %mul3A_1320 : vector<16xf32>
        %get3A_1322 = arith.index_cast %scan3A_360 : i32 to index
        %get3A_1323 = arith.constant 1904 : index
        %get3A_1324 = tpu.vector_load %arg13[%get3A_1322, %get3A_1323] {strides = array<i32>} : memref<8x2048xf32, #tpu.memory_space<vmem>>, vector<16xf32>,
        %get3A_1325 = arith.index_cast %scan3A_360 : i32 to index
        %get3A_1326 = arith.constant 1904 : index
        %get3A_1327 = tpu.vector_load %arg14[%get3A_1325, %get3A_1326] {strides = array<i32>} : memref<8x2048xf32, #tpu.memory_space<vmem>>, vector<16xf32>,
        %mul3A_1328 = arith.mulf %get3A_1324, %get3A_1327 : vector<16xf32>
        %add3A_1329 = arith.addf %add3A_1297, %mul3A_1328 : vector<16xf32>
        %get3A_1330 = arith.index_cast %scan3A_360 : i32 to index
        %get3A_1331 = arith.constant 1920 : index
        %get3A_1332 = tpu.vector_load %arg13[%get3A_1330, %get3A_1331] {strides = array<i32>} : memref<8x2048xf32, #tpu.memory_space<vmem>>, vector<16xf32>,
        %get3A_1333 = arith.index_cast %scan3A_360 : i32 to index
        %get3A_1334 = arith.constant 1920 : index
        %get3A_1335 = tpu.vector_load %arg14[%get3A_1333, %get3A_1334] {strides = array<i32>} : memref<8x2048xf32, #tpu.memory_space<vmem>>, vector<16xf32>,
        %mul3A_1336 = arith.mulf %get3A_1332, %get3A_1335 : vector<16xf32>
        %add3A_1337 = arith.addf %add3A_1305, %mul3A_1336 : vector<16xf32>
        %get3A_1338 = arith.index_cast %scan3A_360 : i32 to index
        %get3A_1339 = arith.constant 1936 : index
        %get3A_1340 = tpu.vector_load %arg13[%get3A_1338, %get3A_1339] {strides = array<i32>} : memref<8x2048xf32, #tpu.memory_space<vmem>>, vector<16xf32>,
        %get3A_1341 = arith.index_cast %scan3A_360 : i32 to index
        %get3A_1342 = arith.constant 1936 : index
        %get3A_1343 = tpu.vector_load %arg14[%get3A_1341, %get3A_1342] {strides = array<i32>} : memref<8x2048xf32, #tpu.memory_space<vmem>>, vector<16xf32>,
        %mul3A_1344 = arith.mulf %get3A_1340, %get3A_1343 : vector<16xf32>
        %add3A_1345 = arith.addf %add3A_1313, %mul3A_1344 : vector<16xf32>
        %get3A_1346 = arith.index_cast %scan3A_360 : i32 to index
        %get3A_1347 = arith.constant 1952 : index
        %get3A_1348 = tpu.vector_load %arg13[%get3A_1346, %get3A_1347] {strides = array<i32>} : memref<8x2048xf32, #tpu.memory_space<vmem>>, vector<16xf32>,
        %get3A_1349 = arith.index_cast %scan3A_360 : i32 to index
        %get3A_1350 = arith.constant 1952 : index
        %get3A_1351 = tpu.vector_load %arg14[%get3A_1349, %get3A_1350] {strides = array<i32>} : memref<8x2048xf32, #tpu.memory_space<vmem>>, vector<16xf32>,
        %mul3A_1352 = arith.mulf %get3A_1348, %get3A_1351 : vector<16xf32>
        %add3A_1353 = arith.addf %add3A_1321, %mul3A_1352 : vector<16xf32>
        %get3A_1354 = arith.index_cast %scan3A_360 : i32 to index
        %get3A_1355 = arith.constant 1968 : index
        %get3A_1356 = tpu.vector_load %arg13[%get3A_1354, %get3A_1355] {strides = array<i32>} : memref<8x2048xf32, #tpu.memory_space<vmem>>, vector<16xf32>,
        %get3A_1357 = arith.index_cast %scan3A_360 : i32 to index
        %get3A_1358 = arith.constant 1968 : index
        %get3A_1359 = tpu.vector_load %arg14[%get3A_1357, %get3A_1358] {strides = array<i32>} : memref<8x2048xf32, #tpu.memory_space<vmem>>, vector<16xf32>,
        %mul3A_1360 = arith.mulf %get3A_1356, %get3A_1359 : vector<16xf32>
        %add3A_1361 = arith.addf %add3A_1329, %mul3A_1360 : vector<16xf32>
        %get3A_1362 = arith.index_cast %scan3A_360 : i32 to index
        %get3A_1363 = arith.constant 1984 : index
        %get3A_1364 = tpu.vector_load %arg13[%get3A_1362, %get3A_1363] {strides = array<i32>} : memref<8x2048xf32, #tpu.memory_space<vmem>>, vector<16xf32>,
        %get3A_1365 = arith.index_cast %scan3A_360 : i32 to index
        %get3A_1366 = arith.constant 1984 : index
        %get3A_1367 = tpu.vector_load %arg14[%get3A_1365, %get3A_1366] {strides = array<i32>} : memref<8x2048xf32, #tpu.memory_space<vmem>>, vector<16xf32>,
        %mul3A_1368 = arith.mulf %get3A_1364, %get3A_1367 : vector<16xf32>
        %add3A_1369 = arith.addf %add3A_1337, %mul3A_1368 : vector<16xf32>
        %get3A_1370 = arith.index_cast %scan3A_360 : i32 to index
        %get3A_1371 = arith.constant 2000 : index
        %get3A_1372 = tpu.vector_load %arg13[%get3A_1370, %get3A_1371] {strides = array<i32>} : memref<8x2048xf32, #tpu.memory_space<vmem>>, vector<16xf32>,
        %get3A_1373 = arith.index_cast %scan3A_360 : i32 to index
        %get3A_1374 = arith.constant 2000 : index
        %get3A_1375 = tpu.vector_load %arg14[%get3A_1373, %get3A_1374] {strides = array<i32>} : memref<8x2048xf32, #tpu.memory_space<vmem>>, vector<16xf32>,
        %mul3A_1376 = arith.mulf %get3A_1372, %get3A_1375 : vector<16xf32>
        %add3A_1377 = arith.addf %add3A_1345, %mul3A_1376 : vector<16xf32>
        %get3A_1378 = arith.index_cast %scan3A_360 : i32 to index
        %get3A_1379 = arith.constant 2016 : index
        %get3A_1380 = tpu.vector_load %arg13[%get3A_1378, %get3A_1379] {strides = array<i32>} : memref<8x2048xf32, #tpu.memory_space<vmem>>, vector<16xf32>,
        %get3A_1381 = arith.index_cast %scan3A_360 : i32 to index
        %get3A_1382 = arith.constant 2016 : index
        %get3A_1383 = tpu.vector_load %arg14[%get3A_1381, %get3A_1382] {strides = array<i32>} : memref<8x2048xf32, #tpu.memory_space<vmem>>, vector<16xf32>,
        %mul3A_1384 = arith.mulf %get3A_1380, %get3A_1383 : vector<16xf32>
        %add3A_1385 = arith.addf %add3A_1353, %mul3A_1384 : vector<16xf32>
        %get3A_1386 = arith.index_cast %scan3A_360 : i32 to index
        %get3A_1387 = arith.constant 2032 : index
        %get3A_1388 = tpu.vector_load %arg13[%get3A_1386, %get3A_1387] {strides = array<i32>} : memref<8x2048xf32, #tpu.memory_space<vmem>>, vector<16xf32>,
        %get3A_1389 = arith.index_cast %scan3A_360 : i32 to index
        %get3A_1390 = arith.constant 2032 : index
        %get3A_1391 = tpu.vector_load %arg14[%get3A_1389, %get3A_1390] {strides = array<i32>} : memref<8x2048xf32, #tpu.memory_space<vmem>>, vector<16xf32>,
        %mul3A_1392 = arith.mulf %get3A_1388, %get3A_1391 : vector<16xf32>
        %add3A_1393 = arith.addf %add3A_1361, %mul3A_1392 : vector<16xf32>
        %add3A_1394 = arith.addf %add3A_1369, %add3A_1377 : vector<16xf32>
        %add3A_1395 = arith.addf %add3A_1385, %add3A_1393 : vector<16xf32>
        %add3A_1396 = arith.addf %add3A_1394, %add3A_1395 : vector<16xf32>
        %reduce_sum3A = arith.constant true
        %reduce_sum3A_1397 = vector.broadcast %reduce_sum3A : i1 to vector<16xi1>
        %reduce_sum3A_1398 = tpu.scan <sum>, %add3A_1396 masked %reduce_sum3A_1397 : vector<16xf32>, vector<16xi1> -> vector<16xf32>
        %reduce_sum3A_1399 = vector.extract %reduce_sum3A_1398[15] : f32 from vector<16xf32>
        %mul3A_1400 = arith.constant 8 : i32
        %mul3A_1401 = arith.muli %while3A_334, %mul3A_1400 : i32
        %add3A_1402 = arith.addi %mul3A_1401, %scan3A_360 : i32
        %broadcast_in_dim3A_1403 = vector.broadcast %add3A_1402 : i32 to vector<16xi32>
        %gather3A = tpu.vector_load_idx %arg12[%broadcast_in_dim3A_1403] : memref<272xf32, #tpu.memory_space<vmem>>[vector<16xi32>], vector<16xf32>,
        %slice3A = vector.extract_strided_slice %gather3A {offsets = [0], sizes = [1], strides = [1]} : vector<16xf32> to vector<1xf32>
        %squeeze3A = vector.extract %slice3A[0] : f32 from vector<1xf32>
        %mul3A_1404 = arith.mulf %squeeze3A, %reduce_sum3A_1399 : f32
        %sub3A_1405 = arith.constant 1.000000e+00 : f32
        %sub3A_1406 = arith.subf %mul3A_1404, %sub3A_1405 : f32
        %lt3A_1407 = arith.cmpi slt, %add3A_1402, %scan3A_295 : i32
        %mul3A_1408 = arith.constant 5.000000e-01 : f32
        %mul3A_1409 = arith.mulf %mul3A_1408, %sub3A_1406 : f32
        %mul3A_1410 = arith.mulf %mul3A_1409, %sub3A_1406 : f32
        %jit3A_1411 = arith.constant 0.000000e+00 : f32
        %select_n3A_1412 = arith.select %lt3A_1407, %mul3A_1410, %jit3A_1411 : f32
        %add3A_1413 = arith.addf %scan3A_361, %select_n3A_1412 : f32
        scf.yield %add3A_1413 : f32
      }
      %scan3A_359 = arith.constant 8 : i32
      scf.yield %scan3A_358 : f32
    }
    %sub3A_326 = arith.constant 256 : i32
    %sub3A_327 = arith.subi %sub3A_326, %scan3A_295 : i32
    %convert_element_type3A = arith.sitofp %sub3A_327 : i32 to f32
    %mul3A_328 = arith.constant 5.000000e-01 : f32
    %mul3A_329 = arith.mulf %mul3A_328, %convert_element_type3A : f32
    %add3A_330 = arith.addf %while3A_325, %mul3A_329 : f32
    %broadcast_in_dim3A_331 = vector.broadcast %add3A_330 : f32 to vector<16xf32>
    %swap3A_332 = arith.constant 0 : index
    %swap3A_333 = tpu.vector_load %arg15[%swap3A_332] {strides = array<i32>} : memref<16xf32, #tpu.memory_space<vmem>>, vector<16xf32>,
    tpu.vector_store %arg15[%swap3A_332], %broadcast_in_dim3A_331 {strides = array<i32>} : memref<16xf32, #tpu.memory_space<vmem>>, vector<16xf32>,
    "tpu.region"() ({
      %run_scoped3A = tpu.sem_alloc : memref<!tpu.dma_semaphore, #tpu.memory_space<semaphore_mem>>
      %dma_start3A = arith.constant 0 : i32
      %dma_start3A_334 = tpu.memref_slice %arg6[%add3A, %dma_start3A] : memref<32x16xf32, #tpu.memory_space<hbm>> -> memref<1x16xf32, #tpu.memory_space<hbm>>
      %dma_start3A_335 = tpu.memref_squeeze %dma_start3A_334 : memref<1x16xf32, #tpu.memory_space<hbm>> -> memref<16xf32, #tpu.memory_space<hbm>>
      %dma_start3A_336 = arith.constant 0 : i32
      %dma_start3A_337 = tpu.memref_slice %arg6[%add3A, %dma_start3A_336] : memref<32x16xf32, #tpu.memory_space<hbm>> -> memref<1x16xf32, #tpu.memory_space<hbm>>
      %dma_start3A_338 = tpu.memref_squeeze %dma_start3A_337 : memref<1x16xf32, #tpu.memory_space<hbm>> -> memref<16xf32, #tpu.memory_space<hbm>>
      tpu.enqueue_dma source(%arg15 : memref<16xf32, #tpu.memory_space<vmem>>) target(%dma_start3A_338 : memref<16xf32, #tpu.memory_space<hbm>>) target_semaphore(%run_scoped3A : memref<!tpu.dma_semaphore, #tpu.memory_space<semaphore_mem>>)
      %dma_wait3A = arith.constant 0 : i32
      %dma_wait3A_339 = tpu.memref_slice %arg6[%add3A, %dma_wait3A] : memref<32x16xf32, #tpu.memory_space<hbm>> -> memref<1x16xf32, #tpu.memory_space<hbm>>
      %dma_wait3A_340 = tpu.memref_squeeze %dma_wait3A_339 : memref<1x16xf32, #tpu.memory_space<hbm>> -> memref<16xf32, #tpu.memory_space<hbm>>
      %dma_wait3A_341 = arith.constant 0 : i32
      %dma_wait3A_342 = tpu.memref_slice %arg6[%add3A, %dma_wait3A_341] : memref<32x16xf32, #tpu.memory_space<hbm>> -> memref<1x16xf32, #tpu.memory_space<hbm>>
      %dma_wait3A_343 = tpu.memref_squeeze %dma_wait3A_342 : memref<1x16xf32, #tpu.memory_space<hbm>> -> memref<16xf32, #tpu.memory_space<hbm>>
      tpu.wait_dma2 semaphore(%run_scoped3A : memref<!tpu.dma_semaphore, #tpu.memory_space<semaphore_mem>>) src(%arg15 : memref<16xf32, #tpu.memory_space<vmem>>) dst(%dma_wait3A_343 : memref<16xf32, #tpu.memory_space<hbm>>)
      tpu.yield
    }) : () -> ()
    return
  }
}

</mosaic_0001>

<sc_bundles>
// kernel: _sc_loss.3.cloned.1.call-start
scs
__scs_entry_jumppad:
0x0: {  	(pc) =	sbr.rel $0x88, $3  }
0x1: {  	(tag) =	ssettag $0x0;
	lr =	simm.s32 $0x1  }
0x2: {  	[smem:$0x3F9D] =	sst lr;
	_ =	strace $0xD0000000  }
0x3: {  	_ = 	snop  }
0x4: {  	_ = 	snop  }
0x5: {  	_ = 	snop  }
0x6: {  	_ = 	snop  }
0x7: {  	_ = 	snop  }
__scs_overlays_trampoline_lowered:
0x8: {  	[smem:$0x3FAC] =	sst s0  }
0x9: {  	[smem:$0x3FAD] =	sst s1  }
0xa: {  	[smem:$0x3FAE] =	sst s2  }
0xb: {  	[smem:$0x3FAF] =	sst s3  }
0xc: {  	[smem:$0x3FB0] =	sst s4  }
0xd: {  	[smem:$0x3FB1] =	sst s5  }
0xe: {  	[smem:$0x3FB2] =	sst s6  }
0xf: {  	[smem:$0x3FB3] =	sst s7  }
0x10: {  	[smem:$0x3FB4] =	sst s8  }
0x11: {  	[smem:$0x3FB5] =	sst s9;
	s0 =	simm.s32 @!p0 $0x0  }
0x12: {  	s1 =	sld [smem:$0x3F9B];
	s0 =	simm.s32 @p0 $0x1  }
0x13: {  	[smem:$0x3FB6] =	sst s0;
	s0 =	simm.s32 @!p1 $0x0  }
0x14: {  	s2 =	sld [smem:$0x3F9A];
	s0 =	simm.s32 @p1 $0x1  }
0x15: {  	[smem:$0x3FB7] =	sst s0;
	s0 =	simm.s32 @!p2 $0x0  }
0x16: {  	s3 =	sld [smem:$0x3FDB];
	s0 =	simm.s32 @p2 $0x1  }
0x17: {  	s4 =	simm.s32 $0x1BF5;
	[smem:$0x3FB9] =	sst s0  }
0x18: {  	s0 =	sld [smem:$0x3F9C];
	_ =	swait.ge [sflag:s4], $0x0  }
0x19: {  	s7 =	sld [smem:$0x3F9D]  }
0x1a: {  	s8 =	sadd.s32 $0xFFFFE003, lr  }
0x1b: {  	s9 =	sadd.s32 $0xFFFFFEF7, lr;
	s5 =	simm.s32 $0xFFFFFFFF;
	p2 =	slt.u32 s8, $0xFFFFF086  }
0x1c: {  	p1 =	slt.u32 s9, $0xF7A;
	s5 =	simm.s32 @!p2 $0x0  }
0x1d: {  	s5 =	simm.s32 @p1 $0x1;
	p0 =	seq.s32 s7, s2  }
0x1e: {  	s7 =	smul.u32 @!p0 $0xF7A, s2;
	p2 =	seq.s32 @!p0 s5, $0x0  }
0x1f: {  	s9 =	smul.u32 $0xF7A, s1;
	s8 =	simm.s32 @!p0 $0x1BF5;
	p2 =	por !p2, p0  }
0x20: {  	[sflag:s8] =	ssyncset.s32 @!p0 $0xFFFFF086;
	s6 =	sadd.s32 @!p0 s3, s7;
	s7 =	simm.s32 @!p0 $0x108  }
0x21: {  	s3 =	sadd.s32 s3, s9;
	s6 =	sadd.s32 @!p0 $0x88, s6;
	s7 =	simm.s32 @p2 $0x1082  }
0x22: {  	[simem:s7], [sflag:s8] =	dma.local @!p0 [hbm:s6], $0xF7A  }
0x23: {  	s9 =	sor.u32 $0xD0000000, s2;
	s6 =	simm.s32 $0x108;
	_ =	swait.ge @!p0 [sflag:s8], $0x0  }
0x24: {  	s3 =	sadd.s32 $0x88, s3;
	s6 =	simm.s32 @!p1 $0x1082;
	[sflag:s4] =	ssyncset.s32 $0xFFFFF086  }
0x25: {  	[simem:s6], [sflag:s4] =	dma.local [hbm:s3], $0xF7A  }
0x26: {  	[smem:$0x3F9D] =	sst s1;
	(tag) =	ssettag s2;
	_ =	strace s9  }
0x27: {  	s1 =	sld [smem:$0x3FAD]  }
0x28: {  	s2 =	sld [smem:$0x3FAE]  }
0x29: {  	s4 =	sld [smem:$0x3FB0]  }
0x2a: {  	p0 =	seq.s32 s5, $0x0;
	s5 =	sld [smem:$0x3FB1]  }
0x2b: {  	s6 =	sld [smem:$0x3FB2]  }
0x2c: {  	s7 =	sld [smem:$0x3FB3]  }
0x2d: {  	s3 =	simm.s32 $0x108;
	s8 =	sld [smem:$0x3FB4]  }
0x2e: {  	s3 =	simm.s32 @!p0 $0x1082;
	s9 =	sld [smem:$0x3FB5]  }
0x2f: {  	lr =	sadd.s32 s0, s3;
	s0 =	sld [smem:$0x3FAC]  }
0x30: {  	s3 =	sld [smem:$0x3FAF]  }
0x31: {  	[smem:$0x3FB8] =	sst s10  }
0x32: {  	s10 =	sld [smem:$0x3FB6];
	_ =	sdelay $0x3  }
0x33: {  	p0 =	seq.s32 s10, $0x1;
	s10 =	sld [smem:$0x3FB8];
	_ =	sdelay $0x3  }
0x34: {  	[smem:$0x3FB8] =	sst s10  }
0x35: {  	s10 =	sld [smem:$0x3FB7];
	_ =	sdelay $0x3  }
0x36: {  	p1 =	seq.s32 s10, $0x1;
	s10 =	sld [smem:$0x3FB8];
	_ =	sdelay $0x3  }
0x37: {  	[smem:$0x3FB8] =	sst s10  }
0x38: {  	s10 =	sld [smem:$0x3FB9]  }
0x39: {  	_ = 	snop;
	(pc) =	sbr.ind lr, $3  }
0x3a: {  	_ = 	snop  }
0x3b: {  	_ = 	snop  }
0x3c: {  	p2 =	seq.s32 s10, $0x1;
	s10 =	sld [smem:$0x3FB8]  }
0x3d: {  	_ =	shalt  }
0x3e: {  	_ =	shalt  }
0x3f: {  	_ =	shalt  }
0x40: {  	_ =	shalt  }
0x41: {  	_ =	shalt  }
0x42: {  	_ =	shalt  }
0x43: {  	_ =	shalt  }
0x44: {  	_ =	shalt  }
0x45: {  	_ =	shalt  }
0x46: {  	_ =	shalt  }
0x47: {  	_ =	shalt  }
0x48: {  	_ =	shalt  }
0x49: {  	_ =	shalt  }
0x4a: {  	_ =	shalt  }
0x4b: {  	_ =	shalt  }
0x4c: {  	_ =	shalt  }
0x4d: {  	_ =	shalt  }
0x4e: {  	_ =	shalt  }
0x4f: {  	_ =	shalt  }
0x50: {  	_ =	shalt  }
0x51: {  	_ =	shalt  }
0x52: {  	_ =	shalt  }
0x53: {  	_ =	shalt  }
0x54: {  	_ =	shalt  }
0x55: {  	_ =	shalt  }
0x56: {  	_ =	shalt  }
0x57: {  	_ =	shalt  }
0x58: {  	_ =	shalt  }
0x59: {  	_ =	shalt  }
0x5a: {  	_ =	shalt  }
0x5b: {  	_ =	shalt  }
0x5c: {  	_ =	shalt  }
0x5d: {  	_ =	shalt  }
0x5e: {  	_ =	shalt  }
0x5f: {  	_ =	shalt  }
0x60: {  	_ =	shalt  }
0x61: {  	_ =	shalt  }
0x62: {  	_ =	shalt  }
0x63: {  	_ =	shalt  }
0x64: {  	_ =	shalt  }
0x65: {  	_ =	shalt  }
0x66: {  	_ =	shalt  }
0x67: {  	_ =	shalt  }
0x68: {  	_ =	shalt  }
0x69: {  	_ =	shalt  }
0x6a: {  	_ =	shalt  }
0x6b: {  	_ =	shalt  }
0x6c: {  	_ =	shalt  }
0x6d: {  	_ =	shalt  }
0x6e: {  	_ =	shalt  }
0x6f: {  	_ =	shalt  }
0x70: {  	_ =	shalt  }
0x71: {  	_ =	shalt  }
0x72: {  	_ =	shalt  }
0x73: {  	_ =	shalt  }
0x74: {  	_ =	shalt  }
0x75: {  	_ =	shalt  }
0x76: {  	_ =	shalt  }
0x77: {  	_ =	shalt  }
0x78: {  	_ =	shalt  }
0x79: {  	_ =	shalt  }
0x7a: {  	_ =	shalt  }
0x7b: {  	_ =	shalt  }
0x7c: {  	_ =	shalt  }
0x7d: {  	_ =	shalt  }
0x7e: {  	_ =	shalt  }
0x7f: {  	_ =	shalt  }
0x80: {  	_ =	shalt  }
0x81: {  	_ =	shalt  }
0x82: {  	_ =	shalt  }
0x83: {  	_ =	shalt  }
0x84: {  	_ =	shalt  }
0x85: {  	_ =	shalt  }
0x86: {  	_ =	shalt  }
0x87: {  	_ =	shalt  }
.Lfunc_end0:
.L_simem_size_0:
called_computation_lowered:
.L_overlay_start_0:
0x88: {  	s2 =	sld [smem:$0x3FD9]  }
0x89: {  	s3 =	sld [smem:$0x3FFE];
	_ =	sdelay $0x1  }
0x8a: {  	s1 =	srdreg.scid  }
0x8b: {  	s0 =	sand.u32 $0x1, s1  }
0x8c: {  	s17 =	sshll.u32 s0, $0xA;
	s2 =	sadd.s32 s3, s2  }
0x8d: {  	s2 =	sadd.s32 s2, s17  }
0x8e: {  	[smem:$0x3FC4] =	sst s2  }
0x8f: {  	_ = 	snop  }
0x90: {  	s2 =	sld [smem:$0x3FC9]  }
0x91: {  	s18 =	sld [smem:$0x3FC8]  }
0x92: {  	s4 =	sld [smem:$0x3FC7]  }
0x93: {  	s5 =	sld [smem:$0x3FC6];
	(tm) =	ssettm $0x1  }
0x94: {  	s6 =	sld [smem:$0x3FFB];
	_ =	sdelay $0x3  }
0x95: {  	_ =	strace s6  }
0x96: {  	s6 =	sld [smem:$0x3FFC];
	_ =	sdelay $0x3  }
0x97: {  	_ =	strace s6  }
0x98: {  	s6 =	sld [smem:$0x3FFD];
	_ =	sdelay $0x3  }
0x99: {  	_ =	strace s6  }
0x9a: {  	_ =	strace $0x8FFFFFFF  }
0x9b: {  	s19 =	sld [smem:$0x3FDB];
	_ =	sdelay $0x1  }
0x9c: {  	s7 =	simm.s32 $_scs_section_size  }
0x9d: {  	s8 =	simm.s32 $_size__tile_overlayer_lowered;
	s9 =	simm.s32 $_tile_overlayer_lowered  }
0x9e: {  	s22 =	simm.s32 $0x1BFF;
	s21 =	sshll.u32 s9, $0x1;
	s6 =	sadd.s32 s7, s19  }
0x9f: {  	s10 =	simm.s32 $0x0;
	s20 =	sshll.u32 s8, $0x1;
	s8 =	sadd.s32 s21, s6  }
0xa0: {  	[timem:s10], [sflag:s22] =	dma.local [hbm:s8], s20  }
0xa1: {  	_ =	swait.ge [sflag:s22], s20  }
0xa2: {  	s7 =	ssub.s32 $0x0, s20;
	[sflag:s22] =	ssyncset.done $0x0  }
0xa3: {  	[sflag:s22] =	ssyncadd.s32 s7;
	_ =	sdelay $0x1  }
0xa4: {  	s23 =	simm.s32 $0x1B8B  }
0xa5: {  	_ =	swait.ge [sflag:s23], $0x1  }
0xa6: {  	[sflag:s23] =	ssyncset.done $0x0  }
0xa7: {  	s25 =	simm.s32 $0x1B8E;
	s24 =	sld [smem:$0x3FFE];
	[sflag:s23] =	ssyncadd.s32 $0xFFFFFFFF  }
0xa8: {  	s26 =	simm.s32 $execute0_lowered;
	[smem:$0x3FD2] =	sst s25  }
0xa9: {  	s8 =	sshll.u32 s26, $0x1;
	_ =	strace $0x80000046;
	[dreg:$0x1] =	wrdreg $0xFFFFFFFF  }
0xaa: {  	s28 =	simm.s32 $_size_execute0_lowered;
	s6 =	sadd.s32 s6, s8;
	[dreg:$0x0] =	wrdreg $0x0  }
0xab: {  	s8 =	sshll.u32 s28, $0x1;
	[dreg:$0x2] =	wrdreg s6  }
0xac: {  	[dreg:$0x3] =	wrdreg s8  }
0xad: {  	[dreg:$0x4] =	wrdreg $0xC0  }
0xae: {  	_ =	task [dreg:s10], $0x5FFFF  }
0xaf: {  	[dreg:$0x1] =	wrdreg $0xFFFFFFFF  }
0xb0: {  	[dreg:$0x0] =	wrdreg $0x60  }
0xb1: {  	[dreg:$0x2] =	wrdreg s2  }
0xb2: {  	[dreg:$0x3] =	wrdreg s18  }
0xb3: {  	[dreg:$0x4] =	wrdreg s4  }
0xb4: {  	[dreg:$0x5] =	wrdreg s5  }
0xb5: {  	[dreg:$0x6] =	wrdreg s24  }
0xb6: {  	[dreg:$0x7] =	wrdreg $0x9  }
0xb7: {  	_ =	task.clear_ibuf [dreg:s10], $0x8FFFF;
	_ =	strace $0x90000046  }
0xb8: {  	s29 =	simm.s32 $0x9;
	_ =	strace $0x80000048  }
0xb9: {  	_ =	swait.ge [sflag:s29], $0x1  }
0xba: {  	[sflag:s29] =	ssyncadd.s32 $0xFFFFFFFF  }
0xbb: {  	_ =	strace $0x90000048  }
0xbc: {  	_ =	sfence  }
0xbd: {  	s30 =	sld [smem:$0x0];
	_ =	sdelay $0x2  }
0xbe: {  	s31 =	sshll.u32 s1, $0xD;
	s1 =	sshrl.u32 s1, $0x2  }
0xbf: {  	s3 =	sand.u32 $0x4000, s31;
	s1 =	sadd.s32 s1, s30  }
0xc0: {  	s0 =	sor.u32 s3, s0;
	s1 =	sshll.u32 s1, $0x11  }
0xc1: {  	s0 =	sor.u32 s1, s0  }
0xc2: {  	s0 =	sadd.s32 $0x8F2B, s0  }
0xc3: {  	[sflag:s0] =	ssyncadd.remote.s32 $0x1  }
0xc4: {  	_ =	sfence.sel $0xFFFF  }
0xc5: {  	[dreg:$0x0] =	wrdreg $0xFFFFFFFF;
	(pc) =	sbr.abs _section_cstart, $3  }
0xc6: {  	[dreg:$0x1] =	wrdreg $0xFFFFFFFF  }
0xc7: {  	_ =	task.clear_ibuf [dreg:s10], $0x2FFFF;
	_ =	strace $0x9FFFFFFF  }
0xc8: {  	(tm) =	ssettm $0x7FFFFFFF  }
0xc9: {  	_ =	shalt  }
tec
execute0_lowered:
.L_overlay_start_1:
0x0: {  	(tag) =	ssettag $0x1  }
0x1: {  	s13 =	rddreg [dreg:$0x0]  }
0x2: {  	s0 =	rddreg [dreg:$0x1]  }
0x3: {  	s20 =	rddreg [dreg:$0x3]  }
0x4: {  	s1 =	rddreg [dreg:$0x4];
	s2 =	srdreg.scid  }
0x5: {  	s22 =	simm.s32 $0x0;
	s21 =	stileid.u32;
	s28 =	simm.s32 $0x580  }
0x6: {  	s29 =	simm.s32 $0x700;
	s30 =	simm.s32 $0x880;
	s31 =	simm.s32 $0x1  }
0x7: {  	s2 =	sand.u32 $0x1, s2;
	[smem:$0x7FF] =	sst s22;
	s7 =	sadd.s32 $0x100, s13  }
0x8: {  	s8 =	sadd.s32 $0x200, s13;
	s9 =	sadd.s32 $0x300, s13;
	s10 =	sadd.s32 $0x400, s13  }
0x9: {  	s11 =	sadd.s32 $0x500, s13;
	s12 =	sadd.s32 $0x600, s13;
	s13 =	sadd.s32 $0x700, s13  }
0xa: {  	s14 =	sadd.s32 $0x100, s20;
	s15 =	sadd.s32 $0x200, s20;
	s16 =	sadd.s32 $0x300, s20  }
0xb: {  	s17 =	sadd.s32 $0x400, s20;
	s18 =	sadd.s32 $0x500, s20;
	s23 =	sshll.u32 s21, $0x4  }
0xc: {  	s19 =	sadd.s32 $0x600, s20;
	s20 =	sadd.s32 $0x700, s20;
	s3 =	sshll.u32 s2, $0x4  }
0xd: {  	s25 =	sshll.u32 s21, $0x8;
	s4 =	ssub.s32 $0x2, s2;
	s3 =	sor.u32 s21, s3  }
0xe: {  	_ =	strace $0x80000047;
	s5 =	sshrl.u32 s4, $0x1;
	s6 =	sshll.u32 s3, $0x5  }
0xf: {  	s4 =	ssub.s32 s4, s5;
	s3 =	sshll.u32 s3, $0x4;
	s0 =	sadd.s32 s0, s6  }
.Ltmp0:
0x10: {  	v6 =	vlaneseq.u32;
	[dreg:$0x6] =	wrdreg s0;
	s0 =	sand.u32 $0x70, s23;
	(pc) =	sbr.rel .LBB2_1-.Ltmp0, $4  }
0x11: {  	v0 =	vshrl.u32 v6, $0x3;
	s3 =	sand.u32 $0x180, s3;
	s26 =	smax.u32 s4, $0x1;
	s0 =	sadd.s32 s1, s0  }
0x12: {  	v1 =	vand.u32 $0x7, v6;
	s24 =	sshll.u32 s2, $0xC;
	v0 =	vmul.u32 $0x8, v0;
	[dreg:$0x8] =	wrdreg s26;
	s0 =	sadd.s32 s3, s0  }
0x13: {  	[tilespmem:$0x1FFE0] =	vst v1;
	s2 =	simm.s32 $0x0;
	[dreg:$0x7] =	wrdreg s0;
	s0 =	sor.u32 s25, s24  }
0x14: {  	v5 =	vimm.s32 $0x0;
	vm0 =	vmmov $0xffff;
	[tilespmem:$0x1FFF0] =	vst v0;
	s26 =	simm.s32 $0x180;
	s1 =	simm.s32 $0x2;
	[dreg:$0x9] =	wrdreg s0  }
.LBB2_7:
0x15: {  	s0 =	ssub.s32 $0x100, s6  }
0x16: {  	s0 =	scvt.s32.f32 s0;
	_ =	sdelay $0x1  }
0x17: {  	s0 =	smul.f32 $5.000000000e-01, s0;
	_ =	sdelay $0x1  }
0x18: {  	s0 =	sadd.f32 s22, s0;
	_ =	sdelay $0x1  }
0x19: {  	v0 =	vmov s0  }
0x1a: {  	s24 =	rddreg [dreg:$0x7];
	s1 =	simm.s32 $0x8A00;
	s22 =	simm.s32 $0x0;
	[tilespmem:$0x8A00] =	vst v0  }
0x1b: {  	[hbm4b:s24+s22] =	stream.linear.scatter [tilespmem:s1], [sflag:$0x2], $0x80, $0x38;
	[tilespmem:$0x8A80] =	vst v63  }
0x1c: {  	s1 =	simm.s32 $0x2  }
0x1d: {  	_ =	swait.ge [sflag:s1], $0x80  }
0x1e: {  	s2 =	rddreg [dreg:$0xa]  }
0x1f: {  	s25 =	rddreg [dreg:$0x8];
	s2 =	sadd.s32 $0x1, s2  }
0x20: {  	p0 =	sne.s32 s2, s25  }
.Ltmp1:
0x21: {  	_ = 	snop;
	(pc) =	sbr.rel @!p0 .LBB2_8-.Ltmp1, $3  }
0x22: {  	_ =	sdelay $0x1  }
0x23: {  	[sflag:s1] =	ssyncset.done $0x0  }
0x24: {  	v5 =	vimm.s32 $0x0;
	v6 =	vlaneseq.u32;
	[sflag:s1] =	ssyncadd.s32 $0xFFFFFF80  }
.LBB2_1:
0x25: {  	[dreg:$0xa] =	wrdreg s2  }
0x26: {  	s0 =	rddreg [dreg:$0x6]  }
0x27: {  	[tilespmem:s22], [sflag:$0x2] =	stream.linear.gather [hbm4b:s0+s22], $0x100, $0x38;
	[tilespmem:$0x8A80] =	vst v63  }
0x28: {  	_ =	swait.ge [sflag:s1], $0x100  }
0x29: {  	[sflag:s1] =	ssyncset.done $0x0  }
0x2a: {  	[sflag:s1] =	ssyncadd.s32 $0xFFFFFF00  }
0x2b: {  	s21 =	simm.s32 $0x100;
	s6 =	rddreg [dreg:$0x2]  }
0x2c: {  	[tilespmem:s21], [sflag:$0x2] =	stream.linear.gather [hbm4b:s6+s22], $0x80, $0x38;
	[tilespmem:$0x8A80] =	vst v63  }
0x2d: {  	_ =	swait.ge [sflag:s1], $0x80  }
0x2e: {  	[sflag:s1] =	ssyncset.done $0x0  }
0x2f: {  	[sflag:s1] =	ssyncadd.s32 $0xFFFFFF80  }
0x30: {  	[tilespmem:$0x180] =	vst v5  }
0x31: {  	[tilespmem:$0x190] =	vst v5  }
0x32: {  	[tilespmem:$0x1A0] =	vst v5  }
0x33: {  	[tilespmem:$0x1B0] =	vst v5  }
0x34: {  	[tilespmem:$0x1C0] =	vst v5  }
0x35: {  	[tilespmem:$0x1D0] =	vst v5  }
0x36: {  	[tilespmem:$0x1E0] =	vst v5  }
0x37: {  	[tilespmem:$0x1F0] =	vst v5  }
0x38: {  	[tilespmem:$0x200] =	vst v5  }
0x39: {  	[tilespmem:$0x210] =	vst v5  }
0x3a: {  	[tilespmem:$0x220] =	vst v5  }
0x3b: {  	[tilespmem:$0x230] =	vst v5  }
0x3c: {  	[tilespmem:$0x240] =	vst v5  }
0x3d: {  	[tilespmem:$0x250] =	vst v5  }
0x3e: {  	[tilespmem:$0x260] =	vst v5  }
0x3f: {  	[tilespmem:$0x270] =	vst v5  }
0x40: {  	[tilespmem:$0x280] =	vst v5  }
0x41: {  	[tilespmem:$0x290] =	vst v5  }
0x42: {  	[tilespmem:$0x2A0] =	vst v5  }
0x43: {  	[tilespmem:$0x2B0] =	vst v5  }
0x44: {  	[tilespmem:$0x2C0] =	vst v5  }
0x45: {  	[tilespmem:$0x2D0] =	vst v5  }
0x46: {  	[tilespmem:$0x2E0] =	vst v5  }
0x47: {  	[tilespmem:$0x2F0] =	vst v5  }
0x48: {  	[tilespmem:$0x300] =	vst v5  }
0x49: {  	[tilespmem:$0x310] =	vst v5  }
0x4a: {  	[tilespmem:$0x320] =	vst v5  }
0x4b: {  	[tilespmem:$0x330] =	vst v5  }
0x4c: {  	[tilespmem:$0x340] =	vst v5  }
0x4d: {  	[tilespmem:$0x350] =	vst v5  }
0x4e: {  	[tilespmem:$0x360] =	vst v5  }
0x4f: {  	[tilespmem:$0x370] =	vst v5  }
0x50: {  	[tilespmem:$0x380] =	vst v5  }
0x51: {  	[tilespmem:$0x390] =	vst v5  }
0x52: {  	[tilespmem:$0x3A0] =	vst v5  }
0x53: {  	[tilespmem:$0x3B0] =	vst v5  }
0x54: {  	[tilespmem:$0x3C0] =	vst v5  }
0x55: {  	[tilespmem:$0x3D0] =	vst v5  }
0x56: {  	[tilespmem:$0x3E0] =	vst v5  }
0x57: {  	[tilespmem:$0x3F0] =	vst v5  }
0x58: {  	[tilespmem:$0x400] =	vst v5  }
0x59: {  	[tilespmem:$0x410] =	vst v5  }
0x5a: {  	[tilespmem:$0x420] =	vst v5  }
0x5b: {  	[tilespmem:$0x430] =	vst v5  }
0x5c: {  	[tilespmem:$0x440] =	vst v5  }
0x5d: {  	[tilespmem:$0x450] =	vst v5  }
0x5e: {  	[tilespmem:$0x460] =	vst v5  }
0x5f: {  	[tilespmem:$0x470] =	vst v5  }
0x60: {  	[tilespmem:$0x480] =	vst v5  }
0x61: {  	[tilespmem:$0x490] =	vst v5  }
0x62: {  	[tilespmem:$0x4A0] =	vst v5  }
0x63: {  	[tilespmem:$0x4B0] =	vst v5  }
0x64: {  	[tilespmem:$0x4C0] =	vst v5  }
0x65: {  	[tilespmem:$0x4D0] =	vst v5  }
0x66: {  	[tilespmem:$0x4E0] =	vst v5  }
0x67: {  	[tilespmem:$0x4F0] =	vst v5  }
0x68: {  	[tilespmem:$0x500] =	vst v5  }
0x69: {  	[tilespmem:$0x510] =	vst v5  }
0x6a: {  	[tilespmem:$0x520] =	vst v5  }
0x6b: {  	[tilespmem:$0x530] =	vst v5  }
0x6c: {  	[tilespmem:$0x540] =	vst v5  }
0x6d: {  	[tilespmem:$0x550] =	vst v5  }
0x6e: {  	[tilespmem:$0x560] =	vst v5  }
0x6f: {  	[tilespmem:$0x570] =	vst v5  }
0x70: {  	[tilespmem:$0x580] =	vst v5  }
0x71: {  	v1 =	vimm.f32 $0.0e+00;
	[tilespmem:$0x700] =	vst v5  }
0x72: {  	[tilespmem:$0x880] =	vst v1  }
0x73: {  	[tilespmem:$0x590] =	vst v5  }
0x74: {  	[tilespmem:$0x710] =	vst v5  }
0x75: {  	[tilespmem:$0x890] =	vst v1  }
0x76: {  	[tilespmem:$0x5A0] =	vst v5  }
0x77: {  	[tilespmem:$0x720] =	vst v5  }
0x78: {  	[tilespmem:$0x8A0] =	vst v1  }
0x79: {  	[tilespmem:$0x5B0] =	vst v5  }
0x7a: {  	[tilespmem:$0x730] =	vst v5  }
0x7b: {  	[tilespmem:$0x8B0] =	vst v1  }
0x7c: {  	[tilespmem:$0x5C0] =	vst v5  }
0x7d: {  	[tilespmem:$0x740] =	vst v5  }
0x7e: {  	[tilespmem:$0x8C0] =	vst v1  }
0x7f: {  	[tilespmem:$0x5D0] =	vst v5  }
0x80: {  	[tilespmem:$0x750] =	vst v5  }
0x81: {  	[tilespmem:$0x8D0] =	vst v1  }
0x82: {  	[tilespmem:$0x5E0] =	vst v5  }
0x83: {  	[tilespmem:$0x760] =	vst v5  }
0x84: {  	[tilespmem:$0x8E0] =	vst v1  }
0x85: {  	[tilespmem:$0x5F0] =	vst v5  }
0x86: {  	[tilespmem:$0x770] =	vst v5  }
0x87: {  	[tilespmem:$0x8F0] =	vst v1  }
0x88: {  	[tilespmem:$0x600] =	vst v5  }
0x89: {  	[tilespmem:$0x780] =	vst v5  }
0x8a: {  	[tilespmem:$0x900] =	vst v1  }
0x8b: {  	[tilespmem:$0x610] =	vst v5  }
0x8c: {  	[tilespmem:$0x790] =	vst v5  }
0x8d: {  	[tilespmem:$0x910] =	vst v1  }
0x8e: {  	[tilespmem:$0x620] =	vst v5  }
0x8f: {  	[tilespmem:$0x7A0] =	vst v5  }
0x90: {  	[tilespmem:$0x920] =	vst v1  }
0x91: {  	[tilespmem:$0x630] =	vst v5  }
0x92: {  	[tilespmem:$0x7B0] =	vst v5  }
0x93: {  	[tilespmem:$0x930] =	vst v1  }
0x94: {  	[tilespmem:$0x640] =	vst v5  }
0x95: {  	[tilespmem:$0x7C0] =	vst v5  }
0x96: {  	[tilespmem:$0x940] =	vst v1  }
0x97: {  	[tilespmem:$0x650] =	vst v5  }
0x98: {  	[tilespmem:$0x7D0] =	vst v5  }
0x99: {  	[tilespmem:$0x950] =	vst v1  }
0x9a: {  	[tilespmem:$0x660] =	vst v5  }
0x9b: {  	[tilespmem:$0x7E0] =	vst v5;
	v0 =	vld [tilespmem:$0x100]  }
0x9c: {  	[tilespmem:$0x960] =	vst v1  }
0x9d: {  	[tilespmem:$0x670] =	vst v5  }
0x9e: {  	[tilespmem:$0x7F0] =	vst v5  }
0x9f: {  	[tilespmem:$0x970] =	vst v1  }
0xa0: {  	[tilespmem:$0x680] =	vst v5  }
0xa1: {  	[tilespmem:$0x800] =	vst v5  }
0xa2: {  	[tilespmem:$0x980] =	vst v1;
	v1 =	vimm.s32 $0x1  }
0xa3: {  	[tilespmem:v0+s26+$0x0] =	vst.idx.add.s32.msk $0xffff, v1  }
0xa4: {  	v0 =	vld [tilespmem:$0x110];
	_ =	sdelay $0x7  }
0xa5: {  	[tilespmem:v0+s26+$0x0] =	vst.idx.add.s32.msk $0xffff, v1  }
0xa6: {  	v0 =	vld [tilespmem:$0x120];
	_ =	sdelay $0x7  }
0xa7: {  	[tilespmem:v0+s26+$0x0] =	vst.idx.add.s32.msk $0xffff, v1  }
0xa8: {  	v0 =	vld [tilespmem:$0x130];
	_ =	sdelay $0x7  }
0xa9: {  	[tilespmem:v0+s26+$0x0] =	vst.idx.add.s32.msk $0xffff, v1  }
0xaa: {  	v0 =	vld [tilespmem:$0x140];
	_ =	sdelay $0x7  }
0xab: {  	[tilespmem:v0+s26+$0x0] =	vst.idx.add.s32.msk $0xffff, v1  }
0xac: {  	v0 =	vld [tilespmem:$0x150];
	_ =	sdelay $0x7  }
0xad: {  	[tilespmem:v0+s26+$0x0] =	vst.idx.add.s32.msk $0xffff, v1  }
0xae: {  	v0 =	vld [tilespmem:$0x160];
	_ =	sdelay $0x7  }
0xaf: {  	s23 =	simm.s32 $0x0;
	[tilespmem:v0+s26+$0x0] =	vst.idx.add.s32.msk $0xf, v1  }
0xb0: {  	v0 =	vld [tilespmem:s23+$0x0];
	_ =	sdelay $0x7  }
0xb1: {  	v1 =	vld.idx.msk [tilespmem:v0+s26+$0x0], $0xffff;
	_ =	sdelay $0x4  }
0xb2: {  	vm1 =	vne.s32 v1, $0x0  }
0xb3: {  	v2 =	vmpcnt.ones.xlane vm1  }
0xb4: {  	v3 =	vsel vm1, $0x1, v5  }
0xb5: {  	(xrf0) =	vadd.scan.msk.s32 $0xffff, v3;
	(v2sf) =	vpush v2, $0x0;
	_ =	sdelay $0x2  }
0xb6: {  	v2 =	vmov s22  }
0xb7: {  	v2 =	vadd.s32 $0xFFFFFFFF, v2  }
0xb8: {  	v2 =	vbroadcast v2, $0x0  }
0xb9: {  	v3, _, _ =	vpop (xrf0)  }
0xba: {  	v2 =	vadd.s32 v3, v2;
	_ =	sdelay $0x2  }
0xbb: {  	s24 =	rddreg [dreg:$0x9]  }
0xbc: {  	v3 =	vor.u32 s24, v6  }
0xbd: {  	v1 =	vcvt.s32.f32 v1;
	[tilespmem:v2+s28+$0x0] =	vst.idx.msk vm1, v3  }
0xbe: {  	[tilespmem:v2+s29+$0x0] =	vst.idx.msk vm1, v0  }
0xbf: {  	s25 =	simm.s32 $0x10;
	s4 =	simm.s32 $0x80;
	[tilespmem:v2+s30+$0x0] =	vst.idx.msk vm1, v1  }
0xc0: {  	s1 =	simm.s32 $0x0;
	s0 =	smov.u32 s24;
	v0 =	vld [tilespmem:s25+$0x0];
	s3 =	spop (v2sf)  }
.LBB2_2:
0xc1: {  	s1 =	sadd.s32 s1, s3  }
0xc2: {  	s0 =	sadd.s32 $0x10, s0;
	s3 =	smov.u32 s4;
	s5 =	sadd.s32 $0x40, s4  }
0xc3: {  	p0 =	sne.s32 s4, $0x3C0;
	v1 =	vmov s1  }
0xc4: {  	v1 =	vadd.s32 $0xFFFFFFFF, v1;
	_ =	sdelay $0x3  }
0xc5: {  	v2 =	vld.idx.msk [tilespmem:v0+s26+$0x0], $0xffff;
	_ =	sdelay $0x5  }
0xc6: {  	vm1 =	vne.s32 v2, $0x0  }
0xc7: {  	v3 =	vsel vm1, $0x1, v5;
	v4 =	vmpcnt.ones.xlane vm1  }
0xc8: {  	(xrf0) =	vadd.scan.msk.s32 $0xffff, v3  }
0xc9: {  	(v2sf) =	vpush v4, $0x0;
	_ =	sdelay $0x3  }
0xca: {  	v1 =	vbroadcast v1, $0x0  }
0xcb: {  	v3, _, _ =	vpop (xrf0)  }
0xcc: {  	v1 =	vadd.s32 v3, v1;
	_ =	sdelay $0x3  }
0xcd: {  	v3 =	vor.u32 s0, v6  }
.Ltmp2:
0xce: {  	v2 =	vcvt.s32.f32 v2;
	[tilespmem:v1+s28+$0x0] =	vst.idx.msk vm1, v3;
	(pc) =	sbr.rel @p0 .LBB2_2-.Ltmp2, $4  }
0xcf: {  	[tilespmem:v1+s29+$0x0] =	vst.idx.msk vm1, v0  }
0xd0: {  	s3 =	sshra.s32 s3, $0x2;
	[tilespmem:v1+s30+$0x0] =	vst.idx.msk vm1, v2  }
0xd1: {  	v0 =	vld [tilespmem:s3+$0x0]  }
0xd2: {  	s4 =	smov.u32 s5;
	s3 =	spop (v2sf)  }
0xd3: {  	_ =	sdelay $0x6  }
0xd4: {  	v1 =	vld.idx.msk [tilespmem:v0+s26+$0x0], $0xffff;
	_ =	sdelay $0x4  }
0xd5: {  	vm1 =	vne.s32 v1, $0x0  }
0xd6: {  	v2 =	vmpcnt.ones.xlane vm1;
	_ =	sdelay $0x1  }
0xd7: {  	(v2sf) =	vpush v2, $0x0;
	_ =	sdelay $0xd  }
0xd8: {  	v61 =	vsel vm1, $0x1, v5  }
0xd9: {  	s1 =	sadd.s32 s1, s3;
	(xrf0) =	vadd.scan.msk.s32 $0xffff, v61;
	s22 =	spop (v2sf)  }
0xda: {  	s6 =	sadd.s32 s1, s22  }
0xdb: {  	v62 =	vmov s1;
	s1 =	sadd.s32 $0x7, s6  }
0xdc: {  	s23 =	sand.u32 $0x7, s1  }
0xdd: {  	v2 =	vadd.s32 $0xFFFFFFFF, v62;
	s4 =	sshra.s32 s1, $0x1F;
	p0 =	slt.s32 s1, $0x1;
	p1 =	sne.s32 s23, $0x0  }
0xde: {  	v2 =	vbroadcast v2, $0x0;
	s24 =	sshrl.u32 s4, $0x1D;
	p0 =	por !p0, !p1  }
0xdf: {  	s3 =	simm.s32 $0x1;
	v3, _, _ =	vpop (xrf0);
	s1 =	sadd.s32 s24, s1;
	p0 =	por !p0, !p0  }
0xe0: {  	v2 =	vadd.s32 v3, v2;
	s25 =	sshra.s32 s1, $0x3;
	s3 =	simm.s32 @!p0 $0x0  }
0xe1: {  	s21 =	ssub.s32 s25, s3  }
0xe2: {  	p0 =	slt.s32 s21, $0x1  }
.Ltmp3:
0xe3: {  	s0 =	sadd.s32 $0x10, s0;
	(pc) =	sbr.rel @p0 .LBB2_7-.Ltmp3, $4  }
0xe4: {  	v63 =	vor.u32 s0, v6  }
0xe5: {  	v1 =	vcvt.s32.f32 v1;
	[tilespmem:v2+s28+$0x0] =	vst.idx.msk vm1, v63  }
0xe6: {  	[tilespmem:v2+s29+$0x0] =	vst.idx.msk vm1, v0  }
0xe7: {  	s5 =	simm.s32 $0x0;
	[tilespmem:v2+s30+$0x0] =	vst.idx.msk vm1, v1;
	s22 =	simm.f32 $0.0e+00;
	s23 =	simm.s32 $0x0  }
.LBB2_4:
0xe8: {  	s24 =	sshll.u32 s23, $0x3  }
0xe9: {  	v0 =	vld.msk [tilespmem:s24+$0x580], $0xff;
	_ =	sdelay $0x2  }
0xea: {  	v2 =	vld [tilespmem:$0x1FFE0];
	_ =	sdelay $0x1  }
0xeb: {  	v3 =	vld [tilespmem:$0x1FFF0];
	v1 =	vshll.u32 v0, $0x4  }
0xec: {  	v0 =	vand.u32 $0x7, v0;
	v1 =	vand.u32 $0xFFFFFF80, v1  }
0xed: {  	v0 =	vor.u32 v0, v1  }
0xee: {  	v0 =	vperm.xlane v0, v2;
	_ =	sdelay $0x1  }
0xef: {  	v0 =	vadd.s32 v3, v0;
	_ =	sdelay $0x3  }
0xf0: {  	s0 =	rddreg [dreg:$0x0];
	s1 =	simm.s32 $0xA00  }
0xf1: {  	[tilespmem:s1], [sflag:$0x1] =	stream.indirect_vreg.gather [hbm4b:s0+s5], $0x80, v0, vm0, $0xb8;
	[tilespmem:$0x8A80] =	vst v63  }
0xf2: {  	s25 =	simm.s32 $0x1200  }
0xf3: {  	[tilespmem:s25], [sflag:$0x1] =	stream.indirect_vreg.gather [hbm4b:s7+s5], $0x80, v0, vm0, $0xb8;
	[tilespmem:$0x8A80] =	vst v63  }
0xf4: {  	s1 =	simm.s32 $0x1A00  }
0xf5: {  	[tilespmem:s1], [sflag:$0x1] =	stream.indirect_vreg.gather [hbm4b:s8+s5], $0x80, v0, vm0, $0xb8;
	[tilespmem:$0x8A80] =	vst v63  }
0xf6: {  	s2 =	simm.s32 $0x2200  }
0xf7: {  	[tilespmem:s2], [sflag:$0x1] =	stream.indirect_vreg.gather [hbm4b:s9+s5], $0x80, v0, vm0, $0xb8;
	[tilespmem:$0x8A80] =	vst v63  }
0xf8: {  	s3 =	simm.s32 $0x2A00  }
0xf9: {  	[tilespmem:s3], [sflag:$0x1] =	stream.indirect_vreg.gather [hbm4b:s10+s5], $0x80, v0, vm0, $0xb8;
	[tilespmem:$0x8A80] =	vst v63  }
0xfa: {  	s4 =	simm.s32 $0x3200  }
0xfb: {  	[tilespmem:s4], [sflag:$0x1] =	stream.indirect_vreg.gather [hbm4b:s11+s5], $0x80, v0, vm0, $0xb8;
	[tilespmem:$0x8A80] =	vst v63  }
0xfc: {  	s25 =	simm.s32 $0x3A00  }
0xfd: {  	[tilespmem:s25], [sflag:$0x1] =	stream.indirect_vreg.gather [hbm4b:s12+s5], $0x80, v0, vm0, $0xb8;
	[tilespmem:$0x8A80] =	vst v63  }
0xfe: {  	s1 =	simm.s32 $0x4200  }
0xff: {  	[tilespmem:s1], [sflag:$0x1] =	stream.indirect_vreg.gather [hbm4b:s13+s5], $0x80, v0, vm0, $0xb8;
	[tilespmem:$0x8A80] =	vst v63  }
0x100: {  	v0 =	vld.msk [tilespmem:s24+$0x700], $0xff;
	_ =	sdelay $0x4  }
0x101: {  	v1 =	vshll.u32 v0, $0x4  }
0x102: {  	v0 =	vand.u32 $0x7, v0;
	v1 =	vand.u32 $0xFFFFFF80, v1  }
0x103: {  	v0 =	vor.u32 v0, v1  }
0x104: {  	v0 =	vperm.xlane v0, v2;
	_ =	sdelay $0x1  }
0x105: {  	v0 =	vadd.s32 v3, v0;
	_ =	sdelay $0x3  }
0x106: {  	s2 =	rddreg [dreg:$0x3];
	s3 =	simm.s32 $0x4A00  }
0x107: {  	[tilespmem:s3], [sflag:$0x1] =	stream.indirect_vreg.gather [hbm4b:s2+s5], $0x80, v0, vm0, $0xb8;
	[tilespmem:$0x8A80] =	vst v63  }
0x108: {  	s4 =	simm.s32 $0x5200  }
0x109: {  	[tilespmem:s4], [sflag:$0x1] =	stream.indirect_vreg.gather [hbm4b:s14+s5], $0x80, v0, vm0, $0xb8;
	[tilespmem:$0x8A80] =	vst v63  }
0x10a: {  	s25 =	simm.s32 $0x5A00  }
0x10b: {  	[tilespmem:s25], [sflag:$0x1] =	stream.indirect_vreg.gather [hbm4b:s15+s5], $0x80, v0, vm0, $0xb8;
	[tilespmem:$0x8A80] =	vst v63  }
0x10c: {  	s1 =	simm.s32 $0x6200  }
0x10d: {  	[tilespmem:s1], [sflag:$0x1] =	stream.indirect_vreg.gather [hbm4b:s16+s5], $0x80, v0, vm0, $0xb8;
	[tilespmem:$0x8A80] =	vst v63  }
0x10e: {  	s2 =	simm.s32 $0x6A00  }
0x10f: {  	[tilespmem:s2], [sflag:$0x1] =	stream.indirect_vreg.gather [hbm4b:s17+s5], $0x80, v0, vm0, $0xb8;
	[tilespmem:$0x8A80] =	vst v63  }
0x110: {  	s3 =	simm.s32 $0x7200  }
0x111: {  	[tilespmem:s3], [sflag:$0x1] =	stream.indirect_vreg.gather [hbm4b:s18+s5], $0x80, v0, vm0, $0xb8;
	[tilespmem:$0x8A80] =	vst v63  }
0x112: {  	s4 =	simm.s32 $0x7A00  }
0x113: {  	[tilespmem:s4], [sflag:$0x1] =	stream.indirect_vreg.gather [hbm4b:s19+s5], $0x80, v0, vm0, $0xb8;
	[tilespmem:$0x8A80] =	vst v63  }
0x114: {  	s25 =	simm.s32 $0x8200  }
0x115: {  	[tilespmem:s25], [sflag:$0x1] =	stream.indirect_vreg.gather [hbm4b:s20+s5], $0x80, v0, vm0, $0xb8;
	[tilespmem:$0x8A80] =	vst v63  }
0x116: {  	_ =	swait.ge [sflag:s31], $0x4000  }
0x117: {  	[sflag:s31] =	ssyncset.done $0x0  }
0x118: {  	[sflag:s31] =	ssyncadd.s32 $0xFFFFC000  }
0x119: {  	_ =	swait.ge [sflag:s31], $0x4000  }
0x11a: {  	[sflag:s31] =	ssyncset.done $0x0  }
0x11b: {  	s1 =	simm.s32 $0x0;
	[sflag:s31] =	ssyncadd.s32 $0xFFFFC000  }
0x11c: {  	v0 =	vld [tilespmem:s1+$0x4620];
	_ =	sdelay $0x4  }
0x11d: {  	[tilespmem:$0x1F6F0] =	vst v0;
	v0 =	vld [tilespmem:s1+$0x8620];
	_ =	sdelay $0x4  }
0x11e: {  	[tilespmem:$0x1F700] =	vst v0;
	v0 =	vld [tilespmem:s1+$0x4260];
	_ =	sdelay $0x4  }
0x11f: {  	[tilespmem:$0x1F710] =	vst v0;
	v0 =	vld [tilespmem:s1+$0x8260];
	_ =	sdelay $0x4  }
0x120: {  	[tilespmem:$0x1F720] =	vst v0;
	v0 =	vld [tilespmem:s1+$0x4210];
	_ =	sdelay $0x4  }
0x121: {  	[tilespmem:$0x1FA80] =	vst v0;
	v0 =	vld [tilespmem:s1+$0x8210];
	_ =	sdelay $0x4  }
0x122: {  	[tilespmem:$0x1FA90] =	vst v0;
	v0 =	vld [tilespmem:s1+$0x4220];
	_ =	sdelay $0x4  }
0x123: {  	[tilespmem:$0x1F730] =	vst v0;
	v0 =	vld [tilespmem:s1+$0x8220];
	_ =	sdelay $0x4  }
0x124: {  	[tilespmem:$0x1F740] =	vst v0;
	v0 =	vld [tilespmem:s1+$0x3E40];
	_ =	sdelay $0x4  }
0x125: {  	[tilespmem:$0x1FAB0] =	vst v0;
	v0 =	vld [tilespmem:s1+$0x7E40];
	_ =	sdelay $0x4  }
0x126: {  	[tilespmem:$0x1FAC0] =	vst v0;
	v0 =	vld [tilespmem:s1+$0x3E50];
	_ =	sdelay $0x4  }
0x127: {  	[tilespmem:$0x1FAE0] =	vst v0;
	v0 =	vld [tilespmem:s1+$0x7E50];
	_ =	sdelay $0x4  }
0x128: {  	[tilespmem:$0x1FAF0] =	vst v0;
	v0 =	vld [tilespmem:s1+$0x3E60];
	_ =	sdelay $0x4  }
0x129: {  	[tilespmem:$0x1F750] =	vst v0;
	v0 =	vld [tilespmem:s1+$0x7E60];
	_ =	sdelay $0x4  }
0x12a: {  	[tilespmem:$0x1F760] =	vst v0;
	v0 =	vld [tilespmem:s1+$0x3E00];
	_ =	sdelay $0x4  }
0x12b: {  	[tilespmem:$0x1FB10] =	vst v0;
	v0 =	vld [tilespmem:s1+$0x7E00];
	_ =	sdelay $0x4  }
0x12c: {  	[tilespmem:$0x1FB20] =	vst v0;
	v0 =	vld [tilespmem:s1+$0x3E10];
	_ =	sdelay $0x4  }
0x12d: {  	[tilespmem:$0x1FB40] =	vst v0;
	v0 =	vld [tilespmem:s1+$0x7E10];
	_ =	sdelay $0x4  }
0x12e: {  	[tilespmem:$0x1FB50] =	vst v0;
	v0 =	vld [tilespmem:s1+$0x3E20];
	_ =	sdelay $0x4  }
0x12f: {  	[tilespmem:$0x1F770] =	vst v0;
	v0 =	vld [tilespmem:s1+$0x7E20];
	_ =	sdelay $0x4  }
0x130: {  	[tilespmem:$0x1F780] =	vst v0;
	v0 =	vld [tilespmem:s1+$0x3A40];
	_ =	sdelay $0x4  }
0x131: {  	[tilespmem:$0x1FB70] =	vst v0;
	v0 =	vld [tilespmem:s1+$0x7A40];
	_ =	sdelay $0x4  }
0x132: {  	[tilespmem:$0x1FB80] =	vst v0;
	v0 =	vld [tilespmem:s1+$0x3A50];
	_ =	sdelay $0x4  }
0x133: {  	[tilespmem:$0x1FBA0] =	vst v0;
	v0 =	vld [tilespmem:s1+$0x7A50];
	_ =	sdelay $0x4  }
0x134: {  	[tilespmem:$0x1FBB0] =	vst v0;
	v0 =	vld [tilespmem:s1+$0x3A60];
	_ =	sdelay $0x4  }
0x135: {  	[tilespmem:$0x1F790] =	vst v0;
	v0 =	vld [tilespmem:s1+$0x7A60];
	_ =	sdelay $0x4  }
0x136: {  	[tilespmem:$0x1F7A0] =	vst v0;
	v0 =	vld [tilespmem:s1+$0x3A00];
	_ =	sdelay $0x4  }
0x137: {  	[tilespmem:$0x1FBD0] =	vst v0;
	v0 =	vld [tilespmem:s1+$0x7A00];
	_ =	sdelay $0x4  }
0x138: {  	[tilespmem:$0x1FBE0] =	vst v0;
	v0 =	vld [tilespmem:s1+$0x3A10];
	_ =	sdelay $0x4  }
0x139: {  	[tilespmem:$0x1FC00] =	vst v0;
	v0 =	vld [tilespmem:s1+$0x7A10];
	_ =	sdelay $0x4  }
0x13a: {  	[tilespmem:$0x1FC10] =	vst v0;
	v0 =	vld [tilespmem:s1+$0x3A20];
	_ =	sdelay $0x4  }
0x13b: {  	[tilespmem:$0x1F7B0] =	vst v0;
	v0 =	vld [tilespmem:s1+$0x7A20];
	_ =	sdelay $0x4  }
0x13c: {  	[tilespmem:$0x1F7C0] =	vst v0;
	v0 =	vld [tilespmem:s1+$0x3640];
	_ =	sdelay $0x4  }
0x13d: {  	[tilespmem:$0x1FC30] =	vst v0;
	v0 =	vld [tilespmem:s1+$0x7640];
	_ =	sdelay $0x4  }
0x13e: {  	[tilespmem:$0x1FC40] =	vst v0;
	v0 =	vld [tilespmem:s1+$0x3650];
	_ =	sdelay $0x4  }
0x13f: {  	[tilespmem:$0x1FC60] =	vst v0;
	v0 =	vld [tilespmem:s1+$0x7650];
	_ =	sdelay $0x4  }
0x140: {  	[tilespmem:$0x1FC70] =	vst v0;
	v0 =	vld [tilespmem:s1+$0x3660];
	_ =	sdelay $0x4  }
0x141: {  	[tilespmem:$0x1F7D0] =	vst v0;
	v0 =	vld [tilespmem:s1+$0x7660];
	_ =	sdelay $0x4  }
0x142: {  	[tilespmem:$0x1F7E0] =	vst v0;
	v0 =	vld [tilespmem:s1+$0x3600];
	_ =	sdelay $0x4  }
0x143: {  	[tilespmem:$0x1FC90] =	vst v0;
	v0 =	vld [tilespmem:s1+$0x7600];
	_ =	sdelay $0x4  }
0x144: {  	[tilespmem:$0x1FCA0] =	vst v0;
	v0 =	vld [tilespmem:s1+$0x3610];
	_ =	sdelay $0x4  }
0x145: {  	[tilespmem:$0x1FCC0] =	vst v0;
	v0 =	vld [tilespmem:s1+$0x7610];
	_ =	sdelay $0x4  }
0x146: {  	[tilespmem:$0x1FCD0] =	vst v0;
	v0 =	vld [tilespmem:s1+$0x3620];
	_ =	sdelay $0x4  }
0x147: {  	[tilespmem:$0x1F7F0] =	vst v0;
	v0 =	vld [tilespmem:s1+$0x7620];
	_ =	sdelay $0x4  }
0x148: {  	[tilespmem:$0x1F800] =	vst v0;
	v0 =	vld [tilespmem:s1+$0x3240];
	_ =	sdelay $0x4  }
0x149: {  	[tilespmem:$0x1FCF0] =	vst v0;
	v0 =	vld [tilespmem:s1+$0x7240];
	_ =	sdelay $0x4  }
0x14a: {  	[tilespmem:$0x1FD00] =	vst v0;
	v0 =	vld [tilespmem:s1+$0x3250];
	_ =	sdelay $0x4  }
0x14b: {  	[tilespmem:$0x1FD20] =	vst v0;
	v0 =	vld [tilespmem:s1+$0x7250];
	_ =	sdelay $0x4  }
0x14c: {  	[tilespmem:$0x1FD30] =	vst v0;
	v0 =	vld [tilespmem:s1+$0x3260];
	_ =	sdelay $0x4  }
0x14d: {  	[tilespmem:$0x1F810] =	vst v0;
	v0 =	vld [tilespmem:s1+$0x7260];
	_ =	sdelay $0x4  }
0x14e: {  	[tilespmem:$0x1F820] =	vst v0;
	v0 =	vld [tilespmem:s1+$0x3200];
	_ =	sdelay $0x4  }
0x14f: {  	[tilespmem:$0x1FD50] =	vst v0;
	v0 =	vld [tilespmem:s1+$0x7200];
	_ =	sdelay $0x4  }
0x150: {  	[tilespmem:$0x1FD60] =	vst v0;
	v0 =	vld [tilespmem:s1+$0x3210];
	_ =	sdelay $0x4  }
0x151: {  	[tilespmem:$0x1FD80] =	vst v0;
	v0 =	vld [tilespmem:s1+$0x7210];
	_ =	sdelay $0x4  }
0x152: {  	[tilespmem:$0x1FD90] =	vst v0;
	v0 =	vld [tilespmem:s1+$0x3220];
	_ =	sdelay $0x4  }
0x153: {  	[tilespmem:$0x1F830] =	vst v0;
	v0 =	vld [tilespmem:s1+$0x7220];
	_ =	sdelay $0x4  }
0x154: {  	[tilespmem:$0x1F840] =	vst v0;
	v0 =	vld [tilespmem:s1+$0x2E40];
	_ =	sdelay $0x4  }
0x155: {  	[tilespmem:$0x1FDB0] =	vst v0;
	v0 =	vld [tilespmem:s1+$0x6E40];
	_ =	sdelay $0x4  }
0x156: {  	[tilespmem:$0x1FDC0] =	vst v0;
	v0 =	vld [tilespmem:s1+$0x2E50];
	_ =	sdelay $0x4  }
0x157: {  	[tilespmem:$0x1FDE0] =	vst v0;
	v0 =	vld [tilespmem:s1+$0x6E50];
	_ =	sdelay $0x4  }
0x158: {  	[tilespmem:$0x1FDF0] =	vst v0;
	v0 =	vld [tilespmem:s1+$0x2E60];
	_ =	sdelay $0x4  }
0x159: {  	[tilespmem:$0x1F850] =	vst v0;
	v0 =	vld [tilespmem:s1+$0x6E60];
	_ =	sdelay $0x4  }
0x15a: {  	[tilespmem:$0x1F860] =	vst v0;
	v0 =	vld [tilespmem:s1+$0x2E00];
	_ =	sdelay $0x4  }
0x15b: {  	[tilespmem:$0x1FE10] =	vst v0;
	v0 =	vld [tilespmem:s1+$0x6E00]  }
0x15c: {  	v5 =	vld [tilespmem:s1+$0x4640]  }
0x15d: {  	v10 =	vld [tilespmem:s1+$0x8640]  }
0x15e: {  	v15 =	vld [tilespmem:s1+$0x4650]  }
0x15f: {  	v50 =	vld [tilespmem:s1+$0x4610]  }
0x160: {  	[tilespmem:$0x1FE20] =	vst v0;
	v0 =	vld [tilespmem:s1+$0x2E10]  }
0x161: {  	v51 =	vld [tilespmem:s1+$0x8610]  }
0x162: {  	v38 =	vmul.f32 v10, v5;
	v5 =	vld [tilespmem:$0x1FA80]  }
0x163: {  	v10 =	vld [tilespmem:$0x1FA90]  }
0x164: {  	v17 =	vld [tilespmem:s1+$0x8650]  }
0x165: {  	[tilespmem:$0x1FE40] =	vst v0;
	v0 =	vld [tilespmem:s1+$0x6E10]  }
0x166: {  	v57 =	vld [tilespmem:s1+$0x4250]  }
0x167: {  	v58 =	vld [tilespmem:s1+$0x8250]  }
0x168: {  	v56 =	vmul.f32 v51, v50;
	v51 =	vmul.f32 v10, v5;
	v5 =	vld [tilespmem:$0x1FAB0]  }
0x169: {  	v10 =	vld [tilespmem:$0x1FAC0]  }
0x16a: {  	[tilespmem:$0x1FE50] =	vst v0;
	v0 =	vld [tilespmem:s1+$0x2E20];
	_ =	sdelay $0x1  }
0x16b: {  	v62 =	vmul.f32 v17, v15;
	_ =	sdelay $0x1  }
0x16c: {  	[tilespmem:$0x1FA20] =	vst v62;
	v62 =	vmul.f32 v58, v57;
	v57 =	vmul.f32 v10, v5;
	v5 =	vld [tilespmem:$0x1FAE0]  }
0x16d: {  	[tilespmem:$0x1F870] =	vst v0;
	v0 =	vld [tilespmem:s1+$0x6E20]  }
0x16e: {  	v10 =	vld [tilespmem:$0x1FAF0];
	_ =	sdelay $0x3  }
0x16f: {  	[tilespmem:$0x1F880] =	vst v0;
	v0 =	vld [tilespmem:s1+$0x2A40]  }
0x170: {  	v58 =	vmul.f32 v10, v5;
	v5 =	vld [tilespmem:$0x1FB10]  }
0x171: {  	v10 =	vld [tilespmem:$0x1FB20];
	_ =	sdelay $0x2  }
0x172: {  	[tilespmem:$0x1FE70] =	vst v0;
	v0 =	vld [tilespmem:s1+$0x6A40];
	_ =	sdelay $0x1  }
0x173: {  	v5 =	vmul.f32 v10, v5;
	_ =	sdelay $0x1  }
0x174: {  	[tilespmem:$0x1FB30] =	vst v5;
	v5 =	vld [tilespmem:$0x1FB40]  }
0x175: {  	[tilespmem:$0x1FE80] =	vst v0;
	v0 =	vld [tilespmem:s1+$0x2A50]  }
0x176: {  	v10 =	vld [tilespmem:$0x1FB50];
	_ =	sdelay $0x1  }
0x177: {  	v59 =	vld [tilespmem:s1+$0x4200]  }
0x178: {  	v63 =	vld [tilespmem:s1+$0x8200]  }
0x179: {  	[tilespmem:$0x1FEA0] =	vst v0;
	v0 =	vld [tilespmem:s1+$0x6A50]  }
0x17a: {  	v5 =	vmul.f32 v10, v5;
	v10 =	vld [tilespmem:$0x1FB70]  }
0x17b: {  	v15 =	vld [tilespmem:$0x1FB80];
	_ =	sdelay $0x2  }
0x17c: {  	[tilespmem:$0x1FEB0] =	vst v0;
	v0 =	vld [tilespmem:s1+$0x2A60];
	_ =	sdelay $0x1  }
0x17d: {  	v50 =	vmul.f32 v63, v59;
	v59 =	vmul.f32 v15, v10;
	v10 =	vld [tilespmem:$0x1FBA0]  }
0x17e: {  	v15 =	vld [tilespmem:$0x1FBB0];
	_ =	sdelay $0x1  }
0x17f: {  	[tilespmem:$0x1F890] =	vst v0;
	v0 =	vld [tilespmem:s1+$0x6A60];
	_ =	sdelay $0x2  }
0x180: {  	[tilespmem:$0x1FA60] =	vst v62;
	v62 =	vmul.f32 v15, v10;
	v10 =	vld [tilespmem:$0x1FBD0]  }
0x181: {  	v15 =	vld [tilespmem:$0x1FBE0]  }
0x182: {  	[tilespmem:$0x1F8A0] =	vst v0;
	v0 =	vld [tilespmem:s1+$0x2A00];
	_ =	sdelay $0x1  }
0x183: {  	v29 =	vld [tilespmem:s1+$0x4660]  }
0x184: {  	v60 =	vld [tilespmem:s1+$0x8660]  }
0x185: {  	[tilespmem:$0x1FA70] =	vst v50;
	v50 =	vmul.f32 v15, v10;
	v10 =	vld [tilespmem:$0x1FC00]  }
0x186: {  	[tilespmem:$0x1FED0] =	vst v0;
	v0 =	vld [tilespmem:s1+$0x6A00]  }
0x187: {  	v15 =	vld [tilespmem:$0x1FC10]  }
0x188: {  	v20 =	vld [tilespmem:s1+$0x4600]  }
0x189: {  	v25 =	vld [tilespmem:s1+$0x8600]  }
0x18a: {  	v54 =	vld [tilespmem:s1+$0x4240]  }
0x18b: {  	[tilespmem:$0x1FEE0] =	vst v0;
	v0 =	vld [tilespmem:s1+$0x2A10]  }
0x18c: {  	[tilespmem:$0x1FAA0] =	vst v51;
	v51 =	vmul.f32 v15, v10;
	v10 =	vld [tilespmem:$0x1FC30]  }
0x18d: {  	v15 =	vld [tilespmem:$0x1FC40]  }
0x18e: {  	v55 =	vld [tilespmem:s1+$0x8240]  }
0x18f: {  	v18 =	vld [tilespmem:s1+$0x6610]  }
0x190: {  	[tilespmem:$0x1FF00] =	vst v0;
	v0 =	vld [tilespmem:s1+$0x6A10]  }
0x191: {  	v61 =	vld [tilespmem:s1+$0x2240]  }
0x192: {  	v39 =	vmul.f32 v25, v20;
	v20 =	vmul.f32 v15, v10;
	v10 =	vld [tilespmem:$0x1FC60]  }
0x193: {  	v15 =	vld [tilespmem:$0x1FC70]  }
0x194: {  	v30 =	vld [tilespmem:s1+$0x6240]  }
0x195: {  	[tilespmem:$0x1FF10] =	vst v0;
	v0 =	vld [tilespmem:s1+$0x2A20]  }
0x196: {  	v27 =	vld [tilespmem:s1+$0x2250]  }
0x197: {  	v31 =	vld [tilespmem:s1+$0x6250]  }
0x198: {  	[tilespmem:$0x1FC50] =	vst v20;
	v20 =	vmul.f32 v15, v10;
	v10 =	vld [tilespmem:$0x1FC90]  }
0x199: {  	v15 =	vld [tilespmem:$0x1FCA0]  }
0x19a: {  	[tilespmem:$0x1F8B0] =	vst v0;
	v0 =	vld [tilespmem:s1+$0x6A20]  }
0x19b: {  	v53 =	vld [tilespmem:s1+$0x2200]  }
0x19c: {  	v34 =	vld [tilespmem:s1+$0x6200]  }
0x19d: {  	v35 =	vld [tilespmem:s1+$0x2210]  }
0x19e: {  	[tilespmem:$0x1FB90] =	vst v59;
	v59 =	vmul.f32 v15, v10;
	v10 =	vld [tilespmem:$0x1FCC0]  }
0x19f: {  	[tilespmem:$0x1F8C0] =	vst v0;
	v0 =	vld [tilespmem:s1+$0x2640]  }
0x1a0: {  	v15 =	vld [tilespmem:$0x1FCD0]  }
0x1a1: {  	v13 =	vld [tilespmem:s1+$0x6210]  }
0x1a2: {  	v52 =	vld [tilespmem:s1+$0x1E40]  }
0x1a3: {  	v36 =	vld [tilespmem:s1+$0x5E40]  }
0x1a4: {  	[tilespmem:$0x1FF30] =	vst v0;
	v0 =	vld [tilespmem:s1+$0x6640]  }
0x1a5: {  	[tilespmem:$0x1FBC0] =	vst v62;
	v62 =	vmul.f32 v15, v10;
	v10 =	vld [tilespmem:$0x1FCF0]  }
0x1a6: {  	v15 =	vld [tilespmem:$0x1FD00]  }
0x1a7: {  	v37 =	vld [tilespmem:s1+$0x1E50]  }
0x1a8: {  	v26 =	vld [tilespmem:s1+$0x5E50]  }
0x1a9: {  	[tilespmem:$0x1FF40] =	vst v0;
	v0 =	vld [tilespmem:s1+$0x2650]  }
0x1aa: {  	v49 =	vld [tilespmem:s1+$0x1E00]  }
0x1ab: {  	v40 =	vld [tilespmem:s1+$0x5E00];
	v10 =	vmul.f32 v15, v10  }
0x1ac: {  	v41 =	vld [tilespmem:s1+$0x1E10]  }
0x1ad: {  	[tilespmem:$0x1FD10] =	vst v10;
	v10 =	vld [tilespmem:$0x1FD20]  }
0x1ae: {  	[tilespmem:$0x1FF60] =	vst v0;
	v0 =	vld [tilespmem:s1+$0x6650]  }
0x1af: {  	v15 =	vld [tilespmem:$0x1FD30]  }
0x1b0: {  	v14 =	vld [tilespmem:s1+$0x5E10]  }
0x1b1: {  	v48 =	vld [tilespmem:s1+$0x1A40]  }
0x1b2: {  	v42 =	vld [tilespmem:s1+$0x5A40]  }
0x1b3: {  	[tilespmem:$0x1FF70] =	vst v0;
	v0 =	vld [tilespmem:s1+$0x2660]  }
0x1b4: {  	v10 =	vmul.f32 v15, v10;
	v15 =	vld [tilespmem:$0x1FD50]  }
0x1b5: {  	v17 =	vld [tilespmem:$0x1FD60]  }
0x1b6: {  	v43 =	vld [tilespmem:s1+$0x1A50]  }
0x1b7: {  	v16 =	vld [tilespmem:s1+$0x5A50]  }
0x1b8: {  	[tilespmem:$0x1F8D0] =	vst v0;
	v0 =	vld [tilespmem:s1+$0x6660]  }
0x1b9: {  	v45 =	vld [tilespmem:s1+$0x1A00]  }
0x1ba: {  	[tilespmem:$0x1FB00] =	vst v58;
	v58 =	vmul.f32 v17, v15;
	v15 =	vld [tilespmem:$0x1FD80]  }
0x1bb: {  	v17 =	vld [tilespmem:$0x1FD90]  }
0x1bc: {  	v44 =	vld [tilespmem:s1+$0x5A00]  }
0x1bd: {  	[tilespmem:$0x1F8E0] =	vst v0;
	v0 =	vld [tilespmem:s1+$0x2600]  }
0x1be: {  	v28 =	vld [tilespmem:s1+$0x1A10]  }
0x1bf: {  	v9 =	vld [tilespmem:s1+$0x5A10]  }
0x1c0: {  	[tilespmem:$0x1FCB0] =	vst v59;
	v59 =	vmul.f32 v17, v15;
	v15 =	vld [tilespmem:$0x1FDB0]  }
0x1c1: {  	v17 =	vld [tilespmem:$0x1FDC0]  }
0x1c2: {  	[tilespmem:$0x1FFA0] =	vst v0;
	v0 =	vld [tilespmem:s1+$0x6600]  }
0x1c3: {  	v23 =	vld [tilespmem:s1+$0x1640]  }
0x1c4: {  	v12 =	vld [tilespmem:s1+$0x1650]  }
0x1c5: {  	v2 =	vld [tilespmem:s1+$0x5650]  }
0x1c6: {  	v1 =	vld [tilespmem:s1+$0x1660]  }
0x1c7: {  	v15 =	vmul.f32 v17, v15;
	[tilespmem:$0x1FF90] =	vst v0;
	v0 =	vld [tilespmem:s1+$0x2610]  }
0x1c8: {  	v22 =	vld [tilespmem:s1+$0x1600]  }
0x1c9: {  	[tilespmem:$0x1FDD0] =	vst v15;
	v15 =	vld [tilespmem:$0x1FDE0]  }
0x1ca: {  	v17 =	vld [tilespmem:$0x1FDF0]  }
0x1cb: {  	v3 =	vld [tilespmem:s1+$0x5600]  }
0x1cc: {  	[tilespmem:$0x1FFC0] =	vst v0;
	v0 =	vld [tilespmem:s1+$0x2620]  }
0x1cd: {  	v19 =	vld [tilespmem:s1+$0x1610]  }
0x1ce: {  	v4 =	vld [tilespmem:s1+$0x5610]  }
0x1cf: {  	v15 =	vmul.f32 v17, v15;
	v17 =	vld [tilespmem:$0x1FE10]  }
0x1d0: {  	v25 =	vld [tilespmem:$0x1FE20]  }
0x1d1: {  	[tilespmem:$0x1F8F0] =	vst v0;
	v0 =	vld [tilespmem:s1+$0x6620]  }
0x1d2: {  	v21 =	vld [tilespmem:s1+$0x1240]  }
0x1d3: {  	v7 =	vld [tilespmem:s1+$0x5240]  }
0x1d4: {  	v11 =	vld [tilespmem:s1+$0x1250]  }
0x1d5: {  	v8 =	vld [tilespmem:s1+$0x5250]  }
0x1d6: {  	v17 =	vmul.f32 v25, v17;
	[tilespmem:$0x1F900] =	vst v0;
	v0 =	vld [tilespmem:s1+$0x2260]  }
0x1d7: {  	v32 =	vld [tilespmem:s1+$0x1260]  }
0x1d8: {  	[tilespmem:$0x1FE30] =	vst v17;
	v17 =	vld [tilespmem:$0x1FE40]  }
0x1d9: {  	v25 =	vld [tilespmem:$0x1FE50]  }
0x1da: {  	v33 =	vld [tilespmem:s1+$0x5260]  }
0x1db: {  	[tilespmem:$0x1F910] =	vst v0;
	v0 =	vld [tilespmem:s1+$0x6260]  }
0x1dc: {  	v46 =	vld [tilespmem:s1+$0x5200]  }
0x1dd: {  	v6 =	vld [tilespmem:s1+$0x1210]  }
0x1de: {  	v17 =	vmul.f32 v25, v17;
	v25 =	vld [tilespmem:$0x1FE70]  }
0x1df: {  	[tilespmem:$0x1FCE0] =	vst v62;
	v62 =	vld [tilespmem:$0x1FE80]  }
0x1e0: {  	[tilespmem:$0x1F920] =	vst v0;
	v0 =	vld [tilespmem:s1+$0x2220]  }
0x1e1: {  	v47 =	vld [tilespmem:s1+$0x5210]  }
0x1e2: {  	[tilespmem:$0x1F9D0] =	vst v1;
	v1 =	vld [tilespmem:s1+$0x5660]  }
0x1e3: {  	v63 =	vld [tilespmem:s1+$0xE50]  }
0x1e4: {  	v35 =	vmul.f32 v13, v35;
	v13 =	vld [tilespmem:s1+$0x4A60]  }
0x1e5: {  	v62 =	vmul.f32 v62, v25;
	[tilespmem:$0x1F930] =	vst v0;
	v0 =	vld [tilespmem:s1+$0x6220]  }
0x1e6: {  	v25 =	vld [tilespmem:$0x1FEA0]  }
0x1e7: {  	[tilespmem:$0x1FE90] =	vst v62;
	v62 =	vld [tilespmem:$0x1FEB0]  }
0x1e8: {  	v37 =	vmul.f32 v26, v37;
	v26 =	vld [tilespmem:s1+$0xA00]  }
0x1e9: {  	v41 =	vmul.f32 v14, v41;
	v14 =	vld [tilespmem:s1+$0x4A00]  }
0x1ea: {  	[tilespmem:$0x1F940] =	vst v0;
	v0 =	vld [tilespmem:s1+$0x1E60]  }
0x1eb: {  	v43 =	vmul.f32 v16, v43;
	v16 =	vld [tilespmem:s1+$0xA10];
	v44 =	vmul.f32 v44, v45  }
0x1ec: {  	v45 =	vmul.f32 v9, v28;
	v9 =	vld [tilespmem:s1+$0x4A10];
	v62 =	vmul.f32 v62, v25  }
0x1ed: {  	v25 =	vld [tilespmem:$0x1FED0]  }
0x1ee: {  	[tilespmem:$0x1FEC0] =	vst v62;
	v62 =	vld [tilespmem:$0x1FEE0]  }
0x1ef: {  	[tilespmem:$0x1F950] =	vst v0;
	v0 =	vld [tilespmem:s1+$0x5E60]  }
0x1f0: {  	v2 =	vmul.f32 v2, v12;
	v12 =	vld [tilespmem:s1+$0xA20]  }
0x1f1: {  	v4 =	vmul.f32 v4, v19;
	v19 =	vld [tilespmem:s1+$0x4A20]  }
0x1f2: {  	v8 =	vmul.f32 v8, v11;
	v11 =	vld [tilespmem:s1+$0xA30]  }
0x1f3: {  	[tilespmem:$0x1FD70] =	vst v58;
	v58 =	vmul.f32 v62, v25;
	v25 =	vld [tilespmem:$0x1FF00]  }
0x1f4: {  	[tilespmem:$0x1F960] =	vst v0;
	v0 =	vld [tilespmem:s1+$0x1E20]  }
0x1f5: {  	v62 =	vld [tilespmem:$0x1FF10]  }
0x1f6: {  	[tilespmem:$0x1FA10] =	vst v38;
	v38 =	vld [tilespmem:s1+$0x1220]  }
0x1f7: {  	[tilespmem:$0x1FA30] =	vst v39;
	v39 =	vld [tilespmem:s1+$0x5220]  }
0x1f8: {  	[tilespmem:$0x1F9E0] =	vst v1;
	v1 =	vld [tilespmem:s1+$0x1620]  }
0x1f9: {  	[tilespmem:$0x1F970] =	vst v0;
	v0 =	vld [tilespmem:s1+$0x5E20]  }
0x1fa: {  	[tilespmem:$0x1FEF0] =	vst v58;
	v58 =	vmul.f32 v62, v25;
	v25 =	vld [tilespmem:$0x1FF30]  }
0x1fb: {  	v24 =	vld [tilespmem:$0x1FF40]  }
0x1fc: {  	[tilespmem:$0x1FA40] =	vst v56;
	v56 =	vmul.f32 v55, v54;
	v55 =	vld [tilespmem:s1+$0x4E40]  }
0x1fd: {  	v54 =	vld [tilespmem:s1+$0xE60]  }
0x1fe: {  	[tilespmem:$0x1F980] =	vst v0;
	v0 =	vld [tilespmem:s1+$0x1A60]  }
0x1ff: {  	[tilespmem:$0x1F9F0] =	vst v1;
	v1 =	vld [tilespmem:s1+$0x5620]  }
0x200: {  	[tilespmem:$0x1FA50] =	vst v56;
	v56 =	vld [tilespmem:s1+$0xE40];
	v25 =	vmul.f32 v24, v25  }
0x201: {  	v24 =	vld [tilespmem:$0x1FF60]  }
0x202: {  	[tilespmem:$0x1FF50] =	vst v25;
	v25 =	vld [tilespmem:$0x1FF70]  }
0x203: {  	[tilespmem:$0x1F990] =	vst v0;
	v0 =	vld [tilespmem:s1+$0x5A60]  }
0x204: {  	[tilespmem:$0x1FA00] =	vst v1;
	v1 =	vld [tilespmem:s1+$0x1200]  }
0x205: {  	[tilespmem:$0x1FAD0] =	vst v57;
	v57 =	vld [tilespmem:s1+$0x4E60]  }
0x206: {  	v62 =	vld [tilespmem:$0x1FFA0]  }
0x207: {  	v25 =	vmul.f32 v25, v24;
	v24 =	vld [tilespmem:$0x1FF90]  }
0x208: {  	[tilespmem:$0x1F9A0] =	vst v0;
	v0 =	vld [tilespmem:s1+$0x1A20]  }
0x209: {  	[tilespmem:$0x1FB60] =	vst v5;
	v5 =	vld [tilespmem:s1+$0x4E50]  }
0x20a: {  	[tilespmem:$0x1FBF0] =	vst v50;
	v50 =	vld [tilespmem:s1+$0x4E00]  }
0x20b: {  	[tilespmem:$0x1FC20] =	vst v51;
	v51 =	vld [tilespmem:s1+$0x4E10]  }
0x20c: {  	[tilespmem:$0x1FC80] =	vst v20;
	v20 =	vld [tilespmem:s1+$0xE00]  }
0x20d: {  	v24 =	vmul.f32 v24, v62;
	[tilespmem:$0x1F9B0] =	vst v0;
	v0 =	vld [tilespmem:s1+$0x5A20]  }
0x20e: {  	[tilespmem:$0x1FD40] =	vst v10;
	v10 =	vld [tilespmem:s1+$0xE10]  }
0x20f: {  	[tilespmem:$0x1FFB0] =	vst v24;
	v24 =	vld [tilespmem:$0x1FFC0]  }
0x210: {  	[tilespmem:$0x1FDA0] =	vst v59;
	v59 =	vld [tilespmem:s1+$0xA40]  }
0x211: {  	[tilespmem:$0x1FE00] =	vst v15;
	v15 =	vld [tilespmem:s1+$0xE20]  }
0x212: {  	[tilespmem:$0x1F9C0] =	vst v0;
	v0 =	vld [tilespmem:s1+$0x5640]  }
0x213: {  	v30 =	vmul.f32 v30, v61;
	v31 =	vmul.f32 v31, v27;
	[tilespmem:$0x1FE60] =	vst v17;
	v17 =	vld [tilespmem:s1+$0x4E20]  }
0x214: {  	v34 =	vmul.f32 v34, v53;
	[tilespmem:$0x1FF20] =	vst v58;
	v58 =	vld [tilespmem:s1+$0x4A40];
	v18 =	vmul.f32 v18, v24  }
0x215: {  	v36 =	vmul.f32 v36, v52;
	v40 =	vmul.f32 v40, v49;
	[tilespmem:$0x1FF80] =	vst v25;
	v25 =	vld [tilespmem:s1+$0xA50]  }
0x216: {  	v42 =	vmul.f32 v42, v48;
	v3 =	vmul.f32 v3, v22;
	[tilespmem:$0x1FFD0] =	vst v18;
	v18 =	vld [tilespmem:s1+$0x4A50]  }
0x217: {  	s0 =	simm.s32 $0x1;
	s3 =	simm.s32 $0x0;
	v7 =	vmul.f32 v7, v21;
	v62 =	vld [tilespmem:s1+$0xA60];
	v0 =	vmul.f32 v0, v23  }
.LBB2_5:
0x218: {  	v21 =	vld [tilespmem:s1+$0x4A30];
	v1 =	vmul.f32 v46, v1;
	v6 =	vmul.f32 v47, v6  }
0x219: {  	v22 =	vld [tilespmem:s1+$0xA70];
	v23 =	vmul.f32 v55, v56;
	v5 =	vmul.f32 v5, v63  }
0x21a: {  	v28 =	vld [tilespmem:s1+$0x4A70];
	v20 =	vmul.f32 v50, v20;
	v10 =	vmul.f32 v51, v10  }
0x21b: {  	v56 =	vmul.f32 v58, v59;
	v18 =	vmul.f32 v18, v25;
	v25 =	vld [tilespmem:s1+$0xE30]  }
0x21c: {  	v14 =	vmul.f32 v14, v26;
	v9 =	vmul.f32 v9, v16;
	v16 =	vld [tilespmem:s1+$0x4E30]  }
0x21d: {  	v12 =	vmul.f32 v19, v12;
	v19 =	vld [tilespmem:s1+$0xE70];
	v11 =	vmul.f32 v21, v11  }
0x21e: {  	v13 =	vmul.f32 v13, v62;
	v21 =	vld [tilespmem:s1+$0x4E70];
	v14 =	vadd.f32 $0.0e+00, v14;
	v9 =	vadd.f32 $0.0e+00, v9  }
0x21f: {  	v26 =	vld [tilespmem:s1+$0x1230];
	v22 =	vmul.f32 v28, v22;
	v12 =	vadd.f32 $0.0e+00, v12;
	v11 =	vadd.f32 $0.0e+00, v11  }
0x220: {  	v15 =	vmul.f32 v17, v15;
	v17 =	vld [tilespmem:s1+$0x5230];
	v14 =	vadd.f32 v56, v14;
	v9 =	vadd.f32 v18, v9  }
0x221: {  	v12 =	vadd.f32 v13, v12;
	v18 =	vld [tilespmem:s1+$0x5270];
	v11 =	vadd.f32 v22, v11;
	v13 =	vmul.f32 v16, v25  }
0x222: {  	v16 =	vld [tilespmem:s1+$0x1270];
	v14 =	vadd.f32 v20, v14;
	v9 =	vadd.f32 v10, v9;
	v10 =	vmul.f32 v57, v54  }
0x223: {  	v12 =	vadd.f32 v15, v12;
	v15 =	vld [tilespmem:s1+$0x1630];
	v11 =	vadd.f32 v13, v11;
	v13 =	vmul.f32 v21, v19  }
0x224: {  	v19 =	vld [tilespmem:s1+$0x5630];
	v14 =	vadd.f32 v23, v14;
	v5 =	vadd.f32 v5, v9;
	v9 =	vmul.f32 v39, v38  }
0x225: {  	v10 =	vadd.f32 v10, v12;
	v12 =	vmul.f32 v17, v26;
	v11 =	vadd.f32 v13, v11;
	v13 =	vld [tilespmem:s1+$0x1670]  }
0x226: {  	v1 =	vadd.f32 v1, v14;
	v5 =	vadd.f32 v6, v5;
	v14 =	vld [tilespmem:s1+$0x5670]  }
0x227: {  	v9 =	vadd.f32 v9, v10;
	v10 =	vadd.f32 v12, v11;
	v12 =	vld [tilespmem:s1+$0x1A30]  }
0x228: {  	v1 =	vadd.f32 v7, v1;
	v5 =	vadd.f32 v8, v5;
	v7 =	vld [tilespmem:$0x1F9F0]  }
0x229: {  	v8 =	vld [tilespmem:$0x1FA00]  }
0x22a: {  	v1 =	vadd.f32 v3, v1;
	v3 =	vadd.f32 v4, v5;
	v4 =	vld [tilespmem:$0x1F9D0]  }
0x22b: {  	v6 =	vmul.f32 v33, v32;
	v5 =	vld [tilespmem:$0x1F9E0]  }
0x22c: {  	v11 =	vmul.f32 v18, v16;
	v0 =	vadd.f32 v0, v1;
	v1 =	vadd.f32 v2, v3;
	v2 =	vld [tilespmem:$0x1F9B0]  }
0x22d: {  	v3 =	vld [tilespmem:$0x1F9C0]  }
0x22e: {  	v6 =	vadd.f32 v6, v9;
	v9 =	vadd.f32 v11, v10;
	v11 =	vld [tilespmem:s1+$0x1A70]  }
0x22f: {  	v10 =	vmul.f32 v19, v15;
	v7 =	vmul.f32 v8, v7;
	v8 =	vld [tilespmem:s1+$0x5A30]  }
0x230: {  	v4 =	vmul.f32 v5, v4;
	v5 =	vld [tilespmem:s1+$0x5A70]  }
0x231: {  	v6 =	vadd.f32 v7, v6;
	v7 =	vadd.f32 v10, v9;
	v9 =	vmul.f32 v14, v13;
	v10 =	vld [tilespmem:s1+$0x1E30]  }
0x232: {  	v2 =	vmul.f32 v3, v2;
	v3 =	vld [tilespmem:s1+$0x5E30]  }
0x233: {  	v4 =	vadd.f32 v4, v6;
	v6 =	vadd.f32 v9, v7;
	v9 =	vld [tilespmem:$0x1F990]  }
0x234: {  	v7 =	vmul.f32 v8, v12;
	v12 =	vld [tilespmem:$0x1F9A0]  }
0x235: {  	v8 =	vld [tilespmem:s1+$0x1E70]  }
0x236: {  	v2 =	vadd.f32 v2, v4;
	v4 =	vadd.f32 v7, v6;
	v7 =	vld [tilespmem:$0x1F970]  }
0x237: {  	v5 =	vmul.f32 v5, v11;
	v11 =	vld [tilespmem:$0x1F980]  }
0x238: {  	v6 =	vld [tilespmem:s1+$0x2230]  }
0x239: {  	v3 =	vmul.f32 v3, v10;
	v10 =	vld [tilespmem:$0x1F960];
	v9 =	vmul.f32 v12, v9  }
0x23a: {  	v12 =	vld [tilespmem:s1+$0x5E70]  }
0x23b: {  	v2 =	vadd.f32 v9, v2;
	v9 =	vld [tilespmem:$0x1F950]  }
0x23c: {  	v7 =	vmul.f32 v11, v7;
	v11 =	vld [tilespmem:s1+$0x6230]  }
0x23d: {  	v4 =	vadd.f32 v5, v4  }
0x23e: {  	v5 =	vld [tilespmem:s1+$0x2270]  }
0x23f: {  	v3 =	vadd.f32 v3, v4;
	v4 =	vmul.f32 v12, v8;
	v8 =	vld [tilespmem:$0x1F930]  }
0x240: {  	v2 =	vadd.f32 v7, v2;
	v12 =	vld [tilespmem:$0x1F940];
	v9 =	vmul.f32 v10, v9  }
0x241: {  	v3 =	vadd.f32 v4, v3;
	v4 =	vmul.f32 v11, v6;
	v11 =	vld [tilespmem:$0x1F920]  }
0x242: {  	v0 =	vadd.f32 v44, v0;
	v2 =	vadd.f32 v9, v2;
	v9 =	vld [tilespmem:$0x1F910]  }
0x243: {  	v10 =	vld [tilespmem:s1+$0x6270]  }
0x244: {  	v0 =	vadd.f32 v42, v0;
	v7 =	vld [tilespmem:s1+$0x2630]  }
0x245: {  	v6 =	vld [tilespmem:s1+$0x2670];
	v8 =	vmul.f32 v12, v8  }
0x246: {  	v0 =	vadd.f32 v40, v0;
	v12 =	vld [tilespmem:s1+$0x6630]  }
0x247: {  	v1 =	vadd.f32 v45, v1;
	v2 =	vadd.f32 v8, v2;
	v9 =	vmul.f32 v11, v9;
	v11 =	vld [tilespmem:s1+$0x6670]  }
0x248: {  	v0 =	vadd.f32 v36, v0;
	v3 =	vadd.f32 v4, v3;
	v4 =	vmul.f32 v10, v5;
	v5 =	vld [tilespmem:s1+$0x2A30]  }
0x249: {  	v1 =	vadd.f32 v43, v1;
	v2 =	vadd.f32 v9, v2;
	v9 =	vld [tilespmem:$0x1FFB0]  }
0x24a: {  	v0 =	vadd.f32 v34, v0  }
0x24b: {  	v1 =	vadd.f32 v41, v1  }
0x24c: {  	v0 =	vadd.f32 v30, v0  }
0x24d: {  	v1 =	vadd.f32 v37, v1  }
0x24e: {  	v0 =	vadd.f32 v9, v0;
	v9 =	vld [tilespmem:$0x1FFD0]  }
0x24f: {  	v1 =	vadd.f32 v35, v1  }
0x250: {  	v8 =	vld [tilespmem:$0x1F8F0]  }
0x251: {  	v1 =	vadd.f32 v31, v1;
	v10 =	vld [tilespmem:$0x1F900]  }
0x252: {  	v3 =	vadd.f32 v4, v3;
	v4 =	vmul.f32 v12, v7;
	v12 =	vld [tilespmem:$0x1F8E0]  }
0x253: {  	v1 =	vadd.f32 v9, v1;
	v9 =	vld [tilespmem:$0x1F8D0];
	_ =	sdelay $0x2  }
0x254: {  	v8 =	vmul.f32 v10, v8;
	_ =	sdelay $0x1  }
0x255: {  	v2 =	vadd.f32 v8, v2;
	v8 =	vld [tilespmem:$0x1FF50];
	v9 =	vmul.f32 v12, v9;
	_ =	sdelay $0x1  }
0x256: {  	v2 =	vadd.f32 v9, v2;
	v9 =	vld [tilespmem:$0x1FEF0];
	_ =	sdelay $0x2  }
0x257: {  	v0 =	vadd.f32 v8, v0;
	v8 =	vld [tilespmem:$0x1FF80]  }
0x258: {  	v10 =	vld [tilespmem:s1+$0x6A30]  }
0x259: {  	v0 =	vadd.f32 v9, v0;
	v9 =	vld [tilespmem:$0x1FF20];
	_ =	sdelay $0x1  }
0x25a: {  	v3 =	vadd.f32 v4, v3;
	v4 =	vmul.f32 v11, v6;
	v11 =	vld [tilespmem:$0x1F8C0]  }
0x25b: {  	v1 =	vadd.f32 v8, v1;
	v8 =	vld [tilespmem:$0x1F8B0]  }
0x25c: {  	v3 =	vadd.f32 v4, v3;
	v4 =	vmul.f32 v10, v5;
	v10 =	vld [tilespmem:$0x1F8A0]  }
0x25d: {  	v1 =	vadd.f32 v9, v1;
	v9 =	vld [tilespmem:$0x1F890];
	_ =	sdelay $0x2  }
0x25e: {  	v8 =	vmul.f32 v11, v8;
	_ =	sdelay $0x1  }
0x25f: {  	v2 =	vadd.f32 v8, v2;
	v8 =	vld [tilespmem:$0x1FE90];
	v9 =	vmul.f32 v10, v9  }
0x260: {  	v7 =	vld [tilespmem:s1+$0x2A70]  }
0x261: {  	v2 =	vadd.f32 v9, v2;
	v9 =	vld [tilespmem:$0x1FE30]  }
0x262: {  	v6 =	vld [tilespmem:s1+$0x2E30]  }
0x263: {  	v12 =	vld [tilespmem:s1+$0x6A70]  }
0x264: {  	v0 =	vadd.f32 v8, v0;
	v8 =	vld [tilespmem:$0x1FEC0]  }
0x265: {  	v11 =	vld [tilespmem:s1+$0x6E30]  }
0x266: {  	v0 =	vadd.f32 v9, v0;
	v9 =	vld [tilespmem:$0x1FE60];
	_ =	sdelay $0x1  }
0x267: {  	v3 =	vadd.f32 v4, v3;
	v4 =	vmul.f32 v12, v7;
	v12 =	vld [tilespmem:$0x1F880]  }
0x268: {  	v1 =	vadd.f32 v8, v1;
	v8 =	vld [tilespmem:$0x1F870]  }
0x269: {  	v3 =	vadd.f32 v4, v3;
	v4 =	vmul.f32 v11, v6;
	v11 =	vld [tilespmem:$0x1F860]  }
0x26a: {  	v1 =	vadd.f32 v9, v1;
	v9 =	vld [tilespmem:$0x1F850];
	_ =	sdelay $0x2  }
0x26b: {  	v8 =	vmul.f32 v12, v8;
	_ =	sdelay $0x1  }
0x26c: {  	v2 =	vadd.f32 v8, v2;
	v8 =	vld [tilespmem:$0x1FDD0];
	v9 =	vmul.f32 v11, v9  }
0x26d: {  	v5 =	vld [tilespmem:s1+$0x2E70]  }
0x26e: {  	v2 =	vadd.f32 v9, v2;
	v9 =	vld [tilespmem:$0x1FD70]  }
0x26f: {  	v7 =	vld [tilespmem:s1+$0x3230]  }
0x270: {  	v10 =	vld [tilespmem:s1+$0x6E70]  }
0x271: {  	v0 =	vadd.f32 v8, v0;
	v8 =	vld [tilespmem:$0x1FE00]  }
0x272: {  	v12 =	vld [tilespmem:s1+$0x7230]  }
0x273: {  	v0 =	vadd.f32 v9, v0;
	v9 =	vld [tilespmem:$0x1FDA0];
	_ =	sdelay $0x1  }
0x274: {  	v3 =	vadd.f32 v4, v3;
	v4 =	vmul.f32 v10, v5;
	v10 =	vld [tilespmem:$0x1F840]  }
0x275: {  	v1 =	vadd.f32 v8, v1;
	v8 =	vld [tilespmem:$0x1F830]  }
0x276: {  	v3 =	vadd.f32 v4, v3;
	v4 =	vmul.f32 v12, v7;
	v12 =	vld [tilespmem:$0x1F820]  }
0x277: {  	v1 =	vadd.f32 v9, v1;
	v9 =	vld [tilespmem:$0x1F810];
	_ =	sdelay $0x2  }
0x278: {  	v8 =	vmul.f32 v10, v8;
	_ =	sdelay $0x1  }
0x279: {  	v2 =	vadd.f32 v8, v2;
	v8 =	vld [tilespmem:$0x1FD10];
	v9 =	vmul.f32 v12, v9  }
0x27a: {  	v6 =	vld [tilespmem:s1+$0x3270]  }
0x27b: {  	v2 =	vadd.f32 v9, v2;
	v9 =	vld [tilespmem:$0x1FCB0]  }
0x27c: {  	v5 =	vld [tilespmem:s1+$0x3630]  }
0x27d: {  	v11 =	vld [tilespmem:s1+$0x7270]  }
0x27e: {  	v0 =	vadd.f32 v8, v0;
	v8 =	vld [tilespmem:$0x1FD40]  }
0x27f: {  	v10 =	vld [tilespmem:s1+$0x7630]  }
0x280: {  	v0 =	vadd.f32 v9, v0;
	v9 =	vld [tilespmem:$0x1FCE0];
	_ =	sdelay $0x1  }
0x281: {  	v3 =	vadd.f32 v4, v3;
	v4 =	vmul.f32 v11, v6;
	v11 =	vld [tilespmem:$0x1F800]  }
0x282: {  	v1 =	vadd.f32 v8, v1;
	v8 =	vld [tilespmem:$0x1F7F0]  }
0x283: {  	v3 =	vadd.f32 v4, v3;
	v4 =	vmul.f32 v10, v5;
	v10 =	vld [tilespmem:$0x1F7E0]  }
0x284: {  	v1 =	vadd.f32 v9, v1;
	v9 =	vld [tilespmem:$0x1F7D0];
	_ =	sdelay $0x2  }
0x285: {  	v8 =	vmul.f32 v11, v8;
	_ =	sdelay $0x1  }
0x286: {  	v2 =	vadd.f32 v8, v2;
	v8 =	vld [tilespmem:$0x1FC50];
	v9 =	vmul.f32 v10, v9  }
0x287: {  	v7 =	vld [tilespmem:s1+$0x3670]  }
0x288: {  	v2 =	vadd.f32 v9, v2;
	v9 =	vld [tilespmem:$0x1FBF0]  }
0x289: {  	v6 =	vld [tilespmem:s1+$0x3A30]  }
0x28a: {  	v12 =	vld [tilespmem:s1+$0x7670]  }
0x28b: {  	v0 =	vadd.f32 v8, v0;
	v8 =	vld [tilespmem:$0x1FC80]  }
0x28c: {  	v11 =	vld [tilespmem:s1+$0x7A30]  }
0x28d: {  	v0 =	vadd.f32 v9, v0;
	v9 =	vld [tilespmem:$0x1FC20];
	_ =	sdelay $0x1  }
0x28e: {  	v3 =	vadd.f32 v4, v3;
	v4 =	vmul.f32 v12, v7;
	v12 =	vld [tilespmem:$0x1F7C0]  }
0x28f: {  	v1 =	vadd.f32 v8, v1;
	v8 =	vld [tilespmem:$0x1F7B0]  }
0x290: {  	v3 =	vadd.f32 v4, v3;
	v4 =	vmul.f32 v11, v6;
	v11 =	vld [tilespmem:$0x1F7A0]  }
0x291: {  	v1 =	vadd.f32 v9, v1;
	v9 =	vld [tilespmem:$0x1F790];
	_ =	sdelay $0x2  }
0x292: {  	v8 =	vmul.f32 v12, v8;
	_ =	sdelay $0x1  }
0x293: {  	v2 =	vadd.f32 v8, v2;
	v8 =	vld [tilespmem:$0x1FB90];
	v9 =	vmul.f32 v11, v9  }
0x294: {  	v5 =	vld [tilespmem:s1+$0x3A70]  }
0x295: {  	v2 =	vadd.f32 v9, v2;
	v9 =	vld [tilespmem:$0x1FB30]  }
0x296: {  	v7 =	vld [tilespmem:s1+$0x3E30]  }
0x297: {  	v10 =	vld [tilespmem:s1+$0x7A70]  }
0x298: {  	v0 =	vadd.f32 v8, v0;
	v8 =	vld [tilespmem:$0x1FBC0]  }
0x299: {  	v12 =	vld [tilespmem:s1+$0x7E30]  }
0x29a: {  	v0 =	vadd.f32 v9, v0;
	v9 =	vld [tilespmem:$0x1FB60];
	_ =	sdelay $0x1  }
0x29b: {  	v3 =	vadd.f32 v4, v3;
	v4 =	vmul.f32 v10, v5;
	v10 =	vld [tilespmem:$0x1F780]  }
0x29c: {  	v1 =	vadd.f32 v8, v1;
	v8 =	vld [tilespmem:$0x1F770]  }
0x29d: {  	v3 =	vadd.f32 v4, v3;
	v4 =	vmul.f32 v12, v7;
	v12 =	vld [tilespmem:$0x1F760]  }
0x29e: {  	v1 =	vadd.f32 v9, v1;
	v9 =	vld [tilespmem:$0x1F750];
	_ =	sdelay $0x2  }
0x29f: {  	v8 =	vmul.f32 v10, v8  }
0x2a0: {  	v6 =	vld [tilespmem:s1+$0x3E70]  }
0x2a1: {  	v2 =	vadd.f32 v8, v2;
	v8 =	vld [tilespmem:$0x1FAD0];
	v9 =	vmul.f32 v12, v9  }
0x2a2: {  	v11 =	vld [tilespmem:s1+$0x7E70]  }
0x2a3: {  	v2 =	vadd.f32 v9, v2;
	v9 =	vld [tilespmem:$0x1FA70]  }
0x2a4: {  	v5 =	vld [tilespmem:s1+$0x4230]  }
0x2a5: {  	v10 =	vld [tilespmem:s1+$0x8230]  }
0x2a6: {  	v0 =	vadd.f32 v8, v0;
	v8 =	vld [tilespmem:$0x1FB00]  }
0x2a7: {  	v7 =	vld [tilespmem:s1+$0x4270]  }
0x2a8: {  	v3 =	vadd.f32 v4, v3;
	v4 =	vmul.f32 v11, v6;
	v0 =	vadd.f32 v9, v0;
	v9 =	vld [tilespmem:$0x1FAA0]  }
0x2a9: {  	v11 =	vld [tilespmem:$0x1F740]  }
0x2aa: {  	v3 =	vadd.f32 v4, v3;
	v4 =	vmul.f32 v10, v5;
	v10 =	vld [tilespmem:$0x1F720]  }
0x2ab: {  	v1 =	vadd.f32 v8, v1;
	v8 =	vld [tilespmem:$0x1F730]  }
0x2ac: {  	v12 =	vld [tilespmem:s1+$0x8270]  }
0x2ad: {  	v1 =	vadd.f32 v9, v1;
	v9 =	vld [tilespmem:$0x1F710]  }
0x2ae: {  	v6 =	vld [tilespmem:s1+$0x4630]  }
0x2af: {  	v5 =	vld [tilespmem:s1+$0x4670]  }
0x2b0: {  	v8 =	vmul.f32 v11, v8;
	v11 =	vld [tilespmem:s1+$0x8630]  }
0x2b1: {  	v3 =	vadd.f32 v4, v3;
	v4 =	vmul.f32 v12, v7;
	v7 =	vld [tilespmem:$0x1FA50]  }
0x2b2: {  	v9 =	vmul.f32 v10, v9;
	v10 =	vld [tilespmem:s1+$0x8670];
	_ =	sdelay $0x2  }
0x2b3: {  	v3 =	vadd.f32 v4, v3;
	v4 =	vmul.f32 v11, v6  }
0x2b4: {  	v0 =	vadd.f32 v7, v0;
	v7 =	vld [tilespmem:$0x1FA60];
	s1 =	sshll.u32 s0, $0x7  }
0x2b5: {  	v3 =	vadd.f32 v4, v3;
	v4 =	vmul.f32 v10, v5;
	v5 =	vld [tilespmem:s1+$0x8660];
	_ =	sdelay $0x1  }
0x2b6: {  	v6 =	vld [tilespmem:$0x1FA30]  }
0x2b7: {  	v2 =	vadd.f32 v8, v2;
	v8 =	vld [tilespmem:$0x1F700]  }
0x2b8: {  	v1 =	vadd.f32 v7, v1;
	v7 =	vld [tilespmem:$0x1F6F0]  }
0x2b9: {  	[tilespmem:$0x1F6E0] =	vst v5;
	v5 =	vld [tilespmem:$0x1FA10];
	_ =	sdelay $0x1  }
0x2ba: {  	v0 =	vadd.f32 v6, v0;
	v6 =	vld [tilespmem:$0x1FA40];
	_ =	sdelay $0x2  }
0x2bb: {  	v2 =	vadd.f32 v9, v2;
	v7 =	vmul.f32 v8, v7;
	v0 =	vadd.f32 v5, v0;
	v5 =	vld [tilespmem:$0x1FA20];
	_ =	sdelay $0x1  }
0x2bc: {  	v1 =	vadd.f32 v6, v1;
	v6 =	vmul.f32 v60, v29;
	v2 =	vadd.f32 v7, v2;
	_ =	sdelay $0x1  }
0x2bd: {  	v2 =	vadd.f32 v6, v2  }
0x2be: {  	v3 =	vadd.f32 v4, v3;
	v1 =	vadd.f32 v5, v1;
	_ =	sdelay $0x1  }
0x2bf: {  	v0 =	vadd.f32 v1, v0;
	v1 =	vadd.f32 v3, v2;
	_ =	sdelay $0x1  }
0x2c0: {  	v0 =	vadd.f32 v1, v0;
	v1 =	vld [tilespmem:s1+$0x8620];
	_ =	sdelay $0x3  }
0x2c1: {  	s4 =	sor.u32 s24, s3  }
0x2c2: {  	(xrf2) =	vadd.scan.msk.f32 $0xffff, v0;
	v0 =	vld [tilespmem:s1+$0x8250];
	[tilespmem:$0x1F700] =	vst v1;
	v1 =	vmov s4;
	_ =	sdelay $0x4  }
0x2c3: {  	[tilespmem:$0x1F370] =	vst v0;
	v0 =	vld.idx.msk [tilespmem:v1+s30+$0x0], $0xffff;
	_ =	sdelay $0x4  }
0x2c4: {  	(v2sf) =	vpush v0, $0x0;
	v0 =	vld [tilespmem:s1+$0x4220];
	_ =	sdelay $0x4  }
0x2c5: {  	[tilespmem:$0x1F730] =	vst v0;
	v0 =	vld [tilespmem:s1+$0x8220];
	_ =	sdelay $0x4  }
0x2c6: {  	[tilespmem:$0x1F740] =	vst v0;
	v0 =	vld [tilespmem:s1+$0x3E40];
	_ =	sdelay $0x4  }
0x2c7: {  	[tilespmem:$0x1F3C0] =	vst v0;
	v0 =	vld [tilespmem:s1+$0x7E40];
	_ =	sdelay $0x4  }
0x2c8: {  	[tilespmem:$0x1F3D0] =	vst v0;
	v0 =	vld [tilespmem:s1+$0x3E50];
	_ =	sdelay $0x4  }
0x2c9: {  	[tilespmem:$0x1F3E0] =	vst v0;
	v0 =	vld [tilespmem:s1+$0x7E50];
	_ =	sdelay $0x4  }
0x2ca: {  	[tilespmem:$0x1F3F0] =	vst v0;
	v0 =	vld [tilespmem:s1+$0x3E60];
	_ =	sdelay $0x4  }
0x2cb: {  	[tilespmem:$0x1F750] =	vst v0;
	v0 =	vld [tilespmem:s1+$0x7E60];
	_ =	sdelay $0x4  }
0x2cc: {  	[tilespmem:$0x1F760] =	vst v0;
	v0 =	vld [tilespmem:s1+$0x3E00];
	_ =	sdelay $0x4  }
0x2cd: {  	[tilespmem:$0x1F400] =	vst v0;
	v0 =	vld [tilespmem:s1+$0x7E00];
	_ =	sdelay $0x4  }
0x2ce: {  	[tilespmem:$0x1F410] =	vst v0;
	v0 =	vld [tilespmem:s1+$0x3E10];
	_ =	sdelay $0x4  }
0x2cf: {  	[tilespmem:$0x1F420] =	vst v0;
	v0 =	vld [tilespmem:s1+$0x3E20];
	_ =	sdelay $0x4  }
0x2d0: {  	[tilespmem:$0x1F770] =	vst v0;
	v0 =	vld [tilespmem:s1+$0x7E20];
	_ =	sdelay $0x4  }
0x2d1: {  	[tilespmem:$0x1F780] =	vst v0;
	v0 =	vld [tilespmem:s1+$0x3A40];
	_ =	sdelay $0x4  }
0x2d2: {  	[tilespmem:$0x1F430] =	vst v0;
	v0 =	vld [tilespmem:s1+$0x7A40];
	_ =	sdelay $0x4  }
0x2d3: {  	[tilespmem:$0x1F440] =	vst v0;
	v0 =	vld [tilespmem:s1+$0x3A50];
	_ =	sdelay $0x4  }
0x2d4: {  	[tilespmem:$0x1F450] =	vst v0;
	v0 =	vld [tilespmem:s1+$0x3A60];
	_ =	sdelay $0x4  }
0x2d5: {  	[tilespmem:$0x1F790] =	vst v0;
	v0 =	vld [tilespmem:s1+$0x7A60];
	_ =	sdelay $0x4  }
0x2d6: {  	[tilespmem:$0x1F7A0] =	vst v0;
	v0 =	vld [tilespmem:s1+$0x3A00];
	_ =	sdelay $0x4  }
0x2d7: {  	[tilespmem:$0x1F460] =	vst v0;
	v0 =	vld [tilespmem:s1+$0x7A00];
	_ =	sdelay $0x4  }
0x2d8: {  	[tilespmem:$0x1F470] =	vst v0;
	v0 =	vld [tilespmem:s1+$0x3A10];
	_ =	sdelay $0x4  }
0x2d9: {  	[tilespmem:$0x1F480] =	vst v0;
	v0 =	vld [tilespmem:s1+$0x7A10];
	_ =	sdelay $0x4  }
0x2da: {  	[tilespmem:$0x1F490] =	vst v0;
	v0 =	vld [tilespmem:s1+$0x3A20];
	_ =	sdelay $0x4  }
0x2db: {  	[tilespmem:$0x1F7B0] =	vst v0;
	v0 =	vld [tilespmem:s1+$0x7A20];
	_ =	sdelay $0x4  }
0x2dc: {  	[tilespmem:$0x1F7C0] =	vst v0;
	v0 =	vld [tilespmem:s1+$0x3640];
	_ =	sdelay $0x4  }
0x2dd: {  	[tilespmem:$0x1F4A0] =	vst v0;
	v0 =	vld [tilespmem:s1+$0x7640];
	_ =	sdelay $0x4  }
0x2de: {  	[tilespmem:$0x1F4B0] =	vst v0;
	v0 =	vld [tilespmem:s1+$0x3650];
	_ =	sdelay $0x4  }
0x2df: {  	[tilespmem:$0x1F4C0] =	vst v0;
	v0 =	vld [tilespmem:s1+$0x7650];
	_ =	sdelay $0x4  }
0x2e0: {  	[tilespmem:$0x1F4D0] =	vst v0;
	v0 =	vld [tilespmem:s1+$0x3660];
	_ =	sdelay $0x4  }
0x2e1: {  	[tilespmem:$0x1F7D0] =	vst v0;
	v0 =	vld [tilespmem:s1+$0x7660];
	_ =	sdelay $0x4  }
0x2e2: {  	[tilespmem:$0x1F7E0] =	vst v0;
	v0 =	vld [tilespmem:s1+$0x3600];
	_ =	sdelay $0x4  }
0x2e3: {  	[tilespmem:$0x1F4E0] =	vst v0;
	v0 =	vld [tilespmem:s1+$0x7600];
	_ =	sdelay $0x4  }
0x2e4: {  	[tilespmem:$0x1F4F0] =	vst v0;
	v0 =	vld [tilespmem:s1+$0x3610];
	_ =	sdelay $0x4  }
0x2e5: {  	[tilespmem:$0x1F500] =	vst v0;
	v0 =	vld [tilespmem:s1+$0x7610];
	_ =	sdelay $0x4  }
0x2e6: {  	[tilespmem:$0x1F510] =	vst v0;
	v0 =	vld [tilespmem:s1+$0x3620];
	_ =	sdelay $0x4  }
0x2e7: {  	[tilespmem:$0x1F7F0] =	vst v0;
	v0 =	vld [tilespmem:s1+$0x7620];
	_ =	sdelay $0x4  }
0x2e8: {  	[tilespmem:$0x1F800] =	vst v0;
	v0 =	vld [tilespmem:s1+$0x3240];
	_ =	sdelay $0x4  }
0x2e9: {  	[tilespmem:$0x1F520] =	vst v0;
	v0 =	vld [tilespmem:s1+$0x7240];
	_ =	sdelay $0x4  }
0x2ea: {  	[tilespmem:$0x1F530] =	vst v0;
	v0 =	vld [tilespmem:s1+$0x3250];
	_ =	sdelay $0x4  }
0x2eb: {  	[tilespmem:$0x1F540] =	vst v0;
	v0 =	vld [tilespmem:s1+$0x7250];
	_ =	sdelay $0x4  }
0x2ec: {  	[tilespmem:$0x1F550] =	vst v0;
	v0 =	vld [tilespmem:s1+$0x3260];
	_ =	sdelay $0x4  }
0x2ed: {  	[tilespmem:$0x1F810] =	vst v0;
	v0 =	vld [tilespmem:s1+$0x7260];
	_ =	sdelay $0x4  }
0x2ee: {  	[tilespmem:$0x1F820] =	vst v0;
	v0 =	vld [tilespmem:s1+$0x3200];
	_ =	sdelay $0x4  }
0x2ef: {  	[tilespmem:$0x1F560] =	vst v0;
	v0 =	vld [tilespmem:s1+$0x7200];
	_ =	sdelay $0x4  }
0x2f0: {  	[tilespmem:$0x1F570] =	vst v0;
	v0 =	vld [tilespmem:s1+$0x3210];
	_ =	sdelay $0x4  }
0x2f1: {  	[tilespmem:$0x1F580] =	vst v0;
	v0 =	vld [tilespmem:s1+$0x3220];
	_ =	sdelay $0x1  }
0x2f2: {  	v18 =	vld [tilespmem:s1+$0x4640]  }
0x2f3: {  	v20 =	vld [tilespmem:s1+$0x8640]  }
0x2f4: {  	v25 =	vld [tilespmem:s1+$0x4650]  }
0x2f5: {  	[tilespmem:$0x1F830] =	vst v0;
	v0 =	vld [tilespmem:s1+$0x7220]  }
0x2f6: {  	v39 =	vld [tilespmem:s1+$0x8650]  }
0x2f7: {  	v50 =	vld [tilespmem:s1+$0x8600]  }
0x2f8: {  	v51 =	vld [tilespmem:s1+$0x4610]  }
0x2f9: {  	v10 =	vld [tilespmem:s1+$0x4600]  }
0x2fa: {  	v5 =	vmul.f32 v20, v18;
	[tilespmem:$0x1F840] =	vst v0;
	v0 =	vld [tilespmem:s1+$0x2E40]  }
0x2fb: {  	v1 =	vld [tilespmem:s1+$0x4260]  }
0x2fc: {  	v55 =	vld [tilespmem:s1+$0x8610];
	[tilespmem:$0x1FA10] =	vst v5;
	v5 =	vmul.f32 v39, v25  }
0x2fd: {  	v58 =	vld [tilespmem:s1+$0x4240]  }
0x2fe: {  	v59 =	vld [tilespmem:s1+$0x8240];
	[tilespmem:$0x1FA20] =	vst v5  }
0x2ff: {  	v5 =	vmul.f32 v50, v10;
	[tilespmem:$0x1F590] =	vst v0;
	v0 =	vld [tilespmem:s1+$0x6E40]  }
0x300: {  	[tilespmem:$0x1F710] =	vst v1;
	v1 =	vld [tilespmem:s1+$0x8260]  }
0x301: {  	[tilespmem:$0x1FA30] =	vst v5;
	v5 =	vmul.f32 v55, v51;
	_ =	sdelay $0x1  }
0x302: {  	v63 =	vld [tilespmem:s1+$0x4250];
	[tilespmem:$0x1FA40] =	vst v5  }
0x303: {  	v5 =	vmul.f32 v59, v58;
	[tilespmem:$0x1F5A0] =	vst v0;
	v0 =	vld [tilespmem:s1+$0x2E50]  }
0x304: {  	[tilespmem:$0x1F720] =	vst v1;
	v1 =	vld [tilespmem:s1+$0x4200]  }
0x305: {  	[tilespmem:$0x1FA50] =	vst v5;
	v5 =	vld [tilespmem:$0x1F370];
	_ =	sdelay $0x2  }
0x306: {  	[tilespmem:$0x1F5B0] =	vst v0;
	v0 =	vld [tilespmem:s1+$0x2E60]  }
0x307: {  	[tilespmem:$0x1F380] =	vst v1;
	v1 =	vld [tilespmem:s1+$0x8200]  }
0x308: {  	v5 =	vmul.f32 v5, v63;
	_ =	sdelay $0x1  }
0x309: {  	[tilespmem:$0x1FA60] =	vst v5;
	v5 =	vld [tilespmem:$0x1F380]  }
0x30a: {  	[tilespmem:$0x1F850] =	vst v0;
	v0 =	vld [tilespmem:s1+$0x6E60]  }
0x30b: {  	[tilespmem:$0x1F390] =	vst v1;
	v1 =	vld [tilespmem:s1+$0x4210]  }
0x30c: {  	v10 =	vld [tilespmem:$0x1F390];
	_ =	sdelay $0x2  }
0x30d: {  	[tilespmem:$0x1F860] =	vst v0;
	v0 =	vld [tilespmem:s1+$0x2E00]  }
0x30e: {  	[tilespmem:$0x1F3A0] =	vst v1;
	v1 =	vld [tilespmem:s1+$0x8210]  }
0x30f: {  	v5 =	vmul.f32 v10, v5;
	_ =	sdelay $0x1  }
0x310: {  	[tilespmem:$0x1FA70] =	vst v5  }
0x311: {  	[tilespmem:$0x1F5C0] =	vst v0;
	v0 =	vld [tilespmem:s1+$0x6E00]  }
0x312: {  	v5 =	vld [tilespmem:$0x1F3A0];
	[tilespmem:$0x1F3B0] =	vst v1  }
0x313: {  	v10 =	vld [tilespmem:$0x1F3B0];
	_ =	sdelay $0x2  }
0x314: {  	[tilespmem:$0x1F5D0] =	vst v0;
	v0 =	vld [tilespmem:s1+$0x2E10];
	_ =	sdelay $0x1  }
0x315: {  	v5 =	vmul.f32 v10, v5  }
0x316: {  	v10 =	vld [tilespmem:$0x1F3D0]  }
0x317: {  	[tilespmem:$0x1FAA0] =	vst v5;
	v5 =	vld [tilespmem:$0x1F3C0]  }
0x318: {  	[tilespmem:$0x1F5E0] =	vst v0;
	v0 =	vld [tilespmem:s1+$0x6E10];
	_ =	sdelay $0x3  }
0x319: {  	v5 =	vmul.f32 v10, v5;
	v10 =	vld [tilespmem:$0x1F3F0]  }
0x31a: {  	[tilespmem:$0x1F5F0] =	vst v0;
	v0 =	vld [tilespmem:s1+$0x2E20]  }
0x31b: {  	[tilespmem:$0x1FAD0] =	vst v5;
	v5 =	vld [tilespmem:$0x1F3E0];
	_ =	sdelay $0x3  }
0x31c: {  	[tilespmem:$0x1F870] =	vst v0;
	v0 =	vld [tilespmem:s1+$0x6E20]  }
0x31d: {  	v5 =	vmul.f32 v10, v5;
	v10 =	vld [tilespmem:$0x1F400]  }
0x31e: {  	v18 =	vld [tilespmem:$0x1F410];
	_ =	sdelay $0x2  }
0x31f: {  	[tilespmem:$0x1F880] =	vst v0;
	v0 =	vld [tilespmem:s1+$0x2A40];
	_ =	sdelay $0x1  }
0x320: {  	v10 =	vmul.f32 v18, v10  }
0x321: {  	v54 =	vld [tilespmem:s1+$0x7E10]  }
0x322: {  	[tilespmem:$0x1FB30] =	vst v10;
	v10 =	vld [tilespmem:$0x1F420]  }
0x323: {  	[tilespmem:$0x1F600] =	vst v0;
	v0 =	vld [tilespmem:s1+$0x6A40];
	_ =	sdelay $0x3  }
0x324: {  	v10 =	vmul.f32 v54, v10  }
0x325: {  	[tilespmem:$0x1F610] =	vst v0;
	v0 =	vld [tilespmem:s1+$0x2A50]  }
0x326: {  	[tilespmem:$0x1FB60] =	vst v10;
	v10 =	vld [tilespmem:$0x1F430]  }
0x327: {  	v18 =	vld [tilespmem:$0x1F440];
	_ =	sdelay $0x2  }
0x328: {  	[tilespmem:$0x1F620] =	vst v0;
	v0 =	vld [tilespmem:s1+$0x6A50];
	_ =	sdelay $0x1  }
0x329: {  	v10 =	vmul.f32 v18, v10  }
0x32a: {  	v57 =	vld [tilespmem:s1+$0x7A50]  }
0x32b: {  	[tilespmem:$0x1FB90] =	vst v10;
	v10 =	vld [tilespmem:$0x1F450]  }
0x32c: {  	[tilespmem:$0x1F630] =	vst v0;
	v0 =	vld [tilespmem:s1+$0x2A60];
	_ =	sdelay $0x1  }
0x32d: {  	v15 =	vld [tilespmem:s1+$0x7210]  }
0x32e: {  	v17 =	vld [tilespmem:s1+$0x6E50]  }
0x32f: {  	v41 =	vld [tilespmem:s1+$0x6600];
	v10 =	vmul.f32 v57, v10  }
0x330: {  	[tilespmem:$0x1F890] =	vst v0;
	v0 =	vld [tilespmem:s1+$0x6A60]  }
0x331: {  	[tilespmem:$0x1FBC0] =	vst v10;
	v10 =	vld [tilespmem:$0x1F460]  }
0x332: {  	v18 =	vld [tilespmem:$0x1F470]  }
0x333: {  	v62 =	vld [tilespmem:s1+$0x2610]  }
0x334: {  	v26 =	vld [tilespmem:s1+$0x6610]  }
0x335: {  	[tilespmem:$0x1F8A0] =	vst v0;
	v0 =	vld [tilespmem:s1+$0x2A00]  }
0x336: {  	v37 =	vld [tilespmem:s1+$0x2240]  }
0x337: {  	v30 =	vld [tilespmem:s1+$0x6240];
	v10 =	vmul.f32 v18, v10  }
0x338: {  	v13 =	vld [tilespmem:s1+$0x2250]  }
0x339: {  	[tilespmem:$0x1FBF0] =	vst v10;
	v10 =	vld [tilespmem:$0x1F480]  }
0x33a: {  	[tilespmem:$0x1F640] =	vst v0;
	v0 =	vld [tilespmem:s1+$0x6A00]  }
0x33b: {  	v18 =	vld [tilespmem:$0x1F490]  }
0x33c: {  	v31 =	vld [tilespmem:s1+$0x6250]  }
0x33d: {  	v45 =	vld [tilespmem:s1+$0x2200]  }
0x33e: {  	v34 =	vld [tilespmem:s1+$0x6200]  }
0x33f: {  	[tilespmem:$0x1F650] =	vst v0;
	v0 =	vld [tilespmem:s1+$0x2A10]  }
0x340: {  	v35 =	vld [tilespmem:s1+$0x2210];
	v10 =	vmul.f32 v18, v10  }
0x341: {  	v44 =	vld [tilespmem:s1+$0x6210]  }
0x342: {  	[tilespmem:$0x1FC20] =	vst v10;
	v10 =	vld [tilespmem:$0x1F4A0]  }
0x343: {  	v18 =	vld [tilespmem:$0x1F4B0]  }
0x344: {  	[tilespmem:$0x1F660] =	vst v0;
	v0 =	vld [tilespmem:s1+$0x6A10]  }
0x345: {  	v43 =	vld [tilespmem:s1+$0x1E40]  }
0x346: {  	v36 =	vld [tilespmem:s1+$0x5E40]  }
0x347: {  	v14 =	vld [tilespmem:s1+$0x1E50]  }
0x348: {  	v61 =	vld [tilespmem:s1+$0x5E50];
	v10 =	vmul.f32 v18, v10  }
0x349: {  	[tilespmem:$0x1F670] =	vst v0;
	v0 =	vld [tilespmem:s1+$0x2A20]  }
0x34a: {  	[tilespmem:$0x1FC50] =	vst v10;
	v10 =	vld [tilespmem:$0x1F4C0]  }
0x34b: {  	v18 =	vld [tilespmem:$0x1F4D0]  }
0x34c: {  	v40 =	vld [tilespmem:s1+$0x1E00]  }
0x34d: {  	v16 =	vld [tilespmem:s1+$0x5E00]  }
0x34e: {  	[tilespmem:$0x1F8B0] =	vst v0;
	v0 =	vld [tilespmem:s1+$0x6A20]  }
0x34f: {  	v19 =	vld [tilespmem:s1+$0x1E10]  }
0x350: {  	v22 =	vld [tilespmem:s1+$0x5E10];
	v10 =	vmul.f32 v18, v10  }
0x351: {  	v48 =	vld [tilespmem:s1+$0x1A40]  }
0x352: {  	[tilespmem:$0x1FC80] =	vst v10;
	v10 =	vld [tilespmem:$0x1F4E0]  }
0x353: {  	[tilespmem:$0x1F8C0] =	vst v0;
	v0 =	vld [tilespmem:s1+$0x2640]  }
0x354: {  	v18 =	vld [tilespmem:$0x1F4F0]  }
0x355: {  	v49 =	vld [tilespmem:s1+$0x5A50]  }
0x356: {  	v21 =	vld [tilespmem:s1+$0x1A00]  }
0x357: {  	v12 =	vld [tilespmem:s1+$0x5A00]  }
0x358: {  	[tilespmem:$0x1F680] =	vst v0;
	v0 =	vld [tilespmem:s1+$0x6640]  }
0x359: {  	v52 =	vld [tilespmem:s1+$0x1A10];
	v10 =	vmul.f32 v18, v10  }
0x35a: {  	v53 =	vld [tilespmem:s1+$0x5A10]  }
0x35b: {  	[tilespmem:$0x1FCB0] =	vst v10;
	v10 =	vld [tilespmem:$0x1F500]  }
0x35c: {  	v18 =	vld [tilespmem:$0x1F510]  }
0x35d: {  	[tilespmem:$0x1F690] =	vst v0;
	v0 =	vld [tilespmem:s1+$0x2650]  }
0x35e: {  	v23 =	vld [tilespmem:s1+$0x1640]  }
0x35f: {  	v28 =	vld [tilespmem:s1+$0x5650]  }
0x360: {  	v11 =	vld [tilespmem:s1+$0x5600]  }
0x361: {  	v10 =	vmul.f32 v18, v10;
	v18 =	vld [tilespmem:$0x1F520]  }
0x362: {  	[tilespmem:$0x1F6A0] =	vst v0;
	v0 =	vld [tilespmem:s1+$0x6650]  }
0x363: {  	v25 =	vld [tilespmem:$0x1F530]  }
0x364: {  	v24 =	vld [tilespmem:s1+$0x5610]  }
0x365: {  	v27 =	vld [tilespmem:s1+$0x1240]  }
0x366: {  	v32 =	vld [tilespmem:s1+$0x1260]  }
0x367: {  	[tilespmem:$0x1F6B0] =	vst v0;
	v0 =	vld [tilespmem:s1+$0x2660]  }
0x368: {  	v58 =	vmul.f32 v25, v18;
	v18 =	vld [tilespmem:$0x1F540]  }
0x369: {  	v25 =	vld [tilespmem:$0x1F550]  }
0x36a: {  	v33 =	vld [tilespmem:s1+$0x5260]  }
0x36b: {  	v46 =	vld [tilespmem:s1+$0x5200]  }
0x36c: {  	[tilespmem:$0x1F8D0] =	vst v0;
	v0 =	vld [tilespmem:s1+$0x6660]  }
0x36d: {  	v47 =	vld [tilespmem:s1+$0x5210]  }
0x36e: {  	v59 =	vmul.f32 v25, v18;
	v18 =	vld [tilespmem:$0x1F560]  }
0x36f: {  	v25 =	vld [tilespmem:$0x1F570]  }
0x370: {  	v38 =	vld [tilespmem:s1+$0x1220]  }
0x371: {  	[tilespmem:$0x1F8E0] =	vst v0;
	v0 =	vld [tilespmem:s1+$0x2600]  }
0x372: {  	v56 =	vld [tilespmem:s1+$0xE40]  }
0x373: {  	v9 =	vld [tilespmem:s1+$0x1A50]  }
0x374: {  	v42 =	vmul.f32 v25, v18;
	v18 =	vld [tilespmem:$0x1F580]  }
0x375: {  	v8 =	vld [tilespmem:s1+$0x4660]  }
0x376: {  	[tilespmem:$0x1F6C0] =	vst v0;
	v0 =	vld [tilespmem:s1+$0x2620]  }
0x377: {  	v29 =	vld [tilespmem:s1+$0x5240]  }
0x378: {  	v60 =	vld [tilespmem:s1+$0x1250]  }
0x379: {  	v15 =	vmul.f32 v15, v18;
	v18 =	vld [tilespmem:$0x1F590]  }
0x37a: {  	v25 =	vld [tilespmem:$0x1F5A0]  }
0x37b: {  	[tilespmem:$0x1F8F0] =	vst v0;
	v0 =	vld [tilespmem:s1+$0x6620]  }
0x37c: {  	v7 =	vld [tilespmem:s1+$0x5A40]  }
0x37d: {  	v26 =	vmul.f32 v26, v62;
	v62 =	vld [tilespmem:s1+$0xA60]  }
0x37e: {  	v31 =	vmul.f32 v31, v13;
	v13 =	vld [tilespmem:s1+$0x4A60]  }
0x37f: {  	[tilespmem:$0x1FD70] =	vst v42;
	v42 =	vmul.f32 v25, v18;
	v18 =	vld [tilespmem:$0x1F5B0]  }
0x380: {  	[tilespmem:$0x1F900] =	vst v0;
	v0 =	vld [tilespmem:s1+$0x2260]  }
0x381: {  	v30 =	vmul.f32 v30, v37;
	v37 =	vmul.f32 v61, v14;
	v14 =	vld [tilespmem:s1+$0x4A00]  }
0x382: {  	v40 =	vmul.f32 v16, v40;
	v16 =	vld [tilespmem:s1+$0xA10]  }
0x383: {  	v35 =	vmul.f32 v44, v35;
	v44 =	vmul.f32 v12, v21;
	v12 =	vld [tilespmem:s1+$0xA20]  }
0x384: {  	v17 =	vmul.f32 v17, v18;
	v18 =	vld [tilespmem:$0x1F5C0]  }
0x385: {  	[tilespmem:$0x1F910] =	vst v0;
	v0 =	vld [tilespmem:s1+$0x6260]  }
0x386: {  	v25 =	vld [tilespmem:$0x1F5D0]  }
0x387: {  	v4 =	vld [tilespmem:s1+$0x1610]  }
0x388: {  	v6 =	vld [tilespmem:s1+$0x1210]  }
0x389: {  	[tilespmem:$0x1F6D0] =	vst v8;
	v8 =	vld [tilespmem:s1+$0x5250]  }
0x38a: {  	[tilespmem:$0x1F920] =	vst v0;
	v0 =	vld [tilespmem:s1+$0x2220]  }
0x38b: {  	[tilespmem:$0x1FDD0] =	vst v42;
	v42 =	vmul.f32 v25, v18;
	v18 =	vld [tilespmem:$0x1F5E0]  }
0x38c: {  	v25 =	vld [tilespmem:$0x1F5F0]  }
0x38d: {  	v36 =	vmul.f32 v36, v43;
	v43 =	vmul.f32 v49, v9;
	v9 =	vld [tilespmem:s1+$0x4A10]  }
0x38e: {  	[tilespmem:$0x1FFD0] =	vst v26;
	v26 =	vld [tilespmem:s1+$0xA00]  }
0x38f: {  	[tilespmem:$0x1F930] =	vst v0;
	v0 =	vld [tilespmem:s1+$0x6220]  }
0x390: {  	v8 =	vmul.f32 v8, v60;
	v60 =	vld [tilespmem:$0x1F6E0]  }
0x391: {  	[tilespmem:$0x1FE30] =	vst v42;
	v42 =	vmul.f32 v25, v18;
	v18 =	vld [tilespmem:$0x1F600]  }
0x392: {  	v25 =	vld [tilespmem:$0x1F610]  }
0x393: {  	v20 =	vld [tilespmem:s1+$0xE00]  }
0x394: {  	[tilespmem:$0x1F940] =	vst v0;
	v0 =	vld [tilespmem:s1+$0x1E60]  }
0x395: {  	v2 =	vld [tilespmem:s1+$0x4620];
	v1, _, _ =	vpop (xrf2)  }
0x396: {  	(v2sf) =	vpush v1, $0xF;
	v1 =	vld [tilespmem:s1+$0x1660]  }
0x397: {  	[tilespmem:$0x1FE60] =	vst v42;
	v42 =	vmul.f32 v25, v18;
	v18 =	vld [tilespmem:$0x1F620]  }
0x398: {  	v25 =	vld [tilespmem:$0x1F630]  }
0x399: {  	[tilespmem:$0x1F950] =	vst v0;
	v0 =	vld [tilespmem:s1+$0x5E60]  }
0x39a: {  	v3 =	vld [tilespmem:s1+$0x1600]  }
0x39b: {  	v39 =	vld [tilespmem:s1+$0x5220]  }
0x39c: {  	[tilespmem:$0x1F9D0] =	vst v1;
	v1 =	vld [tilespmem:s1+$0x5660]  }
0x39d: {  	[tilespmem:$0x1FE90] =	vst v42;
	v42 =	vmul.f32 v25, v18;
	v18 =	vld [tilespmem:$0x1F640]  }
0x39e: {  	[tilespmem:$0x1F960] =	vst v0;
	v0 =	vld [tilespmem:s1+$0x1E20]  }
0x39f: {  	v25 =	vld [tilespmem:$0x1F650]  }
0x3a0: {  	v50 =	vld [tilespmem:s1+$0x4E00]  }
0x3a1: {  	v55 =	vld [tilespmem:s1+$0x4E40]  }
0x3a2: {  	v51 =	vld [tilespmem:s1+$0x4E10]  }
0x3a3: {  	[tilespmem:$0x1F970] =	vst v0;
	v0 =	vld [tilespmem:s1+$0x5E20]  }
0x3a4: {  	[tilespmem:$0x1F9E0] =	vst v1;
	v1 =	vld [tilespmem:s1+$0x1620];
	v25 =	vmul.f32 v25, v18  }
0x3a5: {  	v18 =	vld [tilespmem:$0x1F660]  }
0x3a6: {  	[tilespmem:$0x1FEF0] =	vst v25;
	v25 =	vld [tilespmem:$0x1F670]  }
0x3a7: {  	[tilespmem:$0x1F6F0] =	vst v2;
	v2 =	vld [tilespmem:s1+$0x1650]  }
0x3a8: {  	[tilespmem:$0x1F980] =	vst v0;
	v0 =	vld [tilespmem:s1+$0x1A60]  }
0x3a9: {  	v3 =	vmul.f32 v11, v3;
	v11 =	vld [tilespmem:s1+$0xA30]  }
0x3aa: {  	[tilespmem:$0x1F9F0] =	vst v1;
	v1 =	vld [tilespmem:s1+$0x5620]  }
0x3ab: {  	v25 =	vmul.f32 v25, v18;
	v18 =	vld [tilespmem:$0x1F680]  }
0x3ac: {  	[tilespmem:$0x1FEC0] =	vst v42;
	v42 =	vld [tilespmem:$0x1F690]  }
0x3ad: {  	[tilespmem:$0x1F990] =	vst v0;
	v0 =	vld [tilespmem:s1+$0x5A60]  }
0x3ae: {  	v63 =	vld [tilespmem:s1+$0xE50]  }
0x3af: {  	[tilespmem:$0x1FA00] =	vst v1;
	v1 =	vld [tilespmem:s1+$0x1200]  }
0x3b0: {  	[tilespmem:$0x1FB00] =	vst v5;
	v5 =	vld [tilespmem:s1+$0x4E50]  }
0x3b1: {  	v54 =	vld [tilespmem:s1+$0xE60]  }
0x3b2: {  	v18 =	vmul.f32 v42, v18;
	[tilespmem:$0x1F9A0] =	vst v0;
	v0 =	vld [tilespmem:s1+$0x1A20]  }
0x3b3: {  	v57 =	vld [tilespmem:s1+$0x4E60]  }
0x3b4: {  	[tilespmem:$0x1FF50] =	vst v18;
	v18 =	vld [tilespmem:$0x1F6A0]  }
0x3b5: {  	v42 =	vld [tilespmem:$0x1F6B0]  }
0x3b6: {  	s2 =	spop (v2sf);
	[tilespmem:$0x1FCE0] =	vst v10;
	v10 =	vld [tilespmem:s1+$0xE10]  }
0x3b7: {  	s25 =	spop (v2sf);
	[tilespmem:$0x1F9B0] =	vst v0;
	v0 =	vld [tilespmem:s1+$0x5A20]  }
0x3b8: {  	s2 =	smul.f32 s25, s2;
	[tilespmem:$0x1FD10] =	vst v58;
	v58 =	vld [tilespmem:s1+$0x4A40]  }
0x3b9: {  	[tilespmem:$0x1FD40] =	vst v59;
	v59 =	vld [tilespmem:s1+$0xA40]  }
0x3ba: {  	s2 =	sadd.f32 $-1.000000000e+00, s2;
	v18 =	vmul.f32 v42, v18;
	v42 =	vld [tilespmem:$0x1F6C0]  }
0x3bb: {  	[tilespmem:$0x1FDA0] =	vst v15;
	v15 =	vld [tilespmem:s1+$0xE20]  }
0x3bc: {  	p0 =	sne.s32 s0, $0x7;
	s25 =	smul.f32 $5.000000000e-01, s2;
	[tilespmem:$0x1F9C0] =	vst v0;
	v0 =	vld [tilespmem:s1+$0x5640]  }
.Ltmp4:
0x3bd: {  	v34 =	vmul.f32 v34, v45;
	[tilespmem:$0x1FE00] =	vst v17;
	v17 =	vld [tilespmem:s1+$0x4E20];
	(pc) =	sbr.rel @p0 .LBB2_5-.Ltmp4, $4  }
0x3be: {  	v45 =	vmul.f32 v53, v52;
	v4 =	vmul.f32 v24, v4;
	s2 =	smul.f32 s25, s2;
	[tilespmem:$0x1FF20] =	vst v25;
	v25 =	vld [tilespmem:s1+$0xA50]  }
0x3bf: {  	p1 =	slt.s32 s4, s6;
	v2 =	vmul.f32 v28, v2;
	[tilespmem:$0x1FF80] =	vst v18;
	v18 =	vld [tilespmem:s1+$0x4A50];
	v41 =	vmul.f32 v41, v42  }
0x3c0: {  	s2 =	simm.s32 @!p1 $0x0;
	v42 =	vmul.f32 v7, v48;
	v7 =	vmul.f32 v29, v27;
	v29 =	vld [tilespmem:$0x1F6D0]  }
0x3c1: {  	s3 =	smov.u32 s0;
	s0 =	sadd.s32 $0x1, s0;
	s22 =	sadd.f32 s2, s22;
	[tilespmem:$0x1FFB0] =	vst v41;
	v41 =	vmul.f32 v22, v19;
	v19 =	vld [tilespmem:s1+$0x4A20];
	v0 =	vmul.f32 v0, v23  }
0x3c2: {  	v21 =	vld [tilespmem:s1+$0x4A30]  }
0x3c3: {  	v23 =	vld [tilespmem:s1+$0xA70]  }
0x3c4: {  	v24 =	vld [tilespmem:s1+$0x4A70]  }
0x3c5: {  	v28 =	vld [tilespmem:s1+$0xE30]  }
0x3c6: {  	v1 =	vmul.f32 v46, v1;
	v46 =	vld [tilespmem:s1+$0x4E30]  }
0x3c7: {  	v6 =	vmul.f32 v47, v6;
	v47 =	vld [tilespmem:s1+$0xE70]  }
0x3c8: {  	v48 =	vld [tilespmem:s1+$0x4E70]  }
0x3c9: {  	v49 =	vld [tilespmem:s1+$0x1230]  }
0x3ca: {  	v20 =	vmul.f32 v50, v20;
	v50 =	vld [tilespmem:s1+$0x5230]  }
0x3cb: {  	v52 =	vld [tilespmem:s1+$0x1270]  }
0x3cc: {  	v53 =	vmul.f32 v57, v54;
	v54 =	vld [tilespmem:s1+$0x5270]  }
0x3cd: {  	v22 =	vmul.f32 v55, v56;
	v56 =	vld [tilespmem:s1+$0x1630]  }
0x3ce: {  	v27 =	vmul.f32 v58, v59;
	v58 =	vld [tilespmem:s1+$0x5630]  }
0x3cf: {  	v61 =	vld [tilespmem:s1+$0x1670]  }
0x3d0: {  	v5 =	vmul.f32 v5, v63;
	v63 =	vld [tilespmem:s1+$0x5670]  }
0x3d1: {  	v14 =	vmul.f32 v14, v26;
	v26 =	vld [tilespmem:s1+$0x1A70]  }
0x3d2: {  	v13 =	vmul.f32 v13, v62;
	v62 =	vmul.f32 v33, v32;
	v32 =	vld [tilespmem:$0x1F9E0]  }
0x3d3: {  	v33 =	vld [tilespmem:s1+$0x5A70]  }
0x3d4: {  	v9 =	vmul.f32 v9, v16;
	v16 =	vld [tilespmem:$0x1F950]  }
0x3d5: {  	v11 =	vmul.f32 v21, v11;
	v21 =	vld [tilespmem:$0x1F9F0]  }
0x3d6: {  	v10 =	vmul.f32 v51, v10;
	v51 =	vmul.f32 v46, v28;
	v28 =	vld [tilespmem:$0x1F9D0]  }
0x3d7: {  	v46 =	vld [tilespmem:s1+$0x1E30]  }
0x3d8: {  	v55 =	vmul.f32 v48, v47;
	v48 =	vld [tilespmem:$0x1F9B0]  }
0x3d9: {  	v18 =	vmul.f32 v18, v25;
	v9 =	vadd.f32 $0.0e+00, v9;
	v59 =	vmul.f32 v50, v49;
	v49 =	vld [tilespmem:$0x1F9C0]  }
0x3da: {  	v50 =	vld [tilespmem:s1+$0x5E30]  }
0x3db: {  	v14 =	vadd.f32 $0.0e+00, v14;
	v9 =	vadd.f32 v18, v9;
	v18 =	vmul.f32 v54, v52;
	v54 =	vld [tilespmem:$0x1F990]  }
0x3dc: {  	v12 =	vmul.f32 v19, v12;
	v25 =	vmul.f32 v58, v56;
	v56 =	vld [tilespmem:s1+$0x5E70]  }
0x3dd: {  	v14 =	vadd.f32 v27, v14;
	v58 =	vld [tilespmem:s1+$0x2230]  }
0x3de: {  	v57 =	vmul.f32 v39, v38;
	v39 =	vmul.f32 v63, v61;
	v61 =	vld [tilespmem:$0x1F980];
	v12 =	vadd.f32 $0.0e+00, v12  }
0x3df: {  	v23 =	vmul.f32 v24, v23;
	v63 =	vld [tilespmem:s1+$0x2270];
	v14 =	vadd.f32 v20, v14;
	v11 =	vadd.f32 $0.0e+00, v11  }
0x3e0: {  	v15 =	vmul.f32 v17, v15;
	v9 =	vadd.f32 v10, v9;
	v20 =	vld [tilespmem:s1+$0x1A30];
	v12 =	vadd.f32 v13, v12  }
0x3e1: {  	v14 =	vadd.f32 v22, v14;
	v22 =	vld [tilespmem:$0x1FA00];
	v11 =	vadd.f32 v23, v11  }
0x3e2: {  	v23 =	vld [tilespmem:s1+$0x5A30];
	v12 =	vadd.f32 v15, v12  }
0x3e3: {  	v5 =	vadd.f32 v5, v9;
	v15 =	vld [tilespmem:$0x1FBF0];
	v11 =	vadd.f32 v51, v11  }
0x3e4: {  	v1 =	vadd.f32 v1, v14;
	v10 =	vadd.f32 v53, v12;
	v53 =	vld [tilespmem:s1+$0x1E70]  }
0x3e5: {  	v11 =	vadd.f32 v55, v11;
	v55 =	vld [tilespmem:$0x1F9A0]  }
0x3e6: {  	v5 =	vadd.f32 v6, v5;
	v1 =	vadd.f32 v7, v1;
	v7 =	vmul.f32 v22, v21;
	v21 =	vld [tilespmem:$0x1F930]  }
0x3e7: {  	v22 =	vld [tilespmem:$0x1F940]  }
0x3e8: {  	v5 =	vadd.f32 v8, v5;
	v52 =	vmul.f32 v23, v20;
	v20 =	vld [tilespmem:s1+$0x2630]  }
0x3e9: {  	v23 =	vld [tilespmem:s1+$0x6630]  }
0x3ea: {  	v27 =	vadd.f32 v4, v5;
	v5 =	vmul.f32 v33, v26;
	v26 =	vld [tilespmem:$0x1F910]  }
0x3eb: {  	v4 =	vmul.f32 v32, v28;
	v28 =	vld [tilespmem:s1+$0x6670]  }
0x3ec: {  	v33 =	vld [tilespmem:s1+$0x2A30]  }
0x3ed: {  	v1 =	vadd.f32 v3, v1;
	v3 =	vmul.f32 v50, v46;
	v46 =	vld [tilespmem:$0x1FF50]  }
0x3ee: {  	v9 =	vadd.f32 v57, v10;
	v50 =	vld [tilespmem:s1+$0x6E30]  }
0x3ef: {  	v17 =	vadd.f32 v59, v11;
	v59 =	vld [tilespmem:$0x1F970]  }
0x3f0: {  	v6 =	vadd.f32 v62, v9;
	v62 =	vld [tilespmem:s1+$0x6230]  }
0x3f1: {  	v47 =	vadd.f32 v2, v27;
	v27 =	vld [tilespmem:$0x1F920]  }
0x3f2: {  	v2 =	vmul.f32 v49, v48;
	v48 =	vld [tilespmem:$0x1F8B0]  }
0x3f3: {  	v49 =	vld [tilespmem:$0x1F8C0]  }
0x3f4: {  	v24 =	vadd.f32 v18, v17;
	v17 =	vld [tilespmem:$0x1F960]  }
0x3f5: {  	v18 =	vld [tilespmem:s1+$0x6270]  }
0x3f6: {  	v19 =	vmul.f32 v56, v53;
	v53 =	vld [tilespmem:$0x1FEF0]  }
0x3f7: {  	v56 =	vld [tilespmem:$0x1F8A0]  }
0x3f8: {  	v0 =	vadd.f32 v0, v1;
	v1 =	vadd.f32 v45, v47;
	v45 =	vld [tilespmem:s1+$0x2E30]  }
0x3f9: {  	v47 =	vld [tilespmem:$0x1FF80]  }
0x3fa: {  	v9 =	vmul.f32 v55, v54;
	v54 =	vld [tilespmem:$0x1FF20]  }
0x3fb: {  	v55 =	vld [tilespmem:$0x1F890]  }
0x3fc: {  	v8 =	vmul.f32 v22, v21;
	v21 =	vld [tilespmem:$0x1FE60]  }
0x3fd: {  	v0 =	vadd.f32 v44, v0;
	v22 =	vld [tilespmem:$0x1F850]  }
0x3fe: {  	v38 =	vadd.f32 v25, v24;
	v25 =	vld [tilespmem:s1+$0x2670]  }
0x3ff: {  	v0 =	vadd.f32 v42, v0;
	v42 =	vld [tilespmem:$0x1F8E0]  }
0x400: {  	v1 =	vadd.f32 v43, v1;
	v43 =	vld [tilespmem:s1+$0x6A70]  }
0x401: {  	v6 =	vadd.f32 v7, v6;
	v7 =	vmul.f32 v61, v59;
	v59 =	vld [tilespmem:s1+$0x3230]  }
0x402: {  	v61 =	vld [tilespmem:$0x1FE90]  }
0x403: {  	v51 =	vadd.f32 v39, v38;
	v38 =	vld [tilespmem:s1+$0x2A70]  }
0x404: {  	v39 =	vld [tilespmem:$0x1FFB0]  }
0x405: {  	v24 =	vmul.f32 v62, v58;
	v62 =	vld [tilespmem:$0x1FEC0]  }
0x406: {  	v0 =	vadd.f32 v40, v0;
	v40 =	vld [tilespmem:$0x1FFD0]  }
0x407: {  	v1 =	vadd.f32 v41, v1;
	v41 =	vld [tilespmem:$0x1F8D0]  }
0x408: {  	v32 =	vmul.f32 v18, v63;
	v63 =	vld [tilespmem:$0x1F870]  }
0x409: {  	v4 =	vadd.f32 v4, v6;
	v57 =	vadd.f32 v52, v51;
	v52 =	vld [tilespmem:s1+$0x2E70]  }
0x40a: {  	v18 =	vmul.f32 v50, v45;
	v45 =	vld [tilespmem:$0x1F800]  }
0x40b: {  	v2 =	vadd.f32 v2, v4;
	v50 =	vld [tilespmem:$0x1FCE0]  }
0x40c: {  	v0 =	vadd.f32 v36, v0;
	v36 =	vld [tilespmem:s1+$0x6A30]  }
0x40d: {  	v2 =	vadd.f32 v9, v2;
	v9 =	vmul.f32 v17, v16;
	v16 =	vld [tilespmem:$0x1F880]  }
0x40e: {  	v17 =	vld [tilespmem:s1+$0x7230]  }
0x40f: {  	v1 =	vadd.f32 v37, v1;
	v37 =	vmul.f32 v23, v20;
	v20 =	vld [tilespmem:$0x1FE30]  }
0x410: {  	v23 =	vld [tilespmem:$0x1F860]  }
0x411: {  	v44 =	vmul.f32 v28, v25;
	v28 =	vld [tilespmem:$0x1FE00]  }
0x412: {  	v4 =	vadd.f32 v5, v57;
	v57 =	vld [tilespmem:s1+$0x6E70]  }
0x413: {  	v0 =	vadd.f32 v34, v0;
	v34 =	vld [tilespmem:$0x1F8F0]  }
0x414: {  	v1 =	vadd.f32 v35, v1;
	v35 =	vld [tilespmem:$0x1F900]  }
0x415: {  	v2 =	vadd.f32 v7, v2;
	v58 =	vmul.f32 v43, v38;
	v38 =	vld [tilespmem:$0x1F820]  }
0x416: {  	v43 =	vld [tilespmem:$0x1FD40]  }
0x417: {  	v2 =	vadd.f32 v9, v2;
	v9 =	vmul.f32 v27, v26;
	v26 =	vld [tilespmem:s1+$0x3630]  }
0x418: {  	v27 =	vld [tilespmem:$0x1FDD0]  }
0x419: {  	v3 =	vadd.f32 v3, v4;
	v0 =	vadd.f32 v30, v0;
	v30 =	vld [tilespmem:$0x1F830]  }
0x41a: {  	v1 =	vadd.f32 v31, v1;
	v31 =	vld [tilespmem:$0x1F840]  }
0x41b: {  	v3 =	vadd.f32 v19, v3;
	v19 =	vld [tilespmem:s1+$0x3270]  }
0x41c: {  	v51 =	vmul.f32 v36, v33;
	v36 =	vld [tilespmem:$0x1FDA0]  }
0x41d: {  	v33 =	vmul.f32 v17, v59;
	v59 =	vld [tilespmem:$0x1F7C0]  }
0x41e: {  	v17 =	vld [tilespmem:$0x1F790]  }
0x41f: {  	v0 =	vadd.f32 v39, v0;
	v39 =	vld [tilespmem:s1+$0x7670]  }
0x420: {  	v25 =	vmul.f32 v57, v52;
	v52 =	vld [tilespmem:$0x1F7E0]  }
0x421: {  	v57 =	vld [tilespmem:$0x1FC80]  }
0x422: {  	v3 =	vadd.f32 v24, v3;
	v24 =	vld [tilespmem:s1+$0x7270]  }
0x423: {  	v2 =	vadd.f32 v8, v2;
	v8 =	vmul.f32 v35, v34;
	v34 =	vld [tilespmem:s1+$0x3670]  }
0x424: {  	v35 =	vld [tilespmem:$0x1FD70]  }
0x425: {  	v2 =	vadd.f32 v9, v2;
	v9 =	vmul.f32 v42, v41;
	v41 =	vld [tilespmem:s1+$0x3A30]  }
0x426: {  	v42 =	vld [tilespmem:$0x1FD10]  }
0x427: {  	v0 =	vadd.f32 v46, v0;
	v46 =	vld [tilespmem:s1+$0x7A30]  }
0x428: {  	v3 =	vadd.f32 v32, v3;
	v32 =	vld [tilespmem:s1+$0x7630]  }
0x429: {  	v2 =	vadd.f32 v8, v2;
	v8 =	vmul.f32 v49, v48;
	v48 =	vld [tilespmem:s1+$0x3A70]  }
0x42a: {  	v49 =	vld [tilespmem:$0x1FCB0]  }
0x42b: {  	v0 =	vadd.f32 v53, v0;
	v53 =	vld [tilespmem:s1+$0x7A70]  }
0x42c: {  	v3 =	vadd.f32 v37, v3;
	v37 =	vld [tilespmem:$0x1F810]  }
0x42d: {  	v2 =	vadd.f32 v9, v2;
	v9 =	vmul.f32 v56, v55;
	v55 =	vld [tilespmem:s1+$0x3E30]  }
0x42e: {  	v1 =	vadd.f32 v40, v1;
	v56 =	vld [tilespmem:$0x1FC50]  }
0x42f: {  	v0 =	vadd.f32 v61, v0;
	v61 =	vld [tilespmem:s1+$0x7E30]  }
0x430: {  	v1 =	vadd.f32 v47, v1;
	v40 =	vmul.f32 v24, v19;
	v19 =	vld [tilespmem:s1+$0x7E70]  }
0x431: {  	v24 =	vld [tilespmem:$0x1F770]  }
0x432: {  	v1 =	vadd.f32 v54, v1;
	v54 =	vmul.f32 v39, v34;
	v34 =	vld [tilespmem:s1+$0x8270]  }
0x433: {  	v39 =	vld [tilespmem:$0x1F730]  }
0x434: {  	v3 =	vadd.f32 v44, v3;
	v44 =	vld [tilespmem:$0x1F7F0]  }
0x435: {  	v1 =	vadd.f32 v62, v1;
	v62 =	vmul.f32 v46, v41;
	v41 =	vld [tilespmem:s1+$0x8630]  }
0x436: {  	v46 =	vld [tilespmem:$0x1F710]  }
0x437: {  	v2 =	vadd.f32 v8, v2;
	v8 =	vmul.f32 v16, v63;
	v63 =	vld [tilespmem:s1+$0x3E70]  }
0x438: {  	v16 =	vld [tilespmem:$0x1FC20]  }
0x439: {  	v1 =	vadd.f32 v21, v1;
	v21 =	vld [tilespmem:s1+$0x4230]  }
0x43a: {  	v47 =	vmul.f32 v32, v26;
	v26 =	vld [tilespmem:s1+$0x8230]  }
0x43b: {  	v32 =	vld [tilespmem:$0x1F750]  }
0x43c: {  	v3 =	vadd.f32 v51, v3;
	v51 =	vld [tilespmem:$0x1F7D0]  }
0x43d: {  	v0 =	vadd.f32 v20, v0;
	v20 =	vmul.f32 v53, v48;
	v48 =	vld [tilespmem:s1+$0x8670]  }
0x43e: {  	v53 =	vld [tilespmem:$0x1F700]  }
0x43f: {  	v2 =	vadd.f32 v9, v2;
	v9 =	vmul.f32 v23, v22;
	v22 =	vld [tilespmem:$0x1FB90]  }
0x440: {  	v23 =	vld [tilespmem:$0x1FBC0];
	v3 =	vadd.f32 v58, v3  }
0x441: {  	v1 =	vadd.f32 v28, v1;
	v28 =	vld [tilespmem:s1+$0x4270]  }
0x442: {  	v58 =	vld [tilespmem:$0x1F7B0];
	v2 =	vadd.f32 v8, v2;
	v3 =	vadd.f32 v18, v3  }
0x443: {  	v0 =	vadd.f32 v27, v0;
	v27 =	vmul.f32 v61, v55;
	v55 =	vld [tilespmem:$0x1FA30]  }
0x444: {  	v8 =	vmul.f32 v31, v30;
	v30 =	vld [tilespmem:$0x1FB30];
	v2 =	vadd.f32 v9, v2;
	v3 =	vadd.f32 v25, v3  }
0x445: {  	v0 =	vadd.f32 v35, v0;
	v1 =	vadd.f32 v36, v1;
	v31 =	vld [tilespmem:$0x1FB60]  }
0x446: {  	v36 =	vld [tilespmem:s1+$0x4630];
	v9 =	vmul.f32 v38, v37;
	v2 =	vadd.f32 v8, v2;
	v3 =	vadd.f32 v33, v3  }
0x447: {  	v18 =	vld [tilespmem:$0x1F7A0];
	v0 =	vadd.f32 v42, v0;
	v1 =	vadd.f32 v43, v1  }
0x448: {  	v37 =	vld [tilespmem:$0x1FAD0];
	v8 =	vmul.f32 v45, v44;
	v2 =	vadd.f32 v9, v2;
	v3 =	vadd.f32 v40, v3  }
0x449: {  	v38 =	vld [tilespmem:$0x1FB00];
	v0 =	vadd.f32 v49, v0;
	v1 =	vadd.f32 v50, v1  }
0x44a: {  	v25 =	vld [tilespmem:$0x1F780];
	v9 =	vmul.f32 v52, v51;
	v2 =	vadd.f32 v8, v2;
	v3 =	vadd.f32 v47, v3  }
0x44b: {  	v44 =	vld [tilespmem:$0x1FA70];
	v0 =	vadd.f32 v56, v0;
	v1 =	vadd.f32 v57, v1  }
0x44c: {  	v45 =	vld [tilespmem:$0x1FAA0];
	v8 =	vmul.f32 v59, v58;
	v2 =	vadd.f32 v9, v2;
	v3 =	vadd.f32 v54, v3  }
0x44d: {  	v33 =	vld [tilespmem:$0x1F760];
	v0 =	vadd.f32 v15, v0;
	v1 =	vadd.f32 v16, v1  }
0x44e: {  	v50 =	vld [tilespmem:$0x1FA50];
	v9 =	vmul.f32 v18, v17;
	v2 =	vadd.f32 v8, v2;
	v3 =	vadd.f32 v62, v3  }
0x44f: {  	v35 =	vmul.f32 v19, v63;
	v40 =	vld [tilespmem:$0x1F740];
	v0 =	vadd.f32 v22, v0;
	v1 =	vadd.f32 v23, v1  }
0x450: {  	v51 =	vld [tilespmem:$0x1FA60];
	v8 =	vmul.f32 v25, v24;
	v2 =	vadd.f32 v9, v2;
	v3 =	vadd.f32 v20, v3  }
0x451: {  	v42 =	vmul.f32 v26, v21;
	v47 =	vld [tilespmem:$0x1F720];
	v0 =	vadd.f32 v30, v0;
	v1 =	vadd.f32 v31, v1  }
0x452: {  	v52 =	vld [tilespmem:$0x1F6F0];
	v9 =	vmul.f32 v33, v32;
	v2 =	vadd.f32 v8, v2;
	v3 =	vadd.f32 v27, v3  }
0x453: {  	v43 =	vld [tilespmem:s1+$0x4670];
	v49 =	vmul.f32 v34, v28;
	v0 =	vadd.f32 v37, v0;
	v1 =	vadd.f32 v38, v1  }
0x454: {  	v56 =	vld [tilespmem:$0x1FA40];
	v8 =	vmul.f32 v40, v39;
	v2 =	vadd.f32 v9, v2;
	v3 =	vadd.f32 v35, v3  }
0x455: {  	v57 =	vmul.f32 v60, v29;
	v60 =	vld [tilespmem:$0x1FA20];
	v0 =	vadd.f32 v44, v0;
	v1 =	vadd.f32 v45, v1  }
0x456: {  	v59 =	vld [tilespmem:$0x1FA10];
	v9 =	vmul.f32 v47, v46;
	v2 =	vadd.f32 v8, v2;
	v3 =	vadd.f32 v42, v3  }
0x457: {  	v7 =	vmul.f32 v53, v52;
	v0 =	vadd.f32 v50, v0;
	v1 =	vadd.f32 v51, v1  }
0x458: {  	v54 =	vmul.f32 v41, v36;
	v2 =	vadd.f32 v9, v2;
	v3 =	vadd.f32 v49, v3  }
0x459: {  	v0 =	vadd.f32 v55, v0;
	v1 =	vadd.f32 v56, v1  }
0x45a: {  	v58 =	vmul.f32 v48, v43;
	v2 =	vadd.f32 v7, v2;
	v3 =	vadd.f32 v54, v3  }
0x45b: {  	v0 =	vadd.f32 v59, v0;
	v1 =	vadd.f32 v60, v1  }
0x45c: {  	v2 =	vadd.f32 v57, v2;
	v3 =	vadd.f32 v58, v3;
	_ =	sdelay $0x1  }
0x45d: {  	v0 =	vadd.f32 v1, v0;
	v61 =	vadd.f32 v3, v2;
	_ =	sdelay $0x1  }
0x45e: {  	v0 =	vadd.f32 v61, v0  }
0x45f: {  	s0 =	sor.u32 s24, s3  }
0x460: {  	v62 =	vmov s0;
	(xrf2) =	vadd.scan.msk.f32 $0xffff, v0;
	_ =	sdelay $0x4  }
0x461: {  	v0 =	vld.idx.msk [tilespmem:v62+s30+$0x0], $0xffff;
	_ =	sdelay $0x4  }
0x462: {  	(v2sf) =	vpush v0, $0x0;
	v63, _, _ =	vpop (xrf2)  }
0x463: {  	(v2sf) =	vpush v63, $0xF;
	_ =	sdelay $0xd  }
0x464: {  	s24 =	spop (v2sf)  }
0x465: {  	s2 =	spop (v2sf)  }
0x466: {  	s1 =	smul.f32 s2, s24;
	_ =	sdelay $0x1  }
0x467: {  	s1 =	sadd.f32 $-1.000000000e+00, s1;
	_ =	sdelay $0x1  }
0x468: {  	s25 =	smul.f32 $5.000000000e-01, s1;
	_ =	sdelay $0x1  }
0x469: {  	s1 =	smul.f32 s25, s1  }
0x46a: {  	s23 =	sadd.s32 $0x1, s23;
	p0 =	slt.s32 s0, s6  }
0x46b: {  	s1 =	simm.s32 @!p0 $0x0;
	p0 =	sne.s32 s23, s21  }
.Ltmp5:
0x46c: {  	_ = 	snop;
	(pc) =	sbr.rel @p0 .LBB2_4-.Ltmp5, $4  }
.Ltmp6:
0x46d: {  	_ = 	snop;
	(pc) =	sbr.rel @!p0 .LBB2_7-.Ltmp6, $4  }
0x46e: {  	_ = 	snop  }
0x46f: {  	_ = 	snop  }
0x470: {  	s22 =	sadd.f32 s1, s22  }
0x471: {  	_ = 	snop  }
.LBB2_8:
0x472: {  	_ =	sfence.sel $0x180000  }
0x473: {  	[bflag:$0x0] =	sbarrier.arrive $0xFFFF  }
0x474: {  	_ =	strace $0x90000047  }
0x475: {  	s0 =	stileid.u32;
	[bflag:$0x2] =	sbarrier.arrive $0xFFFF  }
0x476: {  	p0 =	sne.s32 s0, $0x0;
	s0 =	rddreg [dreg:$0x5]  }
0x477: {  	s0 =	sadd.s32 @!p0 $0x100000, s0  }
0x478: {  	[sflag:s0] =	ssyncadd.tile.s32 @!p0 $0x1;
	_ =	shalt  }
.Lfunc_end2:
_tile_overlayer_lowered:
.L_overlay_start_2:
0x479: {  	(tag) =	ssettag $0x2  }
0x47a: {  	s0 =	rddreg [dreg:$0x0];
	s2 =	stileid.u32  }
0x47b: {  	s1 =	rddreg [dreg:$0x1];
	p0 =	sne.s32 s2, $0x0  }
0x47c: {  	s3 =	rddreg [dreg:$0x2];
	[bflag:$0x3] =	sbarrier.arrive $0xFFFF;
	s2 =	simm.s32 @!p0 $0x1C02  }
0x47d: {  	[timem:s3], [sflag:s2] =	dma.local @!p0 [hbm:s0], s1  }
0x47e: {  	s0 =	simm.s32 @!p0 $0x2  }
0x47f: {  	_ =	swait.ge @!p0 [sflag:s0], s1  }
0x480: {  	s1 =	ssub.s32 @!p0 $0x0, s1;
	[sflag:s0] =	ssyncset.done @!p0 $0x0  }
0x481: {  	[sflag:s0] =	ssyncadd.s32 @!p0 s1  }
0x482: {  	[bflag:$0x3] =	sbarrier.arrive $0xFFFF  }
0x483: {  	_ =	shalt  }

</sc_bundles>
